<compile_context>
chip_gen: v7x
topology: tpu7x:2x2x1
jax: 0.10.2.dev20260603
libtpu: 0.0.44.dev20260713+nightly
codegen_flags: <defaults>
</compile_context>

<pallas_src>
import functools

import jax
import jax.numpy as jnp
from jax import lax
from jax.experimental import pallas as pl
from jax.experimental.pallas import tpu as pltpu
from jax.experimental.pallas import tpu_sc as plsc

N = 320000
D = 128
NSYS = 10000
NC = 2
NS = 16
CHUNK = 128
IROWS = CHUNK // 128
NCHUNKS = N // CHUNK
CHUNKS_PER_SC = NCHUNKS // NC
NBUF = 3
PER_TILE = (CHUNKS_PER_SC // NS) // NBUF * NBUF
SEG_PER_SC = NSYS // NC
DUMMY = SEG_PER_SC
ACC_ROWS = SEG_PER_SC + 8
WB = 40
NWB = SEG_PER_SC // WB


def _sc_segment_sum(features, batch_index):
    mesh = plsc.VectorSubcoreMesh(core_axis_name="c", subcore_axis_name="s")

    @functools.partial(
        pl.kernel,
        out_type=jax.ShapeDtypeStruct((NSYS, D), jnp.float32),
        mesh=mesh,
        scratch_types=[
            pltpu.VMEM((NBUF, CHUNK, D), jnp.float32),
            pltpu.VMEM((NBUF, IROWS, 128), jnp.int32),
            pltpu.VMEM((WB, D), jnp.float32),
            pltpu.VMEM_SHARED((ACC_ROWS, D), jnp.float32),
            pltpu.SemaphoreType.DMA,
            pltpu.SemaphoreType.DMA,
            pltpu.SemaphoreType.DMA,
            pltpu.SemaphoreType.DMA,
            pltpu.SemaphoreType.DMA,
            pltpu.SemaphoreType.DMA,
        ],
    )
    def body(feat_hbm, idx_hbm, out_hbm, row_v, idx_v, zero_v, acc,
             g0, g1, g2, s0, s1, s2):
        c = lax.axis_index("c")
        t = lax.axis_index("s")
        segbase = SEG_PER_SC * c

        dummy_vec = jnp.full((16,), DUMMY, jnp.int32)

        def localize_idx(p, invalid_off):
            for q in range(IROWS):
                for k in range(128 // 16):
                    v = idx_v[p, q, pl.ds(16 * k, 16)] - segbase + invalid_off
                    m = (v >= 0) & (v < SEG_PER_SC)
                    idx_v[p, q, pl.ds(16 * k, 16)] = jnp.where(m, v, dummy_vec)

        base = CHUNKS_PER_SC * c
        gsem = (g0, g1, g2)
        ssem = (s0, s1, s2)

        def rstart(i):
            return CHUNK * (base + t + NS * i)

        def start_gather(i, p):
            r = rstart(i)
            for q in range(IROWS):
                pltpu.async_copy(
                    idx_hbm.at[pl.ds(r + 128 * q, 128)], idx_v.at[p, q], gsem[p]
                )
            pltpu.async_copy(feat_hbm.at[pl.ds(r, CHUNK)], row_v.at[p], gsem[p])

        def wait_gather(i, p):
            r = rstart(i)
            for q in range(IROWS):
                pltpu.make_async_copy(
                    idx_hbm.at[pl.ds(r + 128 * q, 128)], idx_v.at[p, q], gsem[p]
                ).wait()
            pltpu.make_async_copy(
                feat_hbm.at[pl.ds(r, CHUNK)], row_v.at[p], gsem[p]
            ).wait()

        def start_scatter(p):
            for q in range(IROWS):
                pltpu.async_copy(
                    row_v.at[p, pl.ds(128 * q, 128)],
                    acc.at[idx_v.at[p, q]],
                    ssem[p],
                    add=True,
                )

        def wait_scatter(p):
            for q in range(IROWS):
                pltpu.make_async_copy(
                    row_v.at[p, pl.ds(128 * q, 128)],
                    acc.at[idx_v.at[p, q]],
                    ssem[p],
                ).wait()

        def step(i, p, wait_prev, issue_gather):
            wait_gather(i, p)
            localize_idx(p, 0)
            if issue_gather:
                g = (p + 2) % NBUF
                if wait_prev:
                    wait_scatter(g)
                start_gather(i + 2, g)
            start_scatter(p)

        start_gather(0, 0)
        start_gather(1, 1)

        def zrow(i, _):
            for k in range(D // 16):
                zero_v[i, pl.ds(16 * k, 16)] = jnp.zeros((16,), jnp.float32)
            return 0

        lax.fori_loop(0, WB, zrow, 0)

        def zchunk(i, _):
            j = t + NS * i

            @pl.when(j < NWB)
            def _():
                pltpu.async_copy(zero_v, acc.at[pl.ds(WB * j, WB)], s0)

            return 0

        lax.fori_loop(0, (NWB + NS - 1) // NS, zchunk, 0)

        def zdrain(i, _):
            j = t + NS * i

            @pl.when(j < NWB)
            def _():
                pltpu.make_async_copy(
                    zero_v, acc.at[pl.ds(WB * j, WB)], s0
                ).wait()

            return 0

        lax.fori_loop(0, (NWB + NS - 1) // NS, zdrain, 0)
        plsc.subcore_barrier()

        step(0, 0, False, True)
        step(1, 1, True, True)
        step(2, 2, True, True)

        def aloop(i4, _):
            i = NBUF * i4
            for p in range(NBUF):
                step(i + p, p, True, True)
            return 0

        lax.fori_loop(1, PER_TILE // NBUF - 1, aloop, 0)

        step(PER_TILE - 3, (PER_TILE - 3) % NBUF, True, True)
        step(PER_TILE - 2, (PER_TILE - 2) % NBUF, False, False)
        step(PER_TILE - 1, (PER_TILE - 1) % NBUF, False, False)
        for p in range(NBUF):
            wait_scatter(p)

        n_left = CHUNKS_PER_SC - NS * PER_TILE
        for e in range((n_left + NS - 1) // NS):

            @pl.when(NS * e + t < n_left)
            def _():
                r = CHUNK * (base + NS * PER_TILE + NS * e + t)
                for q in range(IROWS):
                    pltpu.sync_copy(
                        idx_hbm.at[pl.ds(r + 128 * q, 128)], idx_v.at[0, q]
                    )
                pltpu.sync_copy(feat_hbm.at[pl.ds(r, CHUNK)], row_v.at[0])
                localize_idx(0, 0)
                for q in range(IROWS):
                    pltpu.sync_copy(
                        row_v.at[0, pl.ds(128 * q, 128)],
                        acc.at[idx_v.at[0, q]],
                        add=True,
                    )

        k0 = (1 - c) * (CHUNKS_PER_SC + t) + c * (CHUNKS_PER_SC - 1 - t)
        kstep = NS - 2 * NS * c

        max_sweep = (CHUNKS_PER_SC + NS - 1) // NS

        def sweep_body(i, cont):
            k = k0 + kstep * i
            kc = jnp.clip(k, 0, NCHUNKS - 1)
            ok = (cont == 1) & (k >= 0) & (k < NCHUNKS)

            @pl.when(ok)
            def _():
                for q in range(IROWS):
                    pltpu.sync_copy(
                        idx_hbm.at[pl.ds(CHUNK * kc + 128 * q, 128)],
                        idx_v.at[0, q],
                    )

            mn = idx_v[0, 0, pl.ds(0, 16)][0]
            mx = idx_v[0, IROWS - 1, pl.ds(112, 16)][15]
            a = (mn < SEG_PER_SC).astype(jnp.int32)
            b = (mx >= SEG_PER_SC).astype(jnp.int32)
            has_own = (1 - c) * a + c * b
            proceed = ok & (has_own == 1)

            @pl.when(proceed)
            def _():
                pltpu.sync_copy(
                    feat_hbm.at[pl.ds(CHUNK * kc, CHUNK)], row_v.at[0]
                )
                localize_idx(0, 0)
                for q in range(IROWS):
                    pltpu.sync_copy(
                        row_v.at[0, pl.ds(128 * q, 128)],
                        acc.at[idx_v.at[0, q]],
                        add=True,
                    )

            return proceed.astype(jnp.int32)

        lax.fori_loop(0, max_sweep, sweep_body, jnp.int32(1))
        plsc.subcore_barrier()

        def wchunk(i, _):
            j = t + NS * i

            @pl.when(j < NWB)
            def _():
                pltpu.async_copy(
                    acc.at[pl.ds(WB * j, WB)],
                    out_hbm.at[pl.ds(SEG_PER_SC * c + WB * j, WB)],
                    s0,
                )

            return 0

        lax.fori_loop(0, (NWB + NS - 1) // NS, wchunk, 0)

        def wdrain(i, _):
            j = t + NS * i

            @pl.when(j < NWB)
            def _():
                pltpu.make_async_copy(
                    acc.at[pl.ds(WB * j, WB)],
                    out_hbm.at[pl.ds(SEG_PER_SC * c + WB * j, WB)],
                    s0,
                ).wait()

            return 0

        lax.fori_loop(0, (NWB + NS - 1) // NS, wdrain, 0)

    return body(features, batch_index)


def kernel(features, batch_index, natoms):
    del natoms
    bi = batch_index.astype(jnp.int32)
    return _sc_segment_sum(features, bi)

# --- scband reference (transcript-rebuilt; emitter-appended) ---
"""Pipeline reference for scband-scatter-system-15101105013299 (READ-ONLY COPY).

The authoritative reference and input builder live on the scoring server;
editing this copy changes nothing except your own understanding.
"""

import jax, jax.numpy as jnp
import numpy as np

N = 320000
D = 128
NSYS = 10000

def setup_inputs(seed: int = 0) -> dict:
    key = jax.random.key(seed)
    k1, k2, k3 = jax.random.split(key, 3)
    features = jax.random.normal(k1, (N, D), dtype=jnp.float32)
    batch_index = jnp.sort(jax.random.randint(k2, (N,), 0, NSYS, dtype=jnp.int64))
    natoms = jax.random.randint(k3, (NSYS,), 0, 100, dtype=jnp.int64)
    return {"features": features, "batch_index": batch_index, "natoms": natoms}

def reference(features, batch_index, natoms):
    # Faithful translation of ScatterSystem.__call__ with key='features',
    # output_key='features_sum': per-system segment sum over atom rows.
    assert features.shape[0] == batch_index.shape[0]
    nsys = natoms.shape[0]
    output = jax.ops.segment_sum(features, batch_index, nsys)
    return output

if __name__ == "__main__":
    import jax
    _d = setup_inputs()
    print(jax.jit(kernel)(*tuple(_d.values())))

</pallas_src>

<mosaic_0001>
#map = affine_map<(d0, d1) -> (0, 0)>
#map1 = affine_map<(d0, d1) -> (0)>
module attributes {stable_mosaic.version = 14 : i64} {
  func.func @body(%arg0: i32, %arg1: i32, %arg2: memref<320000x128xf32, #tpu.memory_space<hbm>>, %arg3: memref<320000xi32, #tpu.memory_space<hbm>>, %arg4: memref<10000x128xf32, #tpu.memory_space<hbm>>, %arg5: memref<3x128x128xf32, #tpu.memory_space<vmem>>, %arg6: memref<3x1x128xi32, #tpu.memory_space<vmem>>, %arg7: memref<40x128xf32, #tpu.memory_space<vmem>>, %arg8: memref<5008x128xf32, #tpu.memory_space<vmem_shared>>, %arg9: memref<!tpu.dma_semaphore, #tpu.memory_space<semaphore_mem>>, %arg10: memref<!tpu.dma_semaphore, #tpu.memory_space<semaphore_mem>>, %arg11: memref<!tpu.dma_semaphore, #tpu.memory_space<semaphore_mem>>, %arg12: memref<!tpu.dma_semaphore, #tpu.memory_space<semaphore_mem>>, %arg13: memref<!tpu.dma_semaphore, #tpu.memory_space<semaphore_mem>>, %arg14: memref<!tpu.dma_semaphore, #tpu.memory_space<semaphore_mem>>) attributes {dimension_semantics = [#tpu.dimension_semantics<core_parallel>, #tpu.dimension_semantics<subcore_parallel>], iteration_bounds = array<i64: 2, 16>, scalar_prefetch = 0 : i64, scratch_operands = 10 : i64, tpu.core_type = #tpu.core_type<sc_vector_subcore>, window_params = [{transform_indices = #map}, {transform_indices = #map1}, {transform_indices = #map}]} {
    %mul3A = arith.constant 5000 : i32
    %mul3A_0 = arith.muli %mul3A, %arg0 : i32
    %broadcast_in_dim3A = arith.constant 5000 : i32
    %broadcast_in_dim3A_1 = vector.broadcast %broadcast_in_dim3A : i32 to vector<16xi32>
    %mul3A_2 = arith.constant 1250 : i32
    %mul3A_3 = arith.muli %mul3A_2, %arg0 : i32
    %add3A = arith.addi %mul3A_3, %arg1 : i32
    %add3A_4 = arith.constant 0 : i32
    %add3A_5 = arith.addi %add3A, %add3A_4 : i32
    %mul3A_6 = arith.constant 128 : i32
    %mul3A_7 = arith.muli %mul3A_6, %add3A_5 : i32
    %add3A_8 = arith.constant 0 : i32
    %add3A_9 = arith.addi %mul3A_7, %add3A_8 : i32
    %dma_start3A = arith.constant 0 : i32
    %dma_start3A_10 = arith.constant 0 : i32
    %dma_start3A_11 = arith.constant 0 : i32
    %dma_start3A_12 = tpu.memref_slice %arg6[%dma_start3A, %dma_start3A_10, %dma_start3A_11] : memref<3x1x128xi32, #tpu.memory_space<vmem>> -> memref<1x1x128xi32, #tpu.memory_space<vmem>>
    %dma_start3A_13 = tpu.memref_squeeze %dma_start3A_12 : memref<1x1x128xi32, #tpu.memory_space<vmem>> -> memref<128xi32, #tpu.memory_space<vmem>>
    %dma_start3A_14 = tpu.memref_slice %arg3[%add3A_9] : memref<320000xi32, #tpu.memory_space<hbm>> -> memref<128xi32, #tpu.memory_space<hbm>>
    %dma_start3A_15 = arith.constant 0 : i32
    %dma_start3A_16 = tpu.memref_slice %arg6[%dma_start3A, %dma_start3A_10, %dma_start3A_15] : memref<3x1x128xi32, #tpu.memory_space<vmem>> -> memref<1x1x128xi32, #tpu.memory_space<vmem>>
    %dma_start3A_17 = tpu.memref_squeeze %dma_start3A_16 : memref<1x1x128xi32, #tpu.memory_space<vmem>> -> memref<128xi32, #tpu.memory_space<vmem>>
    %dma_start3A_18 = tpu.memref_slice %arg3[%add3A_9] : memref<320000xi32, #tpu.memory_space<hbm>> -> memref<128xi32, #tpu.memory_space<hbm>>
    tpu.enqueue_dma source(%dma_start3A_18 : memref<128xi32, #tpu.memory_space<hbm>>) target(%dma_start3A_17 : memref<128xi32, #tpu.memory_space<vmem>>) target_semaphore(%arg9 : memref<!tpu.dma_semaphore, #tpu.memory_space<semaphore_mem>>)
    %dma_start3A_19 = arith.constant 0 : i32
    %dma_start3A_20 = arith.constant 0 : i32
    %dma_start3A_21 = arith.constant 0 : i32
    %dma_start3A_22 = tpu.memref_slice %arg5[%dma_start3A_19, %dma_start3A_20, %dma_start3A_21] : memref<3x128x128xf32, #tpu.memory_space<vmem>> -> memref<1x128x128xf32, #tpu.memory_space<vmem>>
    %dma_start3A_23 = tpu.memref_squeeze %dma_start3A_22 : memref<1x128x128xf32, #tpu.memory_space<vmem>> -> memref<128x128xf32, #tpu.memory_space<vmem>>
    %dma_start3A_24 = arith.constant 0 : i32
    %dma_start3A_25 = tpu.memref_slice %arg2[%mul3A_7, %dma_start3A_24] : memref<320000x128xf32, #tpu.memory_space<hbm>> -> memref<128x128xf32, #tpu.memory_space<hbm>>
    %dma_start3A_26 = arith.constant 0 : i32
    %dma_start3A_27 = arith.constant 0 : i32
    %dma_start3A_28 = tpu.memref_slice %arg5[%dma_start3A_19, %dma_start3A_26, %dma_start3A_27] : memref<3x128x128xf32, #tpu.memory_space<vmem>> -> memref<1x128x128xf32, #tpu.memory_space<vmem>>
    %dma_start3A_29 = tpu.memref_squeeze %dma_start3A_28 : memref<1x128x128xf32, #tpu.memory_space<vmem>> -> memref<128x128xf32, #tpu.memory_space<vmem>>
    %dma_start3A_30 = arith.constant 0 : i32
    %dma_start3A_31 = tpu.memref_slice %arg2[%mul3A_7, %dma_start3A_30] : memref<320000x128xf32, #tpu.memory_space<hbm>> -> memref<128x128xf32, #tpu.memory_space<hbm>>
    tpu.enqueue_dma source(%dma_start3A_31 : memref<128x128xf32, #tpu.memory_space<hbm>>) target(%dma_start3A_29 : memref<128x128xf32, #tpu.memory_space<vmem>>) target_semaphore(%arg9 : memref<!tpu.dma_semaphore, #tpu.memory_space<semaphore_mem>>)
    %add3A_32 = arith.addi %mul3A_3, %arg1 : i32
    %add3A_33 = arith.constant 16 : i32
    %add3A_34 = arith.addi %add3A_32, %add3A_33 : i32
    %mul3A_35 = arith.constant 128 : i32
    %mul3A_36 = arith.muli %mul3A_35, %add3A_34 : i32
    %add3A_37 = arith.constant 0 : i32
    %add3A_38 = arith.addi %mul3A_36, %add3A_37 : i32
    %dma_start3A_39 = arith.constant 1 : i32
    %dma_start3A_40 = arith.constant 0 : i32
    %dma_start3A_41 = arith.constant 0 : i32
    %dma_start3A_42 = tpu.memref_slice %arg6[%dma_start3A_39, %dma_start3A_40, %dma_start3A_41] : memref<3x1x128xi32, #tpu.memory_space<vmem>> -> memref<1x1x128xi32, #tpu.memory_space<vmem>>
    %dma_start3A_43 = tpu.memref_squeeze %dma_start3A_42 : memref<1x1x128xi32, #tpu.memory_space<vmem>> -> memref<128xi32, #tpu.memory_space<vmem>>
    %dma_start3A_44 = tpu.memref_slice %arg3[%add3A_38] : memref<320000xi32, #tpu.memory_space<hbm>> -> memref<128xi32, #tpu.memory_space<hbm>>
    %dma_start3A_45 = arith.constant 0 : i32
    %dma_start3A_46 = tpu.memref_slice %arg6[%dma_start3A_39, %dma_start3A_40, %dma_start3A_45] : memref<3x1x128xi32, #tpu.memory_space<vmem>> -> memref<1x1x128xi32, #tpu.memory_space<vmem>>
    %dma_start3A_47 = tpu.memref_squeeze %dma_start3A_46 : memref<1x1x128xi32, #tpu.memory_space<vmem>> -> memref<128xi32, #tpu.memory_space<vmem>>
    %dma_start3A_48 = tpu.memref_slice %arg3[%add3A_38] : memref<320000xi32, #tpu.memory_space<hbm>> -> memref<128xi32, #tpu.memory_space<hbm>>
    tpu.enqueue_dma source(%dma_start3A_48 : memref<128xi32, #tpu.memory_space<hbm>>) target(%dma_start3A_47 : memref<128xi32, #tpu.memory_space<vmem>>) target_semaphore(%arg10 : memref<!tpu.dma_semaphore, #tpu.memory_space<semaphore_mem>>)
    %dma_start3A_49 = arith.constant 1 : i32
    %dma_start3A_50 = arith.constant 0 : i32
    %dma_start3A_51 = arith.constant 0 : i32
    %dma_start3A_52 = tpu.memref_slice %arg5[%dma_start3A_49, %dma_start3A_50, %dma_start3A_51] : memref<3x128x128xf32, #tpu.memory_space<vmem>> -> memref<1x128x128xf32, #tpu.memory_space<vmem>>
    %dma_start3A_53 = tpu.memref_squeeze %dma_start3A_52 : memref<1x128x128xf32, #tpu.memory_space<vmem>> -> memref<128x128xf32, #tpu.memory_space<vmem>>
    %dma_start3A_54 = arith.constant 0 : i32
    %dma_start3A_55 = tpu.memref_slice %arg2[%mul3A_36, %dma_start3A_54] : memref<320000x128xf32, #tpu.memory_space<hbm>> -> memref<128x128xf32, #tpu.memory_space<hbm>>
    %dma_start3A_56 = arith.constant 0 : i32
    %dma_start3A_57 = arith.constant 0 : i32
    %dma_start3A_58 = tpu.memref_slice %arg5[%dma_start3A_49, %dma_start3A_56, %dma_start3A_57] : memref<3x128x128xf32, #tpu.memory_space<vmem>> -> memref<1x128x128xf32, #tpu.memory_space<vmem>>
    %dma_start3A_59 = tpu.memref_squeeze %dma_start3A_58 : memref<1x128x128xf32, #tpu.memory_space<vmem>> -> memref<128x128xf32, #tpu.memory_space<vmem>>
    %dma_start3A_60 = arith.constant 0 : i32
    %dma_start3A_61 = tpu.memref_slice %arg2[%mul3A_36, %dma_start3A_60] : memref<320000x128xf32, #tpu.memory_space<hbm>> -> memref<128x128xf32, #tpu.memory_space<hbm>>
    tpu.enqueue_dma source(%dma_start3A_61 : memref<128x128xf32, #tpu.memory_space<hbm>>) target(%dma_start3A_59 : memref<128x128xf32, #tpu.memory_space<vmem>>) target_semaphore(%arg10 : memref<!tpu.dma_semaphore, #tpu.memory_space<semaphore_mem>>)
    %scan3A = arith.constant 0 : i32
    %scan3A_62 = arith.constant 0 : i32
    %scan3A_63 = arith.constant 40 : i32
    %scan3A_64 = arith.addi %scan3A_62, %scan3A_63 : i32
    %scan3A_65 = arith.constant 1 : i32
    %scan3A_66 = scf.for %scan3A_1921 = %scan3A_62 to %scan3A_64 step %scan3A_65 iter_args(%scan3A_1922 = %scan3A) -> (i32)  : i32 {
      %broadcast_in_dim3A_1923 = arith.constant 0.000000e+00 : f32
      %broadcast_in_dim3A_1924 = vector.broadcast %broadcast_in_dim3A_1923 : f32 to vector<16xf32>
      %swap3A_1925 = arith.index_cast %scan3A_1921 : i32 to index
      %swap3A_1926 = arith.constant 0 : index
      %swap3A_1927 = tpu.vector_load %arg7[%swap3A_1925, %swap3A_1926] {strides = array<i32>} : memref<40x128xf32, #tpu.memory_space<vmem>>, vector<1x16xf32>,
      %swap3A_1928 = vector.shape_cast %swap3A_1927 : vector<1x16xf32> to vector<16xf32>
      %swap3A_1929 = vector.shape_cast %broadcast_in_dim3A_1924 : vector<16xf32> to vector<1x16xf32>
      tpu.vector_store %arg7[%swap3A_1925, %swap3A_1926], %swap3A_1929 {strides = array<i32>} : memref<40x128xf32, #tpu.memory_space<vmem>>, vector<1x16xf32>,
      %broadcast_in_dim3A_1930 = arith.constant 0.000000e+00 : f32
      %broadcast_in_dim3A_1931 = vector.broadcast %broadcast_in_dim3A_1930 : f32 to vector<16xf32>
      %swap3A_1932 = arith.index_cast %scan3A_1921 : i32 to index
      %swap3A_1933 = arith.constant 16 : index
      %swap3A_1934 = tpu.vector_load %arg7[%swap3A_1932, %swap3A_1933] {strides = array<i32>} : memref<40x128xf32, #tpu.memory_space<vmem>>, vector<1x16xf32>,
      %swap3A_1935 = vector.shape_cast %swap3A_1934 : vector<1x16xf32> to vector<16xf32>
      %swap3A_1936 = vector.shape_cast %broadcast_in_dim3A_1931 : vector<16xf32> to vector<1x16xf32>
      tpu.vector_store %arg7[%swap3A_1932, %swap3A_1933], %swap3A_1936 {strides = array<i32>} : memref<40x128xf32, #tpu.memory_space<vmem>>, vector<1x16xf32>,
      %broadcast_in_dim3A_1937 = arith.constant 0.000000e+00 : f32
      %broadcast_in_dim3A_1938 = vector.broadcast %broadcast_in_dim3A_1937 : f32 to vector<16xf32>
      %swap3A_1939 = arith.index_cast %scan3A_1921 : i32 to index
      %swap3A_1940 = arith.constant 32 : index
      %swap3A_1941 = tpu.vector_load %arg7[%swap3A_1939, %swap3A_1940] {strides = array<i32>} : memref<40x128xf32, #tpu.memory_space<vmem>>, vector<1x16xf32>,
      %swap3A_1942 = vector.shape_cast %swap3A_1941 : vector<1x16xf32> to vector<16xf32>
      %swap3A_1943 = vector.shape_cast %broadcast_in_dim3A_1938 : vector<16xf32> to vector<1x16xf32>
      tpu.vector_store %arg7[%swap3A_1939, %swap3A_1940], %swap3A_1943 {strides = array<i32>} : memref<40x128xf32, #tpu.memory_space<vmem>>, vector<1x16xf32>,
      %broadcast_in_dim3A_1944 = arith.constant 0.000000e+00 : f32
      %broadcast_in_dim3A_1945 = vector.broadcast %broadcast_in_dim3A_1944 : f32 to vector<16xf32>
      %swap3A_1946 = arith.index_cast %scan3A_1921 : i32 to index
      %swap3A_1947 = arith.constant 48 : index
      %swap3A_1948 = tpu.vector_load %arg7[%swap3A_1946, %swap3A_1947] {strides = array<i32>} : memref<40x128xf32, #tpu.memory_space<vmem>>, vector<1x16xf32>,
      %swap3A_1949 = vector.shape_cast %swap3A_1948 : vector<1x16xf32> to vector<16xf32>
      %swap3A_1950 = vector.shape_cast %broadcast_in_dim3A_1945 : vector<16xf32> to vector<1x16xf32>
      tpu.vector_store %arg7[%swap3A_1946, %swap3A_1947], %swap3A_1950 {strides = array<i32>} : memref<40x128xf32, #tpu.memory_space<vmem>>, vector<1x16xf32>,
      %broadcast_in_dim3A_1951 = arith.constant 0.000000e+00 : f32
      %broadcast_in_dim3A_1952 = vector.broadcast %broadcast_in_dim3A_1951 : f32 to vector<16xf32>
      %swap3A_1953 = arith.index_cast %scan3A_1921 : i32 to index
      %swap3A_1954 = arith.constant 64 : index
      %swap3A_1955 = tpu.vector_load %arg7[%swap3A_1953, %swap3A_1954] {strides = array<i32>} : memref<40x128xf32, #tpu.memory_space<vmem>>, vector<1x16xf32>,
      %swap3A_1956 = vector.shape_cast %swap3A_1955 : vector<1x16xf32> to vector<16xf32>
      %swap3A_1957 = vector.shape_cast %broadcast_in_dim3A_1952 : vector<16xf32> to vector<1x16xf32>
      tpu.vector_store %arg7[%swap3A_1953, %swap3A_1954], %swap3A_1957 {strides = array<i32>} : memref<40x128xf32, #tpu.memory_space<vmem>>, vector<1x16xf32>,
      %broadcast_in_dim3A_1958 = arith.constant 0.000000e+00 : f32
      %broadcast_in_dim3A_1959 = vector.broadcast %broadcast_in_dim3A_1958 : f32 to vector<16xf32>
      %swap3A_1960 = arith.index_cast %scan3A_1921 : i32 to index
      %swap3A_1961 = arith.constant 80 : index
      %swap3A_1962 = tpu.vector_load %arg7[%swap3A_1960, %swap3A_1961] {strides = array<i32>} : memref<40x128xf32, #tpu.memory_space<vmem>>, vector<1x16xf32>,
      %swap3A_1963 = vector.shape_cast %swap3A_1962 : vector<1x16xf32> to vector<16xf32>
      %swap3A_1964 = vector.shape_cast %broadcast_in_dim3A_1959 : vector<16xf32> to vector<1x16xf32>
      tpu.vector_store %arg7[%swap3A_1960, %swap3A_1961], %swap3A_1964 {strides = array<i32>} : memref<40x128xf32, #tpu.memory_space<vmem>>, vector<1x16xf32>,
      %broadcast_in_dim3A_1965 = arith.constant 0.000000e+00 : f32
      %broadcast_in_dim3A_1966 = vector.broadcast %broadcast_in_dim3A_1965 : f32 to vector<16xf32>
      %swap3A_1967 = arith.index_cast %scan3A_1921 : i32 to index
      %swap3A_1968 = arith.constant 96 : index
      %swap3A_1969 = tpu.vector_load %arg7[%swap3A_1967, %swap3A_1968] {strides = array<i32>} : memref<40x128xf32, #tpu.memory_space<vmem>>, vector<1x16xf32>,
      %swap3A_1970 = vector.shape_cast %swap3A_1969 : vector<1x16xf32> to vector<16xf32>
      %swap3A_1971 = vector.shape_cast %broadcast_in_dim3A_1966 : vector<16xf32> to vector<1x16xf32>
      tpu.vector_store %arg7[%swap3A_1967, %swap3A_1968], %swap3A_1971 {strides = array<i32>} : memref<40x128xf32, #tpu.memory_space<vmem>>, vector<1x16xf32>,
      %broadcast_in_dim3A_1972 = arith.constant 0.000000e+00 : f32
      %broadcast_in_dim3A_1973 = vector.broadcast %broadcast_in_dim3A_1972 : f32 to vector<16xf32>
      %swap3A_1974 = arith.index_cast %scan3A_1921 : i32 to index
      %swap3A_1975 = arith.constant 112 : index
      %swap3A_1976 = tpu.vector_load %arg7[%swap3A_1974, %swap3A_1975] {strides = array<i32>} : memref<40x128xf32, #tpu.memory_space<vmem>>, vector<1x16xf32>,
      %swap3A_1977 = vector.shape_cast %swap3A_1976 : vector<1x16xf32> to vector<16xf32>
      %swap3A_1978 = vector.shape_cast %broadcast_in_dim3A_1973 : vector<16xf32> to vector<1x16xf32>
      tpu.vector_store %arg7[%swap3A_1974, %swap3A_1975], %swap3A_1978 {strides = array<i32>} : memref<40x128xf32, #tpu.memory_space<vmem>>, vector<1x16xf32>,
      %scan3A_1979 = arith.constant 0 : i32
      scf.yield %scan3A_1979 : i32
    }
    %scan3A_67 = arith.constant 40 : i32
    %scan3A_68 = arith.constant 0 : i32
    %scan3A_69 = arith.constant 0 : i32
    %scan3A_70 = arith.constant 8 : i32
    %scan3A_71 = arith.addi %scan3A_69, %scan3A_70 : i32
    %scan3A_72 = arith.constant 1 : i32
    %scan3A_73 = scf.for %scan3A_1921 = %scan3A_69 to %scan3A_71 step %scan3A_72 iter_args(%scan3A_1922 = %scan3A_68) -> (i32)  : i32 {
      %mul3A_1923 = arith.constant 16 : i32
      %mul3A_1924 = arith.muli %mul3A_1923, %scan3A_1921 : i32
      %add3A_1925 = arith.addi %arg1, %mul3A_1924 : i32
      %lt3A_1926 = arith.constant 125 : i32
      %lt3A_1927 = arith.cmpi slt, %add3A_1925, %lt3A_1926 : i32
      %convert_element_type3A_1928 = arith.extui %lt3A_1927 : i1 to i32
      %cond3A_1929 = arith.constant 0 : i32
      %cond3A_1930 = arith.cmpi ne, %convert_element_type3A_1928, %cond3A_1929 : i32
      scf.if %cond3A_1930 {
        %mul3A_1932 = arith.constant 40 : i32
        %mul3A_1933 = arith.muli %mul3A_1932, %add3A_1925 : i32
        %dma_start3A_1934 = arith.constant 0 : i32
        %dma_start3A_1935 = tpu.memref_slice %arg8[%mul3A_1933, %dma_start3A_1934] : memref<5008x128xf32, #tpu.memory_space<vmem_shared>> -> memref<40x128xf32, #tpu.memory_space<vmem_shared>>
        %dma_start3A_1936 = arith.constant 0 : i32
        %dma_start3A_1937 = tpu.memref_slice %arg8[%mul3A_1933, %dma_start3A_1936] : memref<5008x128xf32, #tpu.memory_space<vmem_shared>> -> memref<40x128xf32, #tpu.memory_space<vmem_shared>>
        tpu.enqueue_dma source(%arg7 : memref<40x128xf32, #tpu.memory_space<vmem>>) target(%dma_start3A_1937 : memref<40x128xf32, #tpu.memory_space<vmem_shared>>) target_semaphore(%arg12 : memref<!tpu.dma_semaphore, #tpu.memory_space<semaphore_mem>>)
      } else {
      }
      %scan3A_1931 = arith.constant 0 : i32
      scf.yield %scan3A_1931 : i32
    }
    %scan3A_74 = arith.constant 8 : i32
    %scan3A_75 = arith.constant 0 : i32
    %scan3A_76 = arith.constant 0 : i32
    %scan3A_77 = arith.constant 8 : i32
    %scan3A_78 = arith.addi %scan3A_76, %scan3A_77 : i32
    %scan3A_79 = arith.constant 1 : i32
    %scan3A_80 = scf.for %scan3A_1921 = %scan3A_76 to %scan3A_78 step %scan3A_79 iter_args(%scan3A_1922 = %scan3A_75) -> (i32)  : i32 {
      %mul3A_1923 = arith.constant 16 : i32
      %mul3A_1924 = arith.muli %mul3A_1923, %scan3A_1921 : i32
      %add3A_1925 = arith.addi %arg1, %mul3A_1924 : i32
      %lt3A_1926 = arith.constant 125 : i32
      %lt3A_1927 = arith.cmpi slt, %add3A_1925, %lt3A_1926 : i32
      %convert_element_type3A_1928 = arith.extui %lt3A_1927 : i1 to i32
      %cond3A_1929 = arith.constant 0 : i32
      %cond3A_1930 = arith.cmpi ne, %convert_element_type3A_1928, %cond3A_1929 : i32
      scf.if %cond3A_1930 {
        %mul3A_1932 = arith.constant 40 : i32
        %mul3A_1933 = arith.muli %mul3A_1932, %add3A_1925 : i32
        %dma_wait3A_1934 = arith.constant 0 : i32
        %dma_wait3A_1935 = tpu.memref_slice %arg8[%mul3A_1933, %dma_wait3A_1934] : memref<5008x128xf32, #tpu.memory_space<vmem_shared>> -> memref<40x128xf32, #tpu.memory_space<vmem_shared>>
        %dma_wait3A_1936 = arith.constant 0 : i32
        %dma_wait3A_1937 = tpu.memref_slice %arg8[%mul3A_1933, %dma_wait3A_1936] : memref<5008x128xf32, #tpu.memory_space<vmem_shared>> -> memref<40x128xf32, #tpu.memory_space<vmem_shared>>
        tpu.wait_dma2 semaphore(%arg12 : memref<!tpu.dma_semaphore, #tpu.memory_space<semaphore_mem>>) src(%arg7 : memref<40x128xf32, #tpu.memory_space<vmem>>) dst(%dma_wait3A_1937 : memref<40x128xf32, #tpu.memory_space<vmem_shared>>)
      } else {
      }
      %scan3A_1931 = arith.constant 0 : i32
      scf.yield %scan3A_1931 : i32
    }
    %scan3A_81 = arith.constant 8 : i32
    %barrier3A = arith.constant 0 : index
    tpu.barrier barrier_id(%barrier3A)
    %add3A_82 = arith.addi %mul3A_3, %arg1 : i32
    %add3A_83 = arith.constant 0 : i32
    %add3A_84 = arith.addi %add3A_82, %add3A_83 : i32
    %mul3A_85 = arith.constant 128 : i32
    %mul3A_86 = arith.muli %mul3A_85, %add3A_84 : i32
    %add3A_87 = arith.constant 0 : i32
    %add3A_88 = arith.addi %mul3A_86, %add3A_87 : i32
    %dma_wait3A = arith.constant 0 : i32
    %dma_wait3A_89 = arith.constant 0 : i32
    %dma_wait3A_90 = arith.constant 0 : i32
    %dma_wait3A_91 = tpu.memref_slice %arg6[%dma_wait3A, %dma_wait3A_89, %dma_wait3A_90] : memref<3x1x128xi32, #tpu.memory_space<vmem>> -> memref<1x1x128xi32, #tpu.memory_space<vmem>>
    %dma_wait3A_92 = tpu.memref_squeeze %dma_wait3A_91 : memref<1x1x128xi32, #tpu.memory_space<vmem>> -> memref<128xi32, #tpu.memory_space<vmem>>
    %dma_wait3A_93 = tpu.memref_slice %arg3[%add3A_88] : memref<320000xi32, #tpu.memory_space<hbm>> -> memref<128xi32, #tpu.memory_space<hbm>>
    %dma_wait3A_94 = arith.constant 0 : i32
    %dma_wait3A_95 = tpu.memref_slice %arg6[%dma_wait3A, %dma_wait3A_89, %dma_wait3A_94] : memref<3x1x128xi32, #tpu.memory_space<vmem>> -> memref<1x1x128xi32, #tpu.memory_space<vmem>>
    %dma_wait3A_96 = tpu.memref_squeeze %dma_wait3A_95 : memref<1x1x128xi32, #tpu.memory_space<vmem>> -> memref<128xi32, #tpu.memory_space<vmem>>
    %dma_wait3A_97 = tpu.memref_slice %arg3[%add3A_88] : memref<320000xi32, #tpu.memory_space<hbm>> -> memref<128xi32, #tpu.memory_space<hbm>>
    tpu.wait_dma2 semaphore(%arg9 : memref<!tpu.dma_semaphore, #tpu.memory_space<semaphore_mem>>) src(%dma_wait3A_97 : memref<128xi32, #tpu.memory_space<hbm>>) dst(%dma_wait3A_96 : memref<128xi32, #tpu.memory_space<vmem>>)
    %dma_wait3A_98 = arith.constant 0 : i32
    %dma_wait3A_99 = arith.constant 0 : i32
    %dma_wait3A_100 = arith.constant 0 : i32
    %dma_wait3A_101 = tpu.memref_slice %arg5[%dma_wait3A_98, %dma_wait3A_99, %dma_wait3A_100] : memref<3x128x128xf32, #tpu.memory_space<vmem>> -> memref<1x128x128xf32, #tpu.memory_space<vmem>>
    %dma_wait3A_102 = tpu.memref_squeeze %dma_wait3A_101 : memref<1x128x128xf32, #tpu.memory_space<vmem>> -> memref<128x128xf32, #tpu.memory_space<vmem>>
    %dma_wait3A_103 = arith.constant 0 : i32
    %dma_wait3A_104 = tpu.memref_slice %arg2[%mul3A_86, %dma_wait3A_103] : memref<320000x128xf32, #tpu.memory_space<hbm>> -> memref<128x128xf32, #tpu.memory_space<hbm>>
    %dma_wait3A_105 = arith.constant 0 : i32
    %dma_wait3A_106 = arith.constant 0 : i32
    %dma_wait3A_107 = tpu.memref_slice %arg5[%dma_wait3A_98, %dma_wait3A_105, %dma_wait3A_106] : memref<3x128x128xf32, #tpu.memory_space<vmem>> -> memref<1x128x128xf32, #tpu.memory_space<vmem>>
    %dma_wait3A_108 = tpu.memref_squeeze %dma_wait3A_107 : memref<1x128x128xf32, #tpu.memory_space<vmem>> -> memref<128x128xf32, #tpu.memory_space<vmem>>
    %dma_wait3A_109 = arith.constant 0 : i32
    %dma_wait3A_110 = tpu.memref_slice %arg2[%mul3A_86, %dma_wait3A_109] : memref<320000x128xf32, #tpu.memory_space<hbm>> -> memref<128x128xf32, #tpu.memory_space<hbm>>
    tpu.wait_dma2 semaphore(%arg9 : memref<!tpu.dma_semaphore, #tpu.memory_space<semaphore_mem>>) src(%dma_wait3A_110 : memref<128x128xf32, #tpu.memory_space<hbm>>) dst(%dma_wait3A_108 : memref<128x128xf32, #tpu.memory_space<vmem>>)
    %get3A = arith.constant 0 : i32
    %get3A_111 = arith.constant 0 : i32
    %get3A_112 = arith.index_cast %get3A : i32 to index
    %get3A_113 = arith.index_cast %get3A_111 : i32 to index
    %get3A_114 = arith.constant 0 : index
    %get3A_115 = tpu.vector_load %arg6[%get3A_112, %get3A_113, %get3A_114] {strides = array<i32>} : memref<3x1x128xi32, #tpu.memory_space<vmem>>, vector<1x1x16xi32>,
    %get3A_116 = vector.shape_cast %get3A_115 : vector<1x1x16xi32> to vector<16xi32>
    %sub3A = vector.broadcast %mul3A_0 : i32 to vector<16xi32>
    %sub3A_117 = arith.subi %get3A_116, %sub3A : vector<16xi32>
    %add3A_118 = arith.constant 0 : i32
    %add3A_119 = vector.broadcast %add3A_118 : i32 to vector<16xi32>
    %add3A_120 = arith.addi %sub3A_117, %add3A_119 : vector<16xi32>
    %ge3A = arith.constant 0 : i32
    %ge3A_121 = vector.broadcast %ge3A : i32 to vector<16xi32>
    %ge3A_122 = arith.cmpi sge, %add3A_120, %ge3A_121 : vector<16xi32>
    %lt3A = arith.constant 5000 : i32
    %lt3A_123 = vector.broadcast %lt3A : i32 to vector<16xi32>
    %lt3A_124 = arith.cmpi slt, %add3A_120, %lt3A_123 : vector<16xi32>
    %and3A = arith.andi %ge3A_122, %lt3A_124 : vector<16xi1>
    %select_n3A = arith.select %and3A, %add3A_120, %broadcast_in_dim3A_1 : vector<16xi1>, vector<16xi32>
    %swap3A = arith.constant 0 : i32
    %swap3A_125 = arith.constant 0 : i32
    %swap3A_126 = arith.index_cast %swap3A : i32 to index
    %swap3A_127 = arith.index_cast %swap3A_125 : i32 to index
    %swap3A_128 = arith.constant 0 : index
    %swap3A_129 = tpu.vector_load %arg6[%swap3A_126, %swap3A_127, %swap3A_128] {strides = array<i32>} : memref<3x1x128xi32, #tpu.memory_space<vmem>>, vector<1x1x16xi32>,
    %swap3A_130 = vector.shape_cast %swap3A_129 : vector<1x1x16xi32> to vector<16xi32>
    %swap3A_131 = vector.shape_cast %select_n3A : vector<16xi32> to vector<1x1x16xi32>
    tpu.vector_store %arg6[%swap3A_126, %swap3A_127, %swap3A_128], %swap3A_131 {strides = array<i32>} : memref<3x1x128xi32, #tpu.memory_space<vmem>>, vector<1x1x16xi32>,
    %get3A_132 = arith.constant 0 : i32
    %get3A_133 = arith.constant 0 : i32
    %get3A_134 = arith.index_cast %get3A_132 : i32 to index
    %get3A_135 = arith.index_cast %get3A_133 : i32 to index
    %get3A_136 = arith.constant 16 : index
    %get3A_137 = tpu.vector_load %arg6[%get3A_134, %get3A_135, %get3A_136] {strides = array<i32>} : memref<3x1x128xi32, #tpu.memory_space<vmem>>, vector<1x1x16xi32>,
    %get3A_138 = vector.shape_cast %get3A_137 : vector<1x1x16xi32> to vector<16xi32>
    %sub3A_139 = vector.broadcast %mul3A_0 : i32 to vector<16xi32>
    %sub3A_140 = arith.subi %get3A_138, %sub3A_139 : vector<16xi32>
    %add3A_141 = arith.constant 0 : i32
    %add3A_142 = vector.broadcast %add3A_141 : i32 to vector<16xi32>
    %add3A_143 = arith.addi %sub3A_140, %add3A_142 : vector<16xi32>
    %ge3A_144 = arith.constant 0 : i32
    %ge3A_145 = vector.broadcast %ge3A_144 : i32 to vector<16xi32>
    %ge3A_146 = arith.cmpi sge, %add3A_143, %ge3A_145 : vector<16xi32>
    %lt3A_147 = arith.constant 5000 : i32
    %lt3A_148 = vector.broadcast %lt3A_147 : i32 to vector<16xi32>
    %lt3A_149 = arith.cmpi slt, %add3A_143, %lt3A_148 : vector<16xi32>
    %and3A_150 = arith.andi %ge3A_146, %lt3A_149 : vector<16xi1>
    %select_n3A_151 = arith.select %and3A_150, %add3A_143, %broadcast_in_dim3A_1 : vector<16xi1>, vector<16xi32>
    %swap3A_152 = arith.constant 0 : i32
    %swap3A_153 = arith.constant 0 : i32
    %swap3A_154 = arith.index_cast %swap3A_152 : i32 to index
    %swap3A_155 = arith.index_cast %swap3A_153 : i32 to index
    %swap3A_156 = arith.constant 16 : index
    %swap3A_157 = tpu.vector_load %arg6[%swap3A_154, %swap3A_155, %swap3A_156] {strides = array<i32>} : memref<3x1x128xi32, #tpu.memory_space<vmem>>, vector<1x1x16xi32>,
    %swap3A_158 = vector.shape_cast %swap3A_157 : vector<1x1x16xi32> to vector<16xi32>
    %swap3A_159 = vector.shape_cast %select_n3A_151 : vector<16xi32> to vector<1x1x16xi32>
    tpu.vector_store %arg6[%swap3A_154, %swap3A_155, %swap3A_156], %swap3A_159 {strides = array<i32>} : memref<3x1x128xi32, #tpu.memory_space<vmem>>, vector<1x1x16xi32>,
    %get3A_160 = arith.constant 0 : i32
    %get3A_161 = arith.constant 0 : i32
    %get3A_162 = arith.index_cast %get3A_160 : i32 to index
    %get3A_163 = arith.index_cast %get3A_161 : i32 to index
    %get3A_164 = arith.constant 32 : index
    %get3A_165 = tpu.vector_load %arg6[%get3A_162, %get3A_163, %get3A_164] {strides = array<i32>} : memref<3x1x128xi32, #tpu.memory_space<vmem>>, vector<1x1x16xi32>,
    %get3A_166 = vector.shape_cast %get3A_165 : vector<1x1x16xi32> to vector<16xi32>
    %sub3A_167 = vector.broadcast %mul3A_0 : i32 to vector<16xi32>
    %sub3A_168 = arith.subi %get3A_166, %sub3A_167 : vector<16xi32>
    %add3A_169 = arith.constant 0 : i32
    %add3A_170 = vector.broadcast %add3A_169 : i32 to vector<16xi32>
    %add3A_171 = arith.addi %sub3A_168, %add3A_170 : vector<16xi32>
    %ge3A_172 = arith.constant 0 : i32
    %ge3A_173 = vector.broadcast %ge3A_172 : i32 to vector<16xi32>
    %ge3A_174 = arith.cmpi sge, %add3A_171, %ge3A_173 : vector<16xi32>
    %lt3A_175 = arith.constant 5000 : i32
    %lt3A_176 = vector.broadcast %lt3A_175 : i32 to vector<16xi32>
    %lt3A_177 = arith.cmpi slt, %add3A_171, %lt3A_176 : vector<16xi32>
    %and3A_178 = arith.andi %ge3A_174, %lt3A_177 : vector<16xi1>
    %select_n3A_179 = arith.select %and3A_178, %add3A_171, %broadcast_in_dim3A_1 : vector<16xi1>, vector<16xi32>
    %swap3A_180 = arith.constant 0 : i32
    %swap3A_181 = arith.constant 0 : i32
    %swap3A_182 = arith.index_cast %swap3A_180 : i32 to index
    %swap3A_183 = arith.index_cast %swap3A_181 : i32 to index
    %swap3A_184 = arith.constant 32 : index
    %swap3A_185 = tpu.vector_load %arg6[%swap3A_182, %swap3A_183, %swap3A_184] {strides = array<i32>} : memref<3x1x128xi32, #tpu.memory_space<vmem>>, vector<1x1x16xi32>,
    %swap3A_186 = vector.shape_cast %swap3A_185 : vector<1x1x16xi32> to vector<16xi32>
    %swap3A_187 = vector.shape_cast %select_n3A_179 : vector<16xi32> to vector<1x1x16xi32>
    tpu.vector_store %arg6[%swap3A_182, %swap3A_183, %swap3A_184], %swap3A_187 {strides = array<i32>} : memref<3x1x128xi32, #tpu.memory_space<vmem>>, vector<1x1x16xi32>,
    %get3A_188 = arith.constant 0 : i32
    %get3A_189 = arith.constant 0 : i32
    %get3A_190 = arith.index_cast %get3A_188 : i32 to index
    %get3A_191 = arith.index_cast %get3A_189 : i32 to index
    %get3A_192 = arith.constant 48 : index
    %get3A_193 = tpu.vector_load %arg6[%get3A_190, %get3A_191, %get3A_192] {strides = array<i32>} : memref<3x1x128xi32, #tpu.memory_space<vmem>>, vector<1x1x16xi32>,
    %get3A_194 = vector.shape_cast %get3A_193 : vector<1x1x16xi32> to vector<16xi32>
    %sub3A_195 = vector.broadcast %mul3A_0 : i32 to vector<16xi32>
    %sub3A_196 = arith.subi %get3A_194, %sub3A_195 : vector<16xi32>
    %add3A_197 = arith.constant 0 : i32
    %add3A_198 = vector.broadcast %add3A_197 : i32 to vector<16xi32>
    %add3A_199 = arith.addi %sub3A_196, %add3A_198 : vector<16xi32>
    %ge3A_200 = arith.constant 0 : i32
    %ge3A_201 = vector.broadcast %ge3A_200 : i32 to vector<16xi32>
    %ge3A_202 = arith.cmpi sge, %add3A_199, %ge3A_201 : vector<16xi32>
    %lt3A_203 = arith.constant 5000 : i32
    %lt3A_204 = vector.broadcast %lt3A_203 : i32 to vector<16xi32>
    %lt3A_205 = arith.cmpi slt, %add3A_199, %lt3A_204 : vector<16xi32>
    %and3A_206 = arith.andi %ge3A_202, %lt3A_205 : vector<16xi1>
    %select_n3A_207 = arith.select %and3A_206, %add3A_199, %broadcast_in_dim3A_1 : vector<16xi1>, vector<16xi32>
    %swap3A_208 = arith.constant 0 : i32
    %swap3A_209 = arith.constant 0 : i32
    %swap3A_210 = arith.index_cast %swap3A_208 : i32 to index
    %swap3A_211 = arith.index_cast %swap3A_209 : i32 to index
    %swap3A_212 = arith.constant 48 : index
    %swap3A_213 = tpu.vector_load %arg6[%swap3A_210, %swap3A_211, %swap3A_212] {strides = array<i32>} : memref<3x1x128xi32, #tpu.memory_space<vmem>>, vector<1x1x16xi32>,
    %swap3A_214 = vector.shape_cast %swap3A_213 : vector<1x1x16xi32> to vector<16xi32>
    %swap3A_215 = vector.shape_cast %select_n3A_207 : vector<16xi32> to vector<1x1x16xi32>
    tpu.vector_store %arg6[%swap3A_210, %swap3A_211, %swap3A_212], %swap3A_215 {strides = array<i32>} : memref<3x1x128xi32, #tpu.memory_space<vmem>>, vector<1x1x16xi32>,
    %get3A_216 = arith.constant 0 : i32
    %get3A_217 = arith.constant 0 : i32
    %get3A_218 = arith.index_cast %get3A_216 : i32 to index
    %get3A_219 = arith.index_cast %get3A_217 : i32 to index
    %get3A_220 = arith.constant 64 : index
    %get3A_221 = tpu.vector_load %arg6[%get3A_218, %get3A_219, %get3A_220] {strides = array<i32>} : memref<3x1x128xi32, #tpu.memory_space<vmem>>, vector<1x1x16xi32>,
    %get3A_222 = vector.shape_cast %get3A_221 : vector<1x1x16xi32> to vector<16xi32>
    %sub3A_223 = vector.broadcast %mul3A_0 : i32 to vector<16xi32>
    %sub3A_224 = arith.subi %get3A_222, %sub3A_223 : vector<16xi32>
    %add3A_225 = arith.constant 0 : i32
    %add3A_226 = vector.broadcast %add3A_225 : i32 to vector<16xi32>
    %add3A_227 = arith.addi %sub3A_224, %add3A_226 : vector<16xi32>
    %ge3A_228 = arith.constant 0 : i32
    %ge3A_229 = vector.broadcast %ge3A_228 : i32 to vector<16xi32>
    %ge3A_230 = arith.cmpi sge, %add3A_227, %ge3A_229 : vector<16xi32>
    %lt3A_231 = arith.constant 5000 : i32
    %lt3A_232 = vector.broadcast %lt3A_231 : i32 to vector<16xi32>
    %lt3A_233 = arith.cmpi slt, %add3A_227, %lt3A_232 : vector<16xi32>
    %and3A_234 = arith.andi %ge3A_230, %lt3A_233 : vector<16xi1>
    %select_n3A_235 = arith.select %and3A_234, %add3A_227, %broadcast_in_dim3A_1 : vector<16xi1>, vector<16xi32>
    %swap3A_236 = arith.constant 0 : i32
    %swap3A_237 = arith.constant 0 : i32
    %swap3A_238 = arith.index_cast %swap3A_236 : i32 to index
    %swap3A_239 = arith.index_cast %swap3A_237 : i32 to index
    %swap3A_240 = arith.constant 64 : index
    %swap3A_241 = tpu.vector_load %arg6[%swap3A_238, %swap3A_239, %swap3A_240] {strides = array<i32>} : memref<3x1x128xi32, #tpu.memory_space<vmem>>, vector<1x1x16xi32>,
    %swap3A_242 = vector.shape_cast %swap3A_241 : vector<1x1x16xi32> to vector<16xi32>
    %swap3A_243 = vector.shape_cast %select_n3A_235 : vector<16xi32> to vector<1x1x16xi32>
    tpu.vector_store %arg6[%swap3A_238, %swap3A_239, %swap3A_240], %swap3A_243 {strides = array<i32>} : memref<3x1x128xi32, #tpu.memory_space<vmem>>, vector<1x1x16xi32>,
    %get3A_244 = arith.constant 0 : i32
    %get3A_245 = arith.constant 0 : i32
    %get3A_246 = arith.index_cast %get3A_244 : i32 to index
    %get3A_247 = arith.index_cast %get3A_245 : i32 to index
    %get3A_248 = arith.constant 80 : index
    %get3A_249 = tpu.vector_load %arg6[%get3A_246, %get3A_247, %get3A_248] {strides = array<i32>} : memref<3x1x128xi32, #tpu.memory_space<vmem>>, vector<1x1x16xi32>,
    %get3A_250 = vector.shape_cast %get3A_249 : vector<1x1x16xi32> to vector<16xi32>
    %sub3A_251 = vector.broadcast %mul3A_0 : i32 to vector<16xi32>
    %sub3A_252 = arith.subi %get3A_250, %sub3A_251 : vector<16xi32>
    %add3A_253 = arith.constant 0 : i32
    %add3A_254 = vector.broadcast %add3A_253 : i32 to vector<16xi32>
    %add3A_255 = arith.addi %sub3A_252, %add3A_254 : vector<16xi32>
    %ge3A_256 = arith.constant 0 : i32
    %ge3A_257 = vector.broadcast %ge3A_256 : i32 to vector<16xi32>
    %ge3A_258 = arith.cmpi sge, %add3A_255, %ge3A_257 : vector<16xi32>
    %lt3A_259 = arith.constant 5000 : i32
    %lt3A_260 = vector.broadcast %lt3A_259 : i32 to vector<16xi32>
    %lt3A_261 = arith.cmpi slt, %add3A_255, %lt3A_260 : vector<16xi32>
    %and3A_262 = arith.andi %ge3A_258, %lt3A_261 : vector<16xi1>
    %select_n3A_263 = arith.select %and3A_262, %add3A_255, %broadcast_in_dim3A_1 : vector<16xi1>, vector<16xi32>
    %swap3A_264 = arith.constant 0 : i32
    %swap3A_265 = arith.constant 0 : i32
    %swap3A_266 = arith.index_cast %swap3A_264 : i32 to index
    %swap3A_267 = arith.index_cast %swap3A_265 : i32 to index
    %swap3A_268 = arith.constant 80 : index
    %swap3A_269 = tpu.vector_load %arg6[%swap3A_266, %swap3A_267, %swap3A_268] {strides = array<i32>} : memref<3x1x128xi32, #tpu.memory_space<vmem>>, vector<1x1x16xi32>,
    %swap3A_270 = vector.shape_cast %swap3A_269 : vector<1x1x16xi32> to vector<16xi32>
    %swap3A_271 = vector.shape_cast %select_n3A_263 : vector<16xi32> to vector<1x1x16xi32>
    tpu.vector_store %arg6[%swap3A_266, %swap3A_267, %swap3A_268], %swap3A_271 {strides = array<i32>} : memref<3x1x128xi32, #tpu.memory_space<vmem>>, vector<1x1x16xi32>,
    %get3A_272 = arith.constant 0 : i32
    %get3A_273 = arith.constant 0 : i32
    %get3A_274 = arith.index_cast %get3A_272 : i32 to index
    %get3A_275 = arith.index_cast %get3A_273 : i32 to index
    %get3A_276 = arith.constant 96 : index
    %get3A_277 = tpu.vector_load %arg6[%get3A_274, %get3A_275, %get3A_276] {strides = array<i32>} : memref<3x1x128xi32, #tpu.memory_space<vmem>>, vector<1x1x16xi32>,
    %get3A_278 = vector.shape_cast %get3A_277 : vector<1x1x16xi32> to vector<16xi32>
    %sub3A_279 = vector.broadcast %mul3A_0 : i32 to vector<16xi32>
    %sub3A_280 = arith.subi %get3A_278, %sub3A_279 : vector<16xi32>
    %add3A_281 = arith.constant 0 : i32
    %add3A_282 = vector.broadcast %add3A_281 : i32 to vector<16xi32>
    %add3A_283 = arith.addi %sub3A_280, %add3A_282 : vector<16xi32>
    %ge3A_284 = arith.constant 0 : i32
    %ge3A_285 = vector.broadcast %ge3A_284 : i32 to vector<16xi32>
    %ge3A_286 = arith.cmpi sge, %add3A_283, %ge3A_285 : vector<16xi32>
    %lt3A_287 = arith.constant 5000 : i32
    %lt3A_288 = vector.broadcast %lt3A_287 : i32 to vector<16xi32>
    %lt3A_289 = arith.cmpi slt, %add3A_283, %lt3A_288 : vector<16xi32>
    %and3A_290 = arith.andi %ge3A_286, %lt3A_289 : vector<16xi1>
    %select_n3A_291 = arith.select %and3A_290, %add3A_283, %broadcast_in_dim3A_1 : vector<16xi1>, vector<16xi32>
    %swap3A_292 = arith.constant 0 : i32
    %swap3A_293 = arith.constant 0 : i32
    %swap3A_294 = arith.index_cast %swap3A_292 : i32 to index
    %swap3A_295 = arith.index_cast %swap3A_293 : i32 to index
    %swap3A_296 = arith.constant 96 : index
    %swap3A_297 = tpu.vector_load %arg6[%swap3A_294, %swap3A_295, %swap3A_296] {strides = array<i32>} : memref<3x1x128xi32, #tpu.memory_space<vmem>>, vector<1x1x16xi32>,
    %swap3A_298 = vector.shape_cast %swap3A_297 : vector<1x1x16xi32> to vector<16xi32>
    %swap3A_299 = vector.shape_cast %select_n3A_291 : vector<16xi32> to vector<1x1x16xi32>
    tpu.vector_store %arg6[%swap3A_294, %swap3A_295, %swap3A_296], %swap3A_299 {strides = array<i32>} : memref<3x1x128xi32, #tpu.memory_space<vmem>>, vector<1x1x16xi32>,
    %get3A_300 = arith.constant 0 : i32
    %get3A_301 = arith.constant 0 : i32
    %get3A_302 = arith.index_cast %get3A_300 : i32 to index
    %get3A_303 = arith.index_cast %get3A_301 : i32 to index
    %get3A_304 = arith.constant 112 : index
    %get3A_305 = tpu.vector_load %arg6[%get3A_302, %get3A_303, %get3A_304] {strides = array<i32>} : memref<3x1x128xi32, #tpu.memory_space<vmem>>, vector<1x1x16xi32>,
    %get3A_306 = vector.shape_cast %get3A_305 : vector<1x1x16xi32> to vector<16xi32>
    %sub3A_307 = vector.broadcast %mul3A_0 : i32 to vector<16xi32>
    %sub3A_308 = arith.subi %get3A_306, %sub3A_307 : vector<16xi32>
    %add3A_309 = arith.constant 0 : i32
    %add3A_310 = vector.broadcast %add3A_309 : i32 to vector<16xi32>
    %add3A_311 = arith.addi %sub3A_308, %add3A_310 : vector<16xi32>
    %ge3A_312 = arith.constant 0 : i32
    %ge3A_313 = vector.broadcast %ge3A_312 : i32 to vector<16xi32>
    %ge3A_314 = arith.cmpi sge, %add3A_311, %ge3A_313 : vector<16xi32>
    %lt3A_315 = arith.constant 5000 : i32
    %lt3A_316 = vector.broadcast %lt3A_315 : i32 to vector<16xi32>
    %lt3A_317 = arith.cmpi slt, %add3A_311, %lt3A_316 : vector<16xi32>
    %and3A_318 = arith.andi %ge3A_314, %lt3A_317 : vector<16xi1>
    %select_n3A_319 = arith.select %and3A_318, %add3A_311, %broadcast_in_dim3A_1 : vector<16xi1>, vector<16xi32>
    %swap3A_320 = arith.constant 0 : i32
    %swap3A_321 = arith.constant 0 : i32
    %swap3A_322 = arith.index_cast %swap3A_320 : i32 to index
    %swap3A_323 = arith.index_cast %swap3A_321 : i32 to index
    %swap3A_324 = arith.constant 112 : index
    %swap3A_325 = tpu.vector_load %arg6[%swap3A_322, %swap3A_323, %swap3A_324] {strides = array<i32>} : memref<3x1x128xi32, #tpu.memory_space<vmem>>, vector<1x1x16xi32>,
    %swap3A_326 = vector.shape_cast %swap3A_325 : vector<1x1x16xi32> to vector<16xi32>
    %swap3A_327 = vector.shape_cast %select_n3A_319 : vector<16xi32> to vector<1x1x16xi32>
    tpu.vector_store %arg6[%swap3A_322, %swap3A_323, %swap3A_324], %swap3A_327 {strides = array<i32>} : memref<3x1x128xi32, #tpu.memory_space<vmem>>, vector<1x1x16xi32>,
    %add3A_328 = arith.addi %mul3A_3, %arg1 : i32
    %add3A_329 = arith.constant 32 : i32
    %add3A_330 = arith.addi %add3A_328, %add3A_329 : i32
    %mul3A_331 = arith.constant 128 : i32
    %mul3A_332 = arith.muli %mul3A_331, %add3A_330 : i32
    %add3A_333 = arith.constant 0 : i32
    %add3A_334 = arith.addi %mul3A_332, %add3A_333 : i32
    %dma_start3A_335 = arith.constant 2 : i32
    %dma_start3A_336 = arith.constant 0 : i32
    %dma_start3A_337 = arith.constant 0 : i32
    %dma_start3A_338 = tpu.memref_slice %arg6[%dma_start3A_335, %dma_start3A_336, %dma_start3A_337] : memref<3x1x128xi32, #tpu.memory_space<vmem>> -> memref<1x1x128xi32, #tpu.memory_space<vmem>>
    %dma_start3A_339 = tpu.memref_squeeze %dma_start3A_338 : memref<1x1x128xi32, #tpu.memory_space<vmem>> -> memref<128xi32, #tpu.memory_space<vmem>>
    %dma_start3A_340 = tpu.memref_slice %arg3[%add3A_334] : memref<320000xi32, #tpu.memory_space<hbm>> -> memref<128xi32, #tpu.memory_space<hbm>>
    %dma_start3A_341 = arith.constant 0 : i32
    %dma_start3A_342 = tpu.memref_slice %arg6[%dma_start3A_335, %dma_start3A_336, %dma_start3A_341] : memref<3x1x128xi32, #tpu.memory_space<vmem>> -> memref<1x1x128xi32, #tpu.memory_space<vmem>>
    %dma_start3A_343 = tpu.memref_squeeze %dma_start3A_342 : memref<1x1x128xi32, #tpu.memory_space<vmem>> -> memref<128xi32, #tpu.memory_space<vmem>>
    %dma_start3A_344 = tpu.memref_slice %arg3[%add3A_334] : memref<320000xi32, #tpu.memory_space<hbm>> -> memref<128xi32, #tpu.memory_space<hbm>>
    tpu.enqueue_dma source(%dma_start3A_344 : memref<128xi32, #tpu.memory_space<hbm>>) target(%dma_start3A_343 : memref<128xi32, #tpu.memory_space<vmem>>) target_semaphore(%arg11 : memref<!tpu.dma_semaphore, #tpu.memory_space<semaphore_mem>>)
    %dma_start3A_345 = arith.constant 2 : i32
    %dma_start3A_346 = arith.constant 0 : i32
    %dma_start3A_347 = arith.constant 0 : i32
    %dma_start3A_348 = tpu.memref_slice %arg5[%dma_start3A_345, %dma_start3A_346, %dma_start3A_347] : memref<3x128x128xf32, #tpu.memory_space<vmem>> -> memref<1x128x128xf32, #tpu.memory_space<vmem>>
    %dma_start3A_349 = tpu.memref_squeeze %dma_start3A_348 : memref<1x128x128xf32, #tpu.memory_space<vmem>> -> memref<128x128xf32, #tpu.memory_space<vmem>>
    %dma_start3A_350 = arith.constant 0 : i32
    %dma_start3A_351 = tpu.memref_slice %arg2[%mul3A_332, %dma_start3A_350] : memref<320000x128xf32, #tpu.memory_space<hbm>> -> memref<128x128xf32, #tpu.memory_space<hbm>>
    %dma_start3A_352 = arith.constant 0 : i32
    %dma_start3A_353 = arith.constant 0 : i32
    %dma_start3A_354 = tpu.memref_slice %arg5[%dma_start3A_345, %dma_start3A_352, %dma_start3A_353] : memref<3x128x128xf32, #tpu.memory_space<vmem>> -> memref<1x128x128xf32, #tpu.memory_space<vmem>>
    %dma_start3A_355 = tpu.memref_squeeze %dma_start3A_354 : memref<1x128x128xf32, #tpu.memory_space<vmem>> -> memref<128x128xf32, #tpu.memory_space<vmem>>
    %dma_start3A_356 = arith.constant 0 : i32
    %dma_start3A_357 = tpu.memref_slice %arg2[%mul3A_332, %dma_start3A_356] : memref<320000x128xf32, #tpu.memory_space<hbm>> -> memref<128x128xf32, #tpu.memory_space<hbm>>
    tpu.enqueue_dma source(%dma_start3A_357 : memref<128x128xf32, #tpu.memory_space<hbm>>) target(%dma_start3A_355 : memref<128x128xf32, #tpu.memory_space<vmem>>) target_semaphore(%arg11 : memref<!tpu.dma_semaphore, #tpu.memory_space<semaphore_mem>>)
    %dma_start3A_358 = arith.constant 0 : i32
    %dma_start3A_359 = arith.constant 0 : i32
    %dma_start3A_360 = arith.constant 0 : i32
    %dma_start3A_361 = arith.constant 0 : i32
    %dma_start3A_362 = arith.constant 0 : i32
    %dma_start3A_363 = tpu.memref_slice %arg5[%dma_start3A_358, %dma_start3A_361, %dma_start3A_362] : memref<3x128x128xf32, #tpu.memory_space<vmem>> -> memref<1x128x128xf32, #tpu.memory_space<vmem>>
    %dma_start3A_364 = tpu.memref_squeeze %dma_start3A_363 : memref<1x128x128xf32, #tpu.memory_space<vmem>> -> memref<128x128xf32, #tpu.memory_space<vmem>>
    %dma_start3A_365 = arith.constant 0 : i32
    %dma_start3A_366 = tpu.memref_slice %arg6[%dma_start3A_359, %dma_start3A_360, %dma_start3A_365] : memref<3x1x128xi32, #tpu.memory_space<vmem>> -> memref<1x1x128xi32, #tpu.memory_space<vmem>>
    %dma_start3A_367 = tpu.memref_squeeze %dma_start3A_366 : memref<1x1x128xi32, #tpu.memory_space<vmem>> -> memref<128xi32, #tpu.memory_space<vmem>>
    %dma_start3A_368 = arith.constant 0 : i32
    %dma_start3A_369 = arith.constant 0 : i32
    %dma_start3A_370 = tpu.memref_slice %arg8[%dma_start3A_368, %dma_start3A_369] : memref<5008x128xf32, #tpu.memory_space<vmem_shared>> -> memref<5008x128xf32, #tpu.memory_space<vmem_shared>>
    tpu.enqueue_indirect_dma source(%dma_start3A_364 : memref<128x128xf32, #tpu.memory_space<vmem>>) target(%dma_start3A_370 : memref<5008x128xf32, #tpu.memory_space<vmem_shared>>) offsets(%dma_start3A_367 : memref<128xi32, #tpu.memory_space<vmem>>) semaphore(%arg12 : memref<!tpu.dma_semaphore, #tpu.memory_space<semaphore_mem>>) {add = true}
    %add3A_371 = arith.addi %mul3A_3, %arg1 : i32
    %add3A_372 = arith.constant 16 : i32
    %add3A_373 = arith.addi %add3A_371, %add3A_372 : i32
    %mul3A_374 = arith.constant 128 : i32
    %mul3A_375 = arith.muli %mul3A_374, %add3A_373 : i32
    %add3A_376 = arith.constant 0 : i32
    %add3A_377 = arith.addi %mul3A_375, %add3A_376 : i32
    %dma_wait3A_378 = arith.constant 1 : i32
    %dma_wait3A_379 = arith.constant 0 : i32
    %dma_wait3A_380 = arith.constant 0 : i32
    %dma_wait3A_381 = tpu.memref_slice %arg6[%dma_wait3A_378, %dma_wait3A_379, %dma_wait3A_380] : memref<3x1x128xi32, #tpu.memory_space<vmem>> -> memref<1x1x128xi32, #tpu.memory_space<vmem>>
    %dma_wait3A_382 = tpu.memref_squeeze %dma_wait3A_381 : memref<1x1x128xi32, #tpu.memory_space<vmem>> -> memref<128xi32, #tpu.memory_space<vmem>>
    %dma_wait3A_383 = tpu.memref_slice %arg3[%add3A_377] : memref<320000xi32, #tpu.memory_space<hbm>> -> memref<128xi32, #tpu.memory_space<hbm>>
    %dma_wait3A_384 = arith.constant 0 : i32
    %dma_wait3A_385 = tpu.memref_slice %arg6[%dma_wait3A_378, %dma_wait3A_379, %dma_wait3A_384] : memref<3x1x128xi32, #tpu.memory_space<vmem>> -> memref<1x1x128xi32, #tpu.memory_space<vmem>>
    %dma_wait3A_386 = tpu.memref_squeeze %dma_wait3A_385 : memref<1x1x128xi32, #tpu.memory_space<vmem>> -> memref<128xi32, #tpu.memory_space<vmem>>
    %dma_wait3A_387 = tpu.memref_slice %arg3[%add3A_377] : memref<320000xi32, #tpu.memory_space<hbm>> -> memref<128xi32, #tpu.memory_space<hbm>>
    tpu.wait_dma2 semaphore(%arg10 : memref<!tpu.dma_semaphore, #tpu.memory_space<semaphore_mem>>) src(%dma_wait3A_387 : memref<128xi32, #tpu.memory_space<hbm>>) dst(%dma_wait3A_386 : memref<128xi32, #tpu.memory_space<vmem>>)
    %dma_wait3A_388 = arith.constant 1 : i32
    %dma_wait3A_389 = arith.constant 0 : i32
    %dma_wait3A_390 = arith.constant 0 : i32
    %dma_wait3A_391 = tpu.memref_slice %arg5[%dma_wait3A_388, %dma_wait3A_389, %dma_wait3A_390] : memref<3x128x128xf32, #tpu.memory_space<vmem>> -> memref<1x128x128xf32, #tpu.memory_space<vmem>>
    %dma_wait3A_392 = tpu.memref_squeeze %dma_wait3A_391 : memref<1x128x128xf32, #tpu.memory_space<vmem>> -> memref<128x128xf32, #tpu.memory_space<vmem>>
    %dma_wait3A_393 = arith.constant 0 : i32
    %dma_wait3A_394 = tpu.memref_slice %arg2[%mul3A_375, %dma_wait3A_393] : memref<320000x128xf32, #tpu.memory_space<hbm>> -> memref<128x128xf32, #tpu.memory_space<hbm>>
    %dma_wait3A_395 = arith.constant 0 : i32
    %dma_wait3A_396 = arith.constant 0 : i32
    %dma_wait3A_397 = tpu.memref_slice %arg5[%dma_wait3A_388, %dma_wait3A_395, %dma_wait3A_396] : memref<3x128x128xf32, #tpu.memory_space<vmem>> -> memref<1x128x128xf32, #tpu.memory_space<vmem>>
    %dma_wait3A_398 = tpu.memref_squeeze %dma_wait3A_397 : memref<1x128x128xf32, #tpu.memory_space<vmem>> -> memref<128x128xf32, #tpu.memory_space<vmem>>
    %dma_wait3A_399 = arith.constant 0 : i32
    %dma_wait3A_400 = tpu.memref_slice %arg2[%mul3A_375, %dma_wait3A_399] : memref<320000x128xf32, #tpu.memory_space<hbm>> -> memref<128x128xf32, #tpu.memory_space<hbm>>
    tpu.wait_dma2 semaphore(%arg10 : memref<!tpu.dma_semaphore, #tpu.memory_space<semaphore_mem>>) src(%dma_wait3A_400 : memref<128x128xf32, #tpu.memory_space<hbm>>) dst(%dma_wait3A_398 : memref<128x128xf32, #tpu.memory_space<vmem>>)
    %get3A_401 = arith.constant 1 : i32
    %get3A_402 = arith.constant 0 : i32
    %get3A_403 = arith.index_cast %get3A_401 : i32 to index
    %get3A_404 = arith.index_cast %get3A_402 : i32 to index
    %get3A_405 = arith.constant 0 : index
    %get3A_406 = tpu.vector_load %arg6[%get3A_403, %get3A_404, %get3A_405] {strides = array<i32>} : memref<3x1x128xi32, #tpu.memory_space<vmem>>, vector<1x1x16xi32>,
    %get3A_407 = vector.shape_cast %get3A_406 : vector<1x1x16xi32> to vector<16xi32>
    %sub3A_408 = vector.broadcast %mul3A_0 : i32 to vector<16xi32>
    %sub3A_409 = arith.subi %get3A_407, %sub3A_408 : vector<16xi32>
    %add3A_410 = arith.constant 0 : i32
    %add3A_411 = vector.broadcast %add3A_410 : i32 to vector<16xi32>
    %add3A_412 = arith.addi %sub3A_409, %add3A_411 : vector<16xi32>
    %ge3A_413 = arith.constant 0 : i32
    %ge3A_414 = vector.broadcast %ge3A_413 : i32 to vector<16xi32>
    %ge3A_415 = arith.cmpi sge, %add3A_412, %ge3A_414 : vector<16xi32>
    %lt3A_416 = arith.constant 5000 : i32
    %lt3A_417 = vector.broadcast %lt3A_416 : i32 to vector<16xi32>
    %lt3A_418 = arith.cmpi slt, %add3A_412, %lt3A_417 : vector<16xi32>
    %and3A_419 = arith.andi %ge3A_415, %lt3A_418 : vector<16xi1>
    %select_n3A_420 = arith.select %and3A_419, %add3A_412, %broadcast_in_dim3A_1 : vector<16xi1>, vector<16xi32>
    %swap3A_421 = arith.constant 1 : i32
    %swap3A_422 = arith.constant 0 : i32
    %swap3A_423 = arith.index_cast %swap3A_421 : i32 to index
    %swap3A_424 = arith.index_cast %swap3A_422 : i32 to index
    %swap3A_425 = arith.constant 0 : index
    %swap3A_426 = tpu.vector_load %arg6[%swap3A_423, %swap3A_424, %swap3A_425] {strides = array<i32>} : memref<3x1x128xi32, #tpu.memory_space<vmem>>, vector<1x1x16xi32>,
    %swap3A_427 = vector.shape_cast %swap3A_426 : vector<1x1x16xi32> to vector<16xi32>
    %swap3A_428 = vector.shape_cast %select_n3A_420 : vector<16xi32> to vector<1x1x16xi32>
    tpu.vector_store %arg6[%swap3A_423, %swap3A_424, %swap3A_425], %swap3A_428 {strides = array<i32>} : memref<3x1x128xi32, #tpu.memory_space<vmem>>, vector<1x1x16xi32>,
    %get3A_429 = arith.constant 1 : i32
    %get3A_430 = arith.constant 0 : i32
    %get3A_431 = arith.index_cast %get3A_429 : i32 to index
    %get3A_432 = arith.index_cast %get3A_430 : i32 to index
    %get3A_433 = arith.constant 16 : index
    %get3A_434 = tpu.vector_load %arg6[%get3A_431, %get3A_432, %get3A_433] {strides = array<i32>} : memref<3x1x128xi32, #tpu.memory_space<vmem>>, vector<1x1x16xi32>,
    %get3A_435 = vector.shape_cast %get3A_434 : vector<1x1x16xi32> to vector<16xi32>
    %sub3A_436 = vector.broadcast %mul3A_0 : i32 to vector<16xi32>
    %sub3A_437 = arith.subi %get3A_435, %sub3A_436 : vector<16xi32>
    %add3A_438 = arith.constant 0 : i32
    %add3A_439 = vector.broadcast %add3A_438 : i32 to vector<16xi32>
    %add3A_440 = arith.addi %sub3A_437, %add3A_439 : vector<16xi32>
    %ge3A_441 = arith.constant 0 : i32
    %ge3A_442 = vector.broadcast %ge3A_441 : i32 to vector<16xi32>
    %ge3A_443 = arith.cmpi sge, %add3A_440, %ge3A_442 : vector<16xi32>
    %lt3A_444 = arith.constant 5000 : i32
    %lt3A_445 = vector.broadcast %lt3A_444 : i32 to vector<16xi32>
    %lt3A_446 = arith.cmpi slt, %add3A_440, %lt3A_445 : vector<16xi32>
    %and3A_447 = arith.andi %ge3A_443, %lt3A_446 : vector<16xi1>
    %select_n3A_448 = arith.select %and3A_447, %add3A_440, %broadcast_in_dim3A_1 : vector<16xi1>, vector<16xi32>
    %swap3A_449 = arith.constant 1 : i32
    %swap3A_450 = arith.constant 0 : i32
    %swap3A_451 = arith.index_cast %swap3A_449 : i32 to index
    %swap3A_452 = arith.index_cast %swap3A_450 : i32 to index
    %swap3A_453 = arith.constant 16 : index
    %swap3A_454 = tpu.vector_load %arg6[%swap3A_451, %swap3A_452, %swap3A_453] {strides = array<i32>} : memref<3x1x128xi32, #tpu.memory_space<vmem>>, vector<1x1x16xi32>,
    %swap3A_455 = vector.shape_cast %swap3A_454 : vector<1x1x16xi32> to vector<16xi32>
    %swap3A_456 = vector.shape_cast %select_n3A_448 : vector<16xi32> to vector<1x1x16xi32>
    tpu.vector_store %arg6[%swap3A_451, %swap3A_452, %swap3A_453], %swap3A_456 {strides = array<i32>} : memref<3x1x128xi32, #tpu.memory_space<vmem>>, vector<1x1x16xi32>,
    %get3A_457 = arith.constant 1 : i32
    %get3A_458 = arith.constant 0 : i32
    %get3A_459 = arith.index_cast %get3A_457 : i32 to index
    %get3A_460 = arith.index_cast %get3A_458 : i32 to index
    %get3A_461 = arith.constant 32 : index
    %get3A_462 = tpu.vector_load %arg6[%get3A_459, %get3A_460, %get3A_461] {strides = array<i32>} : memref<3x1x128xi32, #tpu.memory_space<vmem>>, vector<1x1x16xi32>,
    %get3A_463 = vector.shape_cast %get3A_462 : vector<1x1x16xi32> to vector<16xi32>
    %sub3A_464 = vector.broadcast %mul3A_0 : i32 to vector<16xi32>
    %sub3A_465 = arith.subi %get3A_463, %sub3A_464 : vector<16xi32>
    %add3A_466 = arith.constant 0 : i32
    %add3A_467 = vector.broadcast %add3A_466 : i32 to vector<16xi32>
    %add3A_468 = arith.addi %sub3A_465, %add3A_467 : vector<16xi32>
    %ge3A_469 = arith.constant 0 : i32
    %ge3A_470 = vector.broadcast %ge3A_469 : i32 to vector<16xi32>
    %ge3A_471 = arith.cmpi sge, %add3A_468, %ge3A_470 : vector<16xi32>
    %lt3A_472 = arith.constant 5000 : i32
    %lt3A_473 = vector.broadcast %lt3A_472 : i32 to vector<16xi32>
    %lt3A_474 = arith.cmpi slt, %add3A_468, %lt3A_473 : vector<16xi32>
    %and3A_475 = arith.andi %ge3A_471, %lt3A_474 : vector<16xi1>
    %select_n3A_476 = arith.select %and3A_475, %add3A_468, %broadcast_in_dim3A_1 : vector<16xi1>, vector<16xi32>
    %swap3A_477 = arith.constant 1 : i32
    %swap3A_478 = arith.constant 0 : i32
    %swap3A_479 = arith.index_cast %swap3A_477 : i32 to index
    %swap3A_480 = arith.index_cast %swap3A_478 : i32 to index
    %swap3A_481 = arith.constant 32 : index
    %swap3A_482 = tpu.vector_load %arg6[%swap3A_479, %swap3A_480, %swap3A_481] {strides = array<i32>} : memref<3x1x128xi32, #tpu.memory_space<vmem>>, vector<1x1x16xi32>,
    %swap3A_483 = vector.shape_cast %swap3A_482 : vector<1x1x16xi32> to vector<16xi32>
    %swap3A_484 = vector.shape_cast %select_n3A_476 : vector<16xi32> to vector<1x1x16xi32>
    tpu.vector_store %arg6[%swap3A_479, %swap3A_480, %swap3A_481], %swap3A_484 {strides = array<i32>} : memref<3x1x128xi32, #tpu.memory_space<vmem>>, vector<1x1x16xi32>,
    %get3A_485 = arith.constant 1 : i32
    %get3A_486 = arith.constant 0 : i32
    %get3A_487 = arith.index_cast %get3A_485 : i32 to index
    %get3A_488 = arith.index_cast %get3A_486 : i32 to index
    %get3A_489 = arith.constant 48 : index
    %get3A_490 = tpu.vector_load %arg6[%get3A_487, %get3A_488, %get3A_489] {strides = array<i32>} : memref<3x1x128xi32, #tpu.memory_space<vmem>>, vector<1x1x16xi32>,
    %get3A_491 = vector.shape_cast %get3A_490 : vector<1x1x16xi32> to vector<16xi32>
    %sub3A_492 = vector.broadcast %mul3A_0 : i32 to vector<16xi32>
    %sub3A_493 = arith.subi %get3A_491, %sub3A_492 : vector<16xi32>
    %add3A_494 = arith.constant 0 : i32
    %add3A_495 = vector.broadcast %add3A_494 : i32 to vector<16xi32>
    %add3A_496 = arith.addi %sub3A_493, %add3A_495 : vector<16xi32>
    %ge3A_497 = arith.constant 0 : i32
    %ge3A_498 = vector.broadcast %ge3A_497 : i32 to vector<16xi32>
    %ge3A_499 = arith.cmpi sge, %add3A_496, %ge3A_498 : vector<16xi32>
    %lt3A_500 = arith.constant 5000 : i32
    %lt3A_501 = vector.broadcast %lt3A_500 : i32 to vector<16xi32>
    %lt3A_502 = arith.cmpi slt, %add3A_496, %lt3A_501 : vector<16xi32>
    %and3A_503 = arith.andi %ge3A_499, %lt3A_502 : vector<16xi1>
    %select_n3A_504 = arith.select %and3A_503, %add3A_496, %broadcast_in_dim3A_1 : vector<16xi1>, vector<16xi32>
    %swap3A_505 = arith.constant 1 : i32
    %swap3A_506 = arith.constant 0 : i32
    %swap3A_507 = arith.index_cast %swap3A_505 : i32 to index
    %swap3A_508 = arith.index_cast %swap3A_506 : i32 to index
    %swap3A_509 = arith.constant 48 : index
    %swap3A_510 = tpu.vector_load %arg6[%swap3A_507, %swap3A_508, %swap3A_509] {strides = array<i32>} : memref<3x1x128xi32, #tpu.memory_space<vmem>>, vector<1x1x16xi32>,
    %swap3A_511 = vector.shape_cast %swap3A_510 : vector<1x1x16xi32> to vector<16xi32>
    %swap3A_512 = vector.shape_cast %select_n3A_504 : vector<16xi32> to vector<1x1x16xi32>
    tpu.vector_store %arg6[%swap3A_507, %swap3A_508, %swap3A_509], %swap3A_512 {strides = array<i32>} : memref<3x1x128xi32, #tpu.memory_space<vmem>>, vector<1x1x16xi32>,
    %get3A_513 = arith.constant 1 : i32
    %get3A_514 = arith.constant 0 : i32
    %get3A_515 = arith.index_cast %get3A_513 : i32 to index
    %get3A_516 = arith.index_cast %get3A_514 : i32 to index
    %get3A_517 = arith.constant 64 : index
    %get3A_518 = tpu.vector_load %arg6[%get3A_515, %get3A_516, %get3A_517] {strides = array<i32>} : memref<3x1x128xi32, #tpu.memory_space<vmem>>, vector<1x1x16xi32>,
    %get3A_519 = vector.shape_cast %get3A_518 : vector<1x1x16xi32> to vector<16xi32>
    %sub3A_520 = vector.broadcast %mul3A_0 : i32 to vector<16xi32>
    %sub3A_521 = arith.subi %get3A_519, %sub3A_520 : vector<16xi32>
    %add3A_522 = arith.constant 0 : i32
    %add3A_523 = vector.broadcast %add3A_522 : i32 to vector<16xi32>
    %add3A_524 = arith.addi %sub3A_521, %add3A_523 : vector<16xi32>
    %ge3A_525 = arith.constant 0 : i32
    %ge3A_526 = vector.broadcast %ge3A_525 : i32 to vector<16xi32>
    %ge3A_527 = arith.cmpi sge, %add3A_524, %ge3A_526 : vector<16xi32>
    %lt3A_528 = arith.constant 5000 : i32
    %lt3A_529 = vector.broadcast %lt3A_528 : i32 to vector<16xi32>
    %lt3A_530 = arith.cmpi slt, %add3A_524, %lt3A_529 : vector<16xi32>
    %and3A_531 = arith.andi %ge3A_527, %lt3A_530 : vector<16xi1>
    %select_n3A_532 = arith.select %and3A_531, %add3A_524, %broadcast_in_dim3A_1 : vector<16xi1>, vector<16xi32>
    %swap3A_533 = arith.constant 1 : i32
    %swap3A_534 = arith.constant 0 : i32
    %swap3A_535 = arith.index_cast %swap3A_533 : i32 to index
    %swap3A_536 = arith.index_cast %swap3A_534 : i32 to index
    %swap3A_537 = arith.constant 64 : index
    %swap3A_538 = tpu.vector_load %arg6[%swap3A_535, %swap3A_536, %swap3A_537] {strides = array<i32>} : memref<3x1x128xi32, #tpu.memory_space<vmem>>, vector<1x1x16xi32>,
    %swap3A_539 = vector.shape_cast %swap3A_538 : vector<1x1x16xi32> to vector<16xi32>
    %swap3A_540 = vector.shape_cast %select_n3A_532 : vector<16xi32> to vector<1x1x16xi32>
    tpu.vector_store %arg6[%swap3A_535, %swap3A_536, %swap3A_537], %swap3A_540 {strides = array<i32>} : memref<3x1x128xi32, #tpu.memory_space<vmem>>, vector<1x1x16xi32>,
    %get3A_541 = arith.constant 1 : i32
    %get3A_542 = arith.constant 0 : i32
    %get3A_543 = arith.index_cast %get3A_541 : i32 to index
    %get3A_544 = arith.index_cast %get3A_542 : i32 to index
    %get3A_545 = arith.constant 80 : index
    %get3A_546 = tpu.vector_load %arg6[%get3A_543, %get3A_544, %get3A_545] {strides = array<i32>} : memref<3x1x128xi32, #tpu.memory_space<vmem>>, vector<1x1x16xi32>,
    %get3A_547 = vector.shape_cast %get3A_546 : vector<1x1x16xi32> to vector<16xi32>
    %sub3A_548 = vector.broadcast %mul3A_0 : i32 to vector<16xi32>
    %sub3A_549 = arith.subi %get3A_547, %sub3A_548 : vector<16xi32>
    %add3A_550 = arith.constant 0 : i32
    %add3A_551 = vector.broadcast %add3A_550 : i32 to vector<16xi32>
    %add3A_552 = arith.addi %sub3A_549, %add3A_551 : vector<16xi32>
    %ge3A_553 = arith.constant 0 : i32
    %ge3A_554 = vector.broadcast %ge3A_553 : i32 to vector<16xi32>
    %ge3A_555 = arith.cmpi sge, %add3A_552, %ge3A_554 : vector<16xi32>
    %lt3A_556 = arith.constant 5000 : i32
    %lt3A_557 = vector.broadcast %lt3A_556 : i32 to vector<16xi32>
    %lt3A_558 = arith.cmpi slt, %add3A_552, %lt3A_557 : vector<16xi32>
    %and3A_559 = arith.andi %ge3A_555, %lt3A_558 : vector<16xi1>
    %select_n3A_560 = arith.select %and3A_559, %add3A_552, %broadcast_in_dim3A_1 : vector<16xi1>, vector<16xi32>
    %swap3A_561 = arith.constant 1 : i32
    %swap3A_562 = arith.constant 0 : i32
    %swap3A_563 = arith.index_cast %swap3A_561 : i32 to index
    %swap3A_564 = arith.index_cast %swap3A_562 : i32 to index
    %swap3A_565 = arith.constant 80 : index
    %swap3A_566 = tpu.vector_load %arg6[%swap3A_563, %swap3A_564, %swap3A_565] {strides = array<i32>} : memref<3x1x128xi32, #tpu.memory_space<vmem>>, vector<1x1x16xi32>,
    %swap3A_567 = vector.shape_cast %swap3A_566 : vector<1x1x16xi32> to vector<16xi32>
    %swap3A_568 = vector.shape_cast %select_n3A_560 : vector<16xi32> to vector<1x1x16xi32>
    tpu.vector_store %arg6[%swap3A_563, %swap3A_564, %swap3A_565], %swap3A_568 {strides = array<i32>} : memref<3x1x128xi32, #tpu.memory_space<vmem>>, vector<1x1x16xi32>,
    %get3A_569 = arith.constant 1 : i32
    %get3A_570 = arith.constant 0 : i32
    %get3A_571 = arith.index_cast %get3A_569 : i32 to index
    %get3A_572 = arith.index_cast %get3A_570 : i32 to index
    %get3A_573 = arith.constant 96 : index
    %get3A_574 = tpu.vector_load %arg6[%get3A_571, %get3A_572, %get3A_573] {strides = array<i32>} : memref<3x1x128xi32, #tpu.memory_space<vmem>>, vector<1x1x16xi32>,
    %get3A_575 = vector.shape_cast %get3A_574 : vector<1x1x16xi32> to vector<16xi32>
    %sub3A_576 = vector.broadcast %mul3A_0 : i32 to vector<16xi32>
    %sub3A_577 = arith.subi %get3A_575, %sub3A_576 : vector<16xi32>
    %add3A_578 = arith.constant 0 : i32
    %add3A_579 = vector.broadcast %add3A_578 : i32 to vector<16xi32>
    %add3A_580 = arith.addi %sub3A_577, %add3A_579 : vector<16xi32>
    %ge3A_581 = arith.constant 0 : i32
    %ge3A_582 = vector.broadcast %ge3A_581 : i32 to vector<16xi32>
    %ge3A_583 = arith.cmpi sge, %add3A_580, %ge3A_582 : vector<16xi32>
    %lt3A_584 = arith.constant 5000 : i32
    %lt3A_585 = vector.broadcast %lt3A_584 : i32 to vector<16xi32>
    %lt3A_586 = arith.cmpi slt, %add3A_580, %lt3A_585 : vector<16xi32>
    %and3A_587 = arith.andi %ge3A_583, %lt3A_586 : vector<16xi1>
    %select_n3A_588 = arith.select %and3A_587, %add3A_580, %broadcast_in_dim3A_1 : vector<16xi1>, vector<16xi32>
    %swap3A_589 = arith.constant 1 : i32
    %swap3A_590 = arith.constant 0 : i32
    %swap3A_591 = arith.index_cast %swap3A_589 : i32 to index
    %swap3A_592 = arith.index_cast %swap3A_590 : i32 to index
    %swap3A_593 = arith.constant 96 : index
    %swap3A_594 = tpu.vector_load %arg6[%swap3A_591, %swap3A_592, %swap3A_593] {strides = array<i32>} : memref<3x1x128xi32, #tpu.memory_space<vmem>>, vector<1x1x16xi32>,
    %swap3A_595 = vector.shape_cast %swap3A_594 : vector<1x1x16xi32> to vector<16xi32>
    %swap3A_596 = vector.shape_cast %select_n3A_588 : vector<16xi32> to vector<1x1x16xi32>
    tpu.vector_store %arg6[%swap3A_591, %swap3A_592, %swap3A_593], %swap3A_596 {strides = array<i32>} : memref<3x1x128xi32, #tpu.memory_space<vmem>>, vector<1x1x16xi32>,
    %get3A_597 = arith.constant 1 : i32
    %get3A_598 = arith.constant 0 : i32
    %get3A_599 = arith.index_cast %get3A_597 : i32 to index
    %get3A_600 = arith.index_cast %get3A_598 : i32 to index
    %get3A_601 = arith.constant 112 : index
    %get3A_602 = tpu.vector_load %arg6[%get3A_599, %get3A_600, %get3A_601] {strides = array<i32>} : memref<3x1x128xi32, #tpu.memory_space<vmem>>, vector<1x1x16xi32>,
    %get3A_603 = vector.shape_cast %get3A_602 : vector<1x1x16xi32> to vector<16xi32>
    %sub3A_604 = vector.broadcast %mul3A_0 : i32 to vector<16xi32>
    %sub3A_605 = arith.subi %get3A_603, %sub3A_604 : vector<16xi32>
    %add3A_606 = arith.constant 0 : i32
    %add3A_607 = vector.broadcast %add3A_606 : i32 to vector<16xi32>
    %add3A_608 = arith.addi %sub3A_605, %add3A_607 : vector<16xi32>
    %ge3A_609 = arith.constant 0 : i32
    %ge3A_610 = vector.broadcast %ge3A_609 : i32 to vector<16xi32>
    %ge3A_611 = arith.cmpi sge, %add3A_608, %ge3A_610 : vector<16xi32>
    %lt3A_612 = arith.constant 5000 : i32
    %lt3A_613 = vector.broadcast %lt3A_612 : i32 to vector<16xi32>
    %lt3A_614 = arith.cmpi slt, %add3A_608, %lt3A_613 : vector<16xi32>
    %and3A_615 = arith.andi %ge3A_611, %lt3A_614 : vector<16xi1>
    %select_n3A_616 = arith.select %and3A_615, %add3A_608, %broadcast_in_dim3A_1 : vector<16xi1>, vector<16xi32>
    %swap3A_617 = arith.constant 1 : i32
    %swap3A_618 = arith.constant 0 : i32
    %swap3A_619 = arith.index_cast %swap3A_617 : i32 to index
    %swap3A_620 = arith.index_cast %swap3A_618 : i32 to index
    %swap3A_621 = arith.constant 112 : index
    %swap3A_622 = tpu.vector_load %arg6[%swap3A_619, %swap3A_620, %swap3A_621] {strides = array<i32>} : memref<3x1x128xi32, #tpu.memory_space<vmem>>, vector<1x1x16xi32>,
    %swap3A_623 = vector.shape_cast %swap3A_622 : vector<1x1x16xi32> to vector<16xi32>
    %swap3A_624 = vector.shape_cast %select_n3A_616 : vector<16xi32> to vector<1x1x16xi32>
    tpu.vector_store %arg6[%swap3A_619, %swap3A_620, %swap3A_621], %swap3A_624 {strides = array<i32>} : memref<3x1x128xi32, #tpu.memory_space<vmem>>, vector<1x1x16xi32>,
    %dma_wait3A_625 = arith.constant 0 : i32
    %dma_wait3A_626 = arith.constant 0 : i32
    %dma_wait3A_627 = arith.constant 0 : i32
    %dma_wait3A_628 = arith.constant 0 : i32
    %dma_wait3A_629 = arith.constant 0 : i32
    %dma_wait3A_630 = tpu.memref_slice %arg5[%dma_wait3A_625, %dma_wait3A_628, %dma_wait3A_629] : memref<3x128x128xf32, #tpu.memory_space<vmem>> -> memref<1x128x128xf32, #tpu.memory_space<vmem>>
    %dma_wait3A_631 = tpu.memref_squeeze %dma_wait3A_630 : memref<1x128x128xf32, #tpu.memory_space<vmem>> -> memref<128x128xf32, #tpu.memory_space<vmem>>
    %dma_wait3A_632 = arith.constant 0 : i32
    %dma_wait3A_633 = tpu.memref_slice %arg6[%dma_wait3A_626, %dma_wait3A_627, %dma_wait3A_632] : memref<3x1x128xi32, #tpu.memory_space<vmem>> -> memref<1x1x128xi32, #tpu.memory_space<vmem>>
    %dma_wait3A_634 = tpu.memref_squeeze %dma_wait3A_633 : memref<1x1x128xi32, #tpu.memory_space<vmem>> -> memref<128xi32, #tpu.memory_space<vmem>>
    %dma_wait3A_635 = arith.constant 0 : i32
    %dma_wait3A_636 = arith.constant 0 : i32
    %dma_wait3A_637 = tpu.memref_slice %arg8[%dma_wait3A_635, %dma_wait3A_636] : memref<5008x128xf32, #tpu.memory_space<vmem_shared>> -> memref<5008x128xf32, #tpu.memory_space<vmem_shared>>
    tpu.wait_indirect_dma semaphore(%arg12 : memref<!tpu.dma_semaphore, #tpu.memory_space<semaphore_mem>>) src(%dma_wait3A_631 : memref<128x128xf32, #tpu.memory_space<vmem>>) dst(%dma_wait3A_637 : memref<5008x128xf32, #tpu.memory_space<vmem_shared>>)
    %add3A_638 = arith.addi %mul3A_3, %arg1 : i32
    %add3A_639 = arith.constant 48 : i32
    %add3A_640 = arith.addi %add3A_638, %add3A_639 : i32
    %mul3A_641 = arith.constant 128 : i32
    %mul3A_642 = arith.muli %mul3A_641, %add3A_640 : i32
    %add3A_643 = arith.constant 0 : i32
    %add3A_644 = arith.addi %mul3A_642, %add3A_643 : i32
    %dma_start3A_645 = arith.constant 0 : i32
    %dma_start3A_646 = arith.constant 0 : i32
    %dma_start3A_647 = arith.constant 0 : i32
    %dma_start3A_648 = tpu.memref_slice %arg6[%dma_start3A_645, %dma_start3A_646, %dma_start3A_647] : memref<3x1x128xi32, #tpu.memory_space<vmem>> -> memref<1x1x128xi32, #tpu.memory_space<vmem>>
    %dma_start3A_649 = tpu.memref_squeeze %dma_start3A_648 : memref<1x1x128xi32, #tpu.memory_space<vmem>> -> memref<128xi32, #tpu.memory_space<vmem>>
    %dma_start3A_650 = tpu.memref_slice %arg3[%add3A_644] : memref<320000xi32, #tpu.memory_space<hbm>> -> memref<128xi32, #tpu.memory_space<hbm>>
    %dma_start3A_651 = arith.constant 0 : i32
    %dma_start3A_652 = tpu.memref_slice %arg6[%dma_start3A_645, %dma_start3A_646, %dma_start3A_651] : memref<3x1x128xi32, #tpu.memory_space<vmem>> -> memref<1x1x128xi32, #tpu.memory_space<vmem>>
    %dma_start3A_653 = tpu.memref_squeeze %dma_start3A_652 : memref<1x1x128xi32, #tpu.memory_space<vmem>> -> memref<128xi32, #tpu.memory_space<vmem>>
    %dma_start3A_654 = tpu.memref_slice %arg3[%add3A_644] : memref<320000xi32, #tpu.memory_space<hbm>> -> memref<128xi32, #tpu.memory_space<hbm>>
    tpu.enqueue_dma source(%dma_start3A_654 : memref<128xi32, #tpu.memory_space<hbm>>) target(%dma_start3A_653 : memref<128xi32, #tpu.memory_space<vmem>>) target_semaphore(%arg9 : memref<!tpu.dma_semaphore, #tpu.memory_space<semaphore_mem>>)
    %dma_start3A_655 = arith.constant 0 : i32
    %dma_start3A_656 = arith.constant 0 : i32
    %dma_start3A_657 = arith.constant 0 : i32
    %dma_start3A_658 = tpu.memref_slice %arg5[%dma_start3A_655, %dma_start3A_656, %dma_start3A_657] : memref<3x128x128xf32, #tpu.memory_space<vmem>> -> memref<1x128x128xf32, #tpu.memory_space<vmem>>
    %dma_start3A_659 = tpu.memref_squeeze %dma_start3A_658 : memref<1x128x128xf32, #tpu.memory_space<vmem>> -> memref<128x128xf32, #tpu.memory_space<vmem>>
    %dma_start3A_660 = arith.constant 0 : i32
    %dma_start3A_661 = tpu.memref_slice %arg2[%mul3A_642, %dma_start3A_660] : memref<320000x128xf32, #tpu.memory_space<hbm>> -> memref<128x128xf32, #tpu.memory_space<hbm>>
    %dma_start3A_662 = arith.constant 0 : i32
    %dma_start3A_663 = arith.constant 0 : i32
    %dma_start3A_664 = tpu.memref_slice %arg5[%dma_start3A_655, %dma_start3A_662, %dma_start3A_663] : memref<3x128x128xf32, #tpu.memory_space<vmem>> -> memref<1x128x128xf32, #tpu.memory_space<vmem>>
    %dma_start3A_665 = tpu.memref_squeeze %dma_start3A_664 : memref<1x128x128xf32, #tpu.memory_space<vmem>> -> memref<128x128xf32, #tpu.memory_space<vmem>>
    %dma_start3A_666 = arith.constant 0 : i32
    %dma_start3A_667 = tpu.memref_slice %arg2[%mul3A_642, %dma_start3A_666] : memref<320000x128xf32, #tpu.memory_space<hbm>> -> memref<128x128xf32, #tpu.memory_space<hbm>>
    tpu.enqueue_dma source(%dma_start3A_667 : memref<128x128xf32, #tpu.memory_space<hbm>>) target(%dma_start3A_665 : memref<128x128xf32, #tpu.memory_space<vmem>>) target_semaphore(%arg9 : memref<!tpu.dma_semaphore, #tpu.memory_space<semaphore_mem>>)
    %dma_start3A_668 = arith.constant 1 : i32
    %dma_start3A_669 = arith.constant 1 : i32
    %dma_start3A_670 = arith.constant 0 : i32
    %dma_start3A_671 = arith.constant 0 : i32
    %dma_start3A_672 = arith.constant 0 : i32
    %dma_start3A_673 = tpu.memref_slice %arg5[%dma_start3A_668, %dma_start3A_671, %dma_start3A_672] : memref<3x128x128xf32, #tpu.memory_space<vmem>> -> memref<1x128x128xf32, #tpu.memory_space<vmem>>
    %dma_start3A_674 = tpu.memref_squeeze %dma_start3A_673 : memref<1x128x128xf32, #tpu.memory_space<vmem>> -> memref<128x128xf32, #tpu.memory_space<vmem>>
    %dma_start3A_675 = arith.constant 0 : i32
    %dma_start3A_676 = tpu.memref_slice %arg6[%dma_start3A_669, %dma_start3A_670, %dma_start3A_675] : memref<3x1x128xi32, #tpu.memory_space<vmem>> -> memref<1x1x128xi32, #tpu.memory_space<vmem>>
    %dma_start3A_677 = tpu.memref_squeeze %dma_start3A_676 : memref<1x1x128xi32, #tpu.memory_space<vmem>> -> memref<128xi32, #tpu.memory_space<vmem>>
    %dma_start3A_678 = arith.constant 0 : i32
    %dma_start3A_679 = arith.constant 0 : i32
    %dma_start3A_680 = tpu.memref_slice %arg8[%dma_start3A_678, %dma_start3A_679] : memref<5008x128xf32, #tpu.memory_space<vmem_shared>> -> memref<5008x128xf32, #tpu.memory_space<vmem_shared>>
    tpu.enqueue_indirect_dma source(%dma_start3A_674 : memref<128x128xf32, #tpu.memory_space<vmem>>) target(%dma_start3A_680 : memref<5008x128xf32, #tpu.memory_space<vmem_shared>>) offsets(%dma_start3A_677 : memref<128xi32, #tpu.memory_space<vmem>>) semaphore(%arg13 : memref<!tpu.dma_semaphore, #tpu.memory_space<semaphore_mem>>) {add = true}
    %add3A_681 = arith.addi %mul3A_3, %arg1 : i32
    %add3A_682 = arith.constant 32 : i32
    %add3A_683 = arith.addi %add3A_681, %add3A_682 : i32
    %mul3A_684 = arith.constant 128 : i32
    %mul3A_685 = arith.muli %mul3A_684, %add3A_683 : i32
    %add3A_686 = arith.constant 0 : i32
    %add3A_687 = arith.addi %mul3A_685, %add3A_686 : i32
    %dma_wait3A_688 = arith.constant 2 : i32
    %dma_wait3A_689 = arith.constant 0 : i32
    %dma_wait3A_690 = arith.constant 0 : i32
    %dma_wait3A_691 = tpu.memref_slice %arg6[%dma_wait3A_688, %dma_wait3A_689, %dma_wait3A_690] : memref<3x1x128xi32, #tpu.memory_space<vmem>> -> memref<1x1x128xi32, #tpu.memory_space<vmem>>
    %dma_wait3A_692 = tpu.memref_squeeze %dma_wait3A_691 : memref<1x1x128xi32, #tpu.memory_space<vmem>> -> memref<128xi32, #tpu.memory_space<vmem>>
    %dma_wait3A_693 = tpu.memref_slice %arg3[%add3A_687] : memref<320000xi32, #tpu.memory_space<hbm>> -> memref<128xi32, #tpu.memory_space<hbm>>
    %dma_wait3A_694 = arith.constant 0 : i32
    %dma_wait3A_695 = tpu.memref_slice %arg6[%dma_wait3A_688, %dma_wait3A_689, %dma_wait3A_694] : memref<3x1x128xi32, #tpu.memory_space<vmem>> -> memref<1x1x128xi32, #tpu.memory_space<vmem>>
    %dma_wait3A_696 = tpu.memref_squeeze %dma_wait3A_695 : memref<1x1x128xi32, #tpu.memory_space<vmem>> -> memref<128xi32, #tpu.memory_space<vmem>>
    %dma_wait3A_697 = tpu.memref_slice %arg3[%add3A_687] : memref<320000xi32, #tpu.memory_space<hbm>> -> memref<128xi32, #tpu.memory_space<hbm>>
    tpu.wait_dma2 semaphore(%arg11 : memref<!tpu.dma_semaphore, #tpu.memory_space<semaphore_mem>>) src(%dma_wait3A_697 : memref<128xi32, #tpu.memory_space<hbm>>) dst(%dma_wait3A_696 : memref<128xi32, #tpu.memory_space<vmem>>)
    %dma_wait3A_698 = arith.constant 2 : i32
    %dma_wait3A_699 = arith.constant 0 : i32
    %dma_wait3A_700 = arith.constant 0 : i32
    %dma_wait3A_701 = tpu.memref_slice %arg5[%dma_wait3A_698, %dma_wait3A_699, %dma_wait3A_700] : memref<3x128x128xf32, #tpu.memory_space<vmem>> -> memref<1x128x128xf32, #tpu.memory_space<vmem>>
    %dma_wait3A_702 = tpu.memref_squeeze %dma_wait3A_701 : memref<1x128x128xf32, #tpu.memory_space<vmem>> -> memref<128x128xf32, #tpu.memory_space<vmem>>
    %dma_wait3A_703 = arith.constant 0 : i32
    %dma_wait3A_704 = tpu.memref_slice %arg2[%mul3A_685, %dma_wait3A_703] : memref<320000x128xf32, #tpu.memory_space<hbm>> -> memref<128x128xf32, #tpu.memory_space<hbm>>
    %dma_wait3A_705 = arith.constant 0 : i32
    %dma_wait3A_706 = arith.constant 0 : i32
    %dma_wait3A_707 = tpu.memref_slice %arg5[%dma_wait3A_698, %dma_wait3A_705, %dma_wait3A_706] : memref<3x128x128xf32, #tpu.memory_space<vmem>> -> memref<1x128x128xf32, #tpu.memory_space<vmem>>
    %dma_wait3A_708 = tpu.memref_squeeze %dma_wait3A_707 : memref<1x128x128xf32, #tpu.memory_space<vmem>> -> memref<128x128xf32, #tpu.memory_space<vmem>>
    %dma_wait3A_709 = arith.constant 0 : i32
    %dma_wait3A_710 = tpu.memref_slice %arg2[%mul3A_685, %dma_wait3A_709] : memref<320000x128xf32, #tpu.memory_space<hbm>> -> memref<128x128xf32, #tpu.memory_space<hbm>>
    tpu.wait_dma2 semaphore(%arg11 : memref<!tpu.dma_semaphore, #tpu.memory_space<semaphore_mem>>) src(%dma_wait3A_710 : memref<128x128xf32, #tpu.memory_space<hbm>>) dst(%dma_wait3A_708 : memref<128x128xf32, #tpu.memory_space<vmem>>)
    %get3A_711 = arith.constant 2 : i32
    %get3A_712 = arith.constant 0 : i32
    %get3A_713 = arith.index_cast %get3A_711 : i32 to index
    %get3A_714 = arith.index_cast %get3A_712 : i32 to index
    %get3A_715 = arith.constant 0 : index
    %get3A_716 = tpu.vector_load %arg6[%get3A_713, %get3A_714, %get3A_715] {strides = array<i32>} : memref<3x1x128xi32, #tpu.memory_space<vmem>>, vector<1x1x16xi32>,
    %get3A_717 = vector.shape_cast %get3A_716 : vector<1x1x16xi32> to vector<16xi32>
    %sub3A_718 = vector.broadcast %mul3A_0 : i32 to vector<16xi32>
    %sub3A_719 = arith.subi %get3A_717, %sub3A_718 : vector<16xi32>
    %add3A_720 = arith.constant 0 : i32
    %add3A_721 = vector.broadcast %add3A_720 : i32 to vector<16xi32>
    %add3A_722 = arith.addi %sub3A_719, %add3A_721 : vector<16xi32>
    %ge3A_723 = arith.constant 0 : i32
    %ge3A_724 = vector.broadcast %ge3A_723 : i32 to vector<16xi32>
    %ge3A_725 = arith.cmpi sge, %add3A_722, %ge3A_724 : vector<16xi32>
    %lt3A_726 = arith.constant 5000 : i32
    %lt3A_727 = vector.broadcast %lt3A_726 : i32 to vector<16xi32>
    %lt3A_728 = arith.cmpi slt, %add3A_722, %lt3A_727 : vector<16xi32>
    %and3A_729 = arith.andi %ge3A_725, %lt3A_728 : vector<16xi1>
    %select_n3A_730 = arith.select %and3A_729, %add3A_722, %broadcast_in_dim3A_1 : vector<16xi1>, vector<16xi32>
    %swap3A_731 = arith.constant 2 : i32
    %swap3A_732 = arith.constant 0 : i32
    %swap3A_733 = arith.index_cast %swap3A_731 : i32 to index
    %swap3A_734 = arith.index_cast %swap3A_732 : i32 to index
    %swap3A_735 = arith.constant 0 : index
    %swap3A_736 = tpu.vector_load %arg6[%swap3A_733, %swap3A_734, %swap3A_735] {strides = array<i32>} : memref<3x1x128xi32, #tpu.memory_space<vmem>>, vector<1x1x16xi32>,
    %swap3A_737 = vector.shape_cast %swap3A_736 : vector<1x1x16xi32> to vector<16xi32>
    %swap3A_738 = vector.shape_cast %select_n3A_730 : vector<16xi32> to vector<1x1x16xi32>
    tpu.vector_store %arg6[%swap3A_733, %swap3A_734, %swap3A_735], %swap3A_738 {strides = array<i32>} : memref<3x1x128xi32, #tpu.memory_space<vmem>>, vector<1x1x16xi32>,
    %get3A_739 = arith.constant 2 : i32
    %get3A_740 = arith.constant 0 : i32
    %get3A_741 = arith.index_cast %get3A_739 : i32 to index
    %get3A_742 = arith.index_cast %get3A_740 : i32 to index
    %get3A_743 = arith.constant 16 : index
    %get3A_744 = tpu.vector_load %arg6[%get3A_741, %get3A_742, %get3A_743] {strides = array<i32>} : memref<3x1x128xi32, #tpu.memory_space<vmem>>, vector<1x1x16xi32>,
    %get3A_745 = vector.shape_cast %get3A_744 : vector<1x1x16xi32> to vector<16xi32>
    %sub3A_746 = vector.broadcast %mul3A_0 : i32 to vector<16xi32>
    %sub3A_747 = arith.subi %get3A_745, %sub3A_746 : vector<16xi32>
    %add3A_748 = arith.constant 0 : i32
    %add3A_749 = vector.broadcast %add3A_748 : i32 to vector<16xi32>
    %add3A_750 = arith.addi %sub3A_747, %add3A_749 : vector<16xi32>
    %ge3A_751 = arith.constant 0 : i32
    %ge3A_752 = vector.broadcast %ge3A_751 : i32 to vector<16xi32>
    %ge3A_753 = arith.cmpi sge, %add3A_750, %ge3A_752 : vector<16xi32>
    %lt3A_754 = arith.constant 5000 : i32
    %lt3A_755 = vector.broadcast %lt3A_754 : i32 to vector<16xi32>
    %lt3A_756 = arith.cmpi slt, %add3A_750, %lt3A_755 : vector<16xi32>
    %and3A_757 = arith.andi %ge3A_753, %lt3A_756 : vector<16xi1>
    %select_n3A_758 = arith.select %and3A_757, %add3A_750, %broadcast_in_dim3A_1 : vector<16xi1>, vector<16xi32>
    %swap3A_759 = arith.constant 2 : i32
    %swap3A_760 = arith.constant 0 : i32
    %swap3A_761 = arith.index_cast %swap3A_759 : i32 to index
    %swap3A_762 = arith.index_cast %swap3A_760 : i32 to index
    %swap3A_763 = arith.constant 16 : index
    %swap3A_764 = tpu.vector_load %arg6[%swap3A_761, %swap3A_762, %swap3A_763] {strides = array<i32>} : memref<3x1x128xi32, #tpu.memory_space<vmem>>, vector<1x1x16xi32>,
    %swap3A_765 = vector.shape_cast %swap3A_764 : vector<1x1x16xi32> to vector<16xi32>
    %swap3A_766 = vector.shape_cast %select_n3A_758 : vector<16xi32> to vector<1x1x16xi32>
    tpu.vector_store %arg6[%swap3A_761, %swap3A_762, %swap3A_763], %swap3A_766 {strides = array<i32>} : memref<3x1x128xi32, #tpu.memory_space<vmem>>, vector<1x1x16xi32>,
    %get3A_767 = arith.constant 2 : i32
    %get3A_768 = arith.constant 0 : i32
    %get3A_769 = arith.index_cast %get3A_767 : i32 to index
    %get3A_770 = arith.index_cast %get3A_768 : i32 to index
    %get3A_771 = arith.constant 32 : index
    %get3A_772 = tpu.vector_load %arg6[%get3A_769, %get3A_770, %get3A_771] {strides = array<i32>} : memref<3x1x128xi32, #tpu.memory_space<vmem>>, vector<1x1x16xi32>,
    %get3A_773 = vector.shape_cast %get3A_772 : vector<1x1x16xi32> to vector<16xi32>
    %sub3A_774 = vector.broadcast %mul3A_0 : i32 to vector<16xi32>
    %sub3A_775 = arith.subi %get3A_773, %sub3A_774 : vector<16xi32>
    %add3A_776 = arith.constant 0 : i32
    %add3A_777 = vector.broadcast %add3A_776 : i32 to vector<16xi32>
    %add3A_778 = arith.addi %sub3A_775, %add3A_777 : vector<16xi32>
    %ge3A_779 = arith.constant 0 : i32
    %ge3A_780 = vector.broadcast %ge3A_779 : i32 to vector<16xi32>
    %ge3A_781 = arith.cmpi sge, %add3A_778, %ge3A_780 : vector<16xi32>
    %lt3A_782 = arith.constant 5000 : i32
    %lt3A_783 = vector.broadcast %lt3A_782 : i32 to vector<16xi32>
    %lt3A_784 = arith.cmpi slt, %add3A_778, %lt3A_783 : vector<16xi32>
    %and3A_785 = arith.andi %ge3A_781, %lt3A_784 : vector<16xi1>
    %select_n3A_786 = arith.select %and3A_785, %add3A_778, %broadcast_in_dim3A_1 : vector<16xi1>, vector<16xi32>
    %swap3A_787 = arith.constant 2 : i32
    %swap3A_788 = arith.constant 0 : i32
    %swap3A_789 = arith.index_cast %swap3A_787 : i32 to index
    %swap3A_790 = arith.index_cast %swap3A_788 : i32 to index
    %swap3A_791 = arith.constant 32 : index
    %swap3A_792 = tpu.vector_load %arg6[%swap3A_789, %swap3A_790, %swap3A_791] {strides = array<i32>} : memref<3x1x128xi32, #tpu.memory_space<vmem>>, vector<1x1x16xi32>,
    %swap3A_793 = vector.shape_cast %swap3A_792 : vector<1x1x16xi32> to vector<16xi32>
    %swap3A_794 = vector.shape_cast %select_n3A_786 : vector<16xi32> to vector<1x1x16xi32>
    tpu.vector_store %arg6[%swap3A_789, %swap3A_790, %swap3A_791], %swap3A_794 {strides = array<i32>} : memref<3x1x128xi32, #tpu.memory_space<vmem>>, vector<1x1x16xi32>,
    %get3A_795 = arith.constant 2 : i32
    %get3A_796 = arith.constant 0 : i32
    %get3A_797 = arith.index_cast %get3A_795 : i32 to index
    %get3A_798 = arith.index_cast %get3A_796 : i32 to index
    %get3A_799 = arith.constant 48 : index
    %get3A_800 = tpu.vector_load %arg6[%get3A_797, %get3A_798, %get3A_799] {strides = array<i32>} : memref<3x1x128xi32, #tpu.memory_space<vmem>>, vector<1x1x16xi32>,
    %get3A_801 = vector.shape_cast %get3A_800 : vector<1x1x16xi32> to vector<16xi32>
    %sub3A_802 = vector.broadcast %mul3A_0 : i32 to vector<16xi32>
    %sub3A_803 = arith.subi %get3A_801, %sub3A_802 : vector<16xi32>
    %add3A_804 = arith.constant 0 : i32
    %add3A_805 = vector.broadcast %add3A_804 : i32 to vector<16xi32>
    %add3A_806 = arith.addi %sub3A_803, %add3A_805 : vector<16xi32>
    %ge3A_807 = arith.constant 0 : i32
    %ge3A_808 = vector.broadcast %ge3A_807 : i32 to vector<16xi32>
    %ge3A_809 = arith.cmpi sge, %add3A_806, %ge3A_808 : vector<16xi32>
    %lt3A_810 = arith.constant 5000 : i32
    %lt3A_811 = vector.broadcast %lt3A_810 : i32 to vector<16xi32>
    %lt3A_812 = arith.cmpi slt, %add3A_806, %lt3A_811 : vector<16xi32>
    %and3A_813 = arith.andi %ge3A_809, %lt3A_812 : vector<16xi1>
    %select_n3A_814 = arith.select %and3A_813, %add3A_806, %broadcast_in_dim3A_1 : vector<16xi1>, vector<16xi32>
    %swap3A_815 = arith.constant 2 : i32
    %swap3A_816 = arith.constant 0 : i32
    %swap3A_817 = arith.index_cast %swap3A_815 : i32 to index
    %swap3A_818 = arith.index_cast %swap3A_816 : i32 to index
    %swap3A_819 = arith.constant 48 : index
    %swap3A_820 = tpu.vector_load %arg6[%swap3A_817, %swap3A_818, %swap3A_819] {strides = array<i32>} : memref<3x1x128xi32, #tpu.memory_space<vmem>>, vector<1x1x16xi32>,
    %swap3A_821 = vector.shape_cast %swap3A_820 : vector<1x1x16xi32> to vector<16xi32>
    %swap3A_822 = vector.shape_cast %select_n3A_814 : vector<16xi32> to vector<1x1x16xi32>
    tpu.vector_store %arg6[%swap3A_817, %swap3A_818, %swap3A_819], %swap3A_822 {strides = array<i32>} : memref<3x1x128xi32, #tpu.memory_space<vmem>>, vector<1x1x16xi32>,
    %get3A_823 = arith.constant 2 : i32
    %get3A_824 = arith.constant 0 : i32
    %get3A_825 = arith.index_cast %get3A_823 : i32 to index
    %get3A_826 = arith.index_cast %get3A_824 : i32 to index
    %get3A_827 = arith.constant 64 : index
    %get3A_828 = tpu.vector_load %arg6[%get3A_825, %get3A_826, %get3A_827] {strides = array<i32>} : memref<3x1x128xi32, #tpu.memory_space<vmem>>, vector<1x1x16xi32>,
    %get3A_829 = vector.shape_cast %get3A_828 : vector<1x1x16xi32> to vector<16xi32>
    %sub3A_830 = vector.broadcast %mul3A_0 : i32 to vector<16xi32>
    %sub3A_831 = arith.subi %get3A_829, %sub3A_830 : vector<16xi32>
    %add3A_832 = arith.constant 0 : i32
    %add3A_833 = vector.broadcast %add3A_832 : i32 to vector<16xi32>
    %add3A_834 = arith.addi %sub3A_831, %add3A_833 : vector<16xi32>
    %ge3A_835 = arith.constant 0 : i32
    %ge3A_836 = vector.broadcast %ge3A_835 : i32 to vector<16xi32>
    %ge3A_837 = arith.cmpi sge, %add3A_834, %ge3A_836 : vector<16xi32>
    %lt3A_838 = arith.constant 5000 : i32
    %lt3A_839 = vector.broadcast %lt3A_838 : i32 to vector<16xi32>
    %lt3A_840 = arith.cmpi slt, %add3A_834, %lt3A_839 : vector<16xi32>
    %and3A_841 = arith.andi %ge3A_837, %lt3A_840 : vector<16xi1>
    %select_n3A_842 = arith.select %and3A_841, %add3A_834, %broadcast_in_dim3A_1 : vector<16xi1>, vector<16xi32>
    %swap3A_843 = arith.constant 2 : i32
    %swap3A_844 = arith.constant 0 : i32
    %swap3A_845 = arith.index_cast %swap3A_843 : i32 to index
    %swap3A_846 = arith.index_cast %swap3A_844 : i32 to index
    %swap3A_847 = arith.constant 64 : index
    %swap3A_848 = tpu.vector_load %arg6[%swap3A_845, %swap3A_846, %swap3A_847] {strides = array<i32>} : memref<3x1x128xi32, #tpu.memory_space<vmem>>, vector<1x1x16xi32>,
    %swap3A_849 = vector.shape_cast %swap3A_848 : vector<1x1x16xi32> to vector<16xi32>
    %swap3A_850 = vector.shape_cast %select_n3A_842 : vector<16xi32> to vector<1x1x16xi32>
    tpu.vector_store %arg6[%swap3A_845, %swap3A_846, %swap3A_847], %swap3A_850 {strides = array<i32>} : memref<3x1x128xi32, #tpu.memory_space<vmem>>, vector<1x1x16xi32>,
    %get3A_851 = arith.constant 2 : i32
    %get3A_852 = arith.constant 0 : i32
    %get3A_853 = arith.index_cast %get3A_851 : i32 to index
    %get3A_854 = arith.index_cast %get3A_852 : i32 to index
    %get3A_855 = arith.constant 80 : index
    %get3A_856 = tpu.vector_load %arg6[%get3A_853, %get3A_854, %get3A_855] {strides = array<i32>} : memref<3x1x128xi32, #tpu.memory_space<vmem>>, vector<1x1x16xi32>,
    %get3A_857 = vector.shape_cast %get3A_856 : vector<1x1x16xi32> to vector<16xi32>
    %sub3A_858 = vector.broadcast %mul3A_0 : i32 to vector<16xi32>
    %sub3A_859 = arith.subi %get3A_857, %sub3A_858 : vector<16xi32>
    %add3A_860 = arith.constant 0 : i32
    %add3A_861 = vector.broadcast %add3A_860 : i32 to vector<16xi32>
    %add3A_862 = arith.addi %sub3A_859, %add3A_861 : vector<16xi32>
    %ge3A_863 = arith.constant 0 : i32
    %ge3A_864 = vector.broadcast %ge3A_863 : i32 to vector<16xi32>
    %ge3A_865 = arith.cmpi sge, %add3A_862, %ge3A_864 : vector<16xi32>
    %lt3A_866 = arith.constant 5000 : i32
    %lt3A_867 = vector.broadcast %lt3A_866 : i32 to vector<16xi32>
    %lt3A_868 = arith.cmpi slt, %add3A_862, %lt3A_867 : vector<16xi32>
    %and3A_869 = arith.andi %ge3A_865, %lt3A_868 : vector<16xi1>
    %select_n3A_870 = arith.select %and3A_869, %add3A_862, %broadcast_in_dim3A_1 : vector<16xi1>, vector<16xi32>
    %swap3A_871 = arith.constant 2 : i32
    %swap3A_872 = arith.constant 0 : i32
    %swap3A_873 = arith.index_cast %swap3A_871 : i32 to index
    %swap3A_874 = arith.index_cast %swap3A_872 : i32 to index
    %swap3A_875 = arith.constant 80 : index
    %swap3A_876 = tpu.vector_load %arg6[%swap3A_873, %swap3A_874, %swap3A_875] {strides = array<i32>} : memref<3x1x128xi32, #tpu.memory_space<vmem>>, vector<1x1x16xi32>,
    %swap3A_877 = vector.shape_cast %swap3A_876 : vector<1x1x16xi32> to vector<16xi32>
    %swap3A_878 = vector.shape_cast %select_n3A_870 : vector<16xi32> to vector<1x1x16xi32>
    tpu.vector_store %arg6[%swap3A_873, %swap3A_874, %swap3A_875], %swap3A_878 {strides = array<i32>} : memref<3x1x128xi32, #tpu.memory_space<vmem>>, vector<1x1x16xi32>,
    %get3A_879 = arith.constant 2 : i32
    %get3A_880 = arith.constant 0 : i32
    %get3A_881 = arith.index_cast %get3A_879 : i32 to index
    %get3A_882 = arith.index_cast %get3A_880 : i32 to index
    %get3A_883 = arith.constant 96 : index
    %get3A_884 = tpu.vector_load %arg6[%get3A_881, %get3A_882, %get3A_883] {strides = array<i32>} : memref<3x1x128xi32, #tpu.memory_space<vmem>>, vector<1x1x16xi32>,
    %get3A_885 = vector.shape_cast %get3A_884 : vector<1x1x16xi32> to vector<16xi32>
    %sub3A_886 = vector.broadcast %mul3A_0 : i32 to vector<16xi32>
    %sub3A_887 = arith.subi %get3A_885, %sub3A_886 : vector<16xi32>
    %add3A_888 = arith.constant 0 : i32
    %add3A_889 = vector.broadcast %add3A_888 : i32 to vector<16xi32>
    %add3A_890 = arith.addi %sub3A_887, %add3A_889 : vector<16xi32>
    %ge3A_891 = arith.constant 0 : i32
    %ge3A_892 = vector.broadcast %ge3A_891 : i32 to vector<16xi32>
    %ge3A_893 = arith.cmpi sge, %add3A_890, %ge3A_892 : vector<16xi32>
    %lt3A_894 = arith.constant 5000 : i32
    %lt3A_895 = vector.broadcast %lt3A_894 : i32 to vector<16xi32>
    %lt3A_896 = arith.cmpi slt, %add3A_890, %lt3A_895 : vector<16xi32>
    %and3A_897 = arith.andi %ge3A_893, %lt3A_896 : vector<16xi1>
    %select_n3A_898 = arith.select %and3A_897, %add3A_890, %broadcast_in_dim3A_1 : vector<16xi1>, vector<16xi32>
    %swap3A_899 = arith.constant 2 : i32
    %swap3A_900 = arith.constant 0 : i32
    %swap3A_901 = arith.index_cast %swap3A_899 : i32 to index
    %swap3A_902 = arith.index_cast %swap3A_900 : i32 to index
    %swap3A_903 = arith.constant 96 : index
    %swap3A_904 = tpu.vector_load %arg6[%swap3A_901, %swap3A_902, %swap3A_903] {strides = array<i32>} : memref<3x1x128xi32, #tpu.memory_space<vmem>>, vector<1x1x16xi32>,
    %swap3A_905 = vector.shape_cast %swap3A_904 : vector<1x1x16xi32> to vector<16xi32>
    %swap3A_906 = vector.shape_cast %select_n3A_898 : vector<16xi32> to vector<1x1x16xi32>
    tpu.vector_store %arg6[%swap3A_901, %swap3A_902, %swap3A_903], %swap3A_906 {strides = array<i32>} : memref<3x1x128xi32, #tpu.memory_space<vmem>>, vector<1x1x16xi32>,
    %get3A_907 = arith.constant 2 : i32
    %get3A_908 = arith.constant 0 : i32
    %get3A_909 = arith.index_cast %get3A_907 : i32 to index
    %get3A_910 = arith.index_cast %get3A_908 : i32 to index
    %get3A_911 = arith.constant 112 : index
    %get3A_912 = tpu.vector_load %arg6[%get3A_909, %get3A_910, %get3A_911] {strides = array<i32>} : memref<3x1x128xi32, #tpu.memory_space<vmem>>, vector<1x1x16xi32>,
    %get3A_913 = vector.shape_cast %get3A_912 : vector<1x1x16xi32> to vector<16xi32>
    %sub3A_914 = vector.broadcast %mul3A_0 : i32 to vector<16xi32>
    %sub3A_915 = arith.subi %get3A_913, %sub3A_914 : vector<16xi32>
    %add3A_916 = arith.constant 0 : i32
    %add3A_917 = vector.broadcast %add3A_916 : i32 to vector<16xi32>
    %add3A_918 = arith.addi %sub3A_915, %add3A_917 : vector<16xi32>
    %ge3A_919 = arith.constant 0 : i32
    %ge3A_920 = vector.broadcast %ge3A_919 : i32 to vector<16xi32>
    %ge3A_921 = arith.cmpi sge, %add3A_918, %ge3A_920 : vector<16xi32>
    %lt3A_922 = arith.constant 5000 : i32
    %lt3A_923 = vector.broadcast %lt3A_922 : i32 to vector<16xi32>
    %lt3A_924 = arith.cmpi slt, %add3A_918, %lt3A_923 : vector<16xi32>
    %and3A_925 = arith.andi %ge3A_921, %lt3A_924 : vector<16xi1>
    %select_n3A_926 = arith.select %and3A_925, %add3A_918, %broadcast_in_dim3A_1 : vector<16xi1>, vector<16xi32>
    %swap3A_927 = arith.constant 2 : i32
    %swap3A_928 = arith.constant 0 : i32
    %swap3A_929 = arith.index_cast %swap3A_927 : i32 to index
    %swap3A_930 = arith.index_cast %swap3A_928 : i32 to index
    %swap3A_931 = arith.constant 112 : index
    %swap3A_932 = tpu.vector_load %arg6[%swap3A_929, %swap3A_930, %swap3A_931] {strides = array<i32>} : memref<3x1x128xi32, #tpu.memory_space<vmem>>, vector<1x1x16xi32>,
    %swap3A_933 = vector.shape_cast %swap3A_932 : vector<1x1x16xi32> to vector<16xi32>
    %swap3A_934 = vector.shape_cast %select_n3A_926 : vector<16xi32> to vector<1x1x16xi32>
    tpu.vector_store %arg6[%swap3A_929, %swap3A_930, %swap3A_931], %swap3A_934 {strides = array<i32>} : memref<3x1x128xi32, #tpu.memory_space<vmem>>, vector<1x1x16xi32>,
    %dma_wait3A_935 = arith.constant 1 : i32
    %dma_wait3A_936 = arith.constant 1 : i32
    %dma_wait3A_937 = arith.constant 0 : i32
    %dma_wait3A_938 = arith.constant 0 : i32
    %dma_wait3A_939 = arith.constant 0 : i32
    %dma_wait3A_940 = tpu.memref_slice %arg5[%dma_wait3A_935, %dma_wait3A_938, %dma_wait3A_939] : memref<3x128x128xf32, #tpu.memory_space<vmem>> -> memref<1x128x128xf32, #tpu.memory_space<vmem>>
    %dma_wait3A_941 = tpu.memref_squeeze %dma_wait3A_940 : memref<1x128x128xf32, #tpu.memory_space<vmem>> -> memref<128x128xf32, #tpu.memory_space<vmem>>
    %dma_wait3A_942 = arith.constant 0 : i32
    %dma_wait3A_943 = tpu.memref_slice %arg6[%dma_wait3A_936, %dma_wait3A_937, %dma_wait3A_942] : memref<3x1x128xi32, #tpu.memory_space<vmem>> -> memref<1x1x128xi32, #tpu.memory_space<vmem>>
    %dma_wait3A_944 = tpu.memref_squeeze %dma_wait3A_943 : memref<1x1x128xi32, #tpu.memory_space<vmem>> -> memref<128xi32, #tpu.memory_space<vmem>>
    %dma_wait3A_945 = arith.constant 0 : i32
    %dma_wait3A_946 = arith.constant 0 : i32
    %dma_wait3A_947 = tpu.memref_slice %arg8[%dma_wait3A_945, %dma_wait3A_946] : memref<5008x128xf32, #tpu.memory_space<vmem_shared>> -> memref<5008x128xf32, #tpu.memory_space<vmem_shared>>
    tpu.wait_indirect_dma semaphore(%arg13 : memref<!tpu.dma_semaphore, #tpu.memory_space<semaphore_mem>>) src(%dma_wait3A_941 : memref<128x128xf32, #tpu.memory_space<vmem>>) dst(%dma_wait3A_947 : memref<5008x128xf32, #tpu.memory_space<vmem_shared>>)
    %add3A_948 = arith.addi %mul3A_3, %arg1 : i32
    %add3A_949 = arith.constant 64 : i32
    %add3A_950 = arith.addi %add3A_948, %add3A_949 : i32
    %mul3A_951 = arith.constant 128 : i32
    %mul3A_952 = arith.muli %mul3A_951, %add3A_950 : i32
    %add3A_953 = arith.constant 0 : i32
    %add3A_954 = arith.addi %mul3A_952, %add3A_953 : i32
    %dma_start3A_955 = arith.constant 1 : i32
    %dma_start3A_956 = arith.constant 0 : i32
    %dma_start3A_957 = arith.constant 0 : i32
    %dma_start3A_958 = tpu.memref_slice %arg6[%dma_start3A_955, %dma_start3A_956, %dma_start3A_957] : memref<3x1x128xi32, #tpu.memory_space<vmem>> -> memref<1x1x128xi32, #tpu.memory_space<vmem>>
    %dma_start3A_959 = tpu.memref_squeeze %dma_start3A_958 : memref<1x1x128xi32, #tpu.memory_space<vmem>> -> memref<128xi32, #tpu.memory_space<vmem>>
    %dma_start3A_960 = tpu.memref_slice %arg3[%add3A_954] : memref<320000xi32, #tpu.memory_space<hbm>> -> memref<128xi32, #tpu.memory_space<hbm>>
    %dma_start3A_961 = arith.constant 0 : i32
    %dma_start3A_962 = tpu.memref_slice %arg6[%dma_start3A_955, %dma_start3A_956, %dma_start3A_961] : memref<3x1x128xi32, #tpu.memory_space<vmem>> -> memref<1x1x128xi32, #tpu.memory_space<vmem>>
    %dma_start3A_963 = tpu.memref_squeeze %dma_start3A_962 : memref<1x1x128xi32, #tpu.memory_space<vmem>> -> memref<128xi32, #tpu.memory_space<vmem>>
    %dma_start3A_964 = tpu.memref_slice %arg3[%add3A_954] : memref<320000xi32, #tpu.memory_space<hbm>> -> memref<128xi32, #tpu.memory_space<hbm>>
    tpu.enqueue_dma source(%dma_start3A_964 : memref<128xi32, #tpu.memory_space<hbm>>) target(%dma_start3A_963 : memref<128xi32, #tpu.memory_space<vmem>>) target_semaphore(%arg10 : memref<!tpu.dma_semaphore, #tpu.memory_space<semaphore_mem>>)
    %dma_start3A_965 = arith.constant 1 : i32
    %dma_start3A_966 = arith.constant 0 : i32
    %dma_start3A_967 = arith.constant 0 : i32
    %dma_start3A_968 = tpu.memref_slice %arg5[%dma_start3A_965, %dma_start3A_966, %dma_start3A_967] : memref<3x128x128xf32, #tpu.memory_space<vmem>> -> memref<1x128x128xf32, #tpu.memory_space<vmem>>
    %dma_start3A_969 = tpu.memref_squeeze %dma_start3A_968 : memref<1x128x128xf32, #tpu.memory_space<vmem>> -> memref<128x128xf32, #tpu.memory_space<vmem>>
    %dma_start3A_970 = arith.constant 0 : i32
    %dma_start3A_971 = tpu.memref_slice %arg2[%mul3A_952, %dma_start3A_970] : memref<320000x128xf32, #tpu.memory_space<hbm>> -> memref<128x128xf32, #tpu.memory_space<hbm>>
    %dma_start3A_972 = arith.constant 0 : i32
    %dma_start3A_973 = arith.constant 0 : i32
    %dma_start3A_974 = tpu.memref_slice %arg5[%dma_start3A_965, %dma_start3A_972, %dma_start3A_973] : memref<3x128x128xf32, #tpu.memory_space<vmem>> -> memref<1x128x128xf32, #tpu.memory_space<vmem>>
    %dma_start3A_975 = tpu.memref_squeeze %dma_start3A_974 : memref<1x128x128xf32, #tpu.memory_space<vmem>> -> memref<128x128xf32, #tpu.memory_space<vmem>>
    %dma_start3A_976 = arith.constant 0 : i32
    %dma_start3A_977 = tpu.memref_slice %arg2[%mul3A_952, %dma_start3A_976] : memref<320000x128xf32, #tpu.memory_space<hbm>> -> memref<128x128xf32, #tpu.memory_space<hbm>>
    tpu.enqueue_dma source(%dma_start3A_977 : memref<128x128xf32, #tpu.memory_space<hbm>>) target(%dma_start3A_975 : memref<128x128xf32, #tpu.memory_space<vmem>>) target_semaphore(%arg10 : memref<!tpu.dma_semaphore, #tpu.memory_space<semaphore_mem>>)
    %dma_start3A_978 = arith.constant 2 : i32
    %dma_start3A_979 = arith.constant 2 : i32
    %dma_start3A_980 = arith.constant 0 : i32
    %dma_start3A_981 = arith.constant 0 : i32
    %dma_start3A_982 = arith.constant 0 : i32
    %dma_start3A_983 = tpu.memref_slice %arg5[%dma_start3A_978, %dma_start3A_981, %dma_start3A_982] : memref<3x128x128xf32, #tpu.memory_space<vmem>> -> memref<1x128x128xf32, #tpu.memory_space<vmem>>
    %dma_start3A_984 = tpu.memref_squeeze %dma_start3A_983 : memref<1x128x128xf32, #tpu.memory_space<vmem>> -> memref<128x128xf32, #tpu.memory_space<vmem>>
    %dma_start3A_985 = arith.constant 0 : i32
    %dma_start3A_986 = tpu.memref_slice %arg6[%dma_start3A_979, %dma_start3A_980, %dma_start3A_985] : memref<3x1x128xi32, #tpu.memory_space<vmem>> -> memref<1x1x128xi32, #tpu.memory_space<vmem>>
    %dma_start3A_987 = tpu.memref_squeeze %dma_start3A_986 : memref<1x1x128xi32, #tpu.memory_space<vmem>> -> memref<128xi32, #tpu.memory_space<vmem>>
    %dma_start3A_988 = arith.constant 0 : i32
    %dma_start3A_989 = arith.constant 0 : i32
    %dma_start3A_990 = tpu.memref_slice %arg8[%dma_start3A_988, %dma_start3A_989] : memref<5008x128xf32, #tpu.memory_space<vmem_shared>> -> memref<5008x128xf32, #tpu.memory_space<vmem_shared>>
    tpu.enqueue_indirect_dma source(%dma_start3A_984 : memref<128x128xf32, #tpu.memory_space<vmem>>) target(%dma_start3A_990 : memref<5008x128xf32, #tpu.memory_space<vmem_shared>>) offsets(%dma_start3A_987 : memref<128xi32, #tpu.memory_space<vmem>>) semaphore(%arg14 : memref<!tpu.dma_semaphore, #tpu.memory_space<semaphore_mem>>) {add = true}
    %scan3A_991 = arith.constant 0 : i32
    %scan3A_992 = arith.constant 1 : i32
    %scan3A_993 = arith.constant 24 : i32
    %scan3A_994 = arith.addi %scan3A_992, %scan3A_993 : i32
    %scan3A_995 = arith.constant 1 : i32
    %scan3A_996 = scf.for %scan3A_1921 = %scan3A_992 to %scan3A_994 step %scan3A_995 iter_args(%scan3A_1922 = %scan3A_991) -> (i32)  : i32 {
      %mul3A_1923 = arith.constant 3 : i32
      %mul3A_1924 = arith.muli %mul3A_1923, %scan3A_1921 : i32
      %add3A_1925 = arith.constant 0 : i32
      %add3A_1926 = arith.addi %mul3A_1924, %add3A_1925 : i32
      %add3A_1927 = arith.addi %mul3A_3, %arg1 : i32
      %mul3A_1928 = arith.constant 16 : i32
      %mul3A_1929 = arith.muli %mul3A_1928, %add3A_1926 : i32
      %add3A_1930 = arith.addi %add3A_1927, %mul3A_1929 : i32
      %mul3A_1931 = arith.constant 128 : i32
      %mul3A_1932 = arith.muli %mul3A_1931, %add3A_1930 : i32
      %add3A_1933 = arith.constant 0 : i32
      %add3A_1934 = arith.addi %mul3A_1932, %add3A_1933 : i32
      %dma_wait3A_1935 = arith.constant 0 : i32
      %dma_wait3A_1936 = arith.constant 0 : i32
      %dma_wait3A_1937 = arith.constant 0 : i32
      %dma_wait3A_1938 = tpu.memref_slice %arg6[%dma_wait3A_1935, %dma_wait3A_1936, %dma_wait3A_1937] : memref<3x1x128xi32, #tpu.memory_space<vmem>> -> memref<1x1x128xi32, #tpu.memory_space<vmem>>
      %dma_wait3A_1939 = tpu.memref_squeeze %dma_wait3A_1938 : memref<1x1x128xi32, #tpu.memory_space<vmem>> -> memref<128xi32, #tpu.memory_space<vmem>>
      %dma_wait3A_1940 = tpu.memref_slice %arg3[%add3A_1934] : memref<320000xi32, #tpu.memory_space<hbm>> -> memref<128xi32, #tpu.memory_space<hbm>>
      %dma_wait3A_1941 = arith.constant 0 : i32
      %dma_wait3A_1942 = tpu.memref_slice %arg6[%dma_wait3A_1935, %dma_wait3A_1936, %dma_wait3A_1941] : memref<3x1x128xi32, #tpu.memory_space<vmem>> -> memref<1x1x128xi32, #tpu.memory_space<vmem>>
      %dma_wait3A_1943 = tpu.memref_squeeze %dma_wait3A_1942 : memref<1x1x128xi32, #tpu.memory_space<vmem>> -> memref<128xi32, #tpu.memory_space<vmem>>
      %dma_wait3A_1944 = tpu.memref_slice %arg3[%add3A_1934] : memref<320000xi32, #tpu.memory_space<hbm>> -> memref<128xi32, #tpu.memory_space<hbm>>
      tpu.wait_dma2 semaphore(%arg9 : memref<!tpu.dma_semaphore, #tpu.memory_space<semaphore_mem>>) src(%dma_wait3A_1944 : memref<128xi32, #tpu.memory_space<hbm>>) dst(%dma_wait3A_1943 : memref<128xi32, #tpu.memory_space<vmem>>)
      %dma_wait3A_1945 = arith.constant 0 : i32
      %dma_wait3A_1946 = arith.constant 0 : i32
      %dma_wait3A_1947 = arith.constant 0 : i32
      %dma_wait3A_1948 = tpu.memref_slice %arg5[%dma_wait3A_1945, %dma_wait3A_1946, %dma_wait3A_1947] : memref<3x128x128xf32, #tpu.memory_space<vmem>> -> memref<1x128x128xf32, #tpu.memory_space<vmem>>
      %dma_wait3A_1949 = tpu.memref_squeeze %dma_wait3A_1948 : memref<1x128x128xf32, #tpu.memory_space<vmem>> -> memref<128x128xf32, #tpu.memory_space<vmem>>
      %dma_wait3A_1950 = arith.constant 0 : i32
      %dma_wait3A_1951 = tpu.memref_slice %arg2[%mul3A_1932, %dma_wait3A_1950] : memref<320000x128xf32, #tpu.memory_space<hbm>> -> memref<128x128xf32, #tpu.memory_space<hbm>>
      %dma_wait3A_1952 = arith.constant 0 : i32
      %dma_wait3A_1953 = arith.constant 0 : i32
      %dma_wait3A_1954 = tpu.memref_slice %arg5[%dma_wait3A_1945, %dma_wait3A_1952, %dma_wait3A_1953] : memref<3x128x128xf32, #tpu.memory_space<vmem>> -> memref<1x128x128xf32, #tpu.memory_space<vmem>>
      %dma_wait3A_1955 = tpu.memref_squeeze %dma_wait3A_1954 : memref<1x128x128xf32, #tpu.memory_space<vmem>> -> memref<128x128xf32, #tpu.memory_space<vmem>>
      %dma_wait3A_1956 = arith.constant 0 : i32
      %dma_wait3A_1957 = tpu.memref_slice %arg2[%mul3A_1932, %dma_wait3A_1956] : memref<320000x128xf32, #tpu.memory_space<hbm>> -> memref<128x128xf32, #tpu.memory_space<hbm>>
      tpu.wait_dma2 semaphore(%arg9 : memref<!tpu.dma_semaphore, #tpu.memory_space<semaphore_mem>>) src(%dma_wait3A_1957 : memref<128x128xf32, #tpu.memory_space<hbm>>) dst(%dma_wait3A_1955 : memref<128x128xf32, #tpu.memory_space<vmem>>)
      %get3A_1958 = arith.constant 0 : i32
      %get3A_1959 = arith.constant 0 : i32
      %get3A_1960 = arith.index_cast %get3A_1958 : i32 to index
      %get3A_1961 = arith.index_cast %get3A_1959 : i32 to index
      %get3A_1962 = arith.constant 0 : index
      %get3A_1963 = tpu.vector_load %arg6[%get3A_1960, %get3A_1961, %get3A_1962] {strides = array<i32>} : memref<3x1x128xi32, #tpu.memory_space<vmem>>, vector<1x1x16xi32>,
      %get3A_1964 = vector.shape_cast %get3A_1963 : vector<1x1x16xi32> to vector<16xi32>
      %sub3A_1965 = vector.broadcast %mul3A_0 : i32 to vector<16xi32>
      %sub3A_1966 = arith.subi %get3A_1964, %sub3A_1965 : vector<16xi32>
      %add3A_1967 = arith.constant 0 : i32
      %add3A_1968 = vector.broadcast %add3A_1967 : i32 to vector<16xi32>
      %add3A_1969 = arith.addi %sub3A_1966, %add3A_1968 : vector<16xi32>
      %ge3A_1970 = arith.constant 0 : i32
      %ge3A_1971 = vector.broadcast %ge3A_1970 : i32 to vector<16xi32>
      %ge3A_1972 = arith.cmpi sge, %add3A_1969, %ge3A_1971 : vector<16xi32>
      %lt3A_1973 = arith.constant 5000 : i32
      %lt3A_1974 = vector.broadcast %lt3A_1973 : i32 to vector<16xi32>
      %lt3A_1975 = arith.cmpi slt, %add3A_1969, %lt3A_1974 : vector<16xi32>
      %and3A_1976 = arith.andi %ge3A_1972, %lt3A_1975 : vector<16xi1>
      %select_n3A_1977 = arith.select %and3A_1976, %add3A_1969, %broadcast_in_dim3A_1 : vector<16xi1>, vector<16xi32>
      %swap3A_1978 = arith.constant 0 : i32
      %swap3A_1979 = arith.constant 0 : i32
      %swap3A_1980 = arith.index_cast %swap3A_1978 : i32 to index
      %swap3A_1981 = arith.index_cast %swap3A_1979 : i32 to index
      %swap3A_1982 = arith.constant 0 : index
      %swap3A_1983 = tpu.vector_load %arg6[%swap3A_1980, %swap3A_1981, %swap3A_1982] {strides = array<i32>} : memref<3x1x128xi32, #tpu.memory_space<vmem>>, vector<1x1x16xi32>,
      %swap3A_1984 = vector.shape_cast %swap3A_1983 : vector<1x1x16xi32> to vector<16xi32>
      %swap3A_1985 = vector.shape_cast %select_n3A_1977 : vector<16xi32> to vector<1x1x16xi32>
      tpu.vector_store %arg6[%swap3A_1980, %swap3A_1981, %swap3A_1982], %swap3A_1985 {strides = array<i32>} : memref<3x1x128xi32, #tpu.memory_space<vmem>>, vector<1x1x16xi32>,
      %get3A_1986 = arith.constant 0 : i32
      %get3A_1987 = arith.constant 0 : i32
      %get3A_1988 = arith.index_cast %get3A_1986 : i32 to index
      %get3A_1989 = arith.index_cast %get3A_1987 : i32 to index
      %get3A_1990 = arith.constant 16 : index
      %get3A_1991 = tpu.vector_load %arg6[%get3A_1988, %get3A_1989, %get3A_1990] {strides = array<i32>} : memref<3x1x128xi32, #tpu.memory_space<vmem>>, vector<1x1x16xi32>,
      %get3A_1992 = vector.shape_cast %get3A_1991 : vector<1x1x16xi32> to vector<16xi32>
      %sub3A_1993 = vector.broadcast %mul3A_0 : i32 to vector<16xi32>
      %sub3A_1994 = arith.subi %get3A_1992, %sub3A_1993 : vector<16xi32>
      %add3A_1995 = arith.constant 0 : i32
      %add3A_1996 = vector.broadcast %add3A_1995 : i32 to vector<16xi32>
      %add3A_1997 = arith.addi %sub3A_1994, %add3A_1996 : vector<16xi32>
      %ge3A_1998 = arith.constant 0 : i32
      %ge3A_1999 = vector.broadcast %ge3A_1998 : i32 to vector<16xi32>
      %ge3A_2000 = arith.cmpi sge, %add3A_1997, %ge3A_1999 : vector<16xi32>
      %lt3A_2001 = arith.constant 5000 : i32
      %lt3A_2002 = vector.broadcast %lt3A_2001 : i32 to vector<16xi32>
      %lt3A_2003 = arith.cmpi slt, %add3A_1997, %lt3A_2002 : vector<16xi32>
      %and3A_2004 = arith.andi %ge3A_2000, %lt3A_2003 : vector<16xi1>
      %select_n3A_2005 = arith.select %and3A_2004, %add3A_1997, %broadcast_in_dim3A_1 : vector<16xi1>, vector<16xi32>
      %swap3A_2006 = arith.constant 0 : i32
      %swap3A_2007 = arith.constant 0 : i32
      %swap3A_2008 = arith.index_cast %swap3A_2006 : i32 to index
      %swap3A_2009 = arith.index_cast %swap3A_2007 : i32 to index
      %swap3A_2010 = arith.constant 16 : index
      %swap3A_2011 = tpu.vector_load %arg6[%swap3A_2008, %swap3A_2009, %swap3A_2010] {strides = array<i32>} : memref<3x1x128xi32, #tpu.memory_space<vmem>>, vector<1x1x16xi32>,
      %swap3A_2012 = vector.shape_cast %swap3A_2011 : vector<1x1x16xi32> to vector<16xi32>
      %swap3A_2013 = vector.shape_cast %select_n3A_2005 : vector<16xi32> to vector<1x1x16xi32>
      tpu.vector_store %arg6[%swap3A_2008, %swap3A_2009, %swap3A_2010], %swap3A_2013 {strides = array<i32>} : memref<3x1x128xi32, #tpu.memory_space<vmem>>, vector<1x1x16xi32>,
      %get3A_2014 = arith.constant 0 : i32
      %get3A_2015 = arith.constant 0 : i32
      %get3A_2016 = arith.index_cast %get3A_2014 : i32 to index
      %get3A_2017 = arith.index_cast %get3A_2015 : i32 to index
      %get3A_2018 = arith.constant 32 : index
      %get3A_2019 = tpu.vector_load %arg6[%get3A_2016, %get3A_2017, %get3A_2018] {strides = array<i32>} : memref<3x1x128xi32, #tpu.memory_space<vmem>>, vector<1x1x16xi32>,
      %get3A_2020 = vector.shape_cast %get3A_2019 : vector<1x1x16xi32> to vector<16xi32>
      %sub3A_2021 = vector.broadcast %mul3A_0 : i32 to vector<16xi32>
      %sub3A_2022 = arith.subi %get3A_2020, %sub3A_2021 : vector<16xi32>
      %add3A_2023 = arith.constant 0 : i32
      %add3A_2024 = vector.broadcast %add3A_2023 : i32 to vector<16xi32>
      %add3A_2025 = arith.addi %sub3A_2022, %add3A_2024 : vector<16xi32>
      %ge3A_2026 = arith.constant 0 : i32
      %ge3A_2027 = vector.broadcast %ge3A_2026 : i32 to vector<16xi32>
      %ge3A_2028 = arith.cmpi sge, %add3A_2025, %ge3A_2027 : vector<16xi32>
      %lt3A_2029 = arith.constant 5000 : i32
      %lt3A_2030 = vector.broadcast %lt3A_2029 : i32 to vector<16xi32>
      %lt3A_2031 = arith.cmpi slt, %add3A_2025, %lt3A_2030 : vector<16xi32>
      %and3A_2032 = arith.andi %ge3A_2028, %lt3A_2031 : vector<16xi1>
      %select_n3A_2033 = arith.select %and3A_2032, %add3A_2025, %broadcast_in_dim3A_1 : vector<16xi1>, vector<16xi32>
      %swap3A_2034 = arith.constant 0 : i32
      %swap3A_2035 = arith.constant 0 : i32
      %swap3A_2036 = arith.index_cast %swap3A_2034 : i32 to index
      %swap3A_2037 = arith.index_cast %swap3A_2035 : i32 to index
      %swap3A_2038 = arith.constant 32 : index
      %swap3A_2039 = tpu.vector_load %arg6[%swap3A_2036, %swap3A_2037, %swap3A_2038] {strides = array<i32>} : memref<3x1x128xi32, #tpu.memory_space<vmem>>, vector<1x1x16xi32>,
      %swap3A_2040 = vector.shape_cast %swap3A_2039 : vector<1x1x16xi32> to vector<16xi32>
      %swap3A_2041 = vector.shape_cast %select_n3A_2033 : vector<16xi32> to vector<1x1x16xi32>
      tpu.vector_store %arg6[%swap3A_2036, %swap3A_2037, %swap3A_2038], %swap3A_2041 {strides = array<i32>} : memref<3x1x128xi32, #tpu.memory_space<vmem>>, vector<1x1x16xi32>,
      %get3A_2042 = arith.constant 0 : i32
      %get3A_2043 = arith.constant 0 : i32
      %get3A_2044 = arith.index_cast %get3A_2042 : i32 to index
      %get3A_2045 = arith.index_cast %get3A_2043 : i32 to index
      %get3A_2046 = arith.constant 48 : index
      %get3A_2047 = tpu.vector_load %arg6[%get3A_2044, %get3A_2045, %get3A_2046] {strides = array<i32>} : memref<3x1x128xi32, #tpu.memory_space<vmem>>, vector<1x1x16xi32>,
      %get3A_2048 = vector.shape_cast %get3A_2047 : vector<1x1x16xi32> to vector<16xi32>
      %sub3A_2049 = vector.broadcast %mul3A_0 : i32 to vector<16xi32>
      %sub3A_2050 = arith.subi %get3A_2048, %sub3A_2049 : vector<16xi32>
      %add3A_2051 = arith.constant 0 : i32
      %add3A_2052 = vector.broadcast %add3A_2051 : i32 to vector<16xi32>
      %add3A_2053 = arith.addi %sub3A_2050, %add3A_2052 : vector<16xi32>
      %ge3A_2054 = arith.constant 0 : i32
      %ge3A_2055 = vector.broadcast %ge3A_2054 : i32 to vector<16xi32>
      %ge3A_2056 = arith.cmpi sge, %add3A_2053, %ge3A_2055 : vector<16xi32>
      %lt3A_2057 = arith.constant 5000 : i32
      %lt3A_2058 = vector.broadcast %lt3A_2057 : i32 to vector<16xi32>
      %lt3A_2059 = arith.cmpi slt, %add3A_2053, %lt3A_2058 : vector<16xi32>
      %and3A_2060 = arith.andi %ge3A_2056, %lt3A_2059 : vector<16xi1>
      %select_n3A_2061 = arith.select %and3A_2060, %add3A_2053, %broadcast_in_dim3A_1 : vector<16xi1>, vector<16xi32>
      %swap3A_2062 = arith.constant 0 : i32
      %swap3A_2063 = arith.constant 0 : i32
      %swap3A_2064 = arith.index_cast %swap3A_2062 : i32 to index
      %swap3A_2065 = arith.index_cast %swap3A_2063 : i32 to index
      %swap3A_2066 = arith.constant 48 : index
      %swap3A_2067 = tpu.vector_load %arg6[%swap3A_2064, %swap3A_2065, %swap3A_2066] {strides = array<i32>} : memref<3x1x128xi32, #tpu.memory_space<vmem>>, vector<1x1x16xi32>,
      %swap3A_2068 = vector.shape_cast %swap3A_2067 : vector<1x1x16xi32> to vector<16xi32>
      %swap3A_2069 = vector.shape_cast %select_n3A_2061 : vector<16xi32> to vector<1x1x16xi32>
      tpu.vector_store %arg6[%swap3A_2064, %swap3A_2065, %swap3A_2066], %swap3A_2069 {strides = array<i32>} : memref<3x1x128xi32, #tpu.memory_space<vmem>>, vector<1x1x16xi32>,
      %get3A_2070 = arith.constant 0 : i32
      %get3A_2071 = arith.constant 0 : i32
      %get3A_2072 = arith.index_cast %get3A_2070 : i32 to index
      %get3A_2073 = arith.index_cast %get3A_2071 : i32 to index
      %get3A_2074 = arith.constant 64 : index
      %get3A_2075 = tpu.vector_load %arg6[%get3A_2072, %get3A_2073, %get3A_2074] {strides = array<i32>} : memref<3x1x128xi32, #tpu.memory_space<vmem>>, vector<1x1x16xi32>,
      %get3A_2076 = vector.shape_cast %get3A_2075 : vector<1x1x16xi32> to vector<16xi32>
      %sub3A_2077 = vector.broadcast %mul3A_0 : i32 to vector<16xi32>
      %sub3A_2078 = arith.subi %get3A_2076, %sub3A_2077 : vector<16xi32>
      %add3A_2079 = arith.constant 0 : i32
      %add3A_2080 = vector.broadcast %add3A_2079 : i32 to vector<16xi32>
      %add3A_2081 = arith.addi %sub3A_2078, %add3A_2080 : vector<16xi32>
      %ge3A_2082 = arith.constant 0 : i32
      %ge3A_2083 = vector.broadcast %ge3A_2082 : i32 to vector<16xi32>
      %ge3A_2084 = arith.cmpi sge, %add3A_2081, %ge3A_2083 : vector<16xi32>
      %lt3A_2085 = arith.constant 5000 : i32
      %lt3A_2086 = vector.broadcast %lt3A_2085 : i32 to vector<16xi32>
      %lt3A_2087 = arith.cmpi slt, %add3A_2081, %lt3A_2086 : vector<16xi32>
      %and3A_2088 = arith.andi %ge3A_2084, %lt3A_2087 : vector<16xi1>
      %select_n3A_2089 = arith.select %and3A_2088, %add3A_2081, %broadcast_in_dim3A_1 : vector<16xi1>, vector<16xi32>
      %swap3A_2090 = arith.constant 0 : i32
      %swap3A_2091 = arith.constant 0 : i32
      %swap3A_2092 = arith.index_cast %swap3A_2090 : i32 to index
      %swap3A_2093 = arith.index_cast %swap3A_2091 : i32 to index
      %swap3A_2094 = arith.constant 64 : index
      %swap3A_2095 = tpu.vector_load %arg6[%swap3A_2092, %swap3A_2093, %swap3A_2094] {strides = array<i32>} : memref<3x1x128xi32, #tpu.memory_space<vmem>>, vector<1x1x16xi32>,
      %swap3A_2096 = vector.shape_cast %swap3A_2095 : vector<1x1x16xi32> to vector<16xi32>
      %swap3A_2097 = vector.shape_cast %select_n3A_2089 : vector<16xi32> to vector<1x1x16xi32>
      tpu.vector_store %arg6[%swap3A_2092, %swap3A_2093, %swap3A_2094], %swap3A_2097 {strides = array<i32>} : memref<3x1x128xi32, #tpu.memory_space<vmem>>, vector<1x1x16xi32>,
      %get3A_2098 = arith.constant 0 : i32
      %get3A_2099 = arith.constant 0 : i32
      %get3A_2100 = arith.index_cast %get3A_2098 : i32 to index
      %get3A_2101 = arith.index_cast %get3A_2099 : i32 to index
      %get3A_2102 = arith.constant 80 : index
      %get3A_2103 = tpu.vector_load %arg6[%get3A_2100, %get3A_2101, %get3A_2102] {strides = array<i32>} : memref<3x1x128xi32, #tpu.memory_space<vmem>>, vector<1x1x16xi32>,
      %get3A_2104 = vector.shape_cast %get3A_2103 : vector<1x1x16xi32> to vector<16xi32>
      %sub3A_2105 = vector.broadcast %mul3A_0 : i32 to vector<16xi32>
      %sub3A_2106 = arith.subi %get3A_2104, %sub3A_2105 : vector<16xi32>
      %add3A_2107 = arith.constant 0 : i32
      %add3A_2108 = vector.broadcast %add3A_2107 : i32 to vector<16xi32>
      %add3A_2109 = arith.addi %sub3A_2106, %add3A_2108 : vector<16xi32>
      %ge3A_2110 = arith.constant 0 : i32
      %ge3A_2111 = vector.broadcast %ge3A_2110 : i32 to vector<16xi32>
      %ge3A_2112 = arith.cmpi sge, %add3A_2109, %ge3A_2111 : vector<16xi32>
      %lt3A_2113 = arith.constant 5000 : i32
      %lt3A_2114 = vector.broadcast %lt3A_2113 : i32 to vector<16xi32>
      %lt3A_2115 = arith.cmpi slt, %add3A_2109, %lt3A_2114 : vector<16xi32>
      %and3A_2116 = arith.andi %ge3A_2112, %lt3A_2115 : vector<16xi1>
      %select_n3A_2117 = arith.select %and3A_2116, %add3A_2109, %broadcast_in_dim3A_1 : vector<16xi1>, vector<16xi32>
      %swap3A_2118 = arith.constant 0 : i32
      %swap3A_2119 = arith.constant 0 : i32
      %swap3A_2120 = arith.index_cast %swap3A_2118 : i32 to index
      %swap3A_2121 = arith.index_cast %swap3A_2119 : i32 to index
      %swap3A_2122 = arith.constant 80 : index
      %swap3A_2123 = tpu.vector_load %arg6[%swap3A_2120, %swap3A_2121, %swap3A_2122] {strides = array<i32>} : memref<3x1x128xi32, #tpu.memory_space<vmem>>, vector<1x1x16xi32>,
      %swap3A_2124 = vector.shape_cast %swap3A_2123 : vector<1x1x16xi32> to vector<16xi32>
      %swap3A_2125 = vector.shape_cast %select_n3A_2117 : vector<16xi32> to vector<1x1x16xi32>
      tpu.vector_store %arg6[%swap3A_2120, %swap3A_2121, %swap3A_2122], %swap3A_2125 {strides = array<i32>} : memref<3x1x128xi32, #tpu.memory_space<vmem>>, vector<1x1x16xi32>,
      %get3A_2126 = arith.constant 0 : i32
      %get3A_2127 = arith.constant 0 : i32
      %get3A_2128 = arith.index_cast %get3A_2126 : i32 to index
      %get3A_2129 = arith.index_cast %get3A_2127 : i32 to index
      %get3A_2130 = arith.constant 96 : index
      %get3A_2131 = tpu.vector_load %arg6[%get3A_2128, %get3A_2129, %get3A_2130] {strides = array<i32>} : memref<3x1x128xi32, #tpu.memory_space<vmem>>, vector<1x1x16xi32>,
      %get3A_2132 = vector.shape_cast %get3A_2131 : vector<1x1x16xi32> to vector<16xi32>
      %sub3A_2133 = vector.broadcast %mul3A_0 : i32 to vector<16xi32>
      %sub3A_2134 = arith.subi %get3A_2132, %sub3A_2133 : vector<16xi32>
      %add3A_2135 = arith.constant 0 : i32
      %add3A_2136 = vector.broadcast %add3A_2135 : i32 to vector<16xi32>
      %add3A_2137 = arith.addi %sub3A_2134, %add3A_2136 : vector<16xi32>
      %ge3A_2138 = arith.constant 0 : i32
      %ge3A_2139 = vector.broadcast %ge3A_2138 : i32 to vector<16xi32>
      %ge3A_2140 = arith.cmpi sge, %add3A_2137, %ge3A_2139 : vector<16xi32>
      %lt3A_2141 = arith.constant 5000 : i32
      %lt3A_2142 = vector.broadcast %lt3A_2141 : i32 to vector<16xi32>
      %lt3A_2143 = arith.cmpi slt, %add3A_2137, %lt3A_2142 : vector<16xi32>
      %and3A_2144 = arith.andi %ge3A_2140, %lt3A_2143 : vector<16xi1>
      %select_n3A_2145 = arith.select %and3A_2144, %add3A_2137, %broadcast_in_dim3A_1 : vector<16xi1>, vector<16xi32>
      %swap3A_2146 = arith.constant 0 : i32
      %swap3A_2147 = arith.constant 0 : i32
      %swap3A_2148 = arith.index_cast %swap3A_2146 : i32 to index
      %swap3A_2149 = arith.index_cast %swap3A_2147 : i32 to index
      %swap3A_2150 = arith.constant 96 : index
      %swap3A_2151 = tpu.vector_load %arg6[%swap3A_2148, %swap3A_2149, %swap3A_2150] {strides = array<i32>} : memref<3x1x128xi32, #tpu.memory_space<vmem>>, vector<1x1x16xi32>,
      %swap3A_2152 = vector.shape_cast %swap3A_2151 : vector<1x1x16xi32> to vector<16xi32>
      %swap3A_2153 = vector.shape_cast %select_n3A_2145 : vector<16xi32> to vector<1x1x16xi32>
      tpu.vector_store %arg6[%swap3A_2148, %swap3A_2149, %swap3A_2150], %swap3A_2153 {strides = array<i32>} : memref<3x1x128xi32, #tpu.memory_space<vmem>>, vector<1x1x16xi32>,
      %get3A_2154 = arith.constant 0 : i32
      %get3A_2155 = arith.constant 0 : i32
      %get3A_2156 = arith.index_cast %get3A_2154 : i32 to index
      %get3A_2157 = arith.index_cast %get3A_2155 : i32 to index
      %get3A_2158 = arith.constant 112 : index
      %get3A_2159 = tpu.vector_load %arg6[%get3A_2156, %get3A_2157, %get3A_2158] {strides = array<i32>} : memref<3x1x128xi32, #tpu.memory_space<vmem>>, vector<1x1x16xi32>,
      %get3A_2160 = vector.shape_cast %get3A_2159 : vector<1x1x16xi32> to vector<16xi32>
      %sub3A_2161 = vector.broadcast %mul3A_0 : i32 to vector<16xi32>
      %sub3A_2162 = arith.subi %get3A_2160, %sub3A_2161 : vector<16xi32>
      %add3A_2163 = arith.constant 0 : i32
      %add3A_2164 = vector.broadcast %add3A_2163 : i32 to vector<16xi32>
      %add3A_2165 = arith.addi %sub3A_2162, %add3A_2164 : vector<16xi32>
      %ge3A_2166 = arith.constant 0 : i32
      %ge3A_2167 = vector.broadcast %ge3A_2166 : i32 to vector<16xi32>
      %ge3A_2168 = arith.cmpi sge, %add3A_2165, %ge3A_2167 : vector<16xi32>
      %lt3A_2169 = arith.constant 5000 : i32
      %lt3A_2170 = vector.broadcast %lt3A_2169 : i32 to vector<16xi32>
      %lt3A_2171 = arith.cmpi slt, %add3A_2165, %lt3A_2170 : vector<16xi32>
      %and3A_2172 = arith.andi %ge3A_2168, %lt3A_2171 : vector<16xi1>
      %select_n3A_2173 = arith.select %and3A_2172, %add3A_2165, %broadcast_in_dim3A_1 : vector<16xi1>, vector<16xi32>
      %swap3A_2174 = arith.constant 0 : i32
      %swap3A_2175 = arith.constant 0 : i32
      %swap3A_2176 = arith.index_cast %swap3A_2174 : i32 to index
      %swap3A_2177 = arith.index_cast %swap3A_2175 : i32 to index
      %swap3A_2178 = arith.constant 112 : index
      %swap3A_2179 = tpu.vector_load %arg6[%swap3A_2176, %swap3A_2177, %swap3A_2178] {strides = array<i32>} : memref<3x1x128xi32, #tpu.memory_space<vmem>>, vector<1x1x16xi32>,
      %swap3A_2180 = vector.shape_cast %swap3A_2179 : vector<1x1x16xi32> to vector<16xi32>
      %swap3A_2181 = vector.shape_cast %select_n3A_2173 : vector<16xi32> to vector<1x1x16xi32>
      tpu.vector_store %arg6[%swap3A_2176, %swap3A_2177, %swap3A_2178], %swap3A_2181 {strides = array<i32>} : memref<3x1x128xi32, #tpu.memory_space<vmem>>, vector<1x1x16xi32>,
      %dma_wait3A_2182 = arith.constant 2 : i32
      %dma_wait3A_2183 = arith.constant 2 : i32
      %dma_wait3A_2184 = arith.constant 0 : i32
      %dma_wait3A_2185 = arith.constant 0 : i32
      %dma_wait3A_2186 = arith.constant 0 : i32
      %dma_wait3A_2187 = tpu.memref_slice %arg5[%dma_wait3A_2182, %dma_wait3A_2185, %dma_wait3A_2186] : memref<3x128x128xf32, #tpu.memory_space<vmem>> -> memref<1x128x128xf32, #tpu.memory_space<vmem>>
      %dma_wait3A_2188 = tpu.memref_squeeze %dma_wait3A_2187 : memref<1x128x128xf32, #tpu.memory_space<vmem>> -> memref<128x128xf32, #tpu.memory_space<vmem>>
      %dma_wait3A_2189 = arith.constant 0 : i32
      %dma_wait3A_2190 = tpu.memref_slice %arg6[%dma_wait3A_2183, %dma_wait3A_2184, %dma_wait3A_2189] : memref<3x1x128xi32, #tpu.memory_space<vmem>> -> memref<1x1x128xi32, #tpu.memory_space<vmem>>
      %dma_wait3A_2191 = tpu.memref_squeeze %dma_wait3A_2190 : memref<1x1x128xi32, #tpu.memory_space<vmem>> -> memref<128xi32, #tpu.memory_space<vmem>>
      %dma_wait3A_2192 = arith.constant 0 : i32
      %dma_wait3A_2193 = arith.constant 0 : i32
      %dma_wait3A_2194 = tpu.memref_slice %arg8[%dma_wait3A_2192, %dma_wait3A_2193] : memref<5008x128xf32, #tpu.memory_space<vmem_shared>> -> memref<5008x128xf32, #tpu.memory_space<vmem_shared>>
      tpu.wait_indirect_dma semaphore(%arg14 : memref<!tpu.dma_semaphore, #tpu.memory_space<semaphore_mem>>) src(%dma_wait3A_2188 : memref<128x128xf32, #tpu.memory_space<vmem>>) dst(%dma_wait3A_2194 : memref<5008x128xf32, #tpu.memory_space<vmem_shared>>)
      %add3A_2195 = arith.constant 2 : i32
      %add3A_2196 = arith.addi %add3A_1926, %add3A_2195 : i32
      %add3A_2197 = arith.addi %mul3A_3, %arg1 : i32
      %mul3A_2198 = arith.constant 16 : i32
      %mul3A_2199 = arith.muli %mul3A_2198, %add3A_2196 : i32
      %add3A_2200 = arith.addi %add3A_2197, %mul3A_2199 : i32
      %mul3A_2201 = arith.constant 128 : i32
      %mul3A_2202 = arith.muli %mul3A_2201, %add3A_2200 : i32
      %add3A_2203 = arith.constant 0 : i32
      %add3A_2204 = arith.addi %mul3A_2202, %add3A_2203 : i32
      %dma_start3A_2205 = arith.constant 2 : i32
      %dma_start3A_2206 = arith.constant 0 : i32
      %dma_start3A_2207 = arith.constant 0 : i32
      %dma_start3A_2208 = tpu.memref_slice %arg6[%dma_start3A_2205, %dma_start3A_2206, %dma_start3A_2207] : memref<3x1x128xi32, #tpu.memory_space<vmem>> -> memref<1x1x128xi32, #tpu.memory_space<vmem>>
      %dma_start3A_2209 = tpu.memref_squeeze %dma_start3A_2208 : memref<1x1x128xi32, #tpu.memory_space<vmem>> -> memref<128xi32, #tpu.memory_space<vmem>>
      %dma_start3A_2210 = tpu.memref_slice %arg3[%add3A_2204] : memref<320000xi32, #tpu.memory_space<hbm>> -> memref<128xi32, #tpu.memory_space<hbm>>
      %dma_start3A_2211 = arith.constant 0 : i32
      %dma_start3A_2212 = tpu.memref_slice %arg6[%dma_start3A_2205, %dma_start3A_2206, %dma_start3A_2211] : memref<3x1x128xi32, #tpu.memory_space<vmem>> -> memref<1x1x128xi32, #tpu.memory_space<vmem>>
      %dma_start3A_2213 = tpu.memref_squeeze %dma_start3A_2212 : memref<1x1x128xi32, #tpu.memory_space<vmem>> -> memref<128xi32, #tpu.memory_space<vmem>>
      %dma_start3A_2214 = tpu.memref_slice %arg3[%add3A_2204] : memref<320000xi32, #tpu.memory_space<hbm>> -> memref<128xi32, #tpu.memory_space<hbm>>
      tpu.enqueue_dma source(%dma_start3A_2214 : memref<128xi32, #tpu.memory_space<hbm>>) target(%dma_start3A_2213 : memref<128xi32, #tpu.memory_space<vmem>>) target_semaphore(%arg11 : memref<!tpu.dma_semaphore, #tpu.memory_space<semaphore_mem>>)
      %dma_start3A_2215 = arith.constant 2 : i32
      %dma_start3A_2216 = arith.constant 0 : i32
      %dma_start3A_2217 = arith.constant 0 : i32
      %dma_start3A_2218 = tpu.memref_slice %arg5[%dma_start3A_2215, %dma_start3A_2216, %dma_start3A_2217] : memref<3x128x128xf32, #tpu.memory_space<vmem>> -> memref<1x128x128xf32, #tpu.memory_space<vmem>>
      %dma_start3A_2219 = tpu.memref_squeeze %dma_start3A_2218 : memref<1x128x128xf32, #tpu.memory_space<vmem>> -> memref<128x128xf32, #tpu.memory_space<vmem>>
      %dma_start3A_2220 = arith.constant 0 : i32
      %dma_start3A_2221 = tpu.memref_slice %arg2[%mul3A_2202, %dma_start3A_2220] : memref<320000x128xf32, #tpu.memory_space<hbm>> -> memref<128x128xf32, #tpu.memory_space<hbm>>
      %dma_start3A_2222 = arith.constant 0 : i32
      %dma_start3A_2223 = arith.constant 0 : i32
      %dma_start3A_2224 = tpu.memref_slice %arg5[%dma_start3A_2215, %dma_start3A_2222, %dma_start3A_2223] : memref<3x128x128xf32, #tpu.memory_space<vmem>> -> memref<1x128x128xf32, #tpu.memory_space<vmem>>
      %dma_start3A_2225 = tpu.memref_squeeze %dma_start3A_2224 : memref<1x128x128xf32, #tpu.memory_space<vmem>> -> memref<128x128xf32, #tpu.memory_space<vmem>>
      %dma_start3A_2226 = arith.constant 0 : i32
      %dma_start3A_2227 = tpu.memref_slice %arg2[%mul3A_2202, %dma_start3A_2226] : memref<320000x128xf32, #tpu.memory_space<hbm>> -> memref<128x128xf32, #tpu.memory_space<hbm>>
      tpu.enqueue_dma source(%dma_start3A_2227 : memref<128x128xf32, #tpu.memory_space<hbm>>) target(%dma_start3A_2225 : memref<128x128xf32, #tpu.memory_space<vmem>>) target_semaphore(%arg11 : memref<!tpu.dma_semaphore, #tpu.memory_space<semaphore_mem>>)
      %dma_start3A_2228 = arith.constant 0 : i32
      %dma_start3A_2229 = arith.constant 0 : i32
      %dma_start3A_2230 = arith.constant 0 : i32
      %dma_start3A_2231 = arith.constant 0 : i32
      %dma_start3A_2232 = arith.constant 0 : i32
      %dma_start3A_2233 = tpu.memref_slice %arg5[%dma_start3A_2228, %dma_start3A_2231, %dma_start3A_2232] : memref<3x128x128xf32, #tpu.memory_space<vmem>> -> memref<1x128x128xf32, #tpu.memory_space<vmem>>
      %dma_start3A_2234 = tpu.memref_squeeze %dma_start3A_2233 : memref<1x128x128xf32, #tpu.memory_space<vmem>> -> memref<128x128xf32, #tpu.memory_space<vmem>>
      %dma_start3A_2235 = arith.constant 0 : i32
      %dma_start3A_2236 = tpu.memref_slice %arg6[%dma_start3A_2229, %dma_start3A_2230, %dma_start3A_2235] : memref<3x1x128xi32, #tpu.memory_space<vmem>> -> memref<1x1x128xi32, #tpu.memory_space<vmem>>
      %dma_start3A_2237 = tpu.memref_squeeze %dma_start3A_2236 : memref<1x1x128xi32, #tpu.memory_space<vmem>> -> memref<128xi32, #tpu.memory_space<vmem>>
      %dma_start3A_2238 = arith.constant 0 : i32
      %dma_start3A_2239 = arith.constant 0 : i32
      %dma_start3A_2240 = tpu.memref_slice %arg8[%dma_start3A_2238, %dma_start3A_2239] : memref<5008x128xf32, #tpu.memory_space<vmem_shared>> -> memref<5008x128xf32, #tpu.memory_space<vmem_shared>>
      tpu.enqueue_indirect_dma source(%dma_start3A_2234 : memref<128x128xf32, #tpu.memory_space<vmem>>) target(%dma_start3A_2240 : memref<5008x128xf32, #tpu.memory_space<vmem_shared>>) offsets(%dma_start3A_2237 : memref<128xi32, #tpu.memory_space<vmem>>) semaphore(%arg12 : memref<!tpu.dma_semaphore, #tpu.memory_space<semaphore_mem>>) {add = true}
      %add3A_2241 = arith.constant 1 : i32
      %add3A_2242 = arith.addi %mul3A_1924, %add3A_2241 : i32
      %add3A_2243 = arith.addi %mul3A_3, %arg1 : i32
      %mul3A_2244 = arith.constant 16 : i32
      %mul3A_2245 = arith.muli %mul3A_2244, %add3A_2242 : i32
      %add3A_2246 = arith.addi %add3A_2243, %mul3A_2245 : i32
      %mul3A_2247 = arith.constant 128 : i32
      %mul3A_2248 = arith.muli %mul3A_2247, %add3A_2246 : i32
      %add3A_2249 = arith.constant 0 : i32
      %add3A_2250 = arith.addi %mul3A_2248, %add3A_2249 : i32
      %dma_wait3A_2251 = arith.constant 1 : i32
      %dma_wait3A_2252 = arith.constant 0 : i32
      %dma_wait3A_2253 = arith.constant 0 : i32
      %dma_wait3A_2254 = tpu.memref_slice %arg6[%dma_wait3A_2251, %dma_wait3A_2252, %dma_wait3A_2253] : memref<3x1x128xi32, #tpu.memory_space<vmem>> -> memref<1x1x128xi32, #tpu.memory_space<vmem>>
      %dma_wait3A_2255 = tpu.memref_squeeze %dma_wait3A_2254 : memref<1x1x128xi32, #tpu.memory_space<vmem>> -> memref<128xi32, #tpu.memory_space<vmem>>
      %dma_wait3A_2256 = tpu.memref_slice %arg3[%add3A_2250] : memref<320000xi32, #tpu.memory_space<hbm>> -> memref<128xi32, #tpu.memory_space<hbm>>
      %dma_wait3A_2257 = arith.constant 0 : i32
      %dma_wait3A_2258 = tpu.memref_slice %arg6[%dma_wait3A_2251, %dma_wait3A_2252, %dma_wait3A_2257] : memref<3x1x128xi32, #tpu.memory_space<vmem>> -> memref<1x1x128xi32, #tpu.memory_space<vmem>>
      %dma_wait3A_2259 = tpu.memref_squeeze %dma_wait3A_2258 : memref<1x1x128xi32, #tpu.memory_space<vmem>> -> memref<128xi32, #tpu.memory_space<vmem>>
      %dma_wait3A_2260 = tpu.memref_slice %arg3[%add3A_2250] : memref<320000xi32, #tpu.memory_space<hbm>> -> memref<128xi32, #tpu.memory_space<hbm>>
      tpu.wait_dma2 semaphore(%arg10 : memref<!tpu.dma_semaphore, #tpu.memory_space<semaphore_mem>>) src(%dma_wait3A_2260 : memref<128xi32, #tpu.memory_space<hbm>>) dst(%dma_wait3A_2259 : memref<128xi32, #tpu.memory_space<vmem>>)
      %dma_wait3A_2261 = arith.constant 1 : i32
      %dma_wait3A_2262 = arith.constant 0 : i32
      %dma_wait3A_2263 = arith.constant 0 : i32
      %dma_wait3A_2264 = tpu.memref_slice %arg5[%dma_wait3A_2261, %dma_wait3A_2262, %dma_wait3A_2263] : memref<3x128x128xf32, #tpu.memory_space<vmem>> -> memref<1x128x128xf32, #tpu.memory_space<vmem>>
      %dma_wait3A_2265 = tpu.memref_squeeze %dma_wait3A_2264 : memref<1x128x128xf32, #tpu.memory_space<vmem>> -> memref<128x128xf32, #tpu.memory_space<vmem>>
      %dma_wait3A_2266 = arith.constant 0 : i32
      %dma_wait3A_2267 = tpu.memref_slice %arg2[%mul3A_2248, %dma_wait3A_2266] : memref<320000x128xf32, #tpu.memory_space<hbm>> -> memref<128x128xf32, #tpu.memory_space<hbm>>
      %dma_wait3A_2268 = arith.constant 0 : i32
      %dma_wait3A_2269 = arith.constant 0 : i32
      %dma_wait3A_2270 = tpu.memref_slice %arg5[%dma_wait3A_2261, %dma_wait3A_2268, %dma_wait3A_2269] : memref<3x128x128xf32, #tpu.memory_space<vmem>> -> memref<1x128x128xf32, #tpu.memory_space<vmem>>
      %dma_wait3A_2271 = tpu.memref_squeeze %dma_wait3A_2270 : memref<1x128x128xf32, #tpu.memory_space<vmem>> -> memref<128x128xf32, #tpu.memory_space<vmem>>
      %dma_wait3A_2272 = arith.constant 0 : i32
      %dma_wait3A_2273 = tpu.memref_slice %arg2[%mul3A_2248, %dma_wait3A_2272] : memref<320000x128xf32, #tpu.memory_space<hbm>> -> memref<128x128xf32, #tpu.memory_space<hbm>>
      tpu.wait_dma2 semaphore(%arg10 : memref<!tpu.dma_semaphore, #tpu.memory_space<semaphore_mem>>) src(%dma_wait3A_2273 : memref<128x128xf32, #tpu.memory_space<hbm>>) dst(%dma_wait3A_2271 : memref<128x128xf32, #tpu.memory_space<vmem>>)
      %get3A_2274 = arith.constant 1 : i32
      %get3A_2275 = arith.constant 0 : i32
      %get3A_2276 = arith.index_cast %get3A_2274 : i32 to index
      %get3A_2277 = arith.index_cast %get3A_2275 : i32 to index
      %get3A_2278 = arith.constant 0 : index
      %get3A_2279 = tpu.vector_load %arg6[%get3A_2276, %get3A_2277, %get3A_2278] {strides = array<i32>} : memref<3x1x128xi32, #tpu.memory_space<vmem>>, vector<1x1x16xi32>,
      %get3A_2280 = vector.shape_cast %get3A_2279 : vector<1x1x16xi32> to vector<16xi32>
      %sub3A_2281 = vector.broadcast %mul3A_0 : i32 to vector<16xi32>
      %sub3A_2282 = arith.subi %get3A_2280, %sub3A_2281 : vector<16xi32>
      %add3A_2283 = arith.constant 0 : i32
      %add3A_2284 = vector.broadcast %add3A_2283 : i32 to vector<16xi32>
      %add3A_2285 = arith.addi %sub3A_2282, %add3A_2284 : vector<16xi32>
      %ge3A_2286 = arith.constant 0 : i32
      %ge3A_2287 = vector.broadcast %ge3A_2286 : i32 to vector<16xi32>
      %ge3A_2288 = arith.cmpi sge, %add3A_2285, %ge3A_2287 : vector<16xi32>
      %lt3A_2289 = arith.constant 5000 : i32
      %lt3A_2290 = vector.broadcast %lt3A_2289 : i32 to vector<16xi32>
      %lt3A_2291 = arith.cmpi slt, %add3A_2285, %lt3A_2290 : vector<16xi32>
      %and3A_2292 = arith.andi %ge3A_2288, %lt3A_2291 : vector<16xi1>
      %select_n3A_2293 = arith.select %and3A_2292, %add3A_2285, %broadcast_in_dim3A_1 : vector<16xi1>, vector<16xi32>
      %swap3A_2294 = arith.constant 1 : i32
      %swap3A_2295 = arith.constant 0 : i32
      %swap3A_2296 = arith.index_cast %swap3A_2294 : i32 to index
      %swap3A_2297 = arith.index_cast %swap3A_2295 : i32 to index
      %swap3A_2298 = arith.constant 0 : index
      %swap3A_2299 = tpu.vector_load %arg6[%swap3A_2296, %swap3A_2297, %swap3A_2298] {strides = array<i32>} : memref<3x1x128xi32, #tpu.memory_space<vmem>>, vector<1x1x16xi32>,
      %swap3A_2300 = vector.shape_cast %swap3A_2299 : vector<1x1x16xi32> to vector<16xi32>
      %swap3A_2301 = vector.shape_cast %select_n3A_2293 : vector<16xi32> to vector<1x1x16xi32>
      tpu.vector_store %arg6[%swap3A_2296, %swap3A_2297, %swap3A_2298], %swap3A_2301 {strides = array<i32>} : memref<3x1x128xi32, #tpu.memory_space<vmem>>, vector<1x1x16xi32>,
      %get3A_2302 = arith.constant 1 : i32
      %get3A_2303 = arith.constant 0 : i32
      %get3A_2304 = arith.index_cast %get3A_2302 : i32 to index
      %get3A_2305 = arith.index_cast %get3A_2303 : i32 to index
      %get3A_2306 = arith.constant 16 : index
      %get3A_2307 = tpu.vector_load %arg6[%get3A_2304, %get3A_2305, %get3A_2306] {strides = array<i32>} : memref<3x1x128xi32, #tpu.memory_space<vmem>>, vector<1x1x16xi32>,
      %get3A_2308 = vector.shape_cast %get3A_2307 : vector<1x1x16xi32> to vector<16xi32>
      %sub3A_2309 = vector.broadcast %mul3A_0 : i32 to vector<16xi32>
      %sub3A_2310 = arith.subi %get3A_2308, %sub3A_2309 : vector<16xi32>
      %add3A_2311 = arith.constant 0 : i32
      %add3A_2312 = vector.broadcast %add3A_2311 : i32 to vector<16xi32>
      %add3A_2313 = arith.addi %sub3A_2310, %add3A_2312 : vector<16xi32>
      %ge3A_2314 = arith.constant 0 : i32
      %ge3A_2315 = vector.broadcast %ge3A_2314 : i32 to vector<16xi32>
      %ge3A_2316 = arith.cmpi sge, %add3A_2313, %ge3A_2315 : vector<16xi32>
      %lt3A_2317 = arith.constant 5000 : i32
      %lt3A_2318 = vector.broadcast %lt3A_2317 : i32 to vector<16xi32>
      %lt3A_2319 = arith.cmpi slt, %add3A_2313, %lt3A_2318 : vector<16xi32>
      %and3A_2320 = arith.andi %ge3A_2316, %lt3A_2319 : vector<16xi1>
      %select_n3A_2321 = arith.select %and3A_2320, %add3A_2313, %broadcast_in_dim3A_1 : vector<16xi1>, vector<16xi32>
      %swap3A_2322 = arith.constant 1 : i32
      %swap3A_2323 = arith.constant 0 : i32
      %swap3A_2324 = arith.index_cast %swap3A_2322 : i32 to index
      %swap3A_2325 = arith.index_cast %swap3A_2323 : i32 to index
      %swap3A_2326 = arith.constant 16 : index
      %swap3A_2327 = tpu.vector_load %arg6[%swap3A_2324, %swap3A_2325, %swap3A_2326] {strides = array<i32>} : memref<3x1x128xi32, #tpu.memory_space<vmem>>, vector<1x1x16xi32>,
      %swap3A_2328 = vector.shape_cast %swap3A_2327 : vector<1x1x16xi32> to vector<16xi32>
      %swap3A_2329 = vector.shape_cast %select_n3A_2321 : vector<16xi32> to vector<1x1x16xi32>
      tpu.vector_store %arg6[%swap3A_2324, %swap3A_2325, %swap3A_2326], %swap3A_2329 {strides = array<i32>} : memref<3x1x128xi32, #tpu.memory_space<vmem>>, vector<1x1x16xi32>,
      %get3A_2330 = arith.constant 1 : i32
      %get3A_2331 = arith.constant 0 : i32
      %get3A_2332 = arith.index_cast %get3A_2330 : i32 to index
      %get3A_2333 = arith.index_cast %get3A_2331 : i32 to index
      %get3A_2334 = arith.constant 32 : index
      %get3A_2335 = tpu.vector_load %arg6[%get3A_2332, %get3A_2333, %get3A_2334] {strides = array<i32>} : memref<3x1x128xi32, #tpu.memory_space<vmem>>, vector<1x1x16xi32>,
      %get3A_2336 = vector.shape_cast %get3A_2335 : vector<1x1x16xi32> to vector<16xi32>
      %sub3A_2337 = vector.broadcast %mul3A_0 : i32 to vector<16xi32>
      %sub3A_2338 = arith.subi %get3A_2336, %sub3A_2337 : vector<16xi32>
      %add3A_2339 = arith.constant 0 : i32
      %add3A_2340 = vector.broadcast %add3A_2339 : i32 to vector<16xi32>
      %add3A_2341 = arith.addi %sub3A_2338, %add3A_2340 : vector<16xi32>
      %ge3A_2342 = arith.constant 0 : i32
      %ge3A_2343 = vector.broadcast %ge3A_2342 : i32 to vector<16xi32>
      %ge3A_2344 = arith.cmpi sge, %add3A_2341, %ge3A_2343 : vector<16xi32>
      %lt3A_2345 = arith.constant 5000 : i32
      %lt3A_2346 = vector.broadcast %lt3A_2345 : i32 to vector<16xi32>
      %lt3A_2347 = arith.cmpi slt, %add3A_2341, %lt3A_2346 : vector<16xi32>
      %and3A_2348 = arith.andi %ge3A_2344, %lt3A_2347 : vector<16xi1>
      %select_n3A_2349 = arith.select %and3A_2348, %add3A_2341, %broadcast_in_dim3A_1 : vector<16xi1>, vector<16xi32>
      %swap3A_2350 = arith.constant 1 : i32
      %swap3A_2351 = arith.constant 0 : i32
      %swap3A_2352 = arith.index_cast %swap3A_2350 : i32 to index
      %swap3A_2353 = arith.index_cast %swap3A_2351 : i32 to index
      %swap3A_2354 = arith.constant 32 : index
      %swap3A_2355 = tpu.vector_load %arg6[%swap3A_2352, %swap3A_2353, %swap3A_2354] {strides = array<i32>} : memref<3x1x128xi32, #tpu.memory_space<vmem>>, vector<1x1x16xi32>,
      %swap3A_2356 = vector.shape_cast %swap3A_2355 : vector<1x1x16xi32> to vector<16xi32>
      %swap3A_2357 = vector.shape_cast %select_n3A_2349 : vector<16xi32> to vector<1x1x16xi32>
      tpu.vector_store %arg6[%swap3A_2352, %swap3A_2353, %swap3A_2354], %swap3A_2357 {strides = array<i32>} : memref<3x1x128xi32, #tpu.memory_space<vmem>>, vector<1x1x16xi32>,
      %get3A_2358 = arith.constant 1 : i32
      %get3A_2359 = arith.constant 0 : i32
      %get3A_2360 = arith.index_cast %get3A_2358 : i32 to index
      %get3A_2361 = arith.index_cast %get3A_2359 : i32 to index
      %get3A_2362 = arith.constant 48 : index
      %get3A_2363 = tpu.vector_load %arg6[%get3A_2360, %get3A_2361, %get3A_2362] {strides = array<i32>} : memref<3x1x128xi32, #tpu.memory_space<vmem>>, vector<1x1x16xi32>,
      %get3A_2364 = vector.shape_cast %get3A_2363 : vector<1x1x16xi32> to vector<16xi32>
      %sub3A_2365 = vector.broadcast %mul3A_0 : i32 to vector<16xi32>
      %sub3A_2366 = arith.subi %get3A_2364, %sub3A_2365 : vector<16xi32>
      %add3A_2367 = arith.constant 0 : i32
      %add3A_2368 = vector.broadcast %add3A_2367 : i32 to vector<16xi32>
      %add3A_2369 = arith.addi %sub3A_2366, %add3A_2368 : vector<16xi32>
      %ge3A_2370 = arith.constant 0 : i32
      %ge3A_2371 = vector.broadcast %ge3A_2370 : i32 to vector<16xi32>
      %ge3A_2372 = arith.cmpi sge, %add3A_2369, %ge3A_2371 : vector<16xi32>
      %lt3A_2373 = arith.constant 5000 : i32
      %lt3A_2374 = vector.broadcast %lt3A_2373 : i32 to vector<16xi32>
      %lt3A_2375 = arith.cmpi slt, %add3A_2369, %lt3A_2374 : vector<16xi32>
      %and3A_2376 = arith.andi %ge3A_2372, %lt3A_2375 : vector<16xi1>
      %select_n3A_2377 = arith.select %and3A_2376, %add3A_2369, %broadcast_in_dim3A_1 : vector<16xi1>, vector<16xi32>
      %swap3A_2378 = arith.constant 1 : i32
      %swap3A_2379 = arith.constant 0 : i32
      %swap3A_2380 = arith.index_cast %swap3A_2378 : i32 to index
      %swap3A_2381 = arith.index_cast %swap3A_2379 : i32 to index
      %swap3A_2382 = arith.constant 48 : index
      %swap3A_2383 = tpu.vector_load %arg6[%swap3A_2380, %swap3A_2381, %swap3A_2382] {strides = array<i32>} : memref<3x1x128xi32, #tpu.memory_space<vmem>>, vector<1x1x16xi32>,
      %swap3A_2384 = vector.shape_cast %swap3A_2383 : vector<1x1x16xi32> to vector<16xi32>
      %swap3A_2385 = vector.shape_cast %select_n3A_2377 : vector<16xi32> to vector<1x1x16xi32>
      tpu.vector_store %arg6[%swap3A_2380, %swap3A_2381, %swap3A_2382], %swap3A_2385 {strides = array<i32>} : memref<3x1x128xi32, #tpu.memory_space<vmem>>, vector<1x1x16xi32>,
      %get3A_2386 = arith.constant 1 : i32
      %get3A_2387 = arith.constant 0 : i32
      %get3A_2388 = arith.index_cast %get3A_2386 : i32 to index
      %get3A_2389 = arith.index_cast %get3A_2387 : i32 to index
      %get3A_2390 = arith.constant 64 : index
      %get3A_2391 = tpu.vector_load %arg6[%get3A_2388, %get3A_2389, %get3A_2390] {strides = array<i32>} : memref<3x1x128xi32, #tpu.memory_space<vmem>>, vector<1x1x16xi32>,
      %get3A_2392 = vector.shape_cast %get3A_2391 : vector<1x1x16xi32> to vector<16xi32>
      %sub3A_2393 = vector.broadcast %mul3A_0 : i32 to vector<16xi32>
      %sub3A_2394 = arith.subi %get3A_2392, %sub3A_2393 : vector<16xi32>
      %add3A_2395 = arith.constant 0 : i32
      %add3A_2396 = vector.broadcast %add3A_2395 : i32 to vector<16xi32>
      %add3A_2397 = arith.addi %sub3A_2394, %add3A_2396 : vector<16xi32>
      %ge3A_2398 = arith.constant 0 : i32
      %ge3A_2399 = vector.broadcast %ge3A_2398 : i32 to vector<16xi32>
      %ge3A_2400 = arith.cmpi sge, %add3A_2397, %ge3A_2399 : vector<16xi32>
      %lt3A_2401 = arith.constant 5000 : i32
      %lt3A_2402 = vector.broadcast %lt3A_2401 : i32 to vector<16xi32>
      %lt3A_2403 = arith.cmpi slt, %add3A_2397, %lt3A_2402 : vector<16xi32>
      %and3A_2404 = arith.andi %ge3A_2400, %lt3A_2403 : vector<16xi1>
      %select_n3A_2405 = arith.select %and3A_2404, %add3A_2397, %broadcast_in_dim3A_1 : vector<16xi1>, vector<16xi32>
      %swap3A_2406 = arith.constant 1 : i32
      %swap3A_2407 = arith.constant 0 : i32
      %swap3A_2408 = arith.index_cast %swap3A_2406 : i32 to index
      %swap3A_2409 = arith.index_cast %swap3A_2407 : i32 to index
      %swap3A_2410 = arith.constant 64 : index
      %swap3A_2411 = tpu.vector_load %arg6[%swap3A_2408, %swap3A_2409, %swap3A_2410] {strides = array<i32>} : memref<3x1x128xi32, #tpu.memory_space<vmem>>, vector<1x1x16xi32>,
      %swap3A_2412 = vector.shape_cast %swap3A_2411 : vector<1x1x16xi32> to vector<16xi32>
      %swap3A_2413 = vector.shape_cast %select_n3A_2405 : vector<16xi32> to vector<1x1x16xi32>
      tpu.vector_store %arg6[%swap3A_2408, %swap3A_2409, %swap3A_2410], %swap3A_2413 {strides = array<i32>} : memref<3x1x128xi32, #tpu.memory_space<vmem>>, vector<1x1x16xi32>,
      %get3A_2414 = arith.constant 1 : i32
      %get3A_2415 = arith.constant 0 : i32
      %get3A_2416 = arith.index_cast %get3A_2414 : i32 to index
      %get3A_2417 = arith.index_cast %get3A_2415 : i32 to index
      %get3A_2418 = arith.constant 80 : index
      %get3A_2419 = tpu.vector_load %arg6[%get3A_2416, %get3A_2417, %get3A_2418] {strides = array<i32>} : memref<3x1x128xi32, #tpu.memory_space<vmem>>, vector<1x1x16xi32>,
      %get3A_2420 = vector.shape_cast %get3A_2419 : vector<1x1x16xi32> to vector<16xi32>
      %sub3A_2421 = vector.broadcast %mul3A_0 : i32 to vector<16xi32>
      %sub3A_2422 = arith.subi %get3A_2420, %sub3A_2421 : vector<16xi32>
      %add3A_2423 = arith.constant 0 : i32
      %add3A_2424 = vector.broadcast %add3A_2423 : i32 to vector<16xi32>
      %add3A_2425 = arith.addi %sub3A_2422, %add3A_2424 : vector<16xi32>
      %ge3A_2426 = arith.constant 0 : i32
      %ge3A_2427 = vector.broadcast %ge3A_2426 : i32 to vector<16xi32>
      %ge3A_2428 = arith.cmpi sge, %add3A_2425, %ge3A_2427 : vector<16xi32>
      %lt3A_2429 = arith.constant 5000 : i32
      %lt3A_2430 = vector.broadcast %lt3A_2429 : i32 to vector<16xi32>
      %lt3A_2431 = arith.cmpi slt, %add3A_2425, %lt3A_2430 : vector<16xi32>
      %and3A_2432 = arith.andi %ge3A_2428, %lt3A_2431 : vector<16xi1>
      %select_n3A_2433 = arith.select %and3A_2432, %add3A_2425, %broadcast_in_dim3A_1 : vector<16xi1>, vector<16xi32>
      %swap3A_2434 = arith.constant 1 : i32
      %swap3A_2435 = arith.constant 0 : i32
      %swap3A_2436 = arith.index_cast %swap3A_2434 : i32 to index
      %swap3A_2437 = arith.index_cast %swap3A_2435 : i32 to index
      %swap3A_2438 = arith.constant 80 : index
      %swap3A_2439 = tpu.vector_load %arg6[%swap3A_2436, %swap3A_2437, %swap3A_2438] {strides = array<i32>} : memref<3x1x128xi32, #tpu.memory_space<vmem>>, vector<1x1x16xi32>,
      %swap3A_2440 = vector.shape_cast %swap3A_2439 : vector<1x1x16xi32> to vector<16xi32>
      %swap3A_2441 = vector.shape_cast %select_n3A_2433 : vector<16xi32> to vector<1x1x16xi32>
      tpu.vector_store %arg6[%swap3A_2436, %swap3A_2437, %swap3A_2438], %swap3A_2441 {strides = array<i32>} : memref<3x1x128xi32, #tpu.memory_space<vmem>>, vector<1x1x16xi32>,
      %get3A_2442 = arith.constant 1 : i32
      %get3A_2443 = arith.constant 0 : i32
      %get3A_2444 = arith.index_cast %get3A_2442 : i32 to index
      %get3A_2445 = arith.index_cast %get3A_2443 : i32 to index
      %get3A_2446 = arith.constant 96 : index
      %get3A_2447 = tpu.vector_load %arg6[%get3A_2444, %get3A_2445, %get3A_2446] {strides = array<i32>} : memref<3x1x128xi32, #tpu.memory_space<vmem>>, vector<1x1x16xi32>,
      %get3A_2448 = vector.shape_cast %get3A_2447 : vector<1x1x16xi32> to vector<16xi32>
      %sub3A_2449 = vector.broadcast %mul3A_0 : i32 to vector<16xi32>
      %sub3A_2450 = arith.subi %get3A_2448, %sub3A_2449 : vector<16xi32>
      %add3A_2451 = arith.constant 0 : i32
      %add3A_2452 = vector.broadcast %add3A_2451 : i32 to vector<16xi32>
      %add3A_2453 = arith.addi %sub3A_2450, %add3A_2452 : vector<16xi32>
      %ge3A_2454 = arith.constant 0 : i32
      %ge3A_2455 = vector.broadcast %ge3A_2454 : i32 to vector<16xi32>
      %ge3A_2456 = arith.cmpi sge, %add3A_2453, %ge3A_2455 : vector<16xi32>
      %lt3A_2457 = arith.constant 5000 : i32
      %lt3A_2458 = vector.broadcast %lt3A_2457 : i32 to vector<16xi32>
      %lt3A_2459 = arith.cmpi slt, %add3A_2453, %lt3A_2458 : vector<16xi32>
      %and3A_2460 = arith.andi %ge3A_2456, %lt3A_2459 : vector<16xi1>
      %select_n3A_2461 = arith.select %and3A_2460, %add3A_2453, %broadcast_in_dim3A_1 : vector<16xi1>, vector<16xi32>
      %swap3A_2462 = arith.constant 1 : i32
      %swap3A_2463 = arith.constant 0 : i32
      %swap3A_2464 = arith.index_cast %swap3A_2462 : i32 to index
      %swap3A_2465 = arith.index_cast %swap3A_2463 : i32 to index
      %swap3A_2466 = arith.constant 96 : index
      %swap3A_2467 = tpu.vector_load %arg6[%swap3A_2464, %swap3A_2465, %swap3A_2466] {strides = array<i32>} : memref<3x1x128xi32, #tpu.memory_space<vmem>>, vector<1x1x16xi32>,
      %swap3A_2468 = vector.shape_cast %swap3A_2467 : vector<1x1x16xi32> to vector<16xi32>
      %swap3A_2469 = vector.shape_cast %select_n3A_2461 : vector<16xi32> to vector<1x1x16xi32>
      tpu.vector_store %arg6[%swap3A_2464, %swap3A_2465, %swap3A_2466], %swap3A_2469 {strides = array<i32>} : memref<3x1x128xi32, #tpu.memory_space<vmem>>, vector<1x1x16xi32>,
      %get3A_2470 = arith.constant 1 : i32
      %get3A_2471 = arith.constant 0 : i32
      %get3A_2472 = arith.index_cast %get3A_2470 : i32 to index
      %get3A_2473 = arith.index_cast %get3A_2471 : i32 to index
      %get3A_2474 = arith.constant 112 : index
      %get3A_2475 = tpu.vector_load %arg6[%get3A_2472, %get3A_2473, %get3A_2474] {strides = array<i32>} : memref<3x1x128xi32, #tpu.memory_space<vmem>>, vector<1x1x16xi32>,
      %get3A_2476 = vector.shape_cast %get3A_2475 : vector<1x1x16xi32> to vector<16xi32>
      %sub3A_2477 = vector.broadcast %mul3A_0 : i32 to vector<16xi32>
      %sub3A_2478 = arith.subi %get3A_2476, %sub3A_2477 : vector<16xi32>
      %add3A_2479 = arith.constant 0 : i32
      %add3A_2480 = vector.broadcast %add3A_2479 : i32 to vector<16xi32>
      %add3A_2481 = arith.addi %sub3A_2478, %add3A_2480 : vector<16xi32>
      %ge3A_2482 = arith.constant 0 : i32
      %ge3A_2483 = vector.broadcast %ge3A_2482 : i32 to vector<16xi32>
      %ge3A_2484 = arith.cmpi sge, %add3A_2481, %ge3A_2483 : vector<16xi32>
      %lt3A_2485 = arith.constant 5000 : i32
      %lt3A_2486 = vector.broadcast %lt3A_2485 : i32 to vector<16xi32>
      %lt3A_2487 = arith.cmpi slt, %add3A_2481, %lt3A_2486 : vector<16xi32>
      %and3A_2488 = arith.andi %ge3A_2484, %lt3A_2487 : vector<16xi1>
      %select_n3A_2489 = arith.select %and3A_2488, %add3A_2481, %broadcast_in_dim3A_1 : vector<16xi1>, vector<16xi32>
      %swap3A_2490 = arith.constant 1 : i32
      %swap3A_2491 = arith.constant 0 : i32
      %swap3A_2492 = arith.index_cast %swap3A_2490 : i32 to index
      %swap3A_2493 = arith.index_cast %swap3A_2491 : i32 to index
      %swap3A_2494 = arith.constant 112 : index
      %swap3A_2495 = tpu.vector_load %arg6[%swap3A_2492, %swap3A_2493, %swap3A_2494] {strides = array<i32>} : memref<3x1x128xi32, #tpu.memory_space<vmem>>, vector<1x1x16xi32>,
      %swap3A_2496 = vector.shape_cast %swap3A_2495 : vector<1x1x16xi32> to vector<16xi32>
      %swap3A_2497 = vector.shape_cast %select_n3A_2489 : vector<16xi32> to vector<1x1x16xi32>
      tpu.vector_store %arg6[%swap3A_2492, %swap3A_2493, %swap3A_2494], %swap3A_2497 {strides = array<i32>} : memref<3x1x128xi32, #tpu.memory_space<vmem>>, vector<1x1x16xi32>,
      %dma_wait3A_2498 = arith.constant 0 : i32
      %dma_wait3A_2499 = arith.constant 0 : i32
      %dma_wait3A_2500 = arith.constant 0 : i32
      %dma_wait3A_2501 = arith.constant 0 : i32
      %dma_wait3A_2502 = arith.constant 0 : i32
      %dma_wait3A_2503 = tpu.memref_slice %arg5[%dma_wait3A_2498, %dma_wait3A_2501, %dma_wait3A_2502] : memref<3x128x128xf32, #tpu.memory_space<vmem>> -> memref<1x128x128xf32, #tpu.memory_space<vmem>>
      %dma_wait3A_2504 = tpu.memref_squeeze %dma_wait3A_2503 : memref<1x128x128xf32, #tpu.memory_space<vmem>> -> memref<128x128xf32, #tpu.memory_space<vmem>>
      %dma_wait3A_2505 = arith.constant 0 : i32
      %dma_wait3A_2506 = tpu.memref_slice %arg6[%dma_wait3A_2499, %dma_wait3A_2500, %dma_wait3A_2505] : memref<3x1x128xi32, #tpu.memory_space<vmem>> -> memref<1x1x128xi32, #tpu.memory_space<vmem>>
      %dma_wait3A_2507 = tpu.memref_squeeze %dma_wait3A_2506 : memref<1x1x128xi32, #tpu.memory_space<vmem>> -> memref<128xi32, #tpu.memory_space<vmem>>
      %dma_wait3A_2508 = arith.constant 0 : i32
      %dma_wait3A_2509 = arith.constant 0 : i32
      %dma_wait3A_2510 = tpu.memref_slice %arg8[%dma_wait3A_2508, %dma_wait3A_2509] : memref<5008x128xf32, #tpu.memory_space<vmem_shared>> -> memref<5008x128xf32, #tpu.memory_space<vmem_shared>>
      tpu.wait_indirect_dma semaphore(%arg12 : memref<!tpu.dma_semaphore, #tpu.memory_space<semaphore_mem>>) src(%dma_wait3A_2504 : memref<128x128xf32, #tpu.memory_space<vmem>>) dst(%dma_wait3A_2510 : memref<5008x128xf32, #tpu.memory_space<vmem_shared>>)
      %add3A_2511 = arith.constant 2 : i32
      %add3A_2512 = arith.addi %add3A_2242, %add3A_2511 : i32
      %add3A_2513 = arith.addi %mul3A_3, %arg1 : i32
      %mul3A_2514 = arith.constant 16 : i32
      %mul3A_2515 = arith.muli %mul3A_2514, %add3A_2512 : i32
      %add3A_2516 = arith.addi %add3A_2513, %mul3A_2515 : i32
      %mul3A_2517 = arith.constant 128 : i32
      %mul3A_2518 = arith.muli %mul3A_2517, %add3A_2516 : i32
      %add3A_2519 = arith.constant 0 : i32
      %add3A_2520 = arith.addi %mul3A_2518, %add3A_2519 : i32
      %dma_start3A_2521 = arith.constant 0 : i32
      %dma_start3A_2522 = arith.constant 0 : i32
      %dma_start3A_2523 = arith.constant 0 : i32
      %dma_start3A_2524 = tpu.memref_slice %arg6[%dma_start3A_2521, %dma_start3A_2522, %dma_start3A_2523] : memref<3x1x128xi32, #tpu.memory_space<vmem>> -> memref<1x1x128xi32, #tpu.memory_space<vmem>>
      %dma_start3A_2525 = tpu.memref_squeeze %dma_start3A_2524 : memref<1x1x128xi32, #tpu.memory_space<vmem>> -> memref<128xi32, #tpu.memory_space<vmem>>
      %dma_start3A_2526 = tpu.memref_slice %arg3[%add3A_2520] : memref<320000xi32, #tpu.memory_space<hbm>> -> memref<128xi32, #tpu.memory_space<hbm>>
      %dma_start3A_2527 = arith.constant 0 : i32
      %dma_start3A_2528 = tpu.memref_slice %arg6[%dma_start3A_2521, %dma_start3A_2522, %dma_start3A_2527] : memref<3x1x128xi32, #tpu.memory_space<vmem>> -> memref<1x1x128xi32, #tpu.memory_space<vmem>>
      %dma_start3A_2529 = tpu.memref_squeeze %dma_start3A_2528 : memref<1x1x128xi32, #tpu.memory_space<vmem>> -> memref<128xi32, #tpu.memory_space<vmem>>
      %dma_start3A_2530 = tpu.memref_slice %arg3[%add3A_2520] : memref<320000xi32, #tpu.memory_space<hbm>> -> memref<128xi32, #tpu.memory_space<hbm>>
      tpu.enqueue_dma source(%dma_start3A_2530 : memref<128xi32, #tpu.memory_space<hbm>>) target(%dma_start3A_2529 : memref<128xi32, #tpu.memory_space<vmem>>) target_semaphore(%arg9 : memref<!tpu.dma_semaphore, #tpu.memory_space<semaphore_mem>>)
      %dma_start3A_2531 = arith.constant 0 : i32
      %dma_start3A_2532 = arith.constant 0 : i32
      %dma_start3A_2533 = arith.constant 0 : i32
      %dma_start3A_2534 = tpu.memref_slice %arg5[%dma_start3A_2531, %dma_start3A_2532, %dma_start3A_2533] : memref<3x128x128xf32, #tpu.memory_space<vmem>> -> memref<1x128x128xf32, #tpu.memory_space<vmem>>
      %dma_start3A_2535 = tpu.memref_squeeze %dma_start3A_2534 : memref<1x128x128xf32, #tpu.memory_space<vmem>> -> memref<128x128xf32, #tpu.memory_space<vmem>>
      %dma_start3A_2536 = arith.constant 0 : i32
      %dma_start3A_2537 = tpu.memref_slice %arg2[%mul3A_2518, %dma_start3A_2536] : memref<320000x128xf32, #tpu.memory_space<hbm>> -> memref<128x128xf32, #tpu.memory_space<hbm>>
      %dma_start3A_2538 = arith.constant 0 : i32
      %dma_start3A_2539 = arith.constant 0 : i32
      %dma_start3A_2540 = tpu.memref_slice %arg5[%dma_start3A_2531, %dma_start3A_2538, %dma_start3A_2539] : memref<3x128x128xf32, #tpu.memory_space<vmem>> -> memref<1x128x128xf32, #tpu.memory_space<vmem>>
      %dma_start3A_2541 = tpu.memref_squeeze %dma_start3A_2540 : memref<1x128x128xf32, #tpu.memory_space<vmem>> -> memref<128x128xf32, #tpu.memory_space<vmem>>
      %dma_start3A_2542 = arith.constant 0 : i32
      %dma_start3A_2543 = tpu.memref_slice %arg2[%mul3A_2518, %dma_start3A_2542] : memref<320000x128xf32, #tpu.memory_space<hbm>> -> memref<128x128xf32, #tpu.memory_space<hbm>>
      tpu.enqueue_dma source(%dma_start3A_2543 : memref<128x128xf32, #tpu.memory_space<hbm>>) target(%dma_start3A_2541 : memref<128x128xf32, #tpu.memory_space<vmem>>) target_semaphore(%arg9 : memref<!tpu.dma_semaphore, #tpu.memory_space<semaphore_mem>>)
      %dma_start3A_2544 = arith.constant 1 : i32
      %dma_start3A_2545 = arith.constant 1 : i32
      %dma_start3A_2546 = arith.constant 0 : i32
      %dma_start3A_2547 = arith.constant 0 : i32
      %dma_start3A_2548 = arith.constant 0 : i32
      %dma_start3A_2549 = tpu.memref_slice %arg5[%dma_start3A_2544, %dma_start3A_2547, %dma_start3A_2548] : memref<3x128x128xf32, #tpu.memory_space<vmem>> -> memref<1x128x128xf32, #tpu.memory_space<vmem>>
      %dma_start3A_2550 = tpu.memref_squeeze %dma_start3A_2549 : memref<1x128x128xf32, #tpu.memory_space<vmem>> -> memref<128x128xf32, #tpu.memory_space<vmem>>
      %dma_start3A_2551 = arith.constant 0 : i32
      %dma_start3A_2552 = tpu.memref_slice %arg6[%dma_start3A_2545, %dma_start3A_2546, %dma_start3A_2551] : memref<3x1x128xi32, #tpu.memory_space<vmem>> -> memref<1x1x128xi32, #tpu.memory_space<vmem>>
      %dma_start3A_2553 = tpu.memref_squeeze %dma_start3A_2552 : memref<1x1x128xi32, #tpu.memory_space<vmem>> -> memref<128xi32, #tpu.memory_space<vmem>>
      %dma_start3A_2554 = arith.constant 0 : i32
      %dma_start3A_2555 = arith.constant 0 : i32
      %dma_start3A_2556 = tpu.memref_slice %arg8[%dma_start3A_2554, %dma_start3A_2555] : memref<5008x128xf32, #tpu.memory_space<vmem_shared>> -> memref<5008x128xf32, #tpu.memory_space<vmem_shared>>
      tpu.enqueue_indirect_dma source(%dma_start3A_2550 : memref<128x128xf32, #tpu.memory_space<vmem>>) target(%dma_start3A_2556 : memref<5008x128xf32, #tpu.memory_space<vmem_shared>>) offsets(%dma_start3A_2553 : memref<128xi32, #tpu.memory_space<vmem>>) semaphore(%arg13 : memref<!tpu.dma_semaphore, #tpu.memory_space<semaphore_mem>>) {add = true}
      %add3A_2557 = arith.constant 2 : i32
      %add3A_2558 = arith.addi %mul3A_1924, %add3A_2557 : i32
      %add3A_2559 = arith.addi %mul3A_3, %arg1 : i32
      %mul3A_2560 = arith.constant 16 : i32
      %mul3A_2561 = arith.muli %mul3A_2560, %add3A_2558 : i32
      %add3A_2562 = arith.addi %add3A_2559, %mul3A_2561 : i32
      %mul3A_2563 = arith.constant 128 : i32
      %mul3A_2564 = arith.muli %mul3A_2563, %add3A_2562 : i32
      %add3A_2565 = arith.constant 0 : i32
      %add3A_2566 = arith.addi %mul3A_2564, %add3A_2565 : i32
      %dma_wait3A_2567 = arith.constant 2 : i32
      %dma_wait3A_2568 = arith.constant 0 : i32
      %dma_wait3A_2569 = arith.constant 0 : i32
      %dma_wait3A_2570 = tpu.memref_slice %arg6[%dma_wait3A_2567, %dma_wait3A_2568, %dma_wait3A_2569] : memref<3x1x128xi32, #tpu.memory_space<vmem>> -> memref<1x1x128xi32, #tpu.memory_space<vmem>>
      %dma_wait3A_2571 = tpu.memref_squeeze %dma_wait3A_2570 : memref<1x1x128xi32, #tpu.memory_space<vmem>> -> memref<128xi32, #tpu.memory_space<vmem>>
      %dma_wait3A_2572 = tpu.memref_slice %arg3[%add3A_2566] : memref<320000xi32, #tpu.memory_space<hbm>> -> memref<128xi32, #tpu.memory_space<hbm>>
      %dma_wait3A_2573 = arith.constant 0 : i32
      %dma_wait3A_2574 = tpu.memref_slice %arg6[%dma_wait3A_2567, %dma_wait3A_2568, %dma_wait3A_2573] : memref<3x1x128xi32, #tpu.memory_space<vmem>> -> memref<1x1x128xi32, #tpu.memory_space<vmem>>
      %dma_wait3A_2575 = tpu.memref_squeeze %dma_wait3A_2574 : memref<1x1x128xi32, #tpu.memory_space<vmem>> -> memref<128xi32, #tpu.memory_space<vmem>>
      %dma_wait3A_2576 = tpu.memref_slice %arg3[%add3A_2566] : memref<320000xi32, #tpu.memory_space<hbm>> -> memref<128xi32, #tpu.memory_space<hbm>>
      tpu.wait_dma2 semaphore(%arg11 : memref<!tpu.dma_semaphore, #tpu.memory_space<semaphore_mem>>) src(%dma_wait3A_2576 : memref<128xi32, #tpu.memory_space<hbm>>) dst(%dma_wait3A_2575 : memref<128xi32, #tpu.memory_space<vmem>>)
      %dma_wait3A_2577 = arith.constant 2 : i32
      %dma_wait3A_2578 = arith.constant 0 : i32
      %dma_wait3A_2579 = arith.constant 0 : i32
      %dma_wait3A_2580 = tpu.memref_slice %arg5[%dma_wait3A_2577, %dma_wait3A_2578, %dma_wait3A_2579] : memref<3x128x128xf32, #tpu.memory_space<vmem>> -> memref<1x128x128xf32, #tpu.memory_space<vmem>>
      %dma_wait3A_2581 = tpu.memref_squeeze %dma_wait3A_2580 : memref<1x128x128xf32, #tpu.memory_space<vmem>> -> memref<128x128xf32, #tpu.memory_space<vmem>>
      %dma_wait3A_2582 = arith.constant 0 : i32
      %dma_wait3A_2583 = tpu.memref_slice %arg2[%mul3A_2564, %dma_wait3A_2582] : memref<320000x128xf32, #tpu.memory_space<hbm>> -> memref<128x128xf32, #tpu.memory_space<hbm>>
      %dma_wait3A_2584 = arith.constant 0 : i32
      %dma_wait3A_2585 = arith.constant 0 : i32
      %dma_wait3A_2586 = tpu.memref_slice %arg5[%dma_wait3A_2577, %dma_wait3A_2584, %dma_wait3A_2585] : memref<3x128x128xf32, #tpu.memory_space<vmem>> -> memref<1x128x128xf32, #tpu.memory_space<vmem>>
      %dma_wait3A_2587 = tpu.memref_squeeze %dma_wait3A_2586 : memref<1x128x128xf32, #tpu.memory_space<vmem>> -> memref<128x128xf32, #tpu.memory_space<vmem>>
      %dma_wait3A_2588 = arith.constant 0 : i32
      %dma_wait3A_2589 = tpu.memref_slice %arg2[%mul3A_2564, %dma_wait3A_2588] : memref<320000x128xf32, #tpu.memory_space<hbm>> -> memref<128x128xf32, #tpu.memory_space<hbm>>
      tpu.wait_dma2 semaphore(%arg11 : memref<!tpu.dma_semaphore, #tpu.memory_space<semaphore_mem>>) src(%dma_wait3A_2589 : memref<128x128xf32, #tpu.memory_space<hbm>>) dst(%dma_wait3A_2587 : memref<128x128xf32, #tpu.memory_space<vmem>>)
      %get3A_2590 = arith.constant 2 : i32
      %get3A_2591 = arith.constant 0 : i32
      %get3A_2592 = arith.index_cast %get3A_2590 : i32 to index
      %get3A_2593 = arith.index_cast %get3A_2591 : i32 to index
      %get3A_2594 = arith.constant 0 : index
      %get3A_2595 = tpu.vector_load %arg6[%get3A_2592, %get3A_2593, %get3A_2594] {strides = array<i32>} : memref<3x1x128xi32, #tpu.memory_space<vmem>>, vector<1x1x16xi32>,
      %get3A_2596 = vector.shape_cast %get3A_2595 : vector<1x1x16xi32> to vector<16xi32>
      %sub3A_2597 = vector.broadcast %mul3A_0 : i32 to vector<16xi32>
      %sub3A_2598 = arith.subi %get3A_2596, %sub3A_2597 : vector<16xi32>
      %add3A_2599 = arith.constant 0 : i32
      %add3A_2600 = vector.broadcast %add3A_2599 : i32 to vector<16xi32>
      %add3A_2601 = arith.addi %sub3A_2598, %add3A_2600 : vector<16xi32>
      %ge3A_2602 = arith.constant 0 : i32
      %ge3A_2603 = vector.broadcast %ge3A_2602 : i32 to vector<16xi32>
      %ge3A_2604 = arith.cmpi sge, %add3A_2601, %ge3A_2603 : vector<16xi32>
      %lt3A_2605 = arith.constant 5000 : i32
      %lt3A_2606 = vector.broadcast %lt3A_2605 : i32 to vector<16xi32>
      %lt3A_2607 = arith.cmpi slt, %add3A_2601, %lt3A_2606 : vector<16xi32>
      %and3A_2608 = arith.andi %ge3A_2604, %lt3A_2607 : vector<16xi1>
      %select_n3A_2609 = arith.select %and3A_2608, %add3A_2601, %broadcast_in_dim3A_1 : vector<16xi1>, vector<16xi32>
      %swap3A_2610 = arith.constant 2 : i32
      %swap3A_2611 = arith.constant 0 : i32
      %swap3A_2612 = arith.index_cast %swap3A_2610 : i32 to index
      %swap3A_2613 = arith.index_cast %swap3A_2611 : i32 to index
      %swap3A_2614 = arith.constant 0 : index
      %swap3A_2615 = tpu.vector_load %arg6[%swap3A_2612, %swap3A_2613, %swap3A_2614] {strides = array<i32>} : memref<3x1x128xi32, #tpu.memory_space<vmem>>, vector<1x1x16xi32>,
      %swap3A_2616 = vector.shape_cast %swap3A_2615 : vector<1x1x16xi32> to vector<16xi32>
      %swap3A_2617 = vector.shape_cast %select_n3A_2609 : vector<16xi32> to vector<1x1x16xi32>
      tpu.vector_store %arg6[%swap3A_2612, %swap3A_2613, %swap3A_2614], %swap3A_2617 {strides = array<i32>} : memref<3x1x128xi32, #tpu.memory_space<vmem>>, vector<1x1x16xi32>,
      %get3A_2618 = arith.constant 2 : i32
      %get3A_2619 = arith.constant 0 : i32
      %get3A_2620 = arith.index_cast %get3A_2618 : i32 to index
      %get3A_2621 = arith.index_cast %get3A_2619 : i32 to index
      %get3A_2622 = arith.constant 16 : index
      %get3A_2623 = tpu.vector_load %arg6[%get3A_2620, %get3A_2621, %get3A_2622] {strides = array<i32>} : memref<3x1x128xi32, #tpu.memory_space<vmem>>, vector<1x1x16xi32>,
      %get3A_2624 = vector.shape_cast %get3A_2623 : vector<1x1x16xi32> to vector<16xi32>
      %sub3A_2625 = vector.broadcast %mul3A_0 : i32 to vector<16xi32>
      %sub3A_2626 = arith.subi %get3A_2624, %sub3A_2625 : vector<16xi32>
      %add3A_2627 = arith.constant 0 : i32
      %add3A_2628 = vector.broadcast %add3A_2627 : i32 to vector<16xi32>
      %add3A_2629 = arith.addi %sub3A_2626, %add3A_2628 : vector<16xi32>
      %ge3A_2630 = arith.constant 0 : i32
      %ge3A_2631 = vector.broadcast %ge3A_2630 : i32 to vector<16xi32>
      %ge3A_2632 = arith.cmpi sge, %add3A_2629, %ge3A_2631 : vector<16xi32>
      %lt3A_2633 = arith.constant 5000 : i32
      %lt3A_2634 = vector.broadcast %lt3A_2633 : i32 to vector<16xi32>
      %lt3A_2635 = arith.cmpi slt, %add3A_2629, %lt3A_2634 : vector<16xi32>
      %and3A_2636 = arith.andi %ge3A_2632, %lt3A_2635 : vector<16xi1>
      %select_n3A_2637 = arith.select %and3A_2636, %add3A_2629, %broadcast_in_dim3A_1 : vector<16xi1>, vector<16xi32>
      %swap3A_2638 = arith.constant 2 : i32
      %swap3A_2639 = arith.constant 0 : i32
      %swap3A_2640 = arith.index_cast %swap3A_2638 : i32 to index
      %swap3A_2641 = arith.index_cast %swap3A_2639 : i32 to index
      %swap3A_2642 = arith.constant 16 : index
      %swap3A_2643 = tpu.vector_load %arg6[%swap3A_2640, %swap3A_2641, %swap3A_2642] {strides = array<i32>} : memref<3x1x128xi32, #tpu.memory_space<vmem>>, vector<1x1x16xi32>,
      %swap3A_2644 = vector.shape_cast %swap3A_2643 : vector<1x1x16xi32> to vector<16xi32>
      %swap3A_2645 = vector.shape_cast %select_n3A_2637 : vector<16xi32> to vector<1x1x16xi32>
      tpu.vector_store %arg6[%swap3A_2640, %swap3A_2641, %swap3A_2642], %swap3A_2645 {strides = array<i32>} : memref<3x1x128xi32, #tpu.memory_space<vmem>>, vector<1x1x16xi32>,
      %get3A_2646 = arith.constant 2 : i32
      %get3A_2647 = arith.constant 0 : i32
      %get3A_2648 = arith.index_cast %get3A_2646 : i32 to index
      %get3A_2649 = arith.index_cast %get3A_2647 : i32 to index
      %get3A_2650 = arith.constant 32 : index
      %get3A_2651 = tpu.vector_load %arg6[%get3A_2648, %get3A_2649, %get3A_2650] {strides = array<i32>} : memref<3x1x128xi32, #tpu.memory_space<vmem>>, vector<1x1x16xi32>,
      %get3A_2652 = vector.shape_cast %get3A_2651 : vector<1x1x16xi32> to vector<16xi32>
      %sub3A_2653 = vector.broadcast %mul3A_0 : i32 to vector<16xi32>
      %sub3A_2654 = arith.subi %get3A_2652, %sub3A_2653 : vector<16xi32>
      %add3A_2655 = arith.constant 0 : i32
      %add3A_2656 = vector.broadcast %add3A_2655 : i32 to vector<16xi32>
      %add3A_2657 = arith.addi %sub3A_2654, %add3A_2656 : vector<16xi32>
      %ge3A_2658 = arith.constant 0 : i32
      %ge3A_2659 = vector.broadcast %ge3A_2658 : i32 to vector<16xi32>
      %ge3A_2660 = arith.cmpi sge, %add3A_2657, %ge3A_2659 : vector<16xi32>
      %lt3A_2661 = arith.constant 5000 : i32
      %lt3A_2662 = vector.broadcast %lt3A_2661 : i32 to vector<16xi32>
      %lt3A_2663 = arith.cmpi slt, %add3A_2657, %lt3A_2662 : vector<16xi32>
      %and3A_2664 = arith.andi %ge3A_2660, %lt3A_2663 : vector<16xi1>
      %select_n3A_2665 = arith.select %and3A_2664, %add3A_2657, %broadcast_in_dim3A_1 : vector<16xi1>, vector<16xi32>
      %swap3A_2666 = arith.constant 2 : i32
      %swap3A_2667 = arith.constant 0 : i32
      %swap3A_2668 = arith.index_cast %swap3A_2666 : i32 to index
      %swap3A_2669 = arith.index_cast %swap3A_2667 : i32 to index
      %swap3A_2670 = arith.constant 32 : index
      %swap3A_2671 = tpu.vector_load %arg6[%swap3A_2668, %swap3A_2669, %swap3A_2670] {strides = array<i32>} : memref<3x1x128xi32, #tpu.memory_space<vmem>>, vector<1x1x16xi32>,
      %swap3A_2672 = vector.shape_cast %swap3A_2671 : vector<1x1x16xi32> to vector<16xi32>
      %swap3A_2673 = vector.shape_cast %select_n3A_2665 : vector<16xi32> to vector<1x1x16xi32>
      tpu.vector_store %arg6[%swap3A_2668, %swap3A_2669, %swap3A_2670], %swap3A_2673 {strides = array<i32>} : memref<3x1x128xi32, #tpu.memory_space<vmem>>, vector<1x1x16xi32>,
      %get3A_2674 = arith.constant 2 : i32
      %get3A_2675 = arith.constant 0 : i32
      %get3A_2676 = arith.index_cast %get3A_2674 : i32 to index
      %get3A_2677 = arith.index_cast %get3A_2675 : i32 to index
      %get3A_2678 = arith.constant 48 : index
      %get3A_2679 = tpu.vector_load %arg6[%get3A_2676, %get3A_2677, %get3A_2678] {strides = array<i32>} : memref<3x1x128xi32, #tpu.memory_space<vmem>>, vector<1x1x16xi32>,
      %get3A_2680 = vector.shape_cast %get3A_2679 : vector<1x1x16xi32> to vector<16xi32>
      %sub3A_2681 = vector.broadcast %mul3A_0 : i32 to vector<16xi32>
      %sub3A_2682 = arith.subi %get3A_2680, %sub3A_2681 : vector<16xi32>
      %add3A_2683 = arith.constant 0 : i32
      %add3A_2684 = vector.broadcast %add3A_2683 : i32 to vector<16xi32>
      %add3A_2685 = arith.addi %sub3A_2682, %add3A_2684 : vector<16xi32>
      %ge3A_2686 = arith.constant 0 : i32
      %ge3A_2687 = vector.broadcast %ge3A_2686 : i32 to vector<16xi32>
      %ge3A_2688 = arith.cmpi sge, %add3A_2685, %ge3A_2687 : vector<16xi32>
      %lt3A_2689 = arith.constant 5000 : i32
      %lt3A_2690 = vector.broadcast %lt3A_2689 : i32 to vector<16xi32>
      %lt3A_2691 = arith.cmpi slt, %add3A_2685, %lt3A_2690 : vector<16xi32>
      %and3A_2692 = arith.andi %ge3A_2688, %lt3A_2691 : vector<16xi1>
      %select_n3A_2693 = arith.select %and3A_2692, %add3A_2685, %broadcast_in_dim3A_1 : vector<16xi1>, vector<16xi32>
      %swap3A_2694 = arith.constant 2 : i32
      %swap3A_2695 = arith.constant 0 : i32
      %swap3A_2696 = arith.index_cast %swap3A_2694 : i32 to index
      %swap3A_2697 = arith.index_cast %swap3A_2695 : i32 to index
      %swap3A_2698 = arith.constant 48 : index
      %swap3A_2699 = tpu.vector_load %arg6[%swap3A_2696, %swap3A_2697, %swap3A_2698] {strides = array<i32>} : memref<3x1x128xi32, #tpu.memory_space<vmem>>, vector<1x1x16xi32>,
      %swap3A_2700 = vector.shape_cast %swap3A_2699 : vector<1x1x16xi32> to vector<16xi32>
      %swap3A_2701 = vector.shape_cast %select_n3A_2693 : vector<16xi32> to vector<1x1x16xi32>
      tpu.vector_store %arg6[%swap3A_2696, %swap3A_2697, %swap3A_2698], %swap3A_2701 {strides = array<i32>} : memref<3x1x128xi32, #tpu.memory_space<vmem>>, vector<1x1x16xi32>,
      %get3A_2702 = arith.constant 2 : i32
      %get3A_2703 = arith.constant 0 : i32
      %get3A_2704 = arith.index_cast %get3A_2702 : i32 to index
      %get3A_2705 = arith.index_cast %get3A_2703 : i32 to index
      %get3A_2706 = arith.constant 64 : index
      %get3A_2707 = tpu.vector_load %arg6[%get3A_2704, %get3A_2705, %get3A_2706] {strides = array<i32>} : memref<3x1x128xi32, #tpu.memory_space<vmem>>, vector<1x1x16xi32>,
      %get3A_2708 = vector.shape_cast %get3A_2707 : vector<1x1x16xi32> to vector<16xi32>
      %sub3A_2709 = vector.broadcast %mul3A_0 : i32 to vector<16xi32>
      %sub3A_2710 = arith.subi %get3A_2708, %sub3A_2709 : vector<16xi32>
      %add3A_2711 = arith.constant 0 : i32
      %add3A_2712 = vector.broadcast %add3A_2711 : i32 to vector<16xi32>
      %add3A_2713 = arith.addi %sub3A_2710, %add3A_2712 : vector<16xi32>
      %ge3A_2714 = arith.constant 0 : i32
      %ge3A_2715 = vector.broadcast %ge3A_2714 : i32 to vector<16xi32>
      %ge3A_2716 = arith.cmpi sge, %add3A_2713, %ge3A_2715 : vector<16xi32>
      %lt3A_2717 = arith.constant 5000 : i32
      %lt3A_2718 = vector.broadcast %lt3A_2717 : i32 to vector<16xi32>
      %lt3A_2719 = arith.cmpi slt, %add3A_2713, %lt3A_2718 : vector<16xi32>
      %and3A_2720 = arith.andi %ge3A_2716, %lt3A_2719 : vector<16xi1>
      %select_n3A_2721 = arith.select %and3A_2720, %add3A_2713, %broadcast_in_dim3A_1 : vector<16xi1>, vector<16xi32>
      %swap3A_2722 = arith.constant 2 : i32
      %swap3A_2723 = arith.constant 0 : i32
      %swap3A_2724 = arith.index_cast %swap3A_2722 : i32 to index
      %swap3A_2725 = arith.index_cast %swap3A_2723 : i32 to index
      %swap3A_2726 = arith.constant 64 : index
      %swap3A_2727 = tpu.vector_load %arg6[%swap3A_2724, %swap3A_2725, %swap3A_2726] {strides = array<i32>} : memref<3x1x128xi32, #tpu.memory_space<vmem>>, vector<1x1x16xi32>,
      %swap3A_2728 = vector.shape_cast %swap3A_2727 : vector<1x1x16xi32> to vector<16xi32>
      %swap3A_2729 = vector.shape_cast %select_n3A_2721 : vector<16xi32> to vector<1x1x16xi32>
      tpu.vector_store %arg6[%swap3A_2724, %swap3A_2725, %swap3A_2726], %swap3A_2729 {strides = array<i32>} : memref<3x1x128xi32, #tpu.memory_space<vmem>>, vector<1x1x16xi32>,
      %get3A_2730 = arith.constant 2 : i32
      %get3A_2731 = arith.constant 0 : i32
      %get3A_2732 = arith.index_cast %get3A_2730 : i32 to index
      %get3A_2733 = arith.index_cast %get3A_2731 : i32 to index
      %get3A_2734 = arith.constant 80 : index
      %get3A_2735 = tpu.vector_load %arg6[%get3A_2732, %get3A_2733, %get3A_2734] {strides = array<i32>} : memref<3x1x128xi32, #tpu.memory_space<vmem>>, vector<1x1x16xi32>,
      %get3A_2736 = vector.shape_cast %get3A_2735 : vector<1x1x16xi32> to vector<16xi32>
      %sub3A_2737 = vector.broadcast %mul3A_0 : i32 to vector<16xi32>
      %sub3A_2738 = arith.subi %get3A_2736, %sub3A_2737 : vector<16xi32>
      %add3A_2739 = arith.constant 0 : i32
      %add3A_2740 = vector.broadcast %add3A_2739 : i32 to vector<16xi32>
      %add3A_2741 = arith.addi %sub3A_2738, %add3A_2740 : vector<16xi32>
      %ge3A_2742 = arith.constant 0 : i32
      %ge3A_2743 = vector.broadcast %ge3A_2742 : i32 to vector<16xi32>
      %ge3A_2744 = arith.cmpi sge, %add3A_2741, %ge3A_2743 : vector<16xi32>
      %lt3A_2745 = arith.constant 5000 : i32
      %lt3A_2746 = vector.broadcast %lt3A_2745 : i32 to vector<16xi32>
      %lt3A_2747 = arith.cmpi slt, %add3A_2741, %lt3A_2746 : vector<16xi32>
      %and3A_2748 = arith.andi %ge3A_2744, %lt3A_2747 : vector<16xi1>
      %select_n3A_2749 = arith.select %and3A_2748, %add3A_2741, %broadcast_in_dim3A_1 : vector<16xi1>, vector<16xi32>
      %swap3A_2750 = arith.constant 2 : i32
      %swap3A_2751 = arith.constant 0 : i32
      %swap3A_2752 = arith.index_cast %swap3A_2750 : i32 to index
      %swap3A_2753 = arith.index_cast %swap3A_2751 : i32 to index
      %swap3A_2754 = arith.constant 80 : index
      %swap3A_2755 = tpu.vector_load %arg6[%swap3A_2752, %swap3A_2753, %swap3A_2754] {strides = array<i32>} : memref<3x1x128xi32, #tpu.memory_space<vmem>>, vector<1x1x16xi32>,
      %swap3A_2756 = vector.shape_cast %swap3A_2755 : vector<1x1x16xi32> to vector<16xi32>
      %swap3A_2757 = vector.shape_cast %select_n3A_2749 : vector<16xi32> to vector<1x1x16xi32>
      tpu.vector_store %arg6[%swap3A_2752, %swap3A_2753, %swap3A_2754], %swap3A_2757 {strides = array<i32>} : memref<3x1x128xi32, #tpu.memory_space<vmem>>, vector<1x1x16xi32>,
      %get3A_2758 = arith.constant 2 : i32
      %get3A_2759 = arith.constant 0 : i32
      %get3A_2760 = arith.index_cast %get3A_2758 : i32 to index
      %get3A_2761 = arith.index_cast %get3A_2759 : i32 to index
      %get3A_2762 = arith.constant 96 : index
      %get3A_2763 = tpu.vector_load %arg6[%get3A_2760, %get3A_2761, %get3A_2762] {strides = array<i32>} : memref<3x1x128xi32, #tpu.memory_space<vmem>>, vector<1x1x16xi32>,
      %get3A_2764 = vector.shape_cast %get3A_2763 : vector<1x1x16xi32> to vector<16xi32>
      %sub3A_2765 = vector.broadcast %mul3A_0 : i32 to vector<16xi32>
      %sub3A_2766 = arith.subi %get3A_2764, %sub3A_2765 : vector<16xi32>
      %add3A_2767 = arith.constant 0 : i32
      %add3A_2768 = vector.broadcast %add3A_2767 : i32 to vector<16xi32>
      %add3A_2769 = arith.addi %sub3A_2766, %add3A_2768 : vector<16xi32>
      %ge3A_2770 = arith.constant 0 : i32
      %ge3A_2771 = vector.broadcast %ge3A_2770 : i32 to vector<16xi32>
      %ge3A_2772 = arith.cmpi sge, %add3A_2769, %ge3A_2771 : vector<16xi32>
      %lt3A_2773 = arith.constant 5000 : i32
      %lt3A_2774 = vector.broadcast %lt3A_2773 : i32 to vector<16xi32>
      %lt3A_2775 = arith.cmpi slt, %add3A_2769, %lt3A_2774 : vector<16xi32>
      %and3A_2776 = arith.andi %ge3A_2772, %lt3A_2775 : vector<16xi1>
      %select_n3A_2777 = arith.select %and3A_2776, %add3A_2769, %broadcast_in_dim3A_1 : vector<16xi1>, vector<16xi32>
      %swap3A_2778 = arith.constant 2 : i32
      %swap3A_2779 = arith.constant 0 : i32
      %swap3A_2780 = arith.index_cast %swap3A_2778 : i32 to index
      %swap3A_2781 = arith.index_cast %swap3A_2779 : i32 to index
      %swap3A_2782 = arith.constant 96 : index
      %swap3A_2783 = tpu.vector_load %arg6[%swap3A_2780, %swap3A_2781, %swap3A_2782] {strides = array<i32>} : memref<3x1x128xi32, #tpu.memory_space<vmem>>, vector<1x1x16xi32>,
      %swap3A_2784 = vector.shape_cast %swap3A_2783 : vector<1x1x16xi32> to vector<16xi32>
      %swap3A_2785 = vector.shape_cast %select_n3A_2777 : vector<16xi32> to vector<1x1x16xi32>
      tpu.vector_store %arg6[%swap3A_2780, %swap3A_2781, %swap3A_2782], %swap3A_2785 {strides = array<i32>} : memref<3x1x128xi32, #tpu.memory_space<vmem>>, vector<1x1x16xi32>,
      %get3A_2786 = arith.constant 2 : i32
      %get3A_2787 = arith.constant 0 : i32
      %get3A_2788 = arith.index_cast %get3A_2786 : i32 to index
      %get3A_2789 = arith.index_cast %get3A_2787 : i32 to index
      %get3A_2790 = arith.constant 112 : index
      %get3A_2791 = tpu.vector_load %arg6[%get3A_2788, %get3A_2789, %get3A_2790] {strides = array<i32>} : memref<3x1x128xi32, #tpu.memory_space<vmem>>, vector<1x1x16xi32>,
      %get3A_2792 = vector.shape_cast %get3A_2791 : vector<1x1x16xi32> to vector<16xi32>
      %sub3A_2793 = vector.broadcast %mul3A_0 : i32 to vector<16xi32>
      %sub3A_2794 = arith.subi %get3A_2792, %sub3A_2793 : vector<16xi32>
      %add3A_2795 = arith.constant 0 : i32
      %add3A_2796 = vector.broadcast %add3A_2795 : i32 to vector<16xi32>
      %add3A_2797 = arith.addi %sub3A_2794, %add3A_2796 : vector<16xi32>
      %ge3A_2798 = arith.constant 0 : i32
      %ge3A_2799 = vector.broadcast %ge3A_2798 : i32 to vector<16xi32>
      %ge3A_2800 = arith.cmpi sge, %add3A_2797, %ge3A_2799 : vector<16xi32>
      %lt3A_2801 = arith.constant 5000 : i32
      %lt3A_2802 = vector.broadcast %lt3A_2801 : i32 to vector<16xi32>
      %lt3A_2803 = arith.cmpi slt, %add3A_2797, %lt3A_2802 : vector<16xi32>
      %and3A_2804 = arith.andi %ge3A_2800, %lt3A_2803 : vector<16xi1>
      %select_n3A_2805 = arith.select %and3A_2804, %add3A_2797, %broadcast_in_dim3A_1 : vector<16xi1>, vector<16xi32>
      %swap3A_2806 = arith.constant 2 : i32
      %swap3A_2807 = arith.constant 0 : i32
      %swap3A_2808 = arith.index_cast %swap3A_2806 : i32 to index
      %swap3A_2809 = arith.index_cast %swap3A_2807 : i32 to index
      %swap3A_2810 = arith.constant 112 : index
      %swap3A_2811 = tpu.vector_load %arg6[%swap3A_2808, %swap3A_2809, %swap3A_2810] {strides = array<i32>} : memref<3x1x128xi32, #tpu.memory_space<vmem>>, vector<1x1x16xi32>,
      %swap3A_2812 = vector.shape_cast %swap3A_2811 : vector<1x1x16xi32> to vector<16xi32>
      %swap3A_2813 = vector.shape_cast %select_n3A_2805 : vector<16xi32> to vector<1x1x16xi32>
      tpu.vector_store %arg6[%swap3A_2808, %swap3A_2809, %swap3A_2810], %swap3A_2813 {strides = array<i32>} : memref<3x1x128xi32, #tpu.memory_space<vmem>>, vector<1x1x16xi32>,
      %dma_wait3A_2814 = arith.constant 1 : i32
      %dma_wait3A_2815 = arith.constant 1 : i32
      %dma_wait3A_2816 = arith.constant 0 : i32
      %dma_wait3A_2817 = arith.constant 0 : i32
      %dma_wait3A_2818 = arith.constant 0 : i32
      %dma_wait3A_2819 = tpu.memref_slice %arg5[%dma_wait3A_2814, %dma_wait3A_2817, %dma_wait3A_2818] : memref<3x128x128xf32, #tpu.memory_space<vmem>> -> memref<1x128x128xf32, #tpu.memory_space<vmem>>
      %dma_wait3A_2820 = tpu.memref_squeeze %dma_wait3A_2819 : memref<1x128x128xf32, #tpu.memory_space<vmem>> -> memref<128x128xf32, #tpu.memory_space<vmem>>
      %dma_wait3A_2821 = arith.constant 0 : i32
      %dma_wait3A_2822 = tpu.memref_slice %arg6[%dma_wait3A_2815, %dma_wait3A_2816, %dma_wait3A_2821] : memref<3x1x128xi32, #tpu.memory_space<vmem>> -> memref<1x1x128xi32, #tpu.memory_space<vmem>>
      %dma_wait3A_2823 = tpu.memref_squeeze %dma_wait3A_2822 : memref<1x1x128xi32, #tpu.memory_space<vmem>> -> memref<128xi32, #tpu.memory_space<vmem>>
      %dma_wait3A_2824 = arith.constant 0 : i32
      %dma_wait3A_2825 = arith.constant 0 : i32
      %dma_wait3A_2826 = tpu.memref_slice %arg8[%dma_wait3A_2824, %dma_wait3A_2825] : memref<5008x128xf32, #tpu.memory_space<vmem_shared>> -> memref<5008x128xf32, #tpu.memory_space<vmem_shared>>
      tpu.wait_indirect_dma semaphore(%arg13 : memref<!tpu.dma_semaphore, #tpu.memory_space<semaphore_mem>>) src(%dma_wait3A_2820 : memref<128x128xf32, #tpu.memory_space<vmem>>) dst(%dma_wait3A_2826 : memref<5008x128xf32, #tpu.memory_space<vmem_shared>>)
      %add3A_2827 = arith.constant 2 : i32
      %add3A_2828 = arith.addi %add3A_2558, %add3A_2827 : i32
      %add3A_2829 = arith.addi %mul3A_3, %arg1 : i32
      %mul3A_2830 = arith.constant 16 : i32
      %mul3A_2831 = arith.muli %mul3A_2830, %add3A_2828 : i32
      %add3A_2832 = arith.addi %add3A_2829, %mul3A_2831 : i32
      %mul3A_2833 = arith.constant 128 : i32
      %mul3A_2834 = arith.muli %mul3A_2833, %add3A_2832 : i32
      %add3A_2835 = arith.constant 0 : i32
      %add3A_2836 = arith.addi %mul3A_2834, %add3A_2835 : i32
      %dma_start3A_2837 = arith.constant 1 : i32
      %dma_start3A_2838 = arith.constant 0 : i32
      %dma_start3A_2839 = arith.constant 0 : i32
      %dma_start3A_2840 = tpu.memref_slice %arg6[%dma_start3A_2837, %dma_start3A_2838, %dma_start3A_2839] : memref<3x1x128xi32, #tpu.memory_space<vmem>> -> memref<1x1x128xi32, #tpu.memory_space<vmem>>
      %dma_start3A_2841 = tpu.memref_squeeze %dma_start3A_2840 : memref<1x1x128xi32, #tpu.memory_space<vmem>> -> memref<128xi32, #tpu.memory_space<vmem>>
      %dma_start3A_2842 = tpu.memref_slice %arg3[%add3A_2836] : memref<320000xi32, #tpu.memory_space<hbm>> -> memref<128xi32, #tpu.memory_space<hbm>>
      %dma_start3A_2843 = arith.constant 0 : i32
      %dma_start3A_2844 = tpu.memref_slice %arg6[%dma_start3A_2837, %dma_start3A_2838, %dma_start3A_2843] : memref<3x1x128xi32, #tpu.memory_space<vmem>> -> memref<1x1x128xi32, #tpu.memory_space<vmem>>
      %dma_start3A_2845 = tpu.memref_squeeze %dma_start3A_2844 : memref<1x1x128xi32, #tpu.memory_space<vmem>> -> memref<128xi32, #tpu.memory_space<vmem>>
      %dma_start3A_2846 = tpu.memref_slice %arg3[%add3A_2836] : memref<320000xi32, #tpu.memory_space<hbm>> -> memref<128xi32, #tpu.memory_space<hbm>>
      tpu.enqueue_dma source(%dma_start3A_2846 : memref<128xi32, #tpu.memory_space<hbm>>) target(%dma_start3A_2845 : memref<128xi32, #tpu.memory_space<vmem>>) target_semaphore(%arg10 : memref<!tpu.dma_semaphore, #tpu.memory_space<semaphore_mem>>)
      %dma_start3A_2847 = arith.constant 1 : i32
      %dma_start3A_2848 = arith.constant 0 : i32
      %dma_start3A_2849 = arith.constant 0 : i32
      %dma_start3A_2850 = tpu.memref_slice %arg5[%dma_start3A_2847, %dma_start3A_2848, %dma_start3A_2849] : memref<3x128x128xf32, #tpu.memory_space<vmem>> -> memref<1x128x128xf32, #tpu.memory_space<vmem>>
      %dma_start3A_2851 = tpu.memref_squeeze %dma_start3A_2850 : memref<1x128x128xf32, #tpu.memory_space<vmem>> -> memref<128x128xf32, #tpu.memory_space<vmem>>
      %dma_start3A_2852 = arith.constant 0 : i32
      %dma_start3A_2853 = tpu.memref_slice %arg2[%mul3A_2834, %dma_start3A_2852] : memref<320000x128xf32, #tpu.memory_space<hbm>> -> memref<128x128xf32, #tpu.memory_space<hbm>>
      %dma_start3A_2854 = arith.constant 0 : i32
      %dma_start3A_2855 = arith.constant 0 : i32
      %dma_start3A_2856 = tpu.memref_slice %arg5[%dma_start3A_2847, %dma_start3A_2854, %dma_start3A_2855] : memref<3x128x128xf32, #tpu.memory_space<vmem>> -> memref<1x128x128xf32, #tpu.memory_space<vmem>>
      %dma_start3A_2857 = tpu.memref_squeeze %dma_start3A_2856 : memref<1x128x128xf32, #tpu.memory_space<vmem>> -> memref<128x128xf32, #tpu.memory_space<vmem>>
      %dma_start3A_2858 = arith.constant 0 : i32
      %dma_start3A_2859 = tpu.memref_slice %arg2[%mul3A_2834, %dma_start3A_2858] : memref<320000x128xf32, #tpu.memory_space<hbm>> -> memref<128x128xf32, #tpu.memory_space<hbm>>
      tpu.enqueue_dma source(%dma_start3A_2859 : memref<128x128xf32, #tpu.memory_space<hbm>>) target(%dma_start3A_2857 : memref<128x128xf32, #tpu.memory_space<vmem>>) target_semaphore(%arg10 : memref<!tpu.dma_semaphore, #tpu.memory_space<semaphore_mem>>)
      %dma_start3A_2860 = arith.constant 2 : i32
      %dma_start3A_2861 = arith.constant 2 : i32
      %dma_start3A_2862 = arith.constant 0 : i32
      %dma_start3A_2863 = arith.constant 0 : i32
      %dma_start3A_2864 = arith.constant 0 : i32
      %dma_start3A_2865 = tpu.memref_slice %arg5[%dma_start3A_2860, %dma_start3A_2863, %dma_start3A_2864] : memref<3x128x128xf32, #tpu.memory_space<vmem>> -> memref<1x128x128xf32, #tpu.memory_space<vmem>>
      %dma_start3A_2866 = tpu.memref_squeeze %dma_start3A_2865 : memref<1x128x128xf32, #tpu.memory_space<vmem>> -> memref<128x128xf32, #tpu.memory_space<vmem>>
      %dma_start3A_2867 = arith.constant 0 : i32
      %dma_start3A_2868 = tpu.memref_slice %arg6[%dma_start3A_2861, %dma_start3A_2862, %dma_start3A_2867] : memref<3x1x128xi32, #tpu.memory_space<vmem>> -> memref<1x1x128xi32, #tpu.memory_space<vmem>>
      %dma_start3A_2869 = tpu.memref_squeeze %dma_start3A_2868 : memref<1x1x128xi32, #tpu.memory_space<vmem>> -> memref<128xi32, #tpu.memory_space<vmem>>
      %dma_start3A_2870 = arith.constant 0 : i32
      %dma_start3A_2871 = arith.constant 0 : i32
      %dma_start3A_2872 = tpu.memref_slice %arg8[%dma_start3A_2870, %dma_start3A_2871] : memref<5008x128xf32, #tpu.memory_space<vmem_shared>> -> memref<5008x128xf32, #tpu.memory_space<vmem_shared>>
      tpu.enqueue_indirect_dma source(%dma_start3A_2866 : memref<128x128xf32, #tpu.memory_space<vmem>>) target(%dma_start3A_2872 : memref<5008x128xf32, #tpu.memory_space<vmem_shared>>) offsets(%dma_start3A_2869 : memref<128xi32, #tpu.memory_space<vmem>>) semaphore(%arg14 : memref<!tpu.dma_semaphore, #tpu.memory_space<semaphore_mem>>) {add = true}
      %scan3A_2873 = arith.constant 0 : i32
      scf.yield %scan3A_2873 : i32
    }
    %scan3A_997 = arith.constant 24 : i32
    %add3A_998 = arith.addi %mul3A_3, %arg1 : i32
    %add3A_999 = arith.constant 1200 : i32
    %add3A_1000 = arith.addi %add3A_998, %add3A_999 : i32
    %mul3A_1001 = arith.constant 128 : i32
    %mul3A_1002 = arith.muli %mul3A_1001, %add3A_1000 : i32
    %add3A_1003 = arith.constant 0 : i32
    %add3A_1004 = arith.addi %mul3A_1002, %add3A_1003 : i32
    %dma_wait3A_1005 = arith.constant 0 : i32
    %dma_wait3A_1006 = arith.constant 0 : i32
    %dma_wait3A_1007 = arith.constant 0 : i32
    %dma_wait3A_1008 = tpu.memref_slice %arg6[%dma_wait3A_1005, %dma_wait3A_1006, %dma_wait3A_1007] : memref<3x1x128xi32, #tpu.memory_space<vmem>> -> memref<1x1x128xi32, #tpu.memory_space<vmem>>
    %dma_wait3A_1009 = tpu.memref_squeeze %dma_wait3A_1008 : memref<1x1x128xi32, #tpu.memory_space<vmem>> -> memref<128xi32, #tpu.memory_space<vmem>>
    %dma_wait3A_1010 = tpu.memref_slice %arg3[%add3A_1004] : memref<320000xi32, #tpu.memory_space<hbm>> -> memref<128xi32, #tpu.memory_space<hbm>>
    %dma_wait3A_1011 = arith.constant 0 : i32
    %dma_wait3A_1012 = tpu.memref_slice %arg6[%dma_wait3A_1005, %dma_wait3A_1006, %dma_wait3A_1011] : memref<3x1x128xi32, #tpu.memory_space<vmem>> -> memref<1x1x128xi32, #tpu.memory_space<vmem>>
    %dma_wait3A_1013 = tpu.memref_squeeze %dma_wait3A_1012 : memref<1x1x128xi32, #tpu.memory_space<vmem>> -> memref<128xi32, #tpu.memory_space<vmem>>
    %dma_wait3A_1014 = tpu.memref_slice %arg3[%add3A_1004] : memref<320000xi32, #tpu.memory_space<hbm>> -> memref<128xi32, #tpu.memory_space<hbm>>
    tpu.wait_dma2 semaphore(%arg9 : memref<!tpu.dma_semaphore, #tpu.memory_space<semaphore_mem>>) src(%dma_wait3A_1014 : memref<128xi32, #tpu.memory_space<hbm>>) dst(%dma_wait3A_1013 : memref<128xi32, #tpu.memory_space<vmem>>)
    %dma_wait3A_1015 = arith.constant 0 : i32
    %dma_wait3A_1016 = arith.constant 0 : i32
    %dma_wait3A_1017 = arith.constant 0 : i32
    %dma_wait3A_1018 = tpu.memref_slice %arg5[%dma_wait3A_1015, %dma_wait3A_1016, %dma_wait3A_1017] : memref<3x128x128xf32, #tpu.memory_space<vmem>> -> memref<1x128x128xf32, #tpu.memory_space<vmem>>
    %dma_wait3A_1019 = tpu.memref_squeeze %dma_wait3A_1018 : memref<1x128x128xf32, #tpu.memory_space<vmem>> -> memref<128x128xf32, #tpu.memory_space<vmem>>
    %dma_wait3A_1020 = arith.constant 0 : i32
    %dma_wait3A_1021 = tpu.memref_slice %arg2[%mul3A_1002, %dma_wait3A_1020] : memref<320000x128xf32, #tpu.memory_space<hbm>> -> memref<128x128xf32, #tpu.memory_space<hbm>>
    %dma_wait3A_1022 = arith.constant 0 : i32
    %dma_wait3A_1023 = arith.constant 0 : i32
    %dma_wait3A_1024 = tpu.memref_slice %arg5[%dma_wait3A_1015, %dma_wait3A_1022, %dma_wait3A_1023] : memref<3x128x128xf32, #tpu.memory_space<vmem>> -> memref<1x128x128xf32, #tpu.memory_space<vmem>>
    %dma_wait3A_1025 = tpu.memref_squeeze %dma_wait3A_1024 : memref<1x128x128xf32, #tpu.memory_space<vmem>> -> memref<128x128xf32, #tpu.memory_space<vmem>>
    %dma_wait3A_1026 = arith.constant 0 : i32
    %dma_wait3A_1027 = tpu.memref_slice %arg2[%mul3A_1002, %dma_wait3A_1026] : memref<320000x128xf32, #tpu.memory_space<hbm>> -> memref<128x128xf32, #tpu.memory_space<hbm>>
    tpu.wait_dma2 semaphore(%arg9 : memref<!tpu.dma_semaphore, #tpu.memory_space<semaphore_mem>>) src(%dma_wait3A_1027 : memref<128x128xf32, #tpu.memory_space<hbm>>) dst(%dma_wait3A_1025 : memref<128x128xf32, #tpu.memory_space<vmem>>)
    %get3A_1028 = arith.constant 0 : i32
    %get3A_1029 = arith.constant 0 : i32
    %get3A_1030 = arith.index_cast %get3A_1028 : i32 to index
    %get3A_1031 = arith.index_cast %get3A_1029 : i32 to index
    %get3A_1032 = arith.constant 0 : index
    %get3A_1033 = tpu.vector_load %arg6[%get3A_1030, %get3A_1031, %get3A_1032] {strides = array<i32>} : memref<3x1x128xi32, #tpu.memory_space<vmem>>, vector<1x1x16xi32>,
    %get3A_1034 = vector.shape_cast %get3A_1033 : vector<1x1x16xi32> to vector<16xi32>
    %sub3A_1035 = vector.broadcast %mul3A_0 : i32 to vector<16xi32>
    %sub3A_1036 = arith.subi %get3A_1034, %sub3A_1035 : vector<16xi32>
    %add3A_1037 = arith.constant 0 : i32
    %add3A_1038 = vector.broadcast %add3A_1037 : i32 to vector<16xi32>
    %add3A_1039 = arith.addi %sub3A_1036, %add3A_1038 : vector<16xi32>
    %ge3A_1040 = arith.constant 0 : i32
    %ge3A_1041 = vector.broadcast %ge3A_1040 : i32 to vector<16xi32>
    %ge3A_1042 = arith.cmpi sge, %add3A_1039, %ge3A_1041 : vector<16xi32>
    %lt3A_1043 = arith.constant 5000 : i32
    %lt3A_1044 = vector.broadcast %lt3A_1043 : i32 to vector<16xi32>
    %lt3A_1045 = arith.cmpi slt, %add3A_1039, %lt3A_1044 : vector<16xi32>
    %and3A_1046 = arith.andi %ge3A_1042, %lt3A_1045 : vector<16xi1>
    %select_n3A_1047 = arith.select %and3A_1046, %add3A_1039, %broadcast_in_dim3A_1 : vector<16xi1>, vector<16xi32>
    %swap3A_1048 = arith.constant 0 : i32
    %swap3A_1049 = arith.constant 0 : i32
    %swap3A_1050 = arith.index_cast %swap3A_1048 : i32 to index
    %swap3A_1051 = arith.index_cast %swap3A_1049 : i32 to index
    %swap3A_1052 = arith.constant 0 : index
    %swap3A_1053 = tpu.vector_load %arg6[%swap3A_1050, %swap3A_1051, %swap3A_1052] {strides = array<i32>} : memref<3x1x128xi32, #tpu.memory_space<vmem>>, vector<1x1x16xi32>,
    %swap3A_1054 = vector.shape_cast %swap3A_1053 : vector<1x1x16xi32> to vector<16xi32>
    %swap3A_1055 = vector.shape_cast %select_n3A_1047 : vector<16xi32> to vector<1x1x16xi32>
    tpu.vector_store %arg6[%swap3A_1050, %swap3A_1051, %swap3A_1052], %swap3A_1055 {strides = array<i32>} : memref<3x1x128xi32, #tpu.memory_space<vmem>>, vector<1x1x16xi32>,
    %get3A_1056 = arith.constant 0 : i32
    %get3A_1057 = arith.constant 0 : i32
    %get3A_1058 = arith.index_cast %get3A_1056 : i32 to index
    %get3A_1059 = arith.index_cast %get3A_1057 : i32 to index
    %get3A_1060 = arith.constant 16 : index
    %get3A_1061 = tpu.vector_load %arg6[%get3A_1058, %get3A_1059, %get3A_1060] {strides = array<i32>} : memref<3x1x128xi32, #tpu.memory_space<vmem>>, vector<1x1x16xi32>,
    %get3A_1062 = vector.shape_cast %get3A_1061 : vector<1x1x16xi32> to vector<16xi32>
    %sub3A_1063 = vector.broadcast %mul3A_0 : i32 to vector<16xi32>
    %sub3A_1064 = arith.subi %get3A_1062, %sub3A_1063 : vector<16xi32>
    %add3A_1065 = arith.constant 0 : i32
    %add3A_1066 = vector.broadcast %add3A_1065 : i32 to vector<16xi32>
    %add3A_1067 = arith.addi %sub3A_1064, %add3A_1066 : vector<16xi32>
    %ge3A_1068 = arith.constant 0 : i32
    %ge3A_1069 = vector.broadcast %ge3A_1068 : i32 to vector<16xi32>
    %ge3A_1070 = arith.cmpi sge, %add3A_1067, %ge3A_1069 : vector<16xi32>
    %lt3A_1071 = arith.constant 5000 : i32
    %lt3A_1072 = vector.broadcast %lt3A_1071 : i32 to vector<16xi32>
    %lt3A_1073 = arith.cmpi slt, %add3A_1067, %lt3A_1072 : vector<16xi32>
    %and3A_1074 = arith.andi %ge3A_1070, %lt3A_1073 : vector<16xi1>
    %select_n3A_1075 = arith.select %and3A_1074, %add3A_1067, %broadcast_in_dim3A_1 : vector<16xi1>, vector<16xi32>
    %swap3A_1076 = arith.constant 0 : i32
    %swap3A_1077 = arith.constant 0 : i32
    %swap3A_1078 = arith.index_cast %swap3A_1076 : i32 to index
    %swap3A_1079 = arith.index_cast %swap3A_1077 : i32 to index
    %swap3A_1080 = arith.constant 16 : index
    %swap3A_1081 = tpu.vector_load %arg6[%swap3A_1078, %swap3A_1079, %swap3A_1080] {strides = array<i32>} : memref<3x1x128xi32, #tpu.memory_space<vmem>>, vector<1x1x16xi32>,
    %swap3A_1082 = vector.shape_cast %swap3A_1081 : vector<1x1x16xi32> to vector<16xi32>
    %swap3A_1083 = vector.shape_cast %select_n3A_1075 : vector<16xi32> to vector<1x1x16xi32>
    tpu.vector_store %arg6[%swap3A_1078, %swap3A_1079, %swap3A_1080], %swap3A_1083 {strides = array<i32>} : memref<3x1x128xi32, #tpu.memory_space<vmem>>, vector<1x1x16xi32>,
    %get3A_1084 = arith.constant 0 : i32
    %get3A_1085 = arith.constant 0 : i32
    %get3A_1086 = arith.index_cast %get3A_1084 : i32 to index
    %get3A_1087 = arith.index_cast %get3A_1085 : i32 to index
    %get3A_1088 = arith.constant 32 : index
    %get3A_1089 = tpu.vector_load %arg6[%get3A_1086, %get3A_1087, %get3A_1088] {strides = array<i32>} : memref<3x1x128xi32, #tpu.memory_space<vmem>>, vector<1x1x16xi32>,
    %get3A_1090 = vector.shape_cast %get3A_1089 : vector<1x1x16xi32> to vector<16xi32>
    %sub3A_1091 = vector.broadcast %mul3A_0 : i32 to vector<16xi32>
    %sub3A_1092 = arith.subi %get3A_1090, %sub3A_1091 : vector<16xi32>
    %add3A_1093 = arith.constant 0 : i32
    %add3A_1094 = vector.broadcast %add3A_1093 : i32 to vector<16xi32>
    %add3A_1095 = arith.addi %sub3A_1092, %add3A_1094 : vector<16xi32>
    %ge3A_1096 = arith.constant 0 : i32
    %ge3A_1097 = vector.broadcast %ge3A_1096 : i32 to vector<16xi32>
    %ge3A_1098 = arith.cmpi sge, %add3A_1095, %ge3A_1097 : vector<16xi32>
    %lt3A_1099 = arith.constant 5000 : i32
    %lt3A_1100 = vector.broadcast %lt3A_1099 : i32 to vector<16xi32>
    %lt3A_1101 = arith.cmpi slt, %add3A_1095, %lt3A_1100 : vector<16xi32>
    %and3A_1102 = arith.andi %ge3A_1098, %lt3A_1101 : vector<16xi1>
    %select_n3A_1103 = arith.select %and3A_1102, %add3A_1095, %broadcast_in_dim3A_1 : vector<16xi1>, vector<16xi32>
    %swap3A_1104 = arith.constant 0 : i32
    %swap3A_1105 = arith.constant 0 : i32
    %swap3A_1106 = arith.index_cast %swap3A_1104 : i32 to index
    %swap3A_1107 = arith.index_cast %swap3A_1105 : i32 to index
    %swap3A_1108 = arith.constant 32 : index
    %swap3A_1109 = tpu.vector_load %arg6[%swap3A_1106, %swap3A_1107, %swap3A_1108] {strides = array<i32>} : memref<3x1x128xi32, #tpu.memory_space<vmem>>, vector<1x1x16xi32>,
    %swap3A_1110 = vector.shape_cast %swap3A_1109 : vector<1x1x16xi32> to vector<16xi32>
    %swap3A_1111 = vector.shape_cast %select_n3A_1103 : vector<16xi32> to vector<1x1x16xi32>
    tpu.vector_store %arg6[%swap3A_1106, %swap3A_1107, %swap3A_1108], %swap3A_1111 {strides = array<i32>} : memref<3x1x128xi32, #tpu.memory_space<vmem>>, vector<1x1x16xi32>,
    %get3A_1112 = arith.constant 0 : i32
    %get3A_1113 = arith.constant 0 : i32
    %get3A_1114 = arith.index_cast %get3A_1112 : i32 to index
    %get3A_1115 = arith.index_cast %get3A_1113 : i32 to index
    %get3A_1116 = arith.constant 48 : index
    %get3A_1117 = tpu.vector_load %arg6[%get3A_1114, %get3A_1115, %get3A_1116] {strides = array<i32>} : memref<3x1x128xi32, #tpu.memory_space<vmem>>, vector<1x1x16xi32>,
    %get3A_1118 = vector.shape_cast %get3A_1117 : vector<1x1x16xi32> to vector<16xi32>
    %sub3A_1119 = vector.broadcast %mul3A_0 : i32 to vector<16xi32>
    %sub3A_1120 = arith.subi %get3A_1118, %sub3A_1119 : vector<16xi32>
    %add3A_1121 = arith.constant 0 : i32
    %add3A_1122 = vector.broadcast %add3A_1121 : i32 to vector<16xi32>
    %add3A_1123 = arith.addi %sub3A_1120, %add3A_1122 : vector<16xi32>
    %ge3A_1124 = arith.constant 0 : i32
    %ge3A_1125 = vector.broadcast %ge3A_1124 : i32 to vector<16xi32>
    %ge3A_1126 = arith.cmpi sge, %add3A_1123, %ge3A_1125 : vector<16xi32>
    %lt3A_1127 = arith.constant 5000 : i32
    %lt3A_1128 = vector.broadcast %lt3A_1127 : i32 to vector<16xi32>
    %lt3A_1129 = arith.cmpi slt, %add3A_1123, %lt3A_1128 : vector<16xi32>
    %and3A_1130 = arith.andi %ge3A_1126, %lt3A_1129 : vector<16xi1>
    %select_n3A_1131 = arith.select %and3A_1130, %add3A_1123, %broadcast_in_dim3A_1 : vector<16xi1>, vector<16xi32>
    %swap3A_1132 = arith.constant 0 : i32
    %swap3A_1133 = arith.constant 0 : i32
    %swap3A_1134 = arith.index_cast %swap3A_1132 : i32 to index
    %swap3A_1135 = arith.index_cast %swap3A_1133 : i32 to index
    %swap3A_1136 = arith.constant 48 : index
    %swap3A_1137 = tpu.vector_load %arg6[%swap3A_1134, %swap3A_1135, %swap3A_1136] {strides = array<i32>} : memref<3x1x128xi32, #tpu.memory_space<vmem>>, vector<1x1x16xi32>,
    %swap3A_1138 = vector.shape_cast %swap3A_1137 : vector<1x1x16xi32> to vector<16xi32>
    %swap3A_1139 = vector.shape_cast %select_n3A_1131 : vector<16xi32> to vector<1x1x16xi32>
    tpu.vector_store %arg6[%swap3A_1134, %swap3A_1135, %swap3A_1136], %swap3A_1139 {strides = array<i32>} : memref<3x1x128xi32, #tpu.memory_space<vmem>>, vector<1x1x16xi32>,
    %get3A_1140 = arith.constant 0 : i32
    %get3A_1141 = arith.constant 0 : i32
    %get3A_1142 = arith.index_cast %get3A_1140 : i32 to index
    %get3A_1143 = arith.index_cast %get3A_1141 : i32 to index
    %get3A_1144 = arith.constant 64 : index
    %get3A_1145 = tpu.vector_load %arg6[%get3A_1142, %get3A_1143, %get3A_1144] {strides = array<i32>} : memref<3x1x128xi32, #tpu.memory_space<vmem>>, vector<1x1x16xi32>,
    %get3A_1146 = vector.shape_cast %get3A_1145 : vector<1x1x16xi32> to vector<16xi32>
    %sub3A_1147 = vector.broadcast %mul3A_0 : i32 to vector<16xi32>
    %sub3A_1148 = arith.subi %get3A_1146, %sub3A_1147 : vector<16xi32>
    %add3A_1149 = arith.constant 0 : i32
    %add3A_1150 = vector.broadcast %add3A_1149 : i32 to vector<16xi32>
    %add3A_1151 = arith.addi %sub3A_1148, %add3A_1150 : vector<16xi32>
    %ge3A_1152 = arith.constant 0 : i32
    %ge3A_1153 = vector.broadcast %ge3A_1152 : i32 to vector<16xi32>
    %ge3A_1154 = arith.cmpi sge, %add3A_1151, %ge3A_1153 : vector<16xi32>
    %lt3A_1155 = arith.constant 5000 : i32
    %lt3A_1156 = vector.broadcast %lt3A_1155 : i32 to vector<16xi32>
    %lt3A_1157 = arith.cmpi slt, %add3A_1151, %lt3A_1156 : vector<16xi32>
    %and3A_1158 = arith.andi %ge3A_1154, %lt3A_1157 : vector<16xi1>
    %select_n3A_1159 = arith.select %and3A_1158, %add3A_1151, %broadcast_in_dim3A_1 : vector<16xi1>, vector<16xi32>
    %swap3A_1160 = arith.constant 0 : i32
    %swap3A_1161 = arith.constant 0 : i32
    %swap3A_1162 = arith.index_cast %swap3A_1160 : i32 to index
    %swap3A_1163 = arith.index_cast %swap3A_1161 : i32 to index
    %swap3A_1164 = arith.constant 64 : index
    %swap3A_1165 = tpu.vector_load %arg6[%swap3A_1162, %swap3A_1163, %swap3A_1164] {strides = array<i32>} : memref<3x1x128xi32, #tpu.memory_space<vmem>>, vector<1x1x16xi32>,
    %swap3A_1166 = vector.shape_cast %swap3A_1165 : vector<1x1x16xi32> to vector<16xi32>
    %swap3A_1167 = vector.shape_cast %select_n3A_1159 : vector<16xi32> to vector<1x1x16xi32>
    tpu.vector_store %arg6[%swap3A_1162, %swap3A_1163, %swap3A_1164], %swap3A_1167 {strides = array<i32>} : memref<3x1x128xi32, #tpu.memory_space<vmem>>, vector<1x1x16xi32>,
    %get3A_1168 = arith.constant 0 : i32
    %get3A_1169 = arith.constant 0 : i32
    %get3A_1170 = arith.index_cast %get3A_1168 : i32 to index
    %get3A_1171 = arith.index_cast %get3A_1169 : i32 to index
    %get3A_1172 = arith.constant 80 : index
    %get3A_1173 = tpu.vector_load %arg6[%get3A_1170, %get3A_1171, %get3A_1172] {strides = array<i32>} : memref<3x1x128xi32, #tpu.memory_space<vmem>>, vector<1x1x16xi32>,
    %get3A_1174 = vector.shape_cast %get3A_1173 : vector<1x1x16xi32> to vector<16xi32>
    %sub3A_1175 = vector.broadcast %mul3A_0 : i32 to vector<16xi32>
    %sub3A_1176 = arith.subi %get3A_1174, %sub3A_1175 : vector<16xi32>
    %add3A_1177 = arith.constant 0 : i32
    %add3A_1178 = vector.broadcast %add3A_1177 : i32 to vector<16xi32>
    %add3A_1179 = arith.addi %sub3A_1176, %add3A_1178 : vector<16xi32>
    %ge3A_1180 = arith.constant 0 : i32
    %ge3A_1181 = vector.broadcast %ge3A_1180 : i32 to vector<16xi32>
    %ge3A_1182 = arith.cmpi sge, %add3A_1179, %ge3A_1181 : vector<16xi32>
    %lt3A_1183 = arith.constant 5000 : i32
    %lt3A_1184 = vector.broadcast %lt3A_1183 : i32 to vector<16xi32>
    %lt3A_1185 = arith.cmpi slt, %add3A_1179, %lt3A_1184 : vector<16xi32>
    %and3A_1186 = arith.andi %ge3A_1182, %lt3A_1185 : vector<16xi1>
    %select_n3A_1187 = arith.select %and3A_1186, %add3A_1179, %broadcast_in_dim3A_1 : vector<16xi1>, vector<16xi32>
    %swap3A_1188 = arith.constant 0 : i32
    %swap3A_1189 = arith.constant 0 : i32
    %swap3A_1190 = arith.index_cast %swap3A_1188 : i32 to index
    %swap3A_1191 = arith.index_cast %swap3A_1189 : i32 to index
    %swap3A_1192 = arith.constant 80 : index
    %swap3A_1193 = tpu.vector_load %arg6[%swap3A_1190, %swap3A_1191, %swap3A_1192] {strides = array<i32>} : memref<3x1x128xi32, #tpu.memory_space<vmem>>, vector<1x1x16xi32>,
    %swap3A_1194 = vector.shape_cast %swap3A_1193 : vector<1x1x16xi32> to vector<16xi32>
    %swap3A_1195 = vector.shape_cast %select_n3A_1187 : vector<16xi32> to vector<1x1x16xi32>
    tpu.vector_store %arg6[%swap3A_1190, %swap3A_1191, %swap3A_1192], %swap3A_1195 {strides = array<i32>} : memref<3x1x128xi32, #tpu.memory_space<vmem>>, vector<1x1x16xi32>,
    %get3A_1196 = arith.constant 0 : i32
    %get3A_1197 = arith.constant 0 : i32
    %get3A_1198 = arith.index_cast %get3A_1196 : i32 to index
    %get3A_1199 = arith.index_cast %get3A_1197 : i32 to index
    %get3A_1200 = arith.constant 96 : index
    %get3A_1201 = tpu.vector_load %arg6[%get3A_1198, %get3A_1199, %get3A_1200] {strides = array<i32>} : memref<3x1x128xi32, #tpu.memory_space<vmem>>, vector<1x1x16xi32>,
    %get3A_1202 = vector.shape_cast %get3A_1201 : vector<1x1x16xi32> to vector<16xi32>
    %sub3A_1203 = vector.broadcast %mul3A_0 : i32 to vector<16xi32>
    %sub3A_1204 = arith.subi %get3A_1202, %sub3A_1203 : vector<16xi32>
    %add3A_1205 = arith.constant 0 : i32
    %add3A_1206 = vector.broadcast %add3A_1205 : i32 to vector<16xi32>
    %add3A_1207 = arith.addi %sub3A_1204, %add3A_1206 : vector<16xi32>
    %ge3A_1208 = arith.constant 0 : i32
    %ge3A_1209 = vector.broadcast %ge3A_1208 : i32 to vector<16xi32>
    %ge3A_1210 = arith.cmpi sge, %add3A_1207, %ge3A_1209 : vector<16xi32>
    %lt3A_1211 = arith.constant 5000 : i32
    %lt3A_1212 = vector.broadcast %lt3A_1211 : i32 to vector<16xi32>
    %lt3A_1213 = arith.cmpi slt, %add3A_1207, %lt3A_1212 : vector<16xi32>
    %and3A_1214 = arith.andi %ge3A_1210, %lt3A_1213 : vector<16xi1>
    %select_n3A_1215 = arith.select %and3A_1214, %add3A_1207, %broadcast_in_dim3A_1 : vector<16xi1>, vector<16xi32>
    %swap3A_1216 = arith.constant 0 : i32
    %swap3A_1217 = arith.constant 0 : i32
    %swap3A_1218 = arith.index_cast %swap3A_1216 : i32 to index
    %swap3A_1219 = arith.index_cast %swap3A_1217 : i32 to index
    %swap3A_1220 = arith.constant 96 : index
    %swap3A_1221 = tpu.vector_load %arg6[%swap3A_1218, %swap3A_1219, %swap3A_1220] {strides = array<i32>} : memref<3x1x128xi32, #tpu.memory_space<vmem>>, vector<1x1x16xi32>,
    %swap3A_1222 = vector.shape_cast %swap3A_1221 : vector<1x1x16xi32> to vector<16xi32>
    %swap3A_1223 = vector.shape_cast %select_n3A_1215 : vector<16xi32> to vector<1x1x16xi32>
    tpu.vector_store %arg6[%swap3A_1218, %swap3A_1219, %swap3A_1220], %swap3A_1223 {strides = array<i32>} : memref<3x1x128xi32, #tpu.memory_space<vmem>>, vector<1x1x16xi32>,
    %get3A_1224 = arith.constant 0 : i32
    %get3A_1225 = arith.constant 0 : i32
    %get3A_1226 = arith.index_cast %get3A_1224 : i32 to index
    %get3A_1227 = arith.index_cast %get3A_1225 : i32 to index
    %get3A_1228 = arith.constant 112 : index
    %get3A_1229 = tpu.vector_load %arg6[%get3A_1226, %get3A_1227, %get3A_1228] {strides = array<i32>} : memref<3x1x128xi32, #tpu.memory_space<vmem>>, vector<1x1x16xi32>,
    %get3A_1230 = vector.shape_cast %get3A_1229 : vector<1x1x16xi32> to vector<16xi32>
    %sub3A_1231 = vector.broadcast %mul3A_0 : i32 to vector<16xi32>
    %sub3A_1232 = arith.subi %get3A_1230, %sub3A_1231 : vector<16xi32>
    %add3A_1233 = arith.constant 0 : i32
    %add3A_1234 = vector.broadcast %add3A_1233 : i32 to vector<16xi32>
    %add3A_1235 = arith.addi %sub3A_1232, %add3A_1234 : vector<16xi32>
    %ge3A_1236 = arith.constant 0 : i32
    %ge3A_1237 = vector.broadcast %ge3A_1236 : i32 to vector<16xi32>
    %ge3A_1238 = arith.cmpi sge, %add3A_1235, %ge3A_1237 : vector<16xi32>
    %lt3A_1239 = arith.constant 5000 : i32
    %lt3A_1240 = vector.broadcast %lt3A_1239 : i32 to vector<16xi32>
    %lt3A_1241 = arith.cmpi slt, %add3A_1235, %lt3A_1240 : vector<16xi32>
    %and3A_1242 = arith.andi %ge3A_1238, %lt3A_1241 : vector<16xi1>
    %select_n3A_1243 = arith.select %and3A_1242, %add3A_1235, %broadcast_in_dim3A_1 : vector<16xi1>, vector<16xi32>
    %swap3A_1244 = arith.constant 0 : i32
    %swap3A_1245 = arith.constant 0 : i32
    %swap3A_1246 = arith.index_cast %swap3A_1244 : i32 to index
    %swap3A_1247 = arith.index_cast %swap3A_1245 : i32 to index
    %swap3A_1248 = arith.constant 112 : index
    %swap3A_1249 = tpu.vector_load %arg6[%swap3A_1246, %swap3A_1247, %swap3A_1248] {strides = array<i32>} : memref<3x1x128xi32, #tpu.memory_space<vmem>>, vector<1x1x16xi32>,
    %swap3A_1250 = vector.shape_cast %swap3A_1249 : vector<1x1x16xi32> to vector<16xi32>
    %swap3A_1251 = vector.shape_cast %select_n3A_1243 : vector<16xi32> to vector<1x1x16xi32>
    tpu.vector_store %arg6[%swap3A_1246, %swap3A_1247, %swap3A_1248], %swap3A_1251 {strides = array<i32>} : memref<3x1x128xi32, #tpu.memory_space<vmem>>, vector<1x1x16xi32>,
    %dma_wait3A_1252 = arith.constant 2 : i32
    %dma_wait3A_1253 = arith.constant 2 : i32
    %dma_wait3A_1254 = arith.constant 0 : i32
    %dma_wait3A_1255 = arith.constant 0 : i32
    %dma_wait3A_1256 = arith.constant 0 : i32
    %dma_wait3A_1257 = tpu.memref_slice %arg5[%dma_wait3A_1252, %dma_wait3A_1255, %dma_wait3A_1256] : memref<3x128x128xf32, #tpu.memory_space<vmem>> -> memref<1x128x128xf32, #tpu.memory_space<vmem>>
    %dma_wait3A_1258 = tpu.memref_squeeze %dma_wait3A_1257 : memref<1x128x128xf32, #tpu.memory_space<vmem>> -> memref<128x128xf32, #tpu.memory_space<vmem>>
    %dma_wait3A_1259 = arith.constant 0 : i32
    %dma_wait3A_1260 = tpu.memref_slice %arg6[%dma_wait3A_1253, %dma_wait3A_1254, %dma_wait3A_1259] : memref<3x1x128xi32, #tpu.memory_space<vmem>> -> memref<1x1x128xi32, #tpu.memory_space<vmem>>
    %dma_wait3A_1261 = tpu.memref_squeeze %dma_wait3A_1260 : memref<1x1x128xi32, #tpu.memory_space<vmem>> -> memref<128xi32, #tpu.memory_space<vmem>>
    %dma_wait3A_1262 = arith.constant 0 : i32
    %dma_wait3A_1263 = arith.constant 0 : i32
    %dma_wait3A_1264 = tpu.memref_slice %arg8[%dma_wait3A_1262, %dma_wait3A_1263] : memref<5008x128xf32, #tpu.memory_space<vmem_shared>> -> memref<5008x128xf32, #tpu.memory_space<vmem_shared>>
    tpu.wait_indirect_dma semaphore(%arg14 : memref<!tpu.dma_semaphore, #tpu.memory_space<semaphore_mem>>) src(%dma_wait3A_1258 : memref<128x128xf32, #tpu.memory_space<vmem>>) dst(%dma_wait3A_1264 : memref<5008x128xf32, #tpu.memory_space<vmem_shared>>)
    %add3A_1265 = arith.addi %mul3A_3, %arg1 : i32
    %add3A_1266 = arith.constant 1232 : i32
    %add3A_1267 = arith.addi %add3A_1265, %add3A_1266 : i32
    %mul3A_1268 = arith.constant 128 : i32
    %mul3A_1269 = arith.muli %mul3A_1268, %add3A_1267 : i32
    %add3A_1270 = arith.constant 0 : i32
    %add3A_1271 = arith.addi %mul3A_1269, %add3A_1270 : i32
    %dma_start3A_1272 = arith.constant 2 : i32
    %dma_start3A_1273 = arith.constant 0 : i32
    %dma_start3A_1274 = arith.constant 0 : i32
    %dma_start3A_1275 = tpu.memref_slice %arg6[%dma_start3A_1272, %dma_start3A_1273, %dma_start3A_1274] : memref<3x1x128xi32, #tpu.memory_space<vmem>> -> memref<1x1x128xi32, #tpu.memory_space<vmem>>
    %dma_start3A_1276 = tpu.memref_squeeze %dma_start3A_1275 : memref<1x1x128xi32, #tpu.memory_space<vmem>> -> memref<128xi32, #tpu.memory_space<vmem>>
    %dma_start3A_1277 = tpu.memref_slice %arg3[%add3A_1271] : memref<320000xi32, #tpu.memory_space<hbm>> -> memref<128xi32, #tpu.memory_space<hbm>>
    %dma_start3A_1278 = arith.constant 0 : i32
    %dma_start3A_1279 = tpu.memref_slice %arg6[%dma_start3A_1272, %dma_start3A_1273, %dma_start3A_1278] : memref<3x1x128xi32, #tpu.memory_space<vmem>> -> memref<1x1x128xi32, #tpu.memory_space<vmem>>
    %dma_start3A_1280 = tpu.memref_squeeze %dma_start3A_1279 : memref<1x1x128xi32, #tpu.memory_space<vmem>> -> memref<128xi32, #tpu.memory_space<vmem>>
    %dma_start3A_1281 = tpu.memref_slice %arg3[%add3A_1271] : memref<320000xi32, #tpu.memory_space<hbm>> -> memref<128xi32, #tpu.memory_space<hbm>>
    tpu.enqueue_dma source(%dma_start3A_1281 : memref<128xi32, #tpu.memory_space<hbm>>) target(%dma_start3A_1280 : memref<128xi32, #tpu.memory_space<vmem>>) target_semaphore(%arg11 : memref<!tpu.dma_semaphore, #tpu.memory_space<semaphore_mem>>)
    %dma_start3A_1282 = arith.constant 2 : i32
    %dma_start3A_1283 = arith.constant 0 : i32
    %dma_start3A_1284 = arith.constant 0 : i32
    %dma_start3A_1285 = tpu.memref_slice %arg5[%dma_start3A_1282, %dma_start3A_1283, %dma_start3A_1284] : memref<3x128x128xf32, #tpu.memory_space<vmem>> -> memref<1x128x128xf32, #tpu.memory_space<vmem>>
    %dma_start3A_1286 = tpu.memref_squeeze %dma_start3A_1285 : memref<1x128x128xf32, #tpu.memory_space<vmem>> -> memref<128x128xf32, #tpu.memory_space<vmem>>
    %dma_start3A_1287 = arith.constant 0 : i32
    %dma_start3A_1288 = tpu.memref_slice %arg2[%mul3A_1269, %dma_start3A_1287] : memref<320000x128xf32, #tpu.memory_space<hbm>> -> memref<128x128xf32, #tpu.memory_space<hbm>>
    %dma_start3A_1289 = arith.constant 0 : i32
    %dma_start3A_1290 = arith.constant 0 : i32
    %dma_start3A_1291 = tpu.memref_slice %arg5[%dma_start3A_1282, %dma_start3A_1289, %dma_start3A_1290] : memref<3x128x128xf32, #tpu.memory_space<vmem>> -> memref<1x128x128xf32, #tpu.memory_space<vmem>>
    %dma_start3A_1292 = tpu.memref_squeeze %dma_start3A_1291 : memref<1x128x128xf32, #tpu.memory_space<vmem>> -> memref<128x128xf32, #tpu.memory_space<vmem>>
    %dma_start3A_1293 = arith.constant 0 : i32
    %dma_start3A_1294 = tpu.memref_slice %arg2[%mul3A_1269, %dma_start3A_1293] : memref<320000x128xf32, #tpu.memory_space<hbm>> -> memref<128x128xf32, #tpu.memory_space<hbm>>
    tpu.enqueue_dma source(%dma_start3A_1294 : memref<128x128xf32, #tpu.memory_space<hbm>>) target(%dma_start3A_1292 : memref<128x128xf32, #tpu.memory_space<vmem>>) target_semaphore(%arg11 : memref<!tpu.dma_semaphore, #tpu.memory_space<semaphore_mem>>)
    %dma_start3A_1295 = arith.constant 0 : i32
    %dma_start3A_1296 = arith.constant 0 : i32
    %dma_start3A_1297 = arith.constant 0 : i32
    %dma_start3A_1298 = arith.constant 0 : i32
    %dma_start3A_1299 = arith.constant 0 : i32
    %dma_start3A_1300 = tpu.memref_slice %arg5[%dma_start3A_1295, %dma_start3A_1298, %dma_start3A_1299] : memref<3x128x128xf32, #tpu.memory_space<vmem>> -> memref<1x128x128xf32, #tpu.memory_space<vmem>>
    %dma_start3A_1301 = tpu.memref_squeeze %dma_start3A_1300 : memref<1x128x128xf32, #tpu.memory_space<vmem>> -> memref<128x128xf32, #tpu.memory_space<vmem>>
    %dma_start3A_1302 = arith.constant 0 : i32
    %dma_start3A_1303 = tpu.memref_slice %arg6[%dma_start3A_1296, %dma_start3A_1297, %dma_start3A_1302] : memref<3x1x128xi32, #tpu.memory_space<vmem>> -> memref<1x1x128xi32, #tpu.memory_space<vmem>>
    %dma_start3A_1304 = tpu.memref_squeeze %dma_start3A_1303 : memref<1x1x128xi32, #tpu.memory_space<vmem>> -> memref<128xi32, #tpu.memory_space<vmem>>
    %dma_start3A_1305 = arith.constant 0 : i32
    %dma_start3A_1306 = arith.constant 0 : i32
    %dma_start3A_1307 = tpu.memref_slice %arg8[%dma_start3A_1305, %dma_start3A_1306] : memref<5008x128xf32, #tpu.memory_space<vmem_shared>> -> memref<5008x128xf32, #tpu.memory_space<vmem_shared>>
    tpu.enqueue_indirect_dma source(%dma_start3A_1301 : memref<128x128xf32, #tpu.memory_space<vmem>>) target(%dma_start3A_1307 : memref<5008x128xf32, #tpu.memory_space<vmem_shared>>) offsets(%dma_start3A_1304 : memref<128xi32, #tpu.memory_space<vmem>>) semaphore(%arg12 : memref<!tpu.dma_semaphore, #tpu.memory_space<semaphore_mem>>) {add = true}
    %add3A_1308 = arith.addi %mul3A_3, %arg1 : i32
    %add3A_1309 = arith.constant 1216 : i32
    %add3A_1310 = arith.addi %add3A_1308, %add3A_1309 : i32
    %mul3A_1311 = arith.constant 128 : i32
    %mul3A_1312 = arith.muli %mul3A_1311, %add3A_1310 : i32
    %add3A_1313 = arith.constant 0 : i32
    %add3A_1314 = arith.addi %mul3A_1312, %add3A_1313 : i32
    %dma_wait3A_1315 = arith.constant 1 : i32
    %dma_wait3A_1316 = arith.constant 0 : i32
    %dma_wait3A_1317 = arith.constant 0 : i32
    %dma_wait3A_1318 = tpu.memref_slice %arg6[%dma_wait3A_1315, %dma_wait3A_1316, %dma_wait3A_1317] : memref<3x1x128xi32, #tpu.memory_space<vmem>> -> memref<1x1x128xi32, #tpu.memory_space<vmem>>
    %dma_wait3A_1319 = tpu.memref_squeeze %dma_wait3A_1318 : memref<1x1x128xi32, #tpu.memory_space<vmem>> -> memref<128xi32, #tpu.memory_space<vmem>>
    %dma_wait3A_1320 = tpu.memref_slice %arg3[%add3A_1314] : memref<320000xi32, #tpu.memory_space<hbm>> -> memref<128xi32, #tpu.memory_space<hbm>>
    %dma_wait3A_1321 = arith.constant 0 : i32
    %dma_wait3A_1322 = tpu.memref_slice %arg6[%dma_wait3A_1315, %dma_wait3A_1316, %dma_wait3A_1321] : memref<3x1x128xi32, #tpu.memory_space<vmem>> -> memref<1x1x128xi32, #tpu.memory_space<vmem>>
    %dma_wait3A_1323 = tpu.memref_squeeze %dma_wait3A_1322 : memref<1x1x128xi32, #tpu.memory_space<vmem>> -> memref<128xi32, #tpu.memory_space<vmem>>
    %dma_wait3A_1324 = tpu.memref_slice %arg3[%add3A_1314] : memref<320000xi32, #tpu.memory_space<hbm>> -> memref<128xi32, #tpu.memory_space<hbm>>
    tpu.wait_dma2 semaphore(%arg10 : memref<!tpu.dma_semaphore, #tpu.memory_space<semaphore_mem>>) src(%dma_wait3A_1324 : memref<128xi32, #tpu.memory_space<hbm>>) dst(%dma_wait3A_1323 : memref<128xi32, #tpu.memory_space<vmem>>)
    %dma_wait3A_1325 = arith.constant 1 : i32
    %dma_wait3A_1326 = arith.constant 0 : i32
    %dma_wait3A_1327 = arith.constant 0 : i32
    %dma_wait3A_1328 = tpu.memref_slice %arg5[%dma_wait3A_1325, %dma_wait3A_1326, %dma_wait3A_1327] : memref<3x128x128xf32, #tpu.memory_space<vmem>> -> memref<1x128x128xf32, #tpu.memory_space<vmem>>
    %dma_wait3A_1329 = tpu.memref_squeeze %dma_wait3A_1328 : memref<1x128x128xf32, #tpu.memory_space<vmem>> -> memref<128x128xf32, #tpu.memory_space<vmem>>
    %dma_wait3A_1330 = arith.constant 0 : i32
    %dma_wait3A_1331 = tpu.memref_slice %arg2[%mul3A_1312, %dma_wait3A_1330] : memref<320000x128xf32, #tpu.memory_space<hbm>> -> memref<128x128xf32, #tpu.memory_space<hbm>>
    %dma_wait3A_1332 = arith.constant 0 : i32
    %dma_wait3A_1333 = arith.constant 0 : i32
    %dma_wait3A_1334 = tpu.memref_slice %arg5[%dma_wait3A_1325, %dma_wait3A_1332, %dma_wait3A_1333] : memref<3x128x128xf32, #tpu.memory_space<vmem>> -> memref<1x128x128xf32, #tpu.memory_space<vmem>>
    %dma_wait3A_1335 = tpu.memref_squeeze %dma_wait3A_1334 : memref<1x128x128xf32, #tpu.memory_space<vmem>> -> memref<128x128xf32, #tpu.memory_space<vmem>>
    %dma_wait3A_1336 = arith.constant 0 : i32
    %dma_wait3A_1337 = tpu.memref_slice %arg2[%mul3A_1312, %dma_wait3A_1336] : memref<320000x128xf32, #tpu.memory_space<hbm>> -> memref<128x128xf32, #tpu.memory_space<hbm>>
    tpu.wait_dma2 semaphore(%arg10 : memref<!tpu.dma_semaphore, #tpu.memory_space<semaphore_mem>>) src(%dma_wait3A_1337 : memref<128x128xf32, #tpu.memory_space<hbm>>) dst(%dma_wait3A_1335 : memref<128x128xf32, #tpu.memory_space<vmem>>)
    %get3A_1338 = arith.constant 1 : i32
    %get3A_1339 = arith.constant 0 : i32
    %get3A_1340 = arith.index_cast %get3A_1338 : i32 to index
    %get3A_1341 = arith.index_cast %get3A_1339 : i32 to index
    %get3A_1342 = arith.constant 0 : index
    %get3A_1343 = tpu.vector_load %arg6[%get3A_1340, %get3A_1341, %get3A_1342] {strides = array<i32>} : memref<3x1x128xi32, #tpu.memory_space<vmem>>, vector<1x1x16xi32>,
    %get3A_1344 = vector.shape_cast %get3A_1343 : vector<1x1x16xi32> to vector<16xi32>
    %sub3A_1345 = vector.broadcast %mul3A_0 : i32 to vector<16xi32>
    %sub3A_1346 = arith.subi %get3A_1344, %sub3A_1345 : vector<16xi32>
    %add3A_1347 = arith.constant 0 : i32
    %add3A_1348 = vector.broadcast %add3A_1347 : i32 to vector<16xi32>
    %add3A_1349 = arith.addi %sub3A_1346, %add3A_1348 : vector<16xi32>
    %ge3A_1350 = arith.constant 0 : i32
    %ge3A_1351 = vector.broadcast %ge3A_1350 : i32 to vector<16xi32>
    %ge3A_1352 = arith.cmpi sge, %add3A_1349, %ge3A_1351 : vector<16xi32>
    %lt3A_1353 = arith.constant 5000 : i32
    %lt3A_1354 = vector.broadcast %lt3A_1353 : i32 to vector<16xi32>
    %lt3A_1355 = arith.cmpi slt, %add3A_1349, %lt3A_1354 : vector<16xi32>
    %and3A_1356 = arith.andi %ge3A_1352, %lt3A_1355 : vector<16xi1>
    %select_n3A_1357 = arith.select %and3A_1356, %add3A_1349, %broadcast_in_dim3A_1 : vector<16xi1>, vector<16xi32>
    %swap3A_1358 = arith.constant 1 : i32
    %swap3A_1359 = arith.constant 0 : i32
    %swap3A_1360 = arith.index_cast %swap3A_1358 : i32 to index
    %swap3A_1361 = arith.index_cast %swap3A_1359 : i32 to index
    %swap3A_1362 = arith.constant 0 : index
    %swap3A_1363 = tpu.vector_load %arg6[%swap3A_1360, %swap3A_1361, %swap3A_1362] {strides = array<i32>} : memref<3x1x128xi32, #tpu.memory_space<vmem>>, vector<1x1x16xi32>,
    %swap3A_1364 = vector.shape_cast %swap3A_1363 : vector<1x1x16xi32> to vector<16xi32>
    %swap3A_1365 = vector.shape_cast %select_n3A_1357 : vector<16xi32> to vector<1x1x16xi32>
    tpu.vector_store %arg6[%swap3A_1360, %swap3A_1361, %swap3A_1362], %swap3A_1365 {strides = array<i32>} : memref<3x1x128xi32, #tpu.memory_space<vmem>>, vector<1x1x16xi32>,
    %get3A_1366 = arith.constant 1 : i32
    %get3A_1367 = arith.constant 0 : i32
    %get3A_1368 = arith.index_cast %get3A_1366 : i32 to index
    %get3A_1369 = arith.index_cast %get3A_1367 : i32 to index
    %get3A_1370 = arith.constant 16 : index
    %get3A_1371 = tpu.vector_load %arg6[%get3A_1368, %get3A_1369, %get3A_1370] {strides = array<i32>} : memref<3x1x128xi32, #tpu.memory_space<vmem>>, vector<1x1x16xi32>,
    %get3A_1372 = vector.shape_cast %get3A_1371 : vector<1x1x16xi32> to vector<16xi32>
    %sub3A_1373 = vector.broadcast %mul3A_0 : i32 to vector<16xi32>
    %sub3A_1374 = arith.subi %get3A_1372, %sub3A_1373 : vector<16xi32>
    %add3A_1375 = arith.constant 0 : i32
    %add3A_1376 = vector.broadcast %add3A_1375 : i32 to vector<16xi32>
    %add3A_1377 = arith.addi %sub3A_1374, %add3A_1376 : vector<16xi32>
    %ge3A_1378 = arith.constant 0 : i32
    %ge3A_1379 = vector.broadcast %ge3A_1378 : i32 to vector<16xi32>
    %ge3A_1380 = arith.cmpi sge, %add3A_1377, %ge3A_1379 : vector<16xi32>
    %lt3A_1381 = arith.constant 5000 : i32
    %lt3A_1382 = vector.broadcast %lt3A_1381 : i32 to vector<16xi32>
    %lt3A_1383 = arith.cmpi slt, %add3A_1377, %lt3A_1382 : vector<16xi32>
    %and3A_1384 = arith.andi %ge3A_1380, %lt3A_1383 : vector<16xi1>
    %select_n3A_1385 = arith.select %and3A_1384, %add3A_1377, %broadcast_in_dim3A_1 : vector<16xi1>, vector<16xi32>
    %swap3A_1386 = arith.constant 1 : i32
    %swap3A_1387 = arith.constant 0 : i32
    %swap3A_1388 = arith.index_cast %swap3A_1386 : i32 to index
    %swap3A_1389 = arith.index_cast %swap3A_1387 : i32 to index
    %swap3A_1390 = arith.constant 16 : index
    %swap3A_1391 = tpu.vector_load %arg6[%swap3A_1388, %swap3A_1389, %swap3A_1390] {strides = array<i32>} : memref<3x1x128xi32, #tpu.memory_space<vmem>>, vector<1x1x16xi32>,
    %swap3A_1392 = vector.shape_cast %swap3A_1391 : vector<1x1x16xi32> to vector<16xi32>
    %swap3A_1393 = vector.shape_cast %select_n3A_1385 : vector<16xi32> to vector<1x1x16xi32>
    tpu.vector_store %arg6[%swap3A_1388, %swap3A_1389, %swap3A_1390], %swap3A_1393 {strides = array<i32>} : memref<3x1x128xi32, #tpu.memory_space<vmem>>, vector<1x1x16xi32>,
    %get3A_1394 = arith.constant 1 : i32
    %get3A_1395 = arith.constant 0 : i32
    %get3A_1396 = arith.index_cast %get3A_1394 : i32 to index
    %get3A_1397 = arith.index_cast %get3A_1395 : i32 to index
    %get3A_1398 = arith.constant 32 : index
    %get3A_1399 = tpu.vector_load %arg6[%get3A_1396, %get3A_1397, %get3A_1398] {strides = array<i32>} : memref<3x1x128xi32, #tpu.memory_space<vmem>>, vector<1x1x16xi32>,
    %get3A_1400 = vector.shape_cast %get3A_1399 : vector<1x1x16xi32> to vector<16xi32>
    %sub3A_1401 = vector.broadcast %mul3A_0 : i32 to vector<16xi32>
    %sub3A_1402 = arith.subi %get3A_1400, %sub3A_1401 : vector<16xi32>
    %add3A_1403 = arith.constant 0 : i32
    %add3A_1404 = vector.broadcast %add3A_1403 : i32 to vector<16xi32>
    %add3A_1405 = arith.addi %sub3A_1402, %add3A_1404 : vector<16xi32>
    %ge3A_1406 = arith.constant 0 : i32
    %ge3A_1407 = vector.broadcast %ge3A_1406 : i32 to vector<16xi32>
    %ge3A_1408 = arith.cmpi sge, %add3A_1405, %ge3A_1407 : vector<16xi32>
    %lt3A_1409 = arith.constant 5000 : i32
    %lt3A_1410 = vector.broadcast %lt3A_1409 : i32 to vector<16xi32>
    %lt3A_1411 = arith.cmpi slt, %add3A_1405, %lt3A_1410 : vector<16xi32>
    %and3A_1412 = arith.andi %ge3A_1408, %lt3A_1411 : vector<16xi1>
    %select_n3A_1413 = arith.select %and3A_1412, %add3A_1405, %broadcast_in_dim3A_1 : vector<16xi1>, vector<16xi32>
    %swap3A_1414 = arith.constant 1 : i32
    %swap3A_1415 = arith.constant 0 : i32
    %swap3A_1416 = arith.index_cast %swap3A_1414 : i32 to index
    %swap3A_1417 = arith.index_cast %swap3A_1415 : i32 to index
    %swap3A_1418 = arith.constant 32 : index
    %swap3A_1419 = tpu.vector_load %arg6[%swap3A_1416, %swap3A_1417, %swap3A_1418] {strides = array<i32>} : memref<3x1x128xi32, #tpu.memory_space<vmem>>, vector<1x1x16xi32>,
    %swap3A_1420 = vector.shape_cast %swap3A_1419 : vector<1x1x16xi32> to vector<16xi32>
    %swap3A_1421 = vector.shape_cast %select_n3A_1413 : vector<16xi32> to vector<1x1x16xi32>
    tpu.vector_store %arg6[%swap3A_1416, %swap3A_1417, %swap3A_1418], %swap3A_1421 {strides = array<i32>} : memref<3x1x128xi32, #tpu.memory_space<vmem>>, vector<1x1x16xi32>,
    %get3A_1422 = arith.constant 1 : i32
    %get3A_1423 = arith.constant 0 : i32
    %get3A_1424 = arith.index_cast %get3A_1422 : i32 to index
    %get3A_1425 = arith.index_cast %get3A_1423 : i32 to index
    %get3A_1426 = arith.constant 48 : index
    %get3A_1427 = tpu.vector_load %arg6[%get3A_1424, %get3A_1425, %get3A_1426] {strides = array<i32>} : memref<3x1x128xi32, #tpu.memory_space<vmem>>, vector<1x1x16xi32>,
    %get3A_1428 = vector.shape_cast %get3A_1427 : vector<1x1x16xi32> to vector<16xi32>
    %sub3A_1429 = vector.broadcast %mul3A_0 : i32 to vector<16xi32>
    %sub3A_1430 = arith.subi %get3A_1428, %sub3A_1429 : vector<16xi32>
    %add3A_1431 = arith.constant 0 : i32
    %add3A_1432 = vector.broadcast %add3A_1431 : i32 to vector<16xi32>
    %add3A_1433 = arith.addi %sub3A_1430, %add3A_1432 : vector<16xi32>
    %ge3A_1434 = arith.constant 0 : i32
    %ge3A_1435 = vector.broadcast %ge3A_1434 : i32 to vector<16xi32>
    %ge3A_1436 = arith.cmpi sge, %add3A_1433, %ge3A_1435 : vector<16xi32>
    %lt3A_1437 = arith.constant 5000 : i32
    %lt3A_1438 = vector.broadcast %lt3A_1437 : i32 to vector<16xi32>
    %lt3A_1439 = arith.cmpi slt, %add3A_1433, %lt3A_1438 : vector<16xi32>
    %and3A_1440 = arith.andi %ge3A_1436, %lt3A_1439 : vector<16xi1>
    %select_n3A_1441 = arith.select %and3A_1440, %add3A_1433, %broadcast_in_dim3A_1 : vector<16xi1>, vector<16xi32>
    %swap3A_1442 = arith.constant 1 : i32
    %swap3A_1443 = arith.constant 0 : i32
    %swap3A_1444 = arith.index_cast %swap3A_1442 : i32 to index
    %swap3A_1445 = arith.index_cast %swap3A_1443 : i32 to index
    %swap3A_1446 = arith.constant 48 : index
    %swap3A_1447 = tpu.vector_load %arg6[%swap3A_1444, %swap3A_1445, %swap3A_1446] {strides = array<i32>} : memref<3x1x128xi32, #tpu.memory_space<vmem>>, vector<1x1x16xi32>,
    %swap3A_1448 = vector.shape_cast %swap3A_1447 : vector<1x1x16xi32> to vector<16xi32>
    %swap3A_1449 = vector.shape_cast %select_n3A_1441 : vector<16xi32> to vector<1x1x16xi32>
    tpu.vector_store %arg6[%swap3A_1444, %swap3A_1445, %swap3A_1446], %swap3A_1449 {strides = array<i32>} : memref<3x1x128xi32, #tpu.memory_space<vmem>>, vector<1x1x16xi32>,
    %get3A_1450 = arith.constant 1 : i32
    %get3A_1451 = arith.constant 0 : i32
    %get3A_1452 = arith.index_cast %get3A_1450 : i32 to index
    %get3A_1453 = arith.index_cast %get3A_1451 : i32 to index
    %get3A_1454 = arith.constant 64 : index
    %get3A_1455 = tpu.vector_load %arg6[%get3A_1452, %get3A_1453, %get3A_1454] {strides = array<i32>} : memref<3x1x128xi32, #tpu.memory_space<vmem>>, vector<1x1x16xi32>,
    %get3A_1456 = vector.shape_cast %get3A_1455 : vector<1x1x16xi32> to vector<16xi32>
    %sub3A_1457 = vector.broadcast %mul3A_0 : i32 to vector<16xi32>
    %sub3A_1458 = arith.subi %get3A_1456, %sub3A_1457 : vector<16xi32>
    %add3A_1459 = arith.constant 0 : i32
    %add3A_1460 = vector.broadcast %add3A_1459 : i32 to vector<16xi32>
    %add3A_1461 = arith.addi %sub3A_1458, %add3A_1460 : vector<16xi32>
    %ge3A_1462 = arith.constant 0 : i32
    %ge3A_1463 = vector.broadcast %ge3A_1462 : i32 to vector<16xi32>
    %ge3A_1464 = arith.cmpi sge, %add3A_1461, %ge3A_1463 : vector<16xi32>
    %lt3A_1465 = arith.constant 5000 : i32
    %lt3A_1466 = vector.broadcast %lt3A_1465 : i32 to vector<16xi32>
    %lt3A_1467 = arith.cmpi slt, %add3A_1461, %lt3A_1466 : vector<16xi32>
    %and3A_1468 = arith.andi %ge3A_1464, %lt3A_1467 : vector<16xi1>
    %select_n3A_1469 = arith.select %and3A_1468, %add3A_1461, %broadcast_in_dim3A_1 : vector<16xi1>, vector<16xi32>
    %swap3A_1470 = arith.constant 1 : i32
    %swap3A_1471 = arith.constant 0 : i32
    %swap3A_1472 = arith.index_cast %swap3A_1470 : i32 to index
    %swap3A_1473 = arith.index_cast %swap3A_1471 : i32 to index
    %swap3A_1474 = arith.constant 64 : index
    %swap3A_1475 = tpu.vector_load %arg6[%swap3A_1472, %swap3A_1473, %swap3A_1474] {strides = array<i32>} : memref<3x1x128xi32, #tpu.memory_space<vmem>>, vector<1x1x16xi32>,
    %swap3A_1476 = vector.shape_cast %swap3A_1475 : vector<1x1x16xi32> to vector<16xi32>
    %swap3A_1477 = vector.shape_cast %select_n3A_1469 : vector<16xi32> to vector<1x1x16xi32>
    tpu.vector_store %arg6[%swap3A_1472, %swap3A_1473, %swap3A_1474], %swap3A_1477 {strides = array<i32>} : memref<3x1x128xi32, #tpu.memory_space<vmem>>, vector<1x1x16xi32>,
    %get3A_1478 = arith.constant 1 : i32
    %get3A_1479 = arith.constant 0 : i32
    %get3A_1480 = arith.index_cast %get3A_1478 : i32 to index
    %get3A_1481 = arith.index_cast %get3A_1479 : i32 to index
    %get3A_1482 = arith.constant 80 : index
    %get3A_1483 = tpu.vector_load %arg6[%get3A_1480, %get3A_1481, %get3A_1482] {strides = array<i32>} : memref<3x1x128xi32, #tpu.memory_space<vmem>>, vector<1x1x16xi32>,
    %get3A_1484 = vector.shape_cast %get3A_1483 : vector<1x1x16xi32> to vector<16xi32>
    %sub3A_1485 = vector.broadcast %mul3A_0 : i32 to vector<16xi32>
    %sub3A_1486 = arith.subi %get3A_1484, %sub3A_1485 : vector<16xi32>
    %add3A_1487 = arith.constant 0 : i32
    %add3A_1488 = vector.broadcast %add3A_1487 : i32 to vector<16xi32>
    %add3A_1489 = arith.addi %sub3A_1486, %add3A_1488 : vector<16xi32>
    %ge3A_1490 = arith.constant 0 : i32
    %ge3A_1491 = vector.broadcast %ge3A_1490 : i32 to vector<16xi32>
    %ge3A_1492 = arith.cmpi sge, %add3A_1489, %ge3A_1491 : vector<16xi32>
    %lt3A_1493 = arith.constant 5000 : i32
    %lt3A_1494 = vector.broadcast %lt3A_1493 : i32 to vector<16xi32>
    %lt3A_1495 = arith.cmpi slt, %add3A_1489, %lt3A_1494 : vector<16xi32>
    %and3A_1496 = arith.andi %ge3A_1492, %lt3A_1495 : vector<16xi1>
    %select_n3A_1497 = arith.select %and3A_1496, %add3A_1489, %broadcast_in_dim3A_1 : vector<16xi1>, vector<16xi32>
    %swap3A_1498 = arith.constant 1 : i32
    %swap3A_1499 = arith.constant 0 : i32
    %swap3A_1500 = arith.index_cast %swap3A_1498 : i32 to index
    %swap3A_1501 = arith.index_cast %swap3A_1499 : i32 to index
    %swap3A_1502 = arith.constant 80 : index
    %swap3A_1503 = tpu.vector_load %arg6[%swap3A_1500, %swap3A_1501, %swap3A_1502] {strides = array<i32>} : memref<3x1x128xi32, #tpu.memory_space<vmem>>, vector<1x1x16xi32>,
    %swap3A_1504 = vector.shape_cast %swap3A_1503 : vector<1x1x16xi32> to vector<16xi32>
    %swap3A_1505 = vector.shape_cast %select_n3A_1497 : vector<16xi32> to vector<1x1x16xi32>
    tpu.vector_store %arg6[%swap3A_1500, %swap3A_1501, %swap3A_1502], %swap3A_1505 {strides = array<i32>} : memref<3x1x128xi32, #tpu.memory_space<vmem>>, vector<1x1x16xi32>,
    %get3A_1506 = arith.constant 1 : i32
    %get3A_1507 = arith.constant 0 : i32
    %get3A_1508 = arith.index_cast %get3A_1506 : i32 to index
    %get3A_1509 = arith.index_cast %get3A_1507 : i32 to index
    %get3A_1510 = arith.constant 96 : index
    %get3A_1511 = tpu.vector_load %arg6[%get3A_1508, %get3A_1509, %get3A_1510] {strides = array<i32>} : memref<3x1x128xi32, #tpu.memory_space<vmem>>, vector<1x1x16xi32>,
    %get3A_1512 = vector.shape_cast %get3A_1511 : vector<1x1x16xi32> to vector<16xi32>
    %sub3A_1513 = vector.broadcast %mul3A_0 : i32 to vector<16xi32>
    %sub3A_1514 = arith.subi %get3A_1512, %sub3A_1513 : vector<16xi32>
    %add3A_1515 = arith.constant 0 : i32
    %add3A_1516 = vector.broadcast %add3A_1515 : i32 to vector<16xi32>
    %add3A_1517 = arith.addi %sub3A_1514, %add3A_1516 : vector<16xi32>
    %ge3A_1518 = arith.constant 0 : i32
    %ge3A_1519 = vector.broadcast %ge3A_1518 : i32 to vector<16xi32>
    %ge3A_1520 = arith.cmpi sge, %add3A_1517, %ge3A_1519 : vector<16xi32>
    %lt3A_1521 = arith.constant 5000 : i32
    %lt3A_1522 = vector.broadcast %lt3A_1521 : i32 to vector<16xi32>
    %lt3A_1523 = arith.cmpi slt, %add3A_1517, %lt3A_1522 : vector<16xi32>
    %and3A_1524 = arith.andi %ge3A_1520, %lt3A_1523 : vector<16xi1>
    %select_n3A_1525 = arith.select %and3A_1524, %add3A_1517, %broadcast_in_dim3A_1 : vector<16xi1>, vector<16xi32>
    %swap3A_1526 = arith.constant 1 : i32
    %swap3A_1527 = arith.constant 0 : i32
    %swap3A_1528 = arith.index_cast %swap3A_1526 : i32 to index
    %swap3A_1529 = arith.index_cast %swap3A_1527 : i32 to index
    %swap3A_1530 = arith.constant 96 : index
    %swap3A_1531 = tpu.vector_load %arg6[%swap3A_1528, %swap3A_1529, %swap3A_1530] {strides = array<i32>} : memref<3x1x128xi32, #tpu.memory_space<vmem>>, vector<1x1x16xi32>,
    %swap3A_1532 = vector.shape_cast %swap3A_1531 : vector<1x1x16xi32> to vector<16xi32>
    %swap3A_1533 = vector.shape_cast %select_n3A_1525 : vector<16xi32> to vector<1x1x16xi32>
    tpu.vector_store %arg6[%swap3A_1528, %swap3A_1529, %swap3A_1530], %swap3A_1533 {strides = array<i32>} : memref<3x1x128xi32, #tpu.memory_space<vmem>>, vector<1x1x16xi32>,
    %get3A_1534 = arith.constant 1 : i32
    %get3A_1535 = arith.constant 0 : i32
    %get3A_1536 = arith.index_cast %get3A_1534 : i32 to index
    %get3A_1537 = arith.index_cast %get3A_1535 : i32 to index
    %get3A_1538 = arith.constant 112 : index
    %get3A_1539 = tpu.vector_load %arg6[%get3A_1536, %get3A_1537, %get3A_1538] {strides = array<i32>} : memref<3x1x128xi32, #tpu.memory_space<vmem>>, vector<1x1x16xi32>,
    %get3A_1540 = vector.shape_cast %get3A_1539 : vector<1x1x16xi32> to vector<16xi32>
    %sub3A_1541 = vector.broadcast %mul3A_0 : i32 to vector<16xi32>
    %sub3A_1542 = arith.subi %get3A_1540, %sub3A_1541 : vector<16xi32>
    %add3A_1543 = arith.constant 0 : i32
    %add3A_1544 = vector.broadcast %add3A_1543 : i32 to vector<16xi32>
    %add3A_1545 = arith.addi %sub3A_1542, %add3A_1544 : vector<16xi32>
    %ge3A_1546 = arith.constant 0 : i32
    %ge3A_1547 = vector.broadcast %ge3A_1546 : i32 to vector<16xi32>
    %ge3A_1548 = arith.cmpi sge, %add3A_1545, %ge3A_1547 : vector<16xi32>
    %lt3A_1549 = arith.constant 5000 : i32
    %lt3A_1550 = vector.broadcast %lt3A_1549 : i32 to vector<16xi32>
    %lt3A_1551 = arith.cmpi slt, %add3A_1545, %lt3A_1550 : vector<16xi32>
    %and3A_1552 = arith.andi %ge3A_1548, %lt3A_1551 : vector<16xi1>
    %select_n3A_1553 = arith.select %and3A_1552, %add3A_1545, %broadcast_in_dim3A_1 : vector<16xi1>, vector<16xi32>
    %swap3A_1554 = arith.constant 1 : i32
    %swap3A_1555 = arith.constant 0 : i32
    %swap3A_1556 = arith.index_cast %swap3A_1554 : i32 to index
    %swap3A_1557 = arith.index_cast %swap3A_1555 : i32 to index
    %swap3A_1558 = arith.constant 112 : index
    %swap3A_1559 = tpu.vector_load %arg6[%swap3A_1556, %swap3A_1557, %swap3A_1558] {strides = array<i32>} : memref<3x1x128xi32, #tpu.memory_space<vmem>>, vector<1x1x16xi32>,
    %swap3A_1560 = vector.shape_cast %swap3A_1559 : vector<1x1x16xi32> to vector<16xi32>
    %swap3A_1561 = vector.shape_cast %select_n3A_1553 : vector<16xi32> to vector<1x1x16xi32>
    tpu.vector_store %arg6[%swap3A_1556, %swap3A_1557, %swap3A_1558], %swap3A_1561 {strides = array<i32>} : memref<3x1x128xi32, #tpu.memory_space<vmem>>, vector<1x1x16xi32>,
    %dma_start3A_1562 = arith.constant 1 : i32
    %dma_start3A_1563 = arith.constant 1 : i32
    %dma_start3A_1564 = arith.constant 0 : i32
    %dma_start3A_1565 = arith.constant 0 : i32
    %dma_start3A_1566 = arith.constant 0 : i32
    %dma_start3A_1567 = tpu.memref_slice %arg5[%dma_start3A_1562, %dma_start3A_1565, %dma_start3A_1566] : memref<3x128x128xf32, #tpu.memory_space<vmem>> -> memref<1x128x128xf32, #tpu.memory_space<vmem>>
    %dma_start3A_1568 = tpu.memref_squeeze %dma_start3A_1567 : memref<1x128x128xf32, #tpu.memory_space<vmem>> -> memref<128x128xf32, #tpu.memory_space<vmem>>
    %dma_start3A_1569 = arith.constant 0 : i32
    %dma_start3A_1570 = tpu.memref_slice %arg6[%dma_start3A_1563, %dma_start3A_1564, %dma_start3A_1569] : memref<3x1x128xi32, #tpu.memory_space<vmem>> -> memref<1x1x128xi32, #tpu.memory_space<vmem>>
    %dma_start3A_1571 = tpu.memref_squeeze %dma_start3A_1570 : memref<1x1x128xi32, #tpu.memory_space<vmem>> -> memref<128xi32, #tpu.memory_space<vmem>>
    %dma_start3A_1572 = arith.constant 0 : i32
    %dma_start3A_1573 = arith.constant 0 : i32
    %dma_start3A_1574 = tpu.memref_slice %arg8[%dma_start3A_1572, %dma_start3A_1573] : memref<5008x128xf32, #tpu.memory_space<vmem_shared>> -> memref<5008x128xf32, #tpu.memory_space<vmem_shared>>
    tpu.enqueue_indirect_dma source(%dma_start3A_1568 : memref<128x128xf32, #tpu.memory_space<vmem>>) target(%dma_start3A_1574 : memref<5008x128xf32, #tpu.memory_space<vmem_shared>>) offsets(%dma_start3A_1571 : memref<128xi32, #tpu.memory_space<vmem>>) semaphore(%arg13 : memref<!tpu.dma_semaphore, #tpu.memory_space<semaphore_mem>>) {add = true}
    %add3A_1575 = arith.addi %mul3A_3, %arg1 : i32
    %add3A_1576 = arith.constant 1232 : i32
    %add3A_1577 = arith.addi %add3A_1575, %add3A_1576 : i32
    %mul3A_1578 = arith.constant 128 : i32
    %mul3A_1579 = arith.muli %mul3A_1578, %add3A_1577 : i32
    %add3A_1580 = arith.constant 0 : i32
    %add3A_1581 = arith.addi %mul3A_1579, %add3A_1580 : i32
    %dma_wait3A_1582 = arith.constant 2 : i32
    %dma_wait3A_1583 = arith.constant 0 : i32
    %dma_wait3A_1584 = arith.constant 0 : i32
    %dma_wait3A_1585 = tpu.memref_slice %arg6[%dma_wait3A_1582, %dma_wait3A_1583, %dma_wait3A_1584] : memref<3x1x128xi32, #tpu.memory_space<vmem>> -> memref<1x1x128xi32, #tpu.memory_space<vmem>>
    %dma_wait3A_1586 = tpu.memref_squeeze %dma_wait3A_1585 : memref<1x1x128xi32, #tpu.memory_space<vmem>> -> memref<128xi32, #tpu.memory_space<vmem>>
    %dma_wait3A_1587 = tpu.memref_slice %arg3[%add3A_1581] : memref<320000xi32, #tpu.memory_space<hbm>> -> memref<128xi32, #tpu.memory_space<hbm>>
    %dma_wait3A_1588 = arith.constant 0 : i32
    %dma_wait3A_1589 = tpu.memref_slice %arg6[%dma_wait3A_1582, %dma_wait3A_1583, %dma_wait3A_1588] : memref<3x1x128xi32, #tpu.memory_space<vmem>> -> memref<1x1x128xi32, #tpu.memory_space<vmem>>
    %dma_wait3A_1590 = tpu.memref_squeeze %dma_wait3A_1589 : memref<1x1x128xi32, #tpu.memory_space<vmem>> -> memref<128xi32, #tpu.memory_space<vmem>>
    %dma_wait3A_1591 = tpu.memref_slice %arg3[%add3A_1581] : memref<320000xi32, #tpu.memory_space<hbm>> -> memref<128xi32, #tpu.memory_space<hbm>>
    tpu.wait_dma2 semaphore(%arg11 : memref<!tpu.dma_semaphore, #tpu.memory_space<semaphore_mem>>) src(%dma_wait3A_1591 : memref<128xi32, #tpu.memory_space<hbm>>) dst(%dma_wait3A_1590 : memref<128xi32, #tpu.memory_space<vmem>>)
    %dma_wait3A_1592 = arith.constant 2 : i32
    %dma_wait3A_1593 = arith.constant 0 : i32
    %dma_wait3A_1594 = arith.constant 0 : i32
    %dma_wait3A_1595 = tpu.memref_slice %arg5[%dma_wait3A_1592, %dma_wait3A_1593, %dma_wait3A_1594] : memref<3x128x128xf32, #tpu.memory_space<vmem>> -> memref<1x128x128xf32, #tpu.memory_space<vmem>>
    %dma_wait3A_1596 = tpu.memref_squeeze %dma_wait3A_1595 : memref<1x128x128xf32, #tpu.memory_space<vmem>> -> memref<128x128xf32, #tpu.memory_space<vmem>>
    %dma_wait3A_1597 = arith.constant 0 : i32
    %dma_wait3A_1598 = tpu.memref_slice %arg2[%mul3A_1579, %dma_wait3A_1597] : memref<320000x128xf32, #tpu.memory_space<hbm>> -> memref<128x128xf32, #tpu.memory_space<hbm>>
    %dma_wait3A_1599 = arith.constant 0 : i32
    %dma_wait3A_1600 = arith.constant 0 : i32
    %dma_wait3A_1601 = tpu.memref_slice %arg5[%dma_wait3A_1592, %dma_wait3A_1599, %dma_wait3A_1600] : memref<3x128x128xf32, #tpu.memory_space<vmem>> -> memref<1x128x128xf32, #tpu.memory_space<vmem>>
    %dma_wait3A_1602 = tpu.memref_squeeze %dma_wait3A_1601 : memref<1x128x128xf32, #tpu.memory_space<vmem>> -> memref<128x128xf32, #tpu.memory_space<vmem>>
    %dma_wait3A_1603 = arith.constant 0 : i32
    %dma_wait3A_1604 = tpu.memref_slice %arg2[%mul3A_1579, %dma_wait3A_1603] : memref<320000x128xf32, #tpu.memory_space<hbm>> -> memref<128x128xf32, #tpu.memory_space<hbm>>
    tpu.wait_dma2 semaphore(%arg11 : memref<!tpu.dma_semaphore, #tpu.memory_space<semaphore_mem>>) src(%dma_wait3A_1604 : memref<128x128xf32, #tpu.memory_space<hbm>>) dst(%dma_wait3A_1602 : memref<128x128xf32, #tpu.memory_space<vmem>>)
    %get3A_1605 = arith.constant 2 : i32
    %get3A_1606 = arith.constant 0 : i32
    %get3A_1607 = arith.index_cast %get3A_1605 : i32 to index
    %get3A_1608 = arith.index_cast %get3A_1606 : i32 to index
    %get3A_1609 = arith.constant 0 : index
    %get3A_1610 = tpu.vector_load %arg6[%get3A_1607, %get3A_1608, %get3A_1609] {strides = array<i32>} : memref<3x1x128xi32, #tpu.memory_space<vmem>>, vector<1x1x16xi32>,
    %get3A_1611 = vector.shape_cast %get3A_1610 : vector<1x1x16xi32> to vector<16xi32>
    %sub3A_1612 = vector.broadcast %mul3A_0 : i32 to vector<16xi32>
    %sub3A_1613 = arith.subi %get3A_1611, %sub3A_1612 : vector<16xi32>
    %add3A_1614 = arith.constant 0 : i32
    %add3A_1615 = vector.broadcast %add3A_1614 : i32 to vector<16xi32>
    %add3A_1616 = arith.addi %sub3A_1613, %add3A_1615 : vector<16xi32>
    %ge3A_1617 = arith.constant 0 : i32
    %ge3A_1618 = vector.broadcast %ge3A_1617 : i32 to vector<16xi32>
    %ge3A_1619 = arith.cmpi sge, %add3A_1616, %ge3A_1618 : vector<16xi32>
    %lt3A_1620 = arith.constant 5000 : i32
    %lt3A_1621 = vector.broadcast %lt3A_1620 : i32 to vector<16xi32>
    %lt3A_1622 = arith.cmpi slt, %add3A_1616, %lt3A_1621 : vector<16xi32>
    %and3A_1623 = arith.andi %ge3A_1619, %lt3A_1622 : vector<16xi1>
    %select_n3A_1624 = arith.select %and3A_1623, %add3A_1616, %broadcast_in_dim3A_1 : vector<16xi1>, vector<16xi32>
    %swap3A_1625 = arith.constant 2 : i32
    %swap3A_1626 = arith.constant 0 : i32
    %swap3A_1627 = arith.index_cast %swap3A_1625 : i32 to index
    %swap3A_1628 = arith.index_cast %swap3A_1626 : i32 to index
    %swap3A_1629 = arith.constant 0 : index
    %swap3A_1630 = tpu.vector_load %arg6[%swap3A_1627, %swap3A_1628, %swap3A_1629] {strides = array<i32>} : memref<3x1x128xi32, #tpu.memory_space<vmem>>, vector<1x1x16xi32>,
    %swap3A_1631 = vector.shape_cast %swap3A_1630 : vector<1x1x16xi32> to vector<16xi32>
    %swap3A_1632 = vector.shape_cast %select_n3A_1624 : vector<16xi32> to vector<1x1x16xi32>
    tpu.vector_store %arg6[%swap3A_1627, %swap3A_1628, %swap3A_1629], %swap3A_1632 {strides = array<i32>} : memref<3x1x128xi32, #tpu.memory_space<vmem>>, vector<1x1x16xi32>,
    %get3A_1633 = arith.constant 2 : i32
    %get3A_1634 = arith.constant 0 : i32
    %get3A_1635 = arith.index_cast %get3A_1633 : i32 to index
    %get3A_1636 = arith.index_cast %get3A_1634 : i32 to index
    %get3A_1637 = arith.constant 16 : index
    %get3A_1638 = tpu.vector_load %arg6[%get3A_1635, %get3A_1636, %get3A_1637] {strides = array<i32>} : memref<3x1x128xi32, #tpu.memory_space<vmem>>, vector<1x1x16xi32>,
    %get3A_1639 = vector.shape_cast %get3A_1638 : vector<1x1x16xi32> to vector<16xi32>
    %sub3A_1640 = vector.broadcast %mul3A_0 : i32 to vector<16xi32>
    %sub3A_1641 = arith.subi %get3A_1639, %sub3A_1640 : vector<16xi32>
    %add3A_1642 = arith.constant 0 : i32
    %add3A_1643 = vector.broadcast %add3A_1642 : i32 to vector<16xi32>
    %add3A_1644 = arith.addi %sub3A_1641, %add3A_1643 : vector<16xi32>
    %ge3A_1645 = arith.constant 0 : i32
    %ge3A_1646 = vector.broadcast %ge3A_1645 : i32 to vector<16xi32>
    %ge3A_1647 = arith.cmpi sge, %add3A_1644, %ge3A_1646 : vector<16xi32>
    %lt3A_1648 = arith.constant 5000 : i32
    %lt3A_1649 = vector.broadcast %lt3A_1648 : i32 to vector<16xi32>
    %lt3A_1650 = arith.cmpi slt, %add3A_1644, %lt3A_1649 : vector<16xi32>
    %and3A_1651 = arith.andi %ge3A_1647, %lt3A_1650 : vector<16xi1>
    %select_n3A_1652 = arith.select %and3A_1651, %add3A_1644, %broadcast_in_dim3A_1 : vector<16xi1>, vector<16xi32>
    %swap3A_1653 = arith.constant 2 : i32
    %swap3A_1654 = arith.constant 0 : i32
    %swap3A_1655 = arith.index_cast %swap3A_1653 : i32 to index
    %swap3A_1656 = arith.index_cast %swap3A_1654 : i32 to index
    %swap3A_1657 = arith.constant 16 : index
    %swap3A_1658 = tpu.vector_load %arg6[%swap3A_1655, %swap3A_1656, %swap3A_1657] {strides = array<i32>} : memref<3x1x128xi32, #tpu.memory_space<vmem>>, vector<1x1x16xi32>,
    %swap3A_1659 = vector.shape_cast %swap3A_1658 : vector<1x1x16xi32> to vector<16xi32>
    %swap3A_1660 = vector.shape_cast %select_n3A_1652 : vector<16xi32> to vector<1x1x16xi32>
    tpu.vector_store %arg6[%swap3A_1655, %swap3A_1656, %swap3A_1657], %swap3A_1660 {strides = array<i32>} : memref<3x1x128xi32, #tpu.memory_space<vmem>>, vector<1x1x16xi32>,
    %get3A_1661 = arith.constant 2 : i32
    %get3A_1662 = arith.constant 0 : i32
    %get3A_1663 = arith.index_cast %get3A_1661 : i32 to index
    %get3A_1664 = arith.index_cast %get3A_1662 : i32 to index
    %get3A_1665 = arith.constant 32 : index
    %get3A_1666 = tpu.vector_load %arg6[%get3A_1663, %get3A_1664, %get3A_1665] {strides = array<i32>} : memref<3x1x128xi32, #tpu.memory_space<vmem>>, vector<1x1x16xi32>,
    %get3A_1667 = vector.shape_cast %get3A_1666 : vector<1x1x16xi32> to vector<16xi32>
    %sub3A_1668 = vector.broadcast %mul3A_0 : i32 to vector<16xi32>
    %sub3A_1669 = arith.subi %get3A_1667, %sub3A_1668 : vector<16xi32>
    %add3A_1670 = arith.constant 0 : i32
    %add3A_1671 = vector.broadcast %add3A_1670 : i32 to vector<16xi32>
    %add3A_1672 = arith.addi %sub3A_1669, %add3A_1671 : vector<16xi32>
    %ge3A_1673 = arith.constant 0 : i32
    %ge3A_1674 = vector.broadcast %ge3A_1673 : i32 to vector<16xi32>
    %ge3A_1675 = arith.cmpi sge, %add3A_1672, %ge3A_1674 : vector<16xi32>
    %lt3A_1676 = arith.constant 5000 : i32
    %lt3A_1677 = vector.broadcast %lt3A_1676 : i32 to vector<16xi32>
    %lt3A_1678 = arith.cmpi slt, %add3A_1672, %lt3A_1677 : vector<16xi32>
    %and3A_1679 = arith.andi %ge3A_1675, %lt3A_1678 : vector<16xi1>
    %select_n3A_1680 = arith.select %and3A_1679, %add3A_1672, %broadcast_in_dim3A_1 : vector<16xi1>, vector<16xi32>
    %swap3A_1681 = arith.constant 2 : i32
    %swap3A_1682 = arith.constant 0 : i32
    %swap3A_1683 = arith.index_cast %swap3A_1681 : i32 to index
    %swap3A_1684 = arith.index_cast %swap3A_1682 : i32 to index
    %swap3A_1685 = arith.constant 32 : index
    %swap3A_1686 = tpu.vector_load %arg6[%swap3A_1683, %swap3A_1684, %swap3A_1685] {strides = array<i32>} : memref<3x1x128xi32, #tpu.memory_space<vmem>>, vector<1x1x16xi32>,
    %swap3A_1687 = vector.shape_cast %swap3A_1686 : vector<1x1x16xi32> to vector<16xi32>
    %swap3A_1688 = vector.shape_cast %select_n3A_1680 : vector<16xi32> to vector<1x1x16xi32>
    tpu.vector_store %arg6[%swap3A_1683, %swap3A_1684, %swap3A_1685], %swap3A_1688 {strides = array<i32>} : memref<3x1x128xi32, #tpu.memory_space<vmem>>, vector<1x1x16xi32>,
    %get3A_1689 = arith.constant 2 : i32
    %get3A_1690 = arith.constant 0 : i32
    %get3A_1691 = arith.index_cast %get3A_1689 : i32 to index
    %get3A_1692 = arith.index_cast %get3A_1690 : i32 to index
    %get3A_1693 = arith.constant 48 : index
    %get3A_1694 = tpu.vector_load %arg6[%get3A_1691, %get3A_1692, %get3A_1693] {strides = array<i32>} : memref<3x1x128xi32, #tpu.memory_space<vmem>>, vector<1x1x16xi32>,
    %get3A_1695 = vector.shape_cast %get3A_1694 : vector<1x1x16xi32> to vector<16xi32>
    %sub3A_1696 = vector.broadcast %mul3A_0 : i32 to vector<16xi32>
    %sub3A_1697 = arith.subi %get3A_1695, %sub3A_1696 : vector<16xi32>
    %add3A_1698 = arith.constant 0 : i32
    %add3A_1699 = vector.broadcast %add3A_1698 : i32 to vector<16xi32>
    %add3A_1700 = arith.addi %sub3A_1697, %add3A_1699 : vector<16xi32>
    %ge3A_1701 = arith.constant 0 : i32
    %ge3A_1702 = vector.broadcast %ge3A_1701 : i32 to vector<16xi32>
    %ge3A_1703 = arith.cmpi sge, %add3A_1700, %ge3A_1702 : vector<16xi32>
    %lt3A_1704 = arith.constant 5000 : i32
    %lt3A_1705 = vector.broadcast %lt3A_1704 : i32 to vector<16xi32>
    %lt3A_1706 = arith.cmpi slt, %add3A_1700, %lt3A_1705 : vector<16xi32>
    %and3A_1707 = arith.andi %ge3A_1703, %lt3A_1706 : vector<16xi1>
    %select_n3A_1708 = arith.select %and3A_1707, %add3A_1700, %broadcast_in_dim3A_1 : vector<16xi1>, vector<16xi32>
    %swap3A_1709 = arith.constant 2 : i32
    %swap3A_1710 = arith.constant 0 : i32
    %swap3A_1711 = arith.index_cast %swap3A_1709 : i32 to index
    %swap3A_1712 = arith.index_cast %swap3A_1710 : i32 to index
    %swap3A_1713 = arith.constant 48 : index
    %swap3A_1714 = tpu.vector_load %arg6[%swap3A_1711, %swap3A_1712, %swap3A_1713] {strides = array<i32>} : memref<3x1x128xi32, #tpu.memory_space<vmem>>, vector<1x1x16xi32>,
    %swap3A_1715 = vector.shape_cast %swap3A_1714 : vector<1x1x16xi32> to vector<16xi32>
    %swap3A_1716 = vector.shape_cast %select_n3A_1708 : vector<16xi32> to vector<1x1x16xi32>
    tpu.vector_store %arg6[%swap3A_1711, %swap3A_1712, %swap3A_1713], %swap3A_1716 {strides = array<i32>} : memref<3x1x128xi32, #tpu.memory_space<vmem>>, vector<1x1x16xi32>,
    %get3A_1717 = arith.constant 2 : i32
    %get3A_1718 = arith.constant 0 : i32
    %get3A_1719 = arith.index_cast %get3A_1717 : i32 to index
    %get3A_1720 = arith.index_cast %get3A_1718 : i32 to index
    %get3A_1721 = arith.constant 64 : index
    %get3A_1722 = tpu.vector_load %arg6[%get3A_1719, %get3A_1720, %get3A_1721] {strides = array<i32>} : memref<3x1x128xi32, #tpu.memory_space<vmem>>, vector<1x1x16xi32>,
    %get3A_1723 = vector.shape_cast %get3A_1722 : vector<1x1x16xi32> to vector<16xi32>
    %sub3A_1724 = vector.broadcast %mul3A_0 : i32 to vector<16xi32>
    %sub3A_1725 = arith.subi %get3A_1723, %sub3A_1724 : vector<16xi32>
    %add3A_1726 = arith.constant 0 : i32
    %add3A_1727 = vector.broadcast %add3A_1726 : i32 to vector<16xi32>
    %add3A_1728 = arith.addi %sub3A_1725, %add3A_1727 : vector<16xi32>
    %ge3A_1729 = arith.constant 0 : i32
    %ge3A_1730 = vector.broadcast %ge3A_1729 : i32 to vector<16xi32>
    %ge3A_1731 = arith.cmpi sge, %add3A_1728, %ge3A_1730 : vector<16xi32>
    %lt3A_1732 = arith.constant 5000 : i32
    %lt3A_1733 = vector.broadcast %lt3A_1732 : i32 to vector<16xi32>
    %lt3A_1734 = arith.cmpi slt, %add3A_1728, %lt3A_1733 : vector<16xi32>
    %and3A_1735 = arith.andi %ge3A_1731, %lt3A_1734 : vector<16xi1>
    %select_n3A_1736 = arith.select %and3A_1735, %add3A_1728, %broadcast_in_dim3A_1 : vector<16xi1>, vector<16xi32>
    %swap3A_1737 = arith.constant 2 : i32
    %swap3A_1738 = arith.constant 0 : i32
    %swap3A_1739 = arith.index_cast %swap3A_1737 : i32 to index
    %swap3A_1740 = arith.index_cast %swap3A_1738 : i32 to index
    %swap3A_1741 = arith.constant 64 : index
    %swap3A_1742 = tpu.vector_load %arg6[%swap3A_1739, %swap3A_1740, %swap3A_1741] {strides = array<i32>} : memref<3x1x128xi32, #tpu.memory_space<vmem>>, vector<1x1x16xi32>,
    %swap3A_1743 = vector.shape_cast %swap3A_1742 : vector<1x1x16xi32> to vector<16xi32>
    %swap3A_1744 = vector.shape_cast %select_n3A_1736 : vector<16xi32> to vector<1x1x16xi32>
    tpu.vector_store %arg6[%swap3A_1739, %swap3A_1740, %swap3A_1741], %swap3A_1744 {strides = array<i32>} : memref<3x1x128xi32, #tpu.memory_space<vmem>>, vector<1x1x16xi32>,
    %get3A_1745 = arith.constant 2 : i32
    %get3A_1746 = arith.constant 0 : i32
    %get3A_1747 = arith.index_cast %get3A_1745 : i32 to index
    %get3A_1748 = arith.index_cast %get3A_1746 : i32 to index
    %get3A_1749 = arith.constant 80 : index
    %get3A_1750 = tpu.vector_load %arg6[%get3A_1747, %get3A_1748, %get3A_1749] {strides = array<i32>} : memref<3x1x128xi32, #tpu.memory_space<vmem>>, vector<1x1x16xi32>,
    %get3A_1751 = vector.shape_cast %get3A_1750 : vector<1x1x16xi32> to vector<16xi32>
    %sub3A_1752 = vector.broadcast %mul3A_0 : i32 to vector<16xi32>
    %sub3A_1753 = arith.subi %get3A_1751, %sub3A_1752 : vector<16xi32>
    %add3A_1754 = arith.constant 0 : i32
    %add3A_1755 = vector.broadcast %add3A_1754 : i32 to vector<16xi32>
    %add3A_1756 = arith.addi %sub3A_1753, %add3A_1755 : vector<16xi32>
    %ge3A_1757 = arith.constant 0 : i32
    %ge3A_1758 = vector.broadcast %ge3A_1757 : i32 to vector<16xi32>
    %ge3A_1759 = arith.cmpi sge, %add3A_1756, %ge3A_1758 : vector<16xi32>
    %lt3A_1760 = arith.constant 5000 : i32
    %lt3A_1761 = vector.broadcast %lt3A_1760 : i32 to vector<16xi32>
    %lt3A_1762 = arith.cmpi slt, %add3A_1756, %lt3A_1761 : vector<16xi32>
    %and3A_1763 = arith.andi %ge3A_1759, %lt3A_1762 : vector<16xi1>
    %select_n3A_1764 = arith.select %and3A_1763, %add3A_1756, %broadcast_in_dim3A_1 : vector<16xi1>, vector<16xi32>
    %swap3A_1765 = arith.constant 2 : i32
    %swap3A_1766 = arith.constant 0 : i32
    %swap3A_1767 = arith.index_cast %swap3A_1765 : i32 to index
    %swap3A_1768 = arith.index_cast %swap3A_1766 : i32 to index
    %swap3A_1769 = arith.constant 80 : index
    %swap3A_1770 = tpu.vector_load %arg6[%swap3A_1767, %swap3A_1768, %swap3A_1769] {strides = array<i32>} : memref<3x1x128xi32, #tpu.memory_space<vmem>>, vector<1x1x16xi32>,
    %swap3A_1771 = vector.shape_cast %swap3A_1770 : vector<1x1x16xi32> to vector<16xi32>
    %swap3A_1772 = vector.shape_cast %select_n3A_1764 : vector<16xi32> to vector<1x1x16xi32>
    tpu.vector_store %arg6[%swap3A_1767, %swap3A_1768, %swap3A_1769], %swap3A_1772 {strides = array<i32>} : memref<3x1x128xi32, #tpu.memory_space<vmem>>, vector<1x1x16xi32>,
    %get3A_1773 = arith.constant 2 : i32
    %get3A_1774 = arith.constant 0 : i32
    %get3A_1775 = arith.index_cast %get3A_1773 : i32 to index
    %get3A_1776 = arith.index_cast %get3A_1774 : i32 to index
    %get3A_1777 = arith.constant 96 : index
    %get3A_1778 = tpu.vector_load %arg6[%get3A_1775, %get3A_1776, %get3A_1777] {strides = array<i32>} : memref<3x1x128xi32, #tpu.memory_space<vmem>>, vector<1x1x16xi32>,
    %get3A_1779 = vector.shape_cast %get3A_1778 : vector<1x1x16xi32> to vector<16xi32>
    %sub3A_1780 = vector.broadcast %mul3A_0 : i32 to vector<16xi32>
    %sub3A_1781 = arith.subi %get3A_1779, %sub3A_1780 : vector<16xi32>
    %add3A_1782 = arith.constant 0 : i32
    %add3A_1783 = vector.broadcast %add3A_1782 : i32 to vector<16xi32>
    %add3A_1784 = arith.addi %sub3A_1781, %add3A_1783 : vector<16xi32>
    %ge3A_1785 = arith.constant 0 : i32
    %ge3A_1786 = vector.broadcast %ge3A_1785 : i32 to vector<16xi32>
    %ge3A_1787 = arith.cmpi sge, %add3A_1784, %ge3A_1786 : vector<16xi32>
    %lt3A_1788 = arith.constant 5000 : i32
    %lt3A_1789 = vector.broadcast %lt3A_1788 : i32 to vector<16xi32>
    %lt3A_1790 = arith.cmpi slt, %add3A_1784, %lt3A_1789 : vector<16xi32>
    %and3A_1791 = arith.andi %ge3A_1787, %lt3A_1790 : vector<16xi1>
    %select_n3A_1792 = arith.select %and3A_1791, %add3A_1784, %broadcast_in_dim3A_1 : vector<16xi1>, vector<16xi32>
    %swap3A_1793 = arith.constant 2 : i32
    %swap3A_1794 = arith.constant 0 : i32
    %swap3A_1795 = arith.index_cast %swap3A_1793 : i32 to index
    %swap3A_1796 = arith.index_cast %swap3A_1794 : i32 to index
    %swap3A_1797 = arith.constant 96 : index
    %swap3A_1798 = tpu.vector_load %arg6[%swap3A_1795, %swap3A_1796, %swap3A_1797] {strides = array<i32>} : memref<3x1x128xi32, #tpu.memory_space<vmem>>, vector<1x1x16xi32>,
    %swap3A_1799 = vector.shape_cast %swap3A_1798 : vector<1x1x16xi32> to vector<16xi32>
    %swap3A_1800 = vector.shape_cast %select_n3A_1792 : vector<16xi32> to vector<1x1x16xi32>
    tpu.vector_store %arg6[%swap3A_1795, %swap3A_1796, %swap3A_1797], %swap3A_1800 {strides = array<i32>} : memref<3x1x128xi32, #tpu.memory_space<vmem>>, vector<1x1x16xi32>,
    %get3A_1801 = arith.constant 2 : i32
    %get3A_1802 = arith.constant 0 : i32
    %get3A_1803 = arith.index_cast %get3A_1801 : i32 to index
    %get3A_1804 = arith.index_cast %get3A_1802 : i32 to index
    %get3A_1805 = arith.constant 112 : index
    %get3A_1806 = tpu.vector_load %arg6[%get3A_1803, %get3A_1804, %get3A_1805] {strides = array<i32>} : memref<3x1x128xi32, #tpu.memory_space<vmem>>, vector<1x1x16xi32>,
    %get3A_1807 = vector.shape_cast %get3A_1806 : vector<1x1x16xi32> to vector<16xi32>
    %sub3A_1808 = vector.broadcast %mul3A_0 : i32 to vector<16xi32>
    %sub3A_1809 = arith.subi %get3A_1807, %sub3A_1808 : vector<16xi32>
    %add3A_1810 = arith.constant 0 : i32
    %add3A_1811 = vector.broadcast %add3A_1810 : i32 to vector<16xi32>
    %add3A_1812 = arith.addi %sub3A_1809, %add3A_1811 : vector<16xi32>
    %ge3A_1813 = arith.constant 0 : i32
    %ge3A_1814 = vector.broadcast %ge3A_1813 : i32 to vector<16xi32>
    %ge3A_1815 = arith.cmpi sge, %add3A_1812, %ge3A_1814 : vector<16xi32>
    %lt3A_1816 = arith.constant 5000 : i32
    %lt3A_1817 = vector.broadcast %lt3A_1816 : i32 to vector<16xi32>
    %lt3A_1818 = arith.cmpi slt, %add3A_1812, %lt3A_1817 : vector<16xi32>
    %and3A_1819 = arith.andi %ge3A_1815, %lt3A_1818 : vector<16xi1>
    %select_n3A_1820 = arith.select %and3A_1819, %add3A_1812, %broadcast_in_dim3A_1 : vector<16xi1>, vector<16xi32>
    %swap3A_1821 = arith.constant 2 : i32
    %swap3A_1822 = arith.constant 0 : i32
    %swap3A_1823 = arith.index_cast %swap3A_1821 : i32 to index
    %swap3A_1824 = arith.index_cast %swap3A_1822 : i32 to index
    %swap3A_1825 = arith.constant 112 : index
    %swap3A_1826 = tpu.vector_load %arg6[%swap3A_1823, %swap3A_1824, %swap3A_1825] {strides = array<i32>} : memref<3x1x128xi32, #tpu.memory_space<vmem>>, vector<1x1x16xi32>,
    %swap3A_1827 = vector.shape_cast %swap3A_1826 : vector<1x1x16xi32> to vector<16xi32>
    %swap3A_1828 = vector.shape_cast %select_n3A_1820 : vector<16xi32> to vector<1x1x16xi32>
    tpu.vector_store %arg6[%swap3A_1823, %swap3A_1824, %swap3A_1825], %swap3A_1828 {strides = array<i32>} : memref<3x1x128xi32, #tpu.memory_space<vmem>>, vector<1x1x16xi32>,
    %dma_start3A_1829 = arith.constant 2 : i32
    %dma_start3A_1830 = arith.constant 2 : i32
    %dma_start3A_1831 = arith.constant 0 : i32
    %dma_start3A_1832 = arith.constant 0 : i32
    %dma_start3A_1833 = arith.constant 0 : i32
    %dma_start3A_1834 = tpu.memref_slice %arg5[%dma_start3A_1829, %dma_start3A_1832, %dma_start3A_1833] : memref<3x128x128xf32, #tpu.memory_space<vmem>> -> memref<1x128x128xf32, #tpu.memory_space<vmem>>
    %dma_start3A_1835 = tpu.memref_squeeze %dma_start3A_1834 : memref<1x128x128xf32, #tpu.memory_space<vmem>> -> memref<128x128xf32, #tpu.memory_space<vmem>>
    %dma_start3A_1836 = arith.constant 0 : i32
    %dma_start3A_1837 = tpu.memref_slice %arg6[%dma_start3A_1830, %dma_start3A_1831, %dma_start3A_1836] : memref<3x1x128xi32, #tpu.memory_space<vmem>> -> memref<1x1x128xi32, #tpu.memory_space<vmem>>
    %dma_start3A_1838 = tpu.memref_squeeze %dma_start3A_1837 : memref<1x1x128xi32, #tpu.memory_space<vmem>> -> memref<128xi32, #tpu.memory_space<vmem>>
    %dma_start3A_1839 = arith.constant 0 : i32
    %dma_start3A_1840 = arith.constant 0 : i32
    %dma_start3A_1841 = tpu.memref_slice %arg8[%dma_start3A_1839, %dma_start3A_1840] : memref<5008x128xf32, #tpu.memory_space<vmem_shared>> -> memref<5008x128xf32, #tpu.memory_space<vmem_shared>>
    tpu.enqueue_indirect_dma source(%dma_start3A_1835 : memref<128x128xf32, #tpu.memory_space<vmem>>) target(%dma_start3A_1841 : memref<5008x128xf32, #tpu.memory_space<vmem_shared>>) offsets(%dma_start3A_1838 : memref<128xi32, #tpu.memory_space<vmem>>) semaphore(%arg14 : memref<!tpu.dma_semaphore, #tpu.memory_space<semaphore_mem>>) {add = true}
    %dma_wait3A_1842 = arith.constant 0 : i32
    %dma_wait3A_1843 = arith.constant 0 : i32
    %dma_wait3A_1844 = arith.constant 0 : i32
    %dma_wait3A_1845 = arith.constant 0 : i32
    %dma_wait3A_1846 = arith.constant 0 : i32
    %dma_wait3A_1847 = tpu.memref_slice %arg5[%dma_wait3A_1842, %dma_wait3A_1845, %dma_wait3A_1846] : memref<3x128x128xf32, #tpu.memory_space<vmem>> -> memref<1x128x128xf32, #tpu.memory_space<vmem>>
    %dma_wait3A_1848 = tpu.memref_squeeze %dma_wait3A_1847 : memref<1x128x128xf32, #tpu.memory_space<vmem>> -> memref<128x128xf32, #tpu.memory_space<vmem>>
    %dma_wait3A_1849 = arith.constant 0 : i32
    %dma_wait3A_1850 = tpu.memref_slice %arg6[%dma_wait3A_1843, %dma_wait3A_1844, %dma_wait3A_1849] : memref<3x1x128xi32, #tpu.memory_space<vmem>> -> memref<1x1x128xi32, #tpu.memory_space<vmem>>
    %dma_wait3A_1851 = tpu.memref_squeeze %dma_wait3A_1850 : memref<1x1x128xi32, #tpu.memory_space<vmem>> -> memref<128xi32, #tpu.memory_space<vmem>>
    %dma_wait3A_1852 = arith.constant 0 : i32
    %dma_wait3A_1853 = arith.constant 0 : i32
    %dma_wait3A_1854 = tpu.memref_slice %arg8[%dma_wait3A_1852, %dma_wait3A_1853] : memref<5008x128xf32, #tpu.memory_space<vmem_shared>> -> memref<5008x128xf32, #tpu.memory_space<vmem_shared>>
    tpu.wait_indirect_dma semaphore(%arg12 : memref<!tpu.dma_semaphore, #tpu.memory_space<semaphore_mem>>) src(%dma_wait3A_1848 : memref<128x128xf32, #tpu.memory_space<vmem>>) dst(%dma_wait3A_1854 : memref<5008x128xf32, #tpu.memory_space<vmem_shared>>)
    %dma_wait3A_1855 = arith.constant 1 : i32
    %dma_wait3A_1856 = arith.constant 1 : i32
    %dma_wait3A_1857 = arith.constant 0 : i32
    %dma_wait3A_1858 = arith.constant 0 : i32
    %dma_wait3A_1859 = arith.constant 0 : i32
    %dma_wait3A_1860 = tpu.memref_slice %arg5[%dma_wait3A_1855, %dma_wait3A_1858, %dma_wait3A_1859] : memref<3x128x128xf32, #tpu.memory_space<vmem>> -> memref<1x128x128xf32, #tpu.memory_space<vmem>>
    %dma_wait3A_1861 = tpu.memref_squeeze %dma_wait3A_1860 : memref<1x128x128xf32, #tpu.memory_space<vmem>> -> memref<128x128xf32, #tpu.memory_space<vmem>>
    %dma_wait3A_1862 = arith.constant 0 : i32
    %dma_wait3A_1863 = tpu.memref_slice %arg6[%dma_wait3A_1856, %dma_wait3A_1857, %dma_wait3A_1862] : memref<3x1x128xi32, #tpu.memory_space<vmem>> -> memref<1x1x128xi32, #tpu.memory_space<vmem>>
    %dma_wait3A_1864 = tpu.memref_squeeze %dma_wait3A_1863 : memref<1x1x128xi32, #tpu.memory_space<vmem>> -> memref<128xi32, #tpu.memory_space<vmem>>
    %dma_wait3A_1865 = arith.constant 0 : i32
    %dma_wait3A_1866 = arith.constant 0 : i32
    %dma_wait3A_1867 = tpu.memref_slice %arg8[%dma_wait3A_1865, %dma_wait3A_1866] : memref<5008x128xf32, #tpu.memory_space<vmem_shared>> -> memref<5008x128xf32, #tpu.memory_space<vmem_shared>>
    tpu.wait_indirect_dma semaphore(%arg13 : memref<!tpu.dma_semaphore, #tpu.memory_space<semaphore_mem>>) src(%dma_wait3A_1861 : memref<128x128xf32, #tpu.memory_space<vmem>>) dst(%dma_wait3A_1867 : memref<5008x128xf32, #tpu.memory_space<vmem_shared>>)
    %dma_wait3A_1868 = arith.constant 2 : i32
    %dma_wait3A_1869 = arith.constant 2 : i32
    %dma_wait3A_1870 = arith.constant 0 : i32
    %dma_wait3A_1871 = arith.constant 0 : i32
    %dma_wait3A_1872 = arith.constant 0 : i32
    %dma_wait3A_1873 = tpu.memref_slice %arg5[%dma_wait3A_1868, %dma_wait3A_1871, %dma_wait3A_1872] : memref<3x128x128xf32, #tpu.memory_space<vmem>> -> memref<1x128x128xf32, #tpu.memory_space<vmem>>
    %dma_wait3A_1874 = tpu.memref_squeeze %dma_wait3A_1873 : memref<1x128x128xf32, #tpu.memory_space<vmem>> -> memref<128x128xf32, #tpu.memory_space<vmem>>
    %dma_wait3A_1875 = arith.constant 0 : i32
    %dma_wait3A_1876 = tpu.memref_slice %arg6[%dma_wait3A_1869, %dma_wait3A_1870, %dma_wait3A_1875] : memref<3x1x128xi32, #tpu.memory_space<vmem>> -> memref<1x1x128xi32, #tpu.memory_space<vmem>>
    %dma_wait3A_1877 = tpu.memref_squeeze %dma_wait3A_1876 : memref<1x1x128xi32, #tpu.memory_space<vmem>> -> memref<128xi32, #tpu.memory_space<vmem>>
    %dma_wait3A_1878 = arith.constant 0 : i32
    %dma_wait3A_1879 = arith.constant 0 : i32
    %dma_wait3A_1880 = tpu.memref_slice %arg8[%dma_wait3A_1878, %dma_wait3A_1879] : memref<5008x128xf32, #tpu.memory_space<vmem_shared>> -> memref<5008x128xf32, #tpu.memory_space<vmem_shared>>
    tpu.wait_indirect_dma semaphore(%arg14 : memref<!tpu.dma_semaphore, #tpu.memory_space<semaphore_mem>>) src(%dma_wait3A_1874 : memref<128x128xf32, #tpu.memory_space<vmem>>) dst(%dma_wait3A_1880 : memref<5008x128xf32, #tpu.memory_space<vmem_shared>>)
    %add3A_1881 = arith.constant 0 : i32
    %add3A_1882 = arith.addi %add3A_1881, %arg1 : i32
    %lt3A_1883 = arith.constant 2 : i32
    %lt3A_1884 = arith.cmpi slt, %add3A_1882, %lt3A_1883 : i32
    %convert_element_type3A = arith.extui %lt3A_1884 : i1 to i32
    %cond3A = arith.constant 0 : i32
    %cond3A_1885 = arith.cmpi ne, %convert_element_type3A, %cond3A : i32
    scf.if %cond3A_1885 {
      %add3A_1921 = arith.constant 1248 : i32
      %add3A_1922 = arith.addi %mul3A_3, %add3A_1921 : i32
      %add3A_1923 = arith.constant 0 : i32
      %add3A_1924 = arith.addi %add3A_1922, %add3A_1923 : i32
      %add3A_1925 = arith.addi %add3A_1924, %arg1 : i32
      %mul3A_1926 = arith.constant 128 : i32
      %mul3A_1927 = arith.muli %mul3A_1926, %add3A_1925 : i32
      %add3A_1928 = arith.constant 0 : i32
      %add3A_1929 = arith.addi %mul3A_1927, %add3A_1928 : i32
      %run_scoped3A = arith.constant 0 : i32
      %run_scoped3A_1930 = arith.constant 0 : i32
      "tpu.region"() ({
        %run_scoped3A_2159 = tpu.sem_alloc : memref<!tpu.dma_semaphore, #tpu.memory_space<semaphore_mem>>
        %dma_start3A_2160 = arith.constant 0 : i32
        %dma_start3A_2161 = tpu.memref_slice %arg6[%run_scoped3A, %run_scoped3A_1930, %dma_start3A_2160] : memref<3x1x128xi32, #tpu.memory_space<vmem>> -> memref<1x1x128xi32, #tpu.memory_space<vmem>>
        %dma_start3A_2162 = tpu.memref_squeeze %dma_start3A_2161 : memref<1x1x128xi32, #tpu.memory_space<vmem>> -> memref<128xi32, #tpu.memory_space<vmem>>
        %dma_start3A_2163 = tpu.memref_slice %arg3[%add3A_1929] : memref<320000xi32, #tpu.memory_space<hbm>> -> memref<128xi32, #tpu.memory_space<hbm>>
        %dma_start3A_2164 = arith.constant 0 : i32
        %dma_start3A_2165 = tpu.memref_slice %arg6[%run_scoped3A, %run_scoped3A_1930, %dma_start3A_2164] : memref<3x1x128xi32, #tpu.memory_space<vmem>> -> memref<1x1x128xi32, #tpu.memory_space<vmem>>
        %dma_start3A_2166 = tpu.memref_squeeze %dma_start3A_2165 : memref<1x1x128xi32, #tpu.memory_space<vmem>> -> memref<128xi32, #tpu.memory_space<vmem>>
        %dma_start3A_2167 = tpu.memref_slice %arg3[%add3A_1929] : memref<320000xi32, #tpu.memory_space<hbm>> -> memref<128xi32, #tpu.memory_space<hbm>>
        tpu.enqueue_dma source(%dma_start3A_2167 : memref<128xi32, #tpu.memory_space<hbm>>) target(%dma_start3A_2166 : memref<128xi32, #tpu.memory_space<vmem>>) target_semaphore(%run_scoped3A_2159 : memref<!tpu.dma_semaphore, #tpu.memory_space<semaphore_mem>>)
        %dma_wait3A_2168 = arith.constant 0 : i32
        %dma_wait3A_2169 = tpu.memref_slice %arg6[%run_scoped3A, %run_scoped3A_1930, %dma_wait3A_2168] : memref<3x1x128xi32, #tpu.memory_space<vmem>> -> memref<1x1x128xi32, #tpu.memory_space<vmem>>
        %dma_wait3A_2170 = tpu.memref_squeeze %dma_wait3A_2169 : memref<1x1x128xi32, #tpu.memory_space<vmem>> -> memref<128xi32, #tpu.memory_space<vmem>>
        %dma_wait3A_2171 = tpu.memref_slice %arg3[%add3A_1929] : memref<320000xi32, #tpu.memory_space<hbm>> -> memref<128xi32, #tpu.memory_space<hbm>>
        %dma_wait3A_2172 = arith.constant 0 : i32
        %dma_wait3A_2173 = tpu.memref_slice %arg6[%run_scoped3A, %run_scoped3A_1930, %dma_wait3A_2172] : memref<3x1x128xi32, #tpu.memory_space<vmem>> -> memref<1x1x128xi32, #tpu.memory_space<vmem>>
        %dma_wait3A_2174 = tpu.memref_squeeze %dma_wait3A_2173 : memref<1x1x128xi32, #tpu.memory_space<vmem>> -> memref<128xi32, #tpu.memory_space<vmem>>
        %dma_wait3A_2175 = tpu.memref_slice %arg3[%add3A_1929] : memref<320000xi32, #tpu.memory_space<hbm>> -> memref<128xi32, #tpu.memory_space<hbm>>
        tpu.wait_dma2 semaphore(%run_scoped3A_2159 : memref<!tpu.dma_semaphore, #tpu.memory_space<semaphore_mem>>) src(%dma_wait3A_2175 : memref<128xi32, #tpu.memory_space<hbm>>) dst(%dma_wait3A_2174 : memref<128xi32, #tpu.memory_space<vmem>>)
        tpu.yield
      }) : () -> ()
      %run_scoped3A_1931 = arith.constant 0 : i32
      "tpu.region"() ({
        %run_scoped3A_2159 = tpu.sem_alloc : memref<!tpu.dma_semaphore, #tpu.memory_space<semaphore_mem>>
        %dma_start3A_2160 = arith.constant 0 : i32
        %dma_start3A_2161 = arith.constant 0 : i32
        %dma_start3A_2162 = tpu.memref_slice %arg5[%run_scoped3A_1931, %dma_start3A_2160, %dma_start3A_2161] : memref<3x128x128xf32, #tpu.memory_space<vmem>> -> memref<1x128x128xf32, #tpu.memory_space<vmem>>
        %dma_start3A_2163 = tpu.memref_squeeze %dma_start3A_2162 : memref<1x128x128xf32, #tpu.memory_space<vmem>> -> memref<128x128xf32, #tpu.memory_space<vmem>>
        %dma_start3A_2164 = arith.constant 0 : i32
        %dma_start3A_2165 = tpu.memref_slice %arg2[%mul3A_1927, %dma_start3A_2164] : memref<320000x128xf32, #tpu.memory_space<hbm>> -> memref<128x128xf32, #tpu.memory_space<hbm>>
        %dma_start3A_2166 = arith.constant 0 : i32
        %dma_start3A_2167 = arith.constant 0 : i32
        %dma_start3A_2168 = tpu.memref_slice %arg5[%run_scoped3A_1931, %dma_start3A_2166, %dma_start3A_2167] : memref<3x128x128xf32, #tpu.memory_space<vmem>> -> memref<1x128x128xf32, #tpu.memory_space<vmem>>
        %dma_start3A_2169 = tpu.memref_squeeze %dma_start3A_2168 : memref<1x128x128xf32, #tpu.memory_space<vmem>> -> memref<128x128xf32, #tpu.memory_space<vmem>>
        %dma_start3A_2170 = arith.constant 0 : i32
        %dma_start3A_2171 = tpu.memref_slice %arg2[%mul3A_1927, %dma_start3A_2170] : memref<320000x128xf32, #tpu.memory_space<hbm>> -> memref<128x128xf32, #tpu.memory_space<hbm>>
        tpu.enqueue_dma source(%dma_start3A_2171 : memref<128x128xf32, #tpu.memory_space<hbm>>) target(%dma_start3A_2169 : memref<128x128xf32, #tpu.memory_space<vmem>>) target_semaphore(%run_scoped3A_2159 : memref<!tpu.dma_semaphore, #tpu.memory_space<semaphore_mem>>)
        %dma_wait3A_2172 = arith.constant 0 : i32
        %dma_wait3A_2173 = arith.constant 0 : i32
        %dma_wait3A_2174 = tpu.memref_slice %arg5[%run_scoped3A_1931, %dma_wait3A_2172, %dma_wait3A_2173] : memref<3x128x128xf32, #tpu.memory_space<vmem>> -> memref<1x128x128xf32, #tpu.memory_space<vmem>>
        %dma_wait3A_2175 = tpu.memref_squeeze %dma_wait3A_2174 : memref<1x128x128xf32, #tpu.memory_space<vmem>> -> memref<128x128xf32, #tpu.memory_space<vmem>>
        %dma_wait3A_2176 = arith.constant 0 : i32
        %dma_wait3A_2177 = tpu.memref_slice %arg2[%mul3A_1927, %dma_wait3A_2176] : memref<320000x128xf32, #tpu.memory_space<hbm>> -> memref<128x128xf32, #tpu.memory_space<hbm>>
        %dma_wait3A_2178 = arith.constant 0 : i32
        %dma_wait3A_2179 = arith.constant 0 : i32
        %dma_wait3A_2180 = tpu.memref_slice %arg5[%run_scoped3A_1931, %dma_wait3A_2178, %dma_wait3A_2179] : memref<3x128x128xf32, #tpu.memory_space<vmem>> -> memref<1x128x128xf32, #tpu.memory_space<vmem>>
        %dma_wait3A_2181 = tpu.memref_squeeze %dma_wait3A_2180 : memref<1x128x128xf32, #tpu.memory_space<vmem>> -> memref<128x128xf32, #tpu.memory_space<vmem>>
        %dma_wait3A_2182 = arith.constant 0 : i32
        %dma_wait3A_2183 = tpu.memref_slice %arg2[%mul3A_1927, %dma_wait3A_2182] : memref<320000x128xf32, #tpu.memory_space<hbm>> -> memref<128x128xf32, #tpu.memory_space<hbm>>
        tpu.wait_dma2 semaphore(%run_scoped3A_2159 : memref<!tpu.dma_semaphore, #tpu.memory_space<semaphore_mem>>) src(%dma_wait3A_2183 : memref<128x128xf32, #tpu.memory_space<hbm>>) dst(%dma_wait3A_2181 : memref<128x128xf32, #tpu.memory_space<vmem>>)
        tpu.yield
      }) : () -> ()
      %get3A_1932 = arith.constant 0 : i32
      %get3A_1933 = arith.constant 0 : i32
      %get3A_1934 = arith.index_cast %get3A_1932 : i32 to index
      %get3A_1935 = arith.index_cast %get3A_1933 : i32 to index
      %get3A_1936 = arith.constant 0 : index
      %get3A_1937 = tpu.vector_load %arg6[%get3A_1934, %get3A_1935, %get3A_1936] {strides = array<i32>} : memref<3x1x128xi32, #tpu.memory_space<vmem>>, vector<1x1x16xi32>,
      %get3A_1938 = vector.shape_cast %get3A_1937 : vector<1x1x16xi32> to vector<16xi32>
      %sub3A_1939 = vector.broadcast %mul3A_0 : i32 to vector<16xi32>
      %sub3A_1940 = arith.subi %get3A_1938, %sub3A_1939 : vector<16xi32>
      %add3A_1941 = arith.constant 0 : i32
      %add3A_1942 = vector.broadcast %add3A_1941 : i32 to vector<16xi32>
      %add3A_1943 = arith.addi %sub3A_1940, %add3A_1942 : vector<16xi32>
      %ge3A_1944 = arith.constant 0 : i32
      %ge3A_1945 = vector.broadcast %ge3A_1944 : i32 to vector<16xi32>
      %ge3A_1946 = arith.cmpi sge, %add3A_1943, %ge3A_1945 : vector<16xi32>
      %lt3A_1947 = arith.constant 5000 : i32
      %lt3A_1948 = vector.broadcast %lt3A_1947 : i32 to vector<16xi32>
      %lt3A_1949 = arith.cmpi slt, %add3A_1943, %lt3A_1948 : vector<16xi32>
      %and3A_1950 = arith.andi %ge3A_1946, %lt3A_1949 : vector<16xi1>
      %select_n3A_1951 = arith.select %and3A_1950, %add3A_1943, %broadcast_in_dim3A_1 : vector<16xi1>, vector<16xi32>
      %swap3A_1952 = arith.constant 0 : i32
      %swap3A_1953 = arith.constant 0 : i32
      %swap3A_1954 = arith.index_cast %swap3A_1952 : i32 to index
      %swap3A_1955 = arith.index_cast %swap3A_1953 : i32 to index
      %swap3A_1956 = arith.constant 0 : index
      %swap3A_1957 = tpu.vector_load %arg6[%swap3A_1954, %swap3A_1955, %swap3A_1956] {strides = array<i32>} : memref<3x1x128xi32, #tpu.memory_space<vmem>>, vector<1x1x16xi32>,
      %swap3A_1958 = vector.shape_cast %swap3A_1957 : vector<1x1x16xi32> to vector<16xi32>
      %swap3A_1959 = vector.shape_cast %select_n3A_1951 : vector<16xi32> to vector<1x1x16xi32>
      tpu.vector_store %arg6[%swap3A_1954, %swap3A_1955, %swap3A_1956], %swap3A_1959 {strides = array<i32>} : memref<3x1x128xi32, #tpu.memory_space<vmem>>, vector<1x1x16xi32>,
      %get3A_1960 = arith.constant 0 : i32
      %get3A_1961 = arith.constant 0 : i32
      %get3A_1962 = arith.index_cast %get3A_1960 : i32 to index
      %get3A_1963 = arith.index_cast %get3A_1961 : i32 to index
      %get3A_1964 = arith.constant 16 : index
      %get3A_1965 = tpu.vector_load %arg6[%get3A_1962, %get3A_1963, %get3A_1964] {strides = array<i32>} : memref<3x1x128xi32, #tpu.memory_space<vmem>>, vector<1x1x16xi32>,
      %get3A_1966 = vector.shape_cast %get3A_1965 : vector<1x1x16xi32> to vector<16xi32>
      %sub3A_1967 = vector.broadcast %mul3A_0 : i32 to vector<16xi32>
      %sub3A_1968 = arith.subi %get3A_1966, %sub3A_1967 : vector<16xi32>
      %add3A_1969 = arith.constant 0 : i32
      %add3A_1970 = vector.broadcast %add3A_1969 : i32 to vector<16xi32>
      %add3A_1971 = arith.addi %sub3A_1968, %add3A_1970 : vector<16xi32>
      %ge3A_1972 = arith.constant 0 : i32
      %ge3A_1973 = vector.broadcast %ge3A_1972 : i32 to vector<16xi32>
      %ge3A_1974 = arith.cmpi sge, %add3A_1971, %ge3A_1973 : vector<16xi32>
      %lt3A_1975 = arith.constant 5000 : i32
      %lt3A_1976 = vector.broadcast %lt3A_1975 : i32 to vector<16xi32>
      %lt3A_1977 = arith.cmpi slt, %add3A_1971, %lt3A_1976 : vector<16xi32>
      %and3A_1978 = arith.andi %ge3A_1974, %lt3A_1977 : vector<16xi1>
      %select_n3A_1979 = arith.select %and3A_1978, %add3A_1971, %broadcast_in_dim3A_1 : vector<16xi1>, vector<16xi32>
      %swap3A_1980 = arith.constant 0 : i32
      %swap3A_1981 = arith.constant 0 : i32
      %swap3A_1982 = arith.index_cast %swap3A_1980 : i32 to index
      %swap3A_1983 = arith.index_cast %swap3A_1981 : i32 to index
      %swap3A_1984 = arith.constant 16 : index
      %swap3A_1985 = tpu.vector_load %arg6[%swap3A_1982, %swap3A_1983, %swap3A_1984] {strides = array<i32>} : memref<3x1x128xi32, #tpu.memory_space<vmem>>, vector<1x1x16xi32>,
      %swap3A_1986 = vector.shape_cast %swap3A_1985 : vector<1x1x16xi32> to vector<16xi32>
      %swap3A_1987 = vector.shape_cast %select_n3A_1979 : vector<16xi32> to vector<1x1x16xi32>
      tpu.vector_store %arg6[%swap3A_1982, %swap3A_1983, %swap3A_1984], %swap3A_1987 {strides = array<i32>} : memref<3x1x128xi32, #tpu.memory_space<vmem>>, vector<1x1x16xi32>,
      %get3A_1988 = arith.constant 0 : i32
      %get3A_1989 = arith.constant 0 : i32
      %get3A_1990 = arith.index_cast %get3A_1988 : i32 to index
      %get3A_1991 = arith.index_cast %get3A_1989 : i32 to index
      %get3A_1992 = arith.constant 32 : index
      %get3A_1993 = tpu.vector_load %arg6[%get3A_1990, %get3A_1991, %get3A_1992] {strides = array<i32>} : memref<3x1x128xi32, #tpu.memory_space<vmem>>, vector<1x1x16xi32>,
      %get3A_1994 = vector.shape_cast %get3A_1993 : vector<1x1x16xi32> to vector<16xi32>
      %sub3A_1995 = vector.broadcast %mul3A_0 : i32 to vector<16xi32>
      %sub3A_1996 = arith.subi %get3A_1994, %sub3A_1995 : vector<16xi32>
      %add3A_1997 = arith.constant 0 : i32
      %add3A_1998 = vector.broadcast %add3A_1997 : i32 to vector<16xi32>
      %add3A_1999 = arith.addi %sub3A_1996, %add3A_1998 : vector<16xi32>
      %ge3A_2000 = arith.constant 0 : i32
      %ge3A_2001 = vector.broadcast %ge3A_2000 : i32 to vector<16xi32>
      %ge3A_2002 = arith.cmpi sge, %add3A_1999, %ge3A_2001 : vector<16xi32>
      %lt3A_2003 = arith.constant 5000 : i32
      %lt3A_2004 = vector.broadcast %lt3A_2003 : i32 to vector<16xi32>
      %lt3A_2005 = arith.cmpi slt, %add3A_1999, %lt3A_2004 : vector<16xi32>
      %and3A_2006 = arith.andi %ge3A_2002, %lt3A_2005 : vector<16xi1>
      %select_n3A_2007 = arith.select %and3A_2006, %add3A_1999, %broadcast_in_dim3A_1 : vector<16xi1>, vector<16xi32>
      %swap3A_2008 = arith.constant 0 : i32
      %swap3A_2009 = arith.constant 0 : i32
      %swap3A_2010 = arith.index_cast %swap3A_2008 : i32 to index
      %swap3A_2011 = arith.index_cast %swap3A_2009 : i32 to index
      %swap3A_2012 = arith.constant 32 : index
      %swap3A_2013 = tpu.vector_load %arg6[%swap3A_2010, %swap3A_2011, %swap3A_2012] {strides = array<i32>} : memref<3x1x128xi32, #tpu.memory_space<vmem>>, vector<1x1x16xi32>,
      %swap3A_2014 = vector.shape_cast %swap3A_2013 : vector<1x1x16xi32> to vector<16xi32>
      %swap3A_2015 = vector.shape_cast %select_n3A_2007 : vector<16xi32> to vector<1x1x16xi32>
      tpu.vector_store %arg6[%swap3A_2010, %swap3A_2011, %swap3A_2012], %swap3A_2015 {strides = array<i32>} : memref<3x1x128xi32, #tpu.memory_space<vmem>>, vector<1x1x16xi32>,
      %get3A_2016 = arith.constant 0 : i32
      %get3A_2017 = arith.constant 0 : i32
      %get3A_2018 = arith.index_cast %get3A_2016 : i32 to index
      %get3A_2019 = arith.index_cast %get3A_2017 : i32 to index
      %get3A_2020 = arith.constant 48 : index
      %get3A_2021 = tpu.vector_load %arg6[%get3A_2018, %get3A_2019, %get3A_2020] {strides = array<i32>} : memref<3x1x128xi32, #tpu.memory_space<vmem>>, vector<1x1x16xi32>,
      %get3A_2022 = vector.shape_cast %get3A_2021 : vector<1x1x16xi32> to vector<16xi32>
      %sub3A_2023 = vector.broadcast %mul3A_0 : i32 to vector<16xi32>
      %sub3A_2024 = arith.subi %get3A_2022, %sub3A_2023 : vector<16xi32>
      %add3A_2025 = arith.constant 0 : i32
      %add3A_2026 = vector.broadcast %add3A_2025 : i32 to vector<16xi32>
      %add3A_2027 = arith.addi %sub3A_2024, %add3A_2026 : vector<16xi32>
      %ge3A_2028 = arith.constant 0 : i32
      %ge3A_2029 = vector.broadcast %ge3A_2028 : i32 to vector<16xi32>
      %ge3A_2030 = arith.cmpi sge, %add3A_2027, %ge3A_2029 : vector<16xi32>
      %lt3A_2031 = arith.constant 5000 : i32
      %lt3A_2032 = vector.broadcast %lt3A_2031 : i32 to vector<16xi32>
      %lt3A_2033 = arith.cmpi slt, %add3A_2027, %lt3A_2032 : vector<16xi32>
      %and3A_2034 = arith.andi %ge3A_2030, %lt3A_2033 : vector<16xi1>
      %select_n3A_2035 = arith.select %and3A_2034, %add3A_2027, %broadcast_in_dim3A_1 : vector<16xi1>, vector<16xi32>
      %swap3A_2036 = arith.constant 0 : i32
      %swap3A_2037 = arith.constant 0 : i32
      %swap3A_2038 = arith.index_cast %swap3A_2036 : i32 to index
      %swap3A_2039 = arith.index_cast %swap3A_2037 : i32 to index
      %swap3A_2040 = arith.constant 48 : index
      %swap3A_2041 = tpu.vector_load %arg6[%swap3A_2038, %swap3A_2039, %swap3A_2040] {strides = array<i32>} : memref<3x1x128xi32, #tpu.memory_space<vmem>>, vector<1x1x16xi32>,
      %swap3A_2042 = vector.shape_cast %swap3A_2041 : vector<1x1x16xi32> to vector<16xi32>
      %swap3A_2043 = vector.shape_cast %select_n3A_2035 : vector<16xi32> to vector<1x1x16xi32>
      tpu.vector_store %arg6[%swap3A_2038, %swap3A_2039, %swap3A_2040], %swap3A_2043 {strides = array<i32>} : memref<3x1x128xi32, #tpu.memory_space<vmem>>, vector<1x1x16xi32>,
      %get3A_2044 = arith.constant 0 : i32
      %get3A_2045 = arith.constant 0 : i32
      %get3A_2046 = arith.index_cast %get3A_2044 : i32 to index
      %get3A_2047 = arith.index_cast %get3A_2045 : i32 to index
      %get3A_2048 = arith.constant 64 : index
      %get3A_2049 = tpu.vector_load %arg6[%get3A_2046, %get3A_2047, %get3A_2048] {strides = array<i32>} : memref<3x1x128xi32, #tpu.memory_space<vmem>>, vector<1x1x16xi32>,
      %get3A_2050 = vector.shape_cast %get3A_2049 : vector<1x1x16xi32> to vector<16xi32>
      %sub3A_2051 = vector.broadcast %mul3A_0 : i32 to vector<16xi32>
      %sub3A_2052 = arith.subi %get3A_2050, %sub3A_2051 : vector<16xi32>
      %add3A_2053 = arith.constant 0 : i32
      %add3A_2054 = vector.broadcast %add3A_2053 : i32 to vector<16xi32>
      %add3A_2055 = arith.addi %sub3A_2052, %add3A_2054 : vector<16xi32>
      %ge3A_2056 = arith.constant 0 : i32
      %ge3A_2057 = vector.broadcast %ge3A_2056 : i32 to vector<16xi32>
      %ge3A_2058 = arith.cmpi sge, %add3A_2055, %ge3A_2057 : vector<16xi32>
      %lt3A_2059 = arith.constant 5000 : i32
      %lt3A_2060 = vector.broadcast %lt3A_2059 : i32 to vector<16xi32>
      %lt3A_2061 = arith.cmpi slt, %add3A_2055, %lt3A_2060 : vector<16xi32>
      %and3A_2062 = arith.andi %ge3A_2058, %lt3A_2061 : vector<16xi1>
      %select_n3A_2063 = arith.select %and3A_2062, %add3A_2055, %broadcast_in_dim3A_1 : vector<16xi1>, vector<16xi32>
      %swap3A_2064 = arith.constant 0 : i32
      %swap3A_2065 = arith.constant 0 : i32
      %swap3A_2066 = arith.index_cast %swap3A_2064 : i32 to index
      %swap3A_2067 = arith.index_cast %swap3A_2065 : i32 to index
      %swap3A_2068 = arith.constant 64 : index
      %swap3A_2069 = tpu.vector_load %arg6[%swap3A_2066, %swap3A_2067, %swap3A_2068] {strides = array<i32>} : memref<3x1x128xi32, #tpu.memory_space<vmem>>, vector<1x1x16xi32>,
      %swap3A_2070 = vector.shape_cast %swap3A_2069 : vector<1x1x16xi32> to vector<16xi32>
      %swap3A_2071 = vector.shape_cast %select_n3A_2063 : vector<16xi32> to vector<1x1x16xi32>
      tpu.vector_store %arg6[%swap3A_2066, %swap3A_2067, %swap3A_2068], %swap3A_2071 {strides = array<i32>} : memref<3x1x128xi32, #tpu.memory_space<vmem>>, vector<1x1x16xi32>,
      %get3A_2072 = arith.constant 0 : i32
      %get3A_2073 = arith.constant 0 : i32
      %get3A_2074 = arith.index_cast %get3A_2072 : i32 to index
      %get3A_2075 = arith.index_cast %get3A_2073 : i32 to index
      %get3A_2076 = arith.constant 80 : index
      %get3A_2077 = tpu.vector_load %arg6[%get3A_2074, %get3A_2075, %get3A_2076] {strides = array<i32>} : memref<3x1x128xi32, #tpu.memory_space<vmem>>, vector<1x1x16xi32>,
      %get3A_2078 = vector.shape_cast %get3A_2077 : vector<1x1x16xi32> to vector<16xi32>
      %sub3A_2079 = vector.broadcast %mul3A_0 : i32 to vector<16xi32>
      %sub3A_2080 = arith.subi %get3A_2078, %sub3A_2079 : vector<16xi32>
      %add3A_2081 = arith.constant 0 : i32
      %add3A_2082 = vector.broadcast %add3A_2081 : i32 to vector<16xi32>
      %add3A_2083 = arith.addi %sub3A_2080, %add3A_2082 : vector<16xi32>
      %ge3A_2084 = arith.constant 0 : i32
      %ge3A_2085 = vector.broadcast %ge3A_2084 : i32 to vector<16xi32>
      %ge3A_2086 = arith.cmpi sge, %add3A_2083, %ge3A_2085 : vector<16xi32>
      %lt3A_2087 = arith.constant 5000 : i32
      %lt3A_2088 = vector.broadcast %lt3A_2087 : i32 to vector<16xi32>
      %lt3A_2089 = arith.cmpi slt, %add3A_2083, %lt3A_2088 : vector<16xi32>
      %and3A_2090 = arith.andi %ge3A_2086, %lt3A_2089 : vector<16xi1>
      %select_n3A_2091 = arith.select %and3A_2090, %add3A_2083, %broadcast_in_dim3A_1 : vector<16xi1>, vector<16xi32>
      %swap3A_2092 = arith.constant 0 : i32
      %swap3A_2093 = arith.constant 0 : i32
      %swap3A_2094 = arith.index_cast %swap3A_2092 : i32 to index
      %swap3A_2095 = arith.index_cast %swap3A_2093 : i32 to index
      %swap3A_2096 = arith.constant 80 : index
      %swap3A_2097 = tpu.vector_load %arg6[%swap3A_2094, %swap3A_2095, %swap3A_2096] {strides = array<i32>} : memref<3x1x128xi32, #tpu.memory_space<vmem>>, vector<1x1x16xi32>,
      %swap3A_2098 = vector.shape_cast %swap3A_2097 : vector<1x1x16xi32> to vector<16xi32>
      %swap3A_2099 = vector.shape_cast %select_n3A_2091 : vector<16xi32> to vector<1x1x16xi32>
      tpu.vector_store %arg6[%swap3A_2094, %swap3A_2095, %swap3A_2096], %swap3A_2099 {strides = array<i32>} : memref<3x1x128xi32, #tpu.memory_space<vmem>>, vector<1x1x16xi32>,
      %get3A_2100 = arith.constant 0 : i32
      %get3A_2101 = arith.constant 0 : i32
      %get3A_2102 = arith.index_cast %get3A_2100 : i32 to index
      %get3A_2103 = arith.index_cast %get3A_2101 : i32 to index
      %get3A_2104 = arith.constant 96 : index
      %get3A_2105 = tpu.vector_load %arg6[%get3A_2102, %get3A_2103, %get3A_2104] {strides = array<i32>} : memref<3x1x128xi32, #tpu.memory_space<vmem>>, vector<1x1x16xi32>,
      %get3A_2106 = vector.shape_cast %get3A_2105 : vector<1x1x16xi32> to vector<16xi32>
      %sub3A_2107 = vector.broadcast %mul3A_0 : i32 to vector<16xi32>
      %sub3A_2108 = arith.subi %get3A_2106, %sub3A_2107 : vector<16xi32>
      %add3A_2109 = arith.constant 0 : i32
      %add3A_2110 = vector.broadcast %add3A_2109 : i32 to vector<16xi32>
      %add3A_2111 = arith.addi %sub3A_2108, %add3A_2110 : vector<16xi32>
      %ge3A_2112 = arith.constant 0 : i32
      %ge3A_2113 = vector.broadcast %ge3A_2112 : i32 to vector<16xi32>
      %ge3A_2114 = arith.cmpi sge, %add3A_2111, %ge3A_2113 : vector<16xi32>
      %lt3A_2115 = arith.constant 5000 : i32
      %lt3A_2116 = vector.broadcast %lt3A_2115 : i32 to vector<16xi32>
      %lt3A_2117 = arith.cmpi slt, %add3A_2111, %lt3A_2116 : vector<16xi32>
      %and3A_2118 = arith.andi %ge3A_2114, %lt3A_2117 : vector<16xi1>
      %select_n3A_2119 = arith.select %and3A_2118, %add3A_2111, %broadcast_in_dim3A_1 : vector<16xi1>, vector<16xi32>
      %swap3A_2120 = arith.constant 0 : i32
      %swap3A_2121 = arith.constant 0 : i32
      %swap3A_2122 = arith.index_cast %swap3A_2120 : i32 to index
      %swap3A_2123 = arith.index_cast %swap3A_2121 : i32 to index
      %swap3A_2124 = arith.constant 96 : index
      %swap3A_2125 = tpu.vector_load %arg6[%swap3A_2122, %swap3A_2123, %swap3A_2124] {strides = array<i32>} : memref<3x1x128xi32, #tpu.memory_space<vmem>>, vector<1x1x16xi32>,
      %swap3A_2126 = vector.shape_cast %swap3A_2125 : vector<1x1x16xi32> to vector<16xi32>
      %swap3A_2127 = vector.shape_cast %select_n3A_2119 : vector<16xi32> to vector<1x1x16xi32>
      tpu.vector_store %arg6[%swap3A_2122, %swap3A_2123, %swap3A_2124], %swap3A_2127 {strides = array<i32>} : memref<3x1x128xi32, #tpu.memory_space<vmem>>, vector<1x1x16xi32>,
      %get3A_2128 = arith.constant 0 : i32
      %get3A_2129 = arith.constant 0 : i32
      %get3A_2130 = arith.index_cast %get3A_2128 : i32 to index
      %get3A_2131 = arith.index_cast %get3A_2129 : i32 to index
      %get3A_2132 = arith.constant 112 : index
      %get3A_2133 = tpu.vector_load %arg6[%get3A_2130, %get3A_2131, %get3A_2132] {strides = array<i32>} : memref<3x1x128xi32, #tpu.memory_space<vmem>>, vector<1x1x16xi32>,
      %get3A_2134 = vector.shape_cast %get3A_2133 : vector<1x1x16xi32> to vector<16xi32>
      %sub3A_2135 = vector.broadcast %mul3A_0 : i32 to vector<16xi32>
      %sub3A_2136 = arith.subi %get3A_2134, %sub3A_2135 : vector<16xi32>
      %add3A_2137 = arith.constant 0 : i32
      %add3A_2138 = vector.broadcast %add3A_2137 : i32 to vector<16xi32>
      %add3A_2139 = arith.addi %sub3A_2136, %add3A_2138 : vector<16xi32>
      %ge3A_2140 = arith.constant 0 : i32
      %ge3A_2141 = vector.broadcast %ge3A_2140 : i32 to vector<16xi32>
      %ge3A_2142 = arith.cmpi sge, %add3A_2139, %ge3A_2141 : vector<16xi32>
      %lt3A_2143 = arith.constant 5000 : i32
      %lt3A_2144 = vector.broadcast %lt3A_2143 : i32 to vector<16xi32>
      %lt3A_2145 = arith.cmpi slt, %add3A_2139, %lt3A_2144 : vector<16xi32>
      %and3A_2146 = arith.andi %ge3A_2142, %lt3A_2145 : vector<16xi1>
      %select_n3A_2147 = arith.select %and3A_2146, %add3A_2139, %broadcast_in_dim3A_1 : vector<16xi1>, vector<16xi32>
      %swap3A_2148 = arith.constant 0 : i32
      %swap3A_2149 = arith.constant 0 : i32
      %swap3A_2150 = arith.index_cast %swap3A_2148 : i32 to index
      %swap3A_2151 = arith.index_cast %swap3A_2149 : i32 to index
      %swap3A_2152 = arith.constant 112 : index
      %swap3A_2153 = tpu.vector_load %arg6[%swap3A_2150, %swap3A_2151, %swap3A_2152] {strides = array<i32>} : memref<3x1x128xi32, #tpu.memory_space<vmem>>, vector<1x1x16xi32>,
      %swap3A_2154 = vector.shape_cast %swap3A_2153 : vector<1x1x16xi32> to vector<16xi32>
      %swap3A_2155 = vector.shape_cast %select_n3A_2147 : vector<16xi32> to vector<1x1x16xi32>
      tpu.vector_store %arg6[%swap3A_2150, %swap3A_2151, %swap3A_2152], %swap3A_2155 {strides = array<i32>} : memref<3x1x128xi32, #tpu.memory_space<vmem>>, vector<1x1x16xi32>,
      %run_scoped3A_2156 = arith.constant 0 : i32
      %run_scoped3A_2157 = arith.constant 0 : i32
      %run_scoped3A_2158 = arith.constant 0 : i32
      "tpu.region"() ({
        %run_scoped3A_2159 = tpu.sem_alloc : memref<!tpu.dma_semaphore, #tpu.memory_space<semaphore_mem>>
        %dma_start3A_2160 = arith.constant 0 : i32
        %dma_start3A_2161 = arith.constant 0 : i32
        %dma_start3A_2162 = tpu.memref_slice %arg5[%run_scoped3A_2156, %dma_start3A_2160, %dma_start3A_2161] : memref<3x128x128xf32, #tpu.memory_space<vmem>> -> memref<1x128x128xf32, #tpu.memory_space<vmem>>
        %dma_start3A_2163 = tpu.memref_squeeze %dma_start3A_2162 : memref<1x128x128xf32, #tpu.memory_space<vmem>> -> memref<128x128xf32, #tpu.memory_space<vmem>>
        %dma_start3A_2164 = arith.constant 0 : i32
        %dma_start3A_2165 = tpu.memref_slice %arg6[%run_scoped3A_2157, %run_scoped3A_2158, %dma_start3A_2164] : memref<3x1x128xi32, #tpu.memory_space<vmem>> -> memref<1x1x128xi32, #tpu.memory_space<vmem>>
        %dma_start3A_2166 = tpu.memref_squeeze %dma_start3A_2165 : memref<1x1x128xi32, #tpu.memory_space<vmem>> -> memref<128xi32, #tpu.memory_space<vmem>>
        %dma_start3A_2167 = arith.constant 0 : i32
        %dma_start3A_2168 = arith.constant 0 : i32
        %dma_start3A_2169 = tpu.memref_slice %arg8[%dma_start3A_2167, %dma_start3A_2168] : memref<5008x128xf32, #tpu.memory_space<vmem_shared>> -> memref<5008x128xf32, #tpu.memory_space<vmem_shared>>
        tpu.enqueue_indirect_dma source(%dma_start3A_2163 : memref<128x128xf32, #tpu.memory_space<vmem>>) target(%dma_start3A_2169 : memref<5008x128xf32, #tpu.memory_space<vmem_shared>>) offsets(%dma_start3A_2166 : memref<128xi32, #tpu.memory_space<vmem>>) semaphore(%run_scoped3A_2159 : memref<!tpu.dma_semaphore, #tpu.memory_space<semaphore_mem>>) {add = true}
        %dma_wait3A_2170 = arith.constant 0 : i32
        %dma_wait3A_2171 = arith.constant 0 : i32
        %dma_wait3A_2172 = tpu.memref_slice %arg5[%run_scoped3A_2156, %dma_wait3A_2170, %dma_wait3A_2171] : memref<3x128x128xf32, #tpu.memory_space<vmem>> -> memref<1x128x128xf32, #tpu.memory_space<vmem>>
        %dma_wait3A_2173 = tpu.memref_squeeze %dma_wait3A_2172 : memref<1x128x128xf32, #tpu.memory_space<vmem>> -> memref<128x128xf32, #tpu.memory_space<vmem>>
        %dma_wait3A_2174 = arith.constant 0 : i32
        %dma_wait3A_2175 = tpu.memref_slice %arg6[%run_scoped3A_2157, %run_scoped3A_2158, %dma_wait3A_2174] : memref<3x1x128xi32, #tpu.memory_space<vmem>> -> memref<1x1x128xi32, #tpu.memory_space<vmem>>
        %dma_wait3A_2176 = tpu.memref_squeeze %dma_wait3A_2175 : memref<1x1x128xi32, #tpu.memory_space<vmem>> -> memref<128xi32, #tpu.memory_space<vmem>>
        %dma_wait3A_2177 = arith.constant 0 : i32
        %dma_wait3A_2178 = arith.constant 0 : i32
        %dma_wait3A_2179 = tpu.memref_slice %arg8[%dma_wait3A_2177, %dma_wait3A_2178] : memref<5008x128xf32, #tpu.memory_space<vmem_shared>> -> memref<5008x128xf32, #tpu.memory_space<vmem_shared>>
        tpu.wait_indirect_dma semaphore(%run_scoped3A_2159 : memref<!tpu.dma_semaphore, #tpu.memory_space<semaphore_mem>>) src(%dma_wait3A_2173 : memref<128x128xf32, #tpu.memory_space<vmem>>) dst(%dma_wait3A_2179 : memref<5008x128xf32, #tpu.memory_space<vmem_shared>>)
        tpu.yield
      }) : () -> ()
    } else {
    }
    %sub3A_1886 = arith.constant 1 : i32
    %sub3A_1887 = arith.subi %sub3A_1886, %arg0 : i32
    %add3A_1888 = arith.constant 1250 : i32
    %add3A_1889 = arith.addi %add3A_1888, %arg1 : i32
    %mul3A_1890 = arith.muli %sub3A_1887, %add3A_1889 : i32
    %sub3A_1891 = arith.constant 1249 : i32
    %sub3A_1892 = arith.subi %sub3A_1891, %arg1 : i32
    %mul3A_1893 = arith.muli %arg0, %sub3A_1892 : i32
    %add3A_1894 = arith.addi %mul3A_1890, %mul3A_1893 : i32
    %mul3A_1895 = arith.constant 32 : i32
    %mul3A_1896 = arith.muli %mul3A_1895, %arg0 : i32
    %sub3A_1897 = arith.constant 16 : i32
    %sub3A_1898 = arith.subi %sub3A_1897, %mul3A_1896 : i32
    %scan3A_1899 = arith.constant 1 : i32
    %scan3A_1900 = arith.constant 0 : i32
    %scan3A_1901 = arith.constant 79 : i32
    %scan3A_1902 = arith.addi %scan3A_1900, %scan3A_1901 : i32
    %scan3A_1903 = arith.constant 1 : i32
    %scan3A_1904 = scf.for %scan3A_1921 = %scan3A_1900 to %scan3A_1902 step %scan3A_1903 iter_args(%scan3A_1922 = %scan3A_1899) -> (i32)  : i32 {
      %mul3A_1923 = arith.muli %sub3A_1898, %scan3A_1921 : i32
      %add3A_1924 = arith.addi %add3A_1894, %mul3A_1923 : i32
      %jit3A = arith.constant 0 : i32
      %jit3A_1925 = arith.constant 2499 : i32
      %max3A = arith.maxsi %jit3A, %add3A_1924 : i32
      %min3A = arith.minsi %jit3A_1925, %max3A : i32
      %eq3A = arith.constant 1 : i32
      %eq3A_1926 = arith.cmpi eq, %scan3A_1922, %eq3A : i32
      %ge3A_1927 = arith.constant 0 : i32
      %ge3A_1928 = arith.cmpi sge, %add3A_1924, %ge3A_1927 : i32
      %and3A_1929 = arith.andi %eq3A_1926, %ge3A_1928 : i1
      %lt3A_1930 = arith.constant 2500 : i32
      %lt3A_1931 = arith.cmpi slt, %add3A_1924, %lt3A_1930 : i32
      %and3A_1932 = arith.andi %and3A_1929, %lt3A_1931 : i1
      %convert_element_type3A_1933 = arith.extui %and3A_1932 : i1 to i32
      %cond3A_1934 = arith.constant 0 : i32
      %cond3A_1935 = arith.cmpi ne, %convert_element_type3A_1933, %cond3A_1934 : i32
      scf.if %cond3A_1935 {
        %mul3A_1970 = arith.constant 128 : i32
        %mul3A_1971 = arith.muli %mul3A_1970, %min3A : i32
        %add3A_1972 = arith.constant 0 : i32
        %add3A_1973 = arith.addi %mul3A_1971, %add3A_1972 : i32
        %run_scoped3A = arith.constant 0 : i32
        %run_scoped3A_1974 = arith.constant 0 : i32
        "tpu.region"() ({
          %run_scoped3A_1975 = tpu.sem_alloc : memref<!tpu.dma_semaphore, #tpu.memory_space<semaphore_mem>>
          %dma_start3A_1976 = arith.constant 0 : i32
          %dma_start3A_1977 = tpu.memref_slice %arg6[%run_scoped3A, %run_scoped3A_1974, %dma_start3A_1976] : memref<3x1x128xi32, #tpu.memory_space<vmem>> -> memref<1x1x128xi32, #tpu.memory_space<vmem>>
          %dma_start3A_1978 = tpu.memref_squeeze %dma_start3A_1977 : memref<1x1x128xi32, #tpu.memory_space<vmem>> -> memref<128xi32, #tpu.memory_space<vmem>>
          %dma_start3A_1979 = tpu.memref_slice %arg3[%add3A_1973] : memref<320000xi32, #tpu.memory_space<hbm>> -> memref<128xi32, #tpu.memory_space<hbm>>
          %dma_start3A_1980 = arith.constant 0 : i32
          %dma_start3A_1981 = tpu.memref_slice %arg6[%run_scoped3A, %run_scoped3A_1974, %dma_start3A_1980] : memref<3x1x128xi32, #tpu.memory_space<vmem>> -> memref<1x1x128xi32, #tpu.memory_space<vmem>>
          %dma_start3A_1982 = tpu.memref_squeeze %dma_start3A_1981 : memref<1x1x128xi32, #tpu.memory_space<vmem>> -> memref<128xi32, #tpu.memory_space<vmem>>
          %dma_start3A_1983 = tpu.memref_slice %arg3[%add3A_1973] : memref<320000xi32, #tpu.memory_space<hbm>> -> memref<128xi32, #tpu.memory_space<hbm>>
          tpu.enqueue_dma source(%dma_start3A_1983 : memref<128xi32, #tpu.memory_space<hbm>>) target(%dma_start3A_1982 : memref<128xi32, #tpu.memory_space<vmem>>) target_semaphore(%run_scoped3A_1975 : memref<!tpu.dma_semaphore, #tpu.memory_space<semaphore_mem>>)
          %dma_wait3A_1984 = arith.constant 0 : i32
          %dma_wait3A_1985 = tpu.memref_slice %arg6[%run_scoped3A, %run_scoped3A_1974, %dma_wait3A_1984] : memref<3x1x128xi32, #tpu.memory_space<vmem>> -> memref<1x1x128xi32, #tpu.memory_space<vmem>>
          %dma_wait3A_1986 = tpu.memref_squeeze %dma_wait3A_1985 : memref<1x1x128xi32, #tpu.memory_space<vmem>> -> memref<128xi32, #tpu.memory_space<vmem>>
          %dma_wait3A_1987 = tpu.memref_slice %arg3[%add3A_1973] : memref<320000xi32, #tpu.memory_space<hbm>> -> memref<128xi32, #tpu.memory_space<hbm>>
          %dma_wait3A_1988 = arith.constant 0 : i32
          %dma_wait3A_1989 = tpu.memref_slice %arg6[%run_scoped3A, %run_scoped3A_1974, %dma_wait3A_1988] : memref<3x1x128xi32, #tpu.memory_space<vmem>> -> memref<1x1x128xi32, #tpu.memory_space<vmem>>
          %dma_wait3A_1990 = tpu.memref_squeeze %dma_wait3A_1989 : memref<1x1x128xi32, #tpu.memory_space<vmem>> -> memref<128xi32, #tpu.memory_space<vmem>>
          %dma_wait3A_1991 = tpu.memref_slice %arg3[%add3A_1973] : memref<320000xi32, #tpu.memory_space<hbm>> -> memref<128xi32, #tpu.memory_space<hbm>>
          tpu.wait_dma2 semaphore(%run_scoped3A_1975 : memref<!tpu.dma_semaphore, #tpu.memory_space<semaphore_mem>>) src(%dma_wait3A_1991 : memref<128xi32, #tpu.memory_space<hbm>>) dst(%dma_wait3A_1990 : memref<128xi32, #tpu.memory_space<vmem>>)
          tpu.yield
        }) : () -> ()
      } else {
      }
      %get3A_1936 = arith.constant 0 : i32
      %get3A_1937 = arith.constant 0 : i32
      %get3A_1938 = arith.index_cast %get3A_1936 : i32 to index
      %get3A_1939 = arith.index_cast %get3A_1937 : i32 to index
      %get3A_1940 = arith.constant 0 : index
      %get3A_1941 = tpu.vector_load %arg6[%get3A_1938, %get3A_1939, %get3A_1940] {strides = array<i32>} : memref<3x1x128xi32, #tpu.memory_space<vmem>>, vector<1x1x16xi32>,
      %get3A_1942 = vector.shape_cast %get3A_1941 : vector<1x1x16xi32> to vector<16xi32>
      %slice3A = vector.extract_strided_slice %get3A_1942 {offsets = [0], sizes = [1], strides = [1]} : vector<16xi32> to vector<1xi32>
      %squeeze3A = vector.extract %slice3A[0] : i32 from vector<1xi32>
      %get3A_1943 = arith.constant 0 : i32
      %get3A_1944 = arith.constant 0 : i32
      %get3A_1945 = arith.index_cast %get3A_1943 : i32 to index
      %get3A_1946 = arith.index_cast %get3A_1944 : i32 to index
      %get3A_1947 = arith.constant 112 : index
      %get3A_1948 = tpu.vector_load %arg6[%get3A_1945, %get3A_1946, %get3A_1947] {strides = array<i32>} : memref<3x1x128xi32, #tpu.memory_space<vmem>>, vector<1x1x16xi32>,
      %get3A_1949 = vector.shape_cast %get3A_1948 : vector<1x1x16xi32> to vector<16xi32>
      %slice3A_1950 = vector.extract_strided_slice %get3A_1949 {offsets = [15], sizes = [1], strides = [1]} : vector<16xi32> to vector<1xi32>
      %squeeze3A_1951 = vector.extract %slice3A_1950[0] : i32 from vector<1xi32>
      %lt3A_1952 = arith.constant 5000 : i32
      %lt3A_1953 = arith.cmpi slt, %squeeze3A, %lt3A_1952 : i32
      %convert_element_type3A_1954 = arith.extui %lt3A_1953 : i1 to i32
      %ge3A_1955 = arith.constant 5000 : i32
      %ge3A_1956 = arith.cmpi sge, %squeeze3A_1951, %ge3A_1955 : i32
      %convert_element_type3A_1957 = arith.extui %ge3A_1956 : i1 to i32
      %sub3A_1958 = arith.constant 1 : i32
      %sub3A_1959 = arith.subi %sub3A_1958, %arg0 : i32
      %mul3A_1960 = arith.muli %sub3A_1959, %convert_element_type3A_1954 : i32
      %mul3A_1961 = arith.muli %arg0, %convert_element_type3A_1957 : i32
      %add3A_1962 = arith.addi %mul3A_1960, %mul3A_1961 : i32
      %eq3A_1963 = arith.constant 1 : i32
      %eq3A_1964 = arith.cmpi eq, %add3A_1962, %eq3A_1963 : i32
      %and3A_1965 = arith.andi %and3A_1932, %eq3A_1964 : i1
      %convert_element_type3A_1966 = arith.extui %and3A_1965 : i1 to i32
      %cond3A_1967 = arith.constant 0 : i32
      %cond3A_1968 = arith.cmpi ne, %convert_element_type3A_1966, %cond3A_1967 : i32
      scf.if %cond3A_1968 {
        %mul3A_1970 = arith.constant 128 : i32
        %mul3A_1971 = arith.muli %mul3A_1970, %min3A : i32
        %run_scoped3A = arith.constant 0 : i32
        "tpu.region"() ({
          %run_scoped3A_2199 = tpu.sem_alloc : memref<!tpu.dma_semaphore, #tpu.memory_space<semaphore_mem>>
          %dma_start3A_2200 = arith.constant 0 : i32
          %dma_start3A_2201 = arith.constant 0 : i32
          %dma_start3A_2202 = tpu.memref_slice %arg5[%run_scoped3A, %dma_start3A_2200, %dma_start3A_2201] : memref<3x128x128xf32, #tpu.memory_space<vmem>> -> memref<1x128x128xf32, #tpu.memory_space<vmem>>
          %dma_start3A_2203 = tpu.memref_squeeze %dma_start3A_2202 : memref<1x128x128xf32, #tpu.memory_space<vmem>> -> memref<128x128xf32, #tpu.memory_space<vmem>>
          %dma_start3A_2204 = arith.constant 0 : i32
          %dma_start3A_2205 = tpu.memref_slice %arg2[%mul3A_1971, %dma_start3A_2204] : memref<320000x128xf32, #tpu.memory_space<hbm>> -> memref<128x128xf32, #tpu.memory_space<hbm>>
          %dma_start3A_2206 = arith.constant 0 : i32
          %dma_start3A_2207 = arith.constant 0 : i32
          %dma_start3A_2208 = tpu.memref_slice %arg5[%run_scoped3A, %dma_start3A_2206, %dma_start3A_2207] : memref<3x128x128xf32, #tpu.memory_space<vmem>> -> memref<1x128x128xf32, #tpu.memory_space<vmem>>
          %dma_start3A_2209 = tpu.memref_squeeze %dma_start3A_2208 : memref<1x128x128xf32, #tpu.memory_space<vmem>> -> memref<128x128xf32, #tpu.memory_space<vmem>>
          %dma_start3A_2210 = arith.constant 0 : i32
          %dma_start3A_2211 = tpu.memref_slice %arg2[%mul3A_1971, %dma_start3A_2210] : memref<320000x128xf32, #tpu.memory_space<hbm>> -> memref<128x128xf32, #tpu.memory_space<hbm>>
          tpu.enqueue_dma source(%dma_start3A_2211 : memref<128x128xf32, #tpu.memory_space<hbm>>) target(%dma_start3A_2209 : memref<128x128xf32, #tpu.memory_space<vmem>>) target_semaphore(%run_scoped3A_2199 : memref<!tpu.dma_semaphore, #tpu.memory_space<semaphore_mem>>)
          %dma_wait3A_2212 = arith.constant 0 : i32
          %dma_wait3A_2213 = arith.constant 0 : i32
          %dma_wait3A_2214 = tpu.memref_slice %arg5[%run_scoped3A, %dma_wait3A_2212, %dma_wait3A_2213] : memref<3x128x128xf32, #tpu.memory_space<vmem>> -> memref<1x128x128xf32, #tpu.memory_space<vmem>>
          %dma_wait3A_2215 = tpu.memref_squeeze %dma_wait3A_2214 : memref<1x128x128xf32, #tpu.memory_space<vmem>> -> memref<128x128xf32, #tpu.memory_space<vmem>>
          %dma_wait3A_2216 = arith.constant 0 : i32
          %dma_wait3A_2217 = tpu.memref_slice %arg2[%mul3A_1971, %dma_wait3A_2216] : memref<320000x128xf32, #tpu.memory_space<hbm>> -> memref<128x128xf32, #tpu.memory_space<hbm>>
          %dma_wait3A_2218 = arith.constant 0 : i32
          %dma_wait3A_2219 = arith.constant 0 : i32
          %dma_wait3A_2220 = tpu.memref_slice %arg5[%run_scoped3A, %dma_wait3A_2218, %dma_wait3A_2219] : memref<3x128x128xf32, #tpu.memory_space<vmem>> -> memref<1x128x128xf32, #tpu.memory_space<vmem>>
          %dma_wait3A_2221 = tpu.memref_squeeze %dma_wait3A_2220 : memref<1x128x128xf32, #tpu.memory_space<vmem>> -> memref<128x128xf32, #tpu.memory_space<vmem>>
          %dma_wait3A_2222 = arith.constant 0 : i32
          %dma_wait3A_2223 = tpu.memref_slice %arg2[%mul3A_1971, %dma_wait3A_2222] : memref<320000x128xf32, #tpu.memory_space<hbm>> -> memref<128x128xf32, #tpu.memory_space<hbm>>
          tpu.wait_dma2 semaphore(%run_scoped3A_2199 : memref<!tpu.dma_semaphore, #tpu.memory_space<semaphore_mem>>) src(%dma_wait3A_2223 : memref<128x128xf32, #tpu.memory_space<hbm>>) dst(%dma_wait3A_2221 : memref<128x128xf32, #tpu.memory_space<vmem>>)
          tpu.yield
        }) : () -> ()
        %get3A_1972 = arith.constant 0 : i32
        %get3A_1973 = arith.constant 0 : i32
        %get3A_1974 = arith.index_cast %get3A_1972 : i32 to index
        %get3A_1975 = arith.index_cast %get3A_1973 : i32 to index
        %get3A_1976 = arith.constant 0 : index
        %get3A_1977 = tpu.vector_load %arg6[%get3A_1974, %get3A_1975, %get3A_1976] {strides = array<i32>} : memref<3x1x128xi32, #tpu.memory_space<vmem>>, vector<1x1x16xi32>,
        %get3A_1978 = vector.shape_cast %get3A_1977 : vector<1x1x16xi32> to vector<16xi32>
        %sub3A_1979 = vector.broadcast %mul3A_0 : i32 to vector<16xi32>
        %sub3A_1980 = arith.subi %get3A_1978, %sub3A_1979 : vector<16xi32>
        %add3A_1981 = arith.constant 0 : i32
        %add3A_1982 = vector.broadcast %add3A_1981 : i32 to vector<16xi32>
        %add3A_1983 = arith.addi %sub3A_1980, %add3A_1982 : vector<16xi32>
        %ge3A_1984 = arith.constant 0 : i32
        %ge3A_1985 = vector.broadcast %ge3A_1984 : i32 to vector<16xi32>
        %ge3A_1986 = arith.cmpi sge, %add3A_1983, %ge3A_1985 : vector<16xi32>
        %lt3A_1987 = arith.constant 5000 : i32
        %lt3A_1988 = vector.broadcast %lt3A_1987 : i32 to vector<16xi32>
        %lt3A_1989 = arith.cmpi slt, %add3A_1983, %lt3A_1988 : vector<16xi32>
        %and3A_1990 = arith.andi %ge3A_1986, %lt3A_1989 : vector<16xi1>
        %select_n3A_1991 = arith.select %and3A_1990, %add3A_1983, %broadcast_in_dim3A_1 : vector<16xi1>, vector<16xi32>
        %swap3A_1992 = arith.constant 0 : i32
        %swap3A_1993 = arith.constant 0 : i32
        %swap3A_1994 = arith.index_cast %swap3A_1992 : i32 to index
        %swap3A_1995 = arith.index_cast %swap3A_1993 : i32 to index
        %swap3A_1996 = arith.constant 0 : index
        %swap3A_1997 = tpu.vector_load %arg6[%swap3A_1994, %swap3A_1995, %swap3A_1996] {strides = array<i32>} : memref<3x1x128xi32, #tpu.memory_space<vmem>>, vector<1x1x16xi32>,
        %swap3A_1998 = vector.shape_cast %swap3A_1997 : vector<1x1x16xi32> to vector<16xi32>
        %swap3A_1999 = vector.shape_cast %select_n3A_1991 : vector<16xi32> to vector<1x1x16xi32>
        tpu.vector_store %arg6[%swap3A_1994, %swap3A_1995, %swap3A_1996], %swap3A_1999 {strides = array<i32>} : memref<3x1x128xi32, #tpu.memory_space<vmem>>, vector<1x1x16xi32>,
        %get3A_2000 = arith.constant 0 : i32
        %get3A_2001 = arith.constant 0 : i32
        %get3A_2002 = arith.index_cast %get3A_2000 : i32 to index
        %get3A_2003 = arith.index_cast %get3A_2001 : i32 to index
        %get3A_2004 = arith.constant 16 : index
        %get3A_2005 = tpu.vector_load %arg6[%get3A_2002, %get3A_2003, %get3A_2004] {strides = array<i32>} : memref<3x1x128xi32, #tpu.memory_space<vmem>>, vector<1x1x16xi32>,
        %get3A_2006 = vector.shape_cast %get3A_2005 : vector<1x1x16xi32> to vector<16xi32>
        %sub3A_2007 = vector.broadcast %mul3A_0 : i32 to vector<16xi32>
        %sub3A_2008 = arith.subi %get3A_2006, %sub3A_2007 : vector<16xi32>
        %add3A_2009 = arith.constant 0 : i32
        %add3A_2010 = vector.broadcast %add3A_2009 : i32 to vector<16xi32>
        %add3A_2011 = arith.addi %sub3A_2008, %add3A_2010 : vector<16xi32>
        %ge3A_2012 = arith.constant 0 : i32
        %ge3A_2013 = vector.broadcast %ge3A_2012 : i32 to vector<16xi32>
        %ge3A_2014 = arith.cmpi sge, %add3A_2011, %ge3A_2013 : vector<16xi32>
        %lt3A_2015 = arith.constant 5000 : i32
        %lt3A_2016 = vector.broadcast %lt3A_2015 : i32 to vector<16xi32>
        %lt3A_2017 = arith.cmpi slt, %add3A_2011, %lt3A_2016 : vector<16xi32>
        %and3A_2018 = arith.andi %ge3A_2014, %lt3A_2017 : vector<16xi1>
        %select_n3A_2019 = arith.select %and3A_2018, %add3A_2011, %broadcast_in_dim3A_1 : vector<16xi1>, vector<16xi32>
        %swap3A_2020 = arith.constant 0 : i32
        %swap3A_2021 = arith.constant 0 : i32
        %swap3A_2022 = arith.index_cast %swap3A_2020 : i32 to index
        %swap3A_2023 = arith.index_cast %swap3A_2021 : i32 to index
        %swap3A_2024 = arith.constant 16 : index
        %swap3A_2025 = tpu.vector_load %arg6[%swap3A_2022, %swap3A_2023, %swap3A_2024] {strides = array<i32>} : memref<3x1x128xi32, #tpu.memory_space<vmem>>, vector<1x1x16xi32>,
        %swap3A_2026 = vector.shape_cast %swap3A_2025 : vector<1x1x16xi32> to vector<16xi32>
        %swap3A_2027 = vector.shape_cast %select_n3A_2019 : vector<16xi32> to vector<1x1x16xi32>
        tpu.vector_store %arg6[%swap3A_2022, %swap3A_2023, %swap3A_2024], %swap3A_2027 {strides = array<i32>} : memref<3x1x128xi32, #tpu.memory_space<vmem>>, vector<1x1x16xi32>,
        %get3A_2028 = arith.constant 0 : i32
        %get3A_2029 = arith.constant 0 : i32
        %get3A_2030 = arith.index_cast %get3A_2028 : i32 to index
        %get3A_2031 = arith.index_cast %get3A_2029 : i32 to index
        %get3A_2032 = arith.constant 32 : index
        %get3A_2033 = tpu.vector_load %arg6[%get3A_2030, %get3A_2031, %get3A_2032] {strides = array<i32>} : memref<3x1x128xi32, #tpu.memory_space<vmem>>, vector<1x1x16xi32>,
        %get3A_2034 = vector.shape_cast %get3A_2033 : vector<1x1x16xi32> to vector<16xi32>
        %sub3A_2035 = vector.broadcast %mul3A_0 : i32 to vector<16xi32>
        %sub3A_2036 = arith.subi %get3A_2034, %sub3A_2035 : vector<16xi32>
        %add3A_2037 = arith.constant 0 : i32
        %add3A_2038 = vector.broadcast %add3A_2037 : i32 to vector<16xi32>
        %add3A_2039 = arith.addi %sub3A_2036, %add3A_2038 : vector<16xi32>
        %ge3A_2040 = arith.constant 0 : i32
        %ge3A_2041 = vector.broadcast %ge3A_2040 : i32 to vector<16xi32>
        %ge3A_2042 = arith.cmpi sge, %add3A_2039, %ge3A_2041 : vector<16xi32>
        %lt3A_2043 = arith.constant 5000 : i32
        %lt3A_2044 = vector.broadcast %lt3A_2043 : i32 to vector<16xi32>
        %lt3A_2045 = arith.cmpi slt, %add3A_2039, %lt3A_2044 : vector<16xi32>
        %and3A_2046 = arith.andi %ge3A_2042, %lt3A_2045 : vector<16xi1>
        %select_n3A_2047 = arith.select %and3A_2046, %add3A_2039, %broadcast_in_dim3A_1 : vector<16xi1>, vector<16xi32>
        %swap3A_2048 = arith.constant 0 : i32
        %swap3A_2049 = arith.constant 0 : i32
        %swap3A_2050 = arith.index_cast %swap3A_2048 : i32 to index
        %swap3A_2051 = arith.index_cast %swap3A_2049 : i32 to index
        %swap3A_2052 = arith.constant 32 : index
        %swap3A_2053 = tpu.vector_load %arg6[%swap3A_2050, %swap3A_2051, %swap3A_2052] {strides = array<i32>} : memref<3x1x128xi32, #tpu.memory_space<vmem>>, vector<1x1x16xi32>,
        %swap3A_2054 = vector.shape_cast %swap3A_2053 : vector<1x1x16xi32> to vector<16xi32>
        %swap3A_2055 = vector.shape_cast %select_n3A_2047 : vector<16xi32> to vector<1x1x16xi32>
        tpu.vector_store %arg6[%swap3A_2050, %swap3A_2051, %swap3A_2052], %swap3A_2055 {strides = array<i32>} : memref<3x1x128xi32, #tpu.memory_space<vmem>>, vector<1x1x16xi32>,
        %get3A_2056 = arith.constant 0 : i32
        %get3A_2057 = arith.constant 0 : i32
        %get3A_2058 = arith.index_cast %get3A_2056 : i32 to index
        %get3A_2059 = arith.index_cast %get3A_2057 : i32 to index
        %get3A_2060 = arith.constant 48 : index
        %get3A_2061 = tpu.vector_load %arg6[%get3A_2058, %get3A_2059, %get3A_2060] {strides = array<i32>} : memref<3x1x128xi32, #tpu.memory_space<vmem>>, vector<1x1x16xi32>,
        %get3A_2062 = vector.shape_cast %get3A_2061 : vector<1x1x16xi32> to vector<16xi32>
        %sub3A_2063 = vector.broadcast %mul3A_0 : i32 to vector<16xi32>
        %sub3A_2064 = arith.subi %get3A_2062, %sub3A_2063 : vector<16xi32>
        %add3A_2065 = arith.constant 0 : i32
        %add3A_2066 = vector.broadcast %add3A_2065 : i32 to vector<16xi32>
        %add3A_2067 = arith.addi %sub3A_2064, %add3A_2066 : vector<16xi32>
        %ge3A_2068 = arith.constant 0 : i32
        %ge3A_2069 = vector.broadcast %ge3A_2068 : i32 to vector<16xi32>
        %ge3A_2070 = arith.cmpi sge, %add3A_2067, %ge3A_2069 : vector<16xi32>
        %lt3A_2071 = arith.constant 5000 : i32
        %lt3A_2072 = vector.broadcast %lt3A_2071 : i32 to vector<16xi32>
        %lt3A_2073 = arith.cmpi slt, %add3A_2067, %lt3A_2072 : vector<16xi32>
        %and3A_2074 = arith.andi %ge3A_2070, %lt3A_2073 : vector<16xi1>
        %select_n3A_2075 = arith.select %and3A_2074, %add3A_2067, %broadcast_in_dim3A_1 : vector<16xi1>, vector<16xi32>
        %swap3A_2076 = arith.constant 0 : i32
        %swap3A_2077 = arith.constant 0 : i32
        %swap3A_2078 = arith.index_cast %swap3A_2076 : i32 to index
        %swap3A_2079 = arith.index_cast %swap3A_2077 : i32 to index
        %swap3A_2080 = arith.constant 48 : index
        %swap3A_2081 = tpu.vector_load %arg6[%swap3A_2078, %swap3A_2079, %swap3A_2080] {strides = array<i32>} : memref<3x1x128xi32, #tpu.memory_space<vmem>>, vector<1x1x16xi32>,
        %swap3A_2082 = vector.shape_cast %swap3A_2081 : vector<1x1x16xi32> to vector<16xi32>
        %swap3A_2083 = vector.shape_cast %select_n3A_2075 : vector<16xi32> to vector<1x1x16xi32>
        tpu.vector_store %arg6[%swap3A_2078, %swap3A_2079, %swap3A_2080], %swap3A_2083 {strides = array<i32>} : memref<3x1x128xi32, #tpu.memory_space<vmem>>, vector<1x1x16xi32>,
        %get3A_2084 = arith.constant 0 : i32
        %get3A_2085 = arith.constant 0 : i32
        %get3A_2086 = arith.index_cast %get3A_2084 : i32 to index
        %get3A_2087 = arith.index_cast %get3A_2085 : i32 to index
        %get3A_2088 = arith.constant 64 : index
        %get3A_2089 = tpu.vector_load %arg6[%get3A_2086, %get3A_2087, %get3A_2088] {strides = array<i32>} : memref<3x1x128xi32, #tpu.memory_space<vmem>>, vector<1x1x16xi32>,
        %get3A_2090 = vector.shape_cast %get3A_2089 : vector<1x1x16xi32> to vector<16xi32>
        %sub3A_2091 = vector.broadcast %mul3A_0 : i32 to vector<16xi32>
        %sub3A_2092 = arith.subi %get3A_2090, %sub3A_2091 : vector<16xi32>
        %add3A_2093 = arith.constant 0 : i32
        %add3A_2094 = vector.broadcast %add3A_2093 : i32 to vector<16xi32>
        %add3A_2095 = arith.addi %sub3A_2092, %add3A_2094 : vector<16xi32>
        %ge3A_2096 = arith.constant 0 : i32
        %ge3A_2097 = vector.broadcast %ge3A_2096 : i32 to vector<16xi32>
        %ge3A_2098 = arith.cmpi sge, %add3A_2095, %ge3A_2097 : vector<16xi32>
        %lt3A_2099 = arith.constant 5000 : i32
        %lt3A_2100 = vector.broadcast %lt3A_2099 : i32 to vector<16xi32>
        %lt3A_2101 = arith.cmpi slt, %add3A_2095, %lt3A_2100 : vector<16xi32>
        %and3A_2102 = arith.andi %ge3A_2098, %lt3A_2101 : vector<16xi1>
        %select_n3A_2103 = arith.select %and3A_2102, %add3A_2095, %broadcast_in_dim3A_1 : vector<16xi1>, vector<16xi32>
        %swap3A_2104 = arith.constant 0 : i32
        %swap3A_2105 = arith.constant 0 : i32
        %swap3A_2106 = arith.index_cast %swap3A_2104 : i32 to index
        %swap3A_2107 = arith.index_cast %swap3A_2105 : i32 to index
        %swap3A_2108 = arith.constant 64 : index
        %swap3A_2109 = tpu.vector_load %arg6[%swap3A_2106, %swap3A_2107, %swap3A_2108] {strides = array<i32>} : memref<3x1x128xi32, #tpu.memory_space<vmem>>, vector<1x1x16xi32>,
        %swap3A_2110 = vector.shape_cast %swap3A_2109 : vector<1x1x16xi32> to vector<16xi32>
        %swap3A_2111 = vector.shape_cast %select_n3A_2103 : vector<16xi32> to vector<1x1x16xi32>
        tpu.vector_store %arg6[%swap3A_2106, %swap3A_2107, %swap3A_2108], %swap3A_2111 {strides = array<i32>} : memref<3x1x128xi32, #tpu.memory_space<vmem>>, vector<1x1x16xi32>,
        %get3A_2112 = arith.constant 0 : i32
        %get3A_2113 = arith.constant 0 : i32
        %get3A_2114 = arith.index_cast %get3A_2112 : i32 to index
        %get3A_2115 = arith.index_cast %get3A_2113 : i32 to index
        %get3A_2116 = arith.constant 80 : index
        %get3A_2117 = tpu.vector_load %arg6[%get3A_2114, %get3A_2115, %get3A_2116] {strides = array<i32>} : memref<3x1x128xi32, #tpu.memory_space<vmem>>, vector<1x1x16xi32>,
        %get3A_2118 = vector.shape_cast %get3A_2117 : vector<1x1x16xi32> to vector<16xi32>
        %sub3A_2119 = vector.broadcast %mul3A_0 : i32 to vector<16xi32>
        %sub3A_2120 = arith.subi %get3A_2118, %sub3A_2119 : vector<16xi32>
        %add3A_2121 = arith.constant 0 : i32
        %add3A_2122 = vector.broadcast %add3A_2121 : i32 to vector<16xi32>
        %add3A_2123 = arith.addi %sub3A_2120, %add3A_2122 : vector<16xi32>
        %ge3A_2124 = arith.constant 0 : i32
        %ge3A_2125 = vector.broadcast %ge3A_2124 : i32 to vector<16xi32>
        %ge3A_2126 = arith.cmpi sge, %add3A_2123, %ge3A_2125 : vector<16xi32>
        %lt3A_2127 = arith.constant 5000 : i32
        %lt3A_2128 = vector.broadcast %lt3A_2127 : i32 to vector<16xi32>
        %lt3A_2129 = arith.cmpi slt, %add3A_2123, %lt3A_2128 : vector<16xi32>
        %and3A_2130 = arith.andi %ge3A_2126, %lt3A_2129 : vector<16xi1>
        %select_n3A_2131 = arith.select %and3A_2130, %add3A_2123, %broadcast_in_dim3A_1 : vector<16xi1>, vector<16xi32>
        %swap3A_2132 = arith.constant 0 : i32
        %swap3A_2133 = arith.constant 0 : i32
        %swap3A_2134 = arith.index_cast %swap3A_2132 : i32 to index
        %swap3A_2135 = arith.index_cast %swap3A_2133 : i32 to index
        %swap3A_2136 = arith.constant 80 : index
        %swap3A_2137 = tpu.vector_load %arg6[%swap3A_2134, %swap3A_2135, %swap3A_2136] {strides = array<i32>} : memref<3x1x128xi32, #tpu.memory_space<vmem>>, vector<1x1x16xi32>,
        %swap3A_2138 = vector.shape_cast %swap3A_2137 : vector<1x1x16xi32> to vector<16xi32>
        %swap3A_2139 = vector.shape_cast %select_n3A_2131 : vector<16xi32> to vector<1x1x16xi32>
        tpu.vector_store %arg6[%swap3A_2134, %swap3A_2135, %swap3A_2136], %swap3A_2139 {strides = array<i32>} : memref<3x1x128xi32, #tpu.memory_space<vmem>>, vector<1x1x16xi32>,
        %get3A_2140 = arith.constant 0 : i32
        %get3A_2141 = arith.constant 0 : i32
        %get3A_2142 = arith.index_cast %get3A_2140 : i32 to index
        %get3A_2143 = arith.index_cast %get3A_2141 : i32 to index
        %get3A_2144 = arith.constant 96 : index
        %get3A_2145 = tpu.vector_load %arg6[%get3A_2142, %get3A_2143, %get3A_2144] {strides = array<i32>} : memref<3x1x128xi32, #tpu.memory_space<vmem>>, vector<1x1x16xi32>,
        %get3A_2146 = vector.shape_cast %get3A_2145 : vector<1x1x16xi32> to vector<16xi32>
        %sub3A_2147 = vector.broadcast %mul3A_0 : i32 to vector<16xi32>
        %sub3A_2148 = arith.subi %get3A_2146, %sub3A_2147 : vector<16xi32>
        %add3A_2149 = arith.constant 0 : i32
        %add3A_2150 = vector.broadcast %add3A_2149 : i32 to vector<16xi32>
        %add3A_2151 = arith.addi %sub3A_2148, %add3A_2150 : vector<16xi32>
        %ge3A_2152 = arith.constant 0 : i32
        %ge3A_2153 = vector.broadcast %ge3A_2152 : i32 to vector<16xi32>
        %ge3A_2154 = arith.cmpi sge, %add3A_2151, %ge3A_2153 : vector<16xi32>
        %lt3A_2155 = arith.constant 5000 : i32
        %lt3A_2156 = vector.broadcast %lt3A_2155 : i32 to vector<16xi32>
        %lt3A_2157 = arith.cmpi slt, %add3A_2151, %lt3A_2156 : vector<16xi32>
        %and3A_2158 = arith.andi %ge3A_2154, %lt3A_2157 : vector<16xi1>
        %select_n3A_2159 = arith.select %and3A_2158, %add3A_2151, %broadcast_in_dim3A_1 : vector<16xi1>, vector<16xi32>
        %swap3A_2160 = arith.constant 0 : i32
        %swap3A_2161 = arith.constant 0 : i32
        %swap3A_2162 = arith.index_cast %swap3A_2160 : i32 to index
        %swap3A_2163 = arith.index_cast %swap3A_2161 : i32 to index
        %swap3A_2164 = arith.constant 96 : index
        %swap3A_2165 = tpu.vector_load %arg6[%swap3A_2162, %swap3A_2163, %swap3A_2164] {strides = array<i32>} : memref<3x1x128xi32, #tpu.memory_space<vmem>>, vector<1x1x16xi32>,
        %swap3A_2166 = vector.shape_cast %swap3A_2165 : vector<1x1x16xi32> to vector<16xi32>
        %swap3A_2167 = vector.shape_cast %select_n3A_2159 : vector<16xi32> to vector<1x1x16xi32>
        tpu.vector_store %arg6[%swap3A_2162, %swap3A_2163, %swap3A_2164], %swap3A_2167 {strides = array<i32>} : memref<3x1x128xi32, #tpu.memory_space<vmem>>, vector<1x1x16xi32>,
        %get3A_2168 = arith.constant 0 : i32
        %get3A_2169 = arith.constant 0 : i32
        %get3A_2170 = arith.index_cast %get3A_2168 : i32 to index
        %get3A_2171 = arith.index_cast %get3A_2169 : i32 to index
        %get3A_2172 = arith.constant 112 : index
        %get3A_2173 = tpu.vector_load %arg6[%get3A_2170, %get3A_2171, %get3A_2172] {strides = array<i32>} : memref<3x1x128xi32, #tpu.memory_space<vmem>>, vector<1x1x16xi32>,
        %get3A_2174 = vector.shape_cast %get3A_2173 : vector<1x1x16xi32> to vector<16xi32>
        %sub3A_2175 = vector.broadcast %mul3A_0 : i32 to vector<16xi32>
        %sub3A_2176 = arith.subi %get3A_2174, %sub3A_2175 : vector<16xi32>
        %add3A_2177 = arith.constant 0 : i32
        %add3A_2178 = vector.broadcast %add3A_2177 : i32 to vector<16xi32>
        %add3A_2179 = arith.addi %sub3A_2176, %add3A_2178 : vector<16xi32>
        %ge3A_2180 = arith.constant 0 : i32
        %ge3A_2181 = vector.broadcast %ge3A_2180 : i32 to vector<16xi32>
        %ge3A_2182 = arith.cmpi sge, %add3A_2179, %ge3A_2181 : vector<16xi32>
        %lt3A_2183 = arith.constant 5000 : i32
        %lt3A_2184 = vector.broadcast %lt3A_2183 : i32 to vector<16xi32>
        %lt3A_2185 = arith.cmpi slt, %add3A_2179, %lt3A_2184 : vector<16xi32>
        %and3A_2186 = arith.andi %ge3A_2182, %lt3A_2185 : vector<16xi1>
        %select_n3A_2187 = arith.select %and3A_2186, %add3A_2179, %broadcast_in_dim3A_1 : vector<16xi1>, vector<16xi32>
        %swap3A_2188 = arith.constant 0 : i32
        %swap3A_2189 = arith.constant 0 : i32
        %swap3A_2190 = arith.index_cast %swap3A_2188 : i32 to index
        %swap3A_2191 = arith.index_cast %swap3A_2189 : i32 to index
        %swap3A_2192 = arith.constant 112 : index
        %swap3A_2193 = tpu.vector_load %arg6[%swap3A_2190, %swap3A_2191, %swap3A_2192] {strides = array<i32>} : memref<3x1x128xi32, #tpu.memory_space<vmem>>, vector<1x1x16xi32>,
        %swap3A_2194 = vector.shape_cast %swap3A_2193 : vector<1x1x16xi32> to vector<16xi32>
        %swap3A_2195 = vector.shape_cast %select_n3A_2187 : vector<16xi32> to vector<1x1x16xi32>
        tpu.vector_store %arg6[%swap3A_2190, %swap3A_2191, %swap3A_2192], %swap3A_2195 {strides = array<i32>} : memref<3x1x128xi32, #tpu.memory_space<vmem>>, vector<1x1x16xi32>,
        %run_scoped3A_2196 = arith.constant 0 : i32
        %run_scoped3A_2197 = arith.constant 0 : i32
        %run_scoped3A_2198 = arith.constant 0 : i32
        "tpu.region"() ({
          %run_scoped3A_2199 = tpu.sem_alloc : memref<!tpu.dma_semaphore, #tpu.memory_space<semaphore_mem>>
          %dma_start3A_2200 = arith.constant 0 : i32
          %dma_start3A_2201 = arith.constant 0 : i32
          %dma_start3A_2202 = tpu.memref_slice %arg5[%run_scoped3A_2196, %dma_start3A_2200, %dma_start3A_2201] : memref<3x128x128xf32, #tpu.memory_space<vmem>> -> memref<1x128x128xf32, #tpu.memory_space<vmem>>
          %dma_start3A_2203 = tpu.memref_squeeze %dma_start3A_2202 : memref<1x128x128xf32, #tpu.memory_space<vmem>> -> memref<128x128xf32, #tpu.memory_space<vmem>>
          %dma_start3A_2204 = arith.constant 0 : i32
          %dma_start3A_2205 = tpu.memref_slice %arg6[%run_scoped3A_2197, %run_scoped3A_2198, %dma_start3A_2204] : memref<3x1x128xi32, #tpu.memory_space<vmem>> -> memref<1x1x128xi32, #tpu.memory_space<vmem>>
          %dma_start3A_2206 = tpu.memref_squeeze %dma_start3A_2205 : memref<1x1x128xi32, #tpu.memory_space<vmem>> -> memref<128xi32, #tpu.memory_space<vmem>>
          %dma_start3A_2207 = arith.constant 0 : i32
          %dma_start3A_2208 = arith.constant 0 : i32
          %dma_start3A_2209 = tpu.memref_slice %arg8[%dma_start3A_2207, %dma_start3A_2208] : memref<5008x128xf32, #tpu.memory_space<vmem_shared>> -> memref<5008x128xf32, #tpu.memory_space<vmem_shared>>
          tpu.enqueue_indirect_dma source(%dma_start3A_2203 : memref<128x128xf32, #tpu.memory_space<vmem>>) target(%dma_start3A_2209 : memref<5008x128xf32, #tpu.memory_space<vmem_shared>>) offsets(%dma_start3A_2206 : memref<128xi32, #tpu.memory_space<vmem>>) semaphore(%run_scoped3A_2199 : memref<!tpu.dma_semaphore, #tpu.memory_space<semaphore_mem>>) {add = true}
          %dma_wait3A_2210 = arith.constant 0 : i32
          %dma_wait3A_2211 = arith.constant 0 : i32
          %dma_wait3A_2212 = tpu.memref_slice %arg5[%run_scoped3A_2196, %dma_wait3A_2210, %dma_wait3A_2211] : memref<3x128x128xf32, #tpu.memory_space<vmem>> -> memref<1x128x128xf32, #tpu.memory_space<vmem>>
          %dma_wait3A_2213 = tpu.memref_squeeze %dma_wait3A_2212 : memref<1x128x128xf32, #tpu.memory_space<vmem>> -> memref<128x128xf32, #tpu.memory_space<vmem>>
          %dma_wait3A_2214 = arith.constant 0 : i32
          %dma_wait3A_2215 = tpu.memref_slice %arg6[%run_scoped3A_2197, %run_scoped3A_2198, %dma_wait3A_2214] : memref<3x1x128xi32, #tpu.memory_space<vmem>> -> memref<1x1x128xi32, #tpu.memory_space<vmem>>
          %dma_wait3A_2216 = tpu.memref_squeeze %dma_wait3A_2215 : memref<1x1x128xi32, #tpu.memory_space<vmem>> -> memref<128xi32, #tpu.memory_space<vmem>>
          %dma_wait3A_2217 = arith.constant 0 : i32
          %dma_wait3A_2218 = arith.constant 0 : i32
          %dma_wait3A_2219 = tpu.memref_slice %arg8[%dma_wait3A_2217, %dma_wait3A_2218] : memref<5008x128xf32, #tpu.memory_space<vmem_shared>> -> memref<5008x128xf32, #tpu.memory_space<vmem_shared>>
          tpu.wait_indirect_dma semaphore(%run_scoped3A_2199 : memref<!tpu.dma_semaphore, #tpu.memory_space<semaphore_mem>>) src(%dma_wait3A_2213 : memref<128x128xf32, #tpu.memory_space<vmem>>) dst(%dma_wait3A_2219 : memref<5008x128xf32, #tpu.memory_space<vmem_shared>>)
          tpu.yield
        }) : () -> ()
      } else {
      }
      %convert_element_type3A_1969 = arith.extui %and3A_1965 : i1 to i32
      scf.yield %convert_element_type3A_1969 : i32
    }
    %scan3A_1905 = arith.constant 79 : i32
    %barrier3A_1906 = arith.constant 0 : index
    tpu.barrier barrier_id(%barrier3A_1906)
    %scan3A_1907 = arith.constant 0 : i32
    %scan3A_1908 = arith.constant 0 : i32
    %scan3A_1909 = arith.constant 8 : i32
    %scan3A_1910 = arith.addi %scan3A_1908, %scan3A_1909 : i32
    %scan3A_1911 = arith.constant 1 : i32
    %scan3A_1912 = scf.for %scan3A_1921 = %scan3A_1908 to %scan3A_1910 step %scan3A_1911 iter_args(%scan3A_1922 = %scan3A_1907) -> (i32)  : i32 {
      %mul3A_1923 = arith.constant 16 : i32
      %mul3A_1924 = arith.muli %mul3A_1923, %scan3A_1921 : i32
      %add3A_1925 = arith.addi %arg1, %mul3A_1924 : i32
      %lt3A_1926 = arith.constant 125 : i32
      %lt3A_1927 = arith.cmpi slt, %add3A_1925, %lt3A_1926 : i32
      %convert_element_type3A_1928 = arith.extui %lt3A_1927 : i1 to i32
      %cond3A_1929 = arith.constant 0 : i32
      %cond3A_1930 = arith.cmpi ne, %convert_element_type3A_1928, %cond3A_1929 : i32
      scf.if %cond3A_1930 {
        %mul3A_1932 = arith.constant 40 : i32
        %mul3A_1933 = arith.muli %mul3A_1932, %add3A_1925 : i32
        %mul3A_1934 = arith.constant 5000 : i32
        %mul3A_1935 = arith.muli %mul3A_1934, %arg0 : i32
        %mul3A_1936 = arith.constant 40 : i32
        %mul3A_1937 = arith.muli %mul3A_1936, %add3A_1925 : i32
        %add3A_1938 = arith.addi %mul3A_1935, %mul3A_1937 : i32
        %dma_start3A_1939 = arith.constant 0 : i32
        %dma_start3A_1940 = tpu.memref_slice %arg4[%add3A_1938, %dma_start3A_1939] : memref<10000x128xf32, #tpu.memory_space<hbm>> -> memref<40x128xf32, #tpu.memory_space<hbm>>
        %dma_start3A_1941 = arith.constant 0 : i32
        %dma_start3A_1942 = tpu.memref_slice %arg8[%mul3A_1933, %dma_start3A_1941] : memref<5008x128xf32, #tpu.memory_space<vmem_shared>> -> memref<40x128xf32, #tpu.memory_space<vmem_shared>>
        tpu.enqueue_dma source(%dma_start3A_1942 : memref<40x128xf32, #tpu.memory_space<vmem_shared>>) target(%dma_start3A_1940 : memref<40x128xf32, #tpu.memory_space<hbm>>) target_semaphore(%arg12 : memref<!tpu.dma_semaphore, #tpu.memory_space<semaphore_mem>>)
      } else {
      }
      %scan3A_1931 = arith.constant 0 : i32
      scf.yield %scan3A_1931 : i32
    }
    %scan3A_1913 = arith.constant 8 : i32
    %scan3A_1914 = arith.constant 0 : i32
    %scan3A_1915 = arith.constant 0 : i32
    %scan3A_1916 = arith.constant 8 : i32
    %scan3A_1917 = arith.addi %scan3A_1915, %scan3A_1916 : i32
    %scan3A_1918 = arith.constant 1 : i32
    %scan3A_1919 = scf.for %scan3A_1921 = %scan3A_1915 to %scan3A_1917 step %scan3A_1918 iter_args(%scan3A_1922 = %scan3A_1914) -> (i32)  : i32 {
      %mul3A_1923 = arith.constant 16 : i32
      %mul3A_1924 = arith.muli %mul3A_1923, %scan3A_1921 : i32
      %add3A_1925 = arith.addi %arg1, %mul3A_1924 : i32
      %lt3A_1926 = arith.constant 125 : i32
      %lt3A_1927 = arith.cmpi slt, %add3A_1925, %lt3A_1926 : i32
      %convert_element_type3A_1928 = arith.extui %lt3A_1927 : i1 to i32
      %cond3A_1929 = arith.constant 0 : i32
      %cond3A_1930 = arith.cmpi ne, %convert_element_type3A_1928, %cond3A_1929 : i32
      scf.if %cond3A_1930 {
        %mul3A_1932 = arith.constant 40 : i32
        %mul3A_1933 = arith.muli %mul3A_1932, %add3A_1925 : i32
        %mul3A_1934 = arith.constant 5000 : i32
        %mul3A_1935 = arith.muli %mul3A_1934, %arg0 : i32
        %mul3A_1936 = arith.constant 40 : i32
        %mul3A_1937 = arith.muli %mul3A_1936, %add3A_1925 : i32
        %add3A_1938 = arith.addi %mul3A_1935, %mul3A_1937 : i32
        %dma_wait3A_1939 = arith.constant 0 : i32
        %dma_wait3A_1940 = tpu.memref_slice %arg4[%add3A_1938, %dma_wait3A_1939] : memref<10000x128xf32, #tpu.memory_space<hbm>> -> memref<40x128xf32, #tpu.memory_space<hbm>>
        %dma_wait3A_1941 = arith.constant 0 : i32
        %dma_wait3A_1942 = tpu.memref_slice %arg8[%mul3A_1933, %dma_wait3A_1941] : memref<5008x128xf32, #tpu.memory_space<vmem_shared>> -> memref<40x128xf32, #tpu.memory_space<vmem_shared>>
        tpu.wait_dma2 semaphore(%arg12 : memref<!tpu.dma_semaphore, #tpu.memory_space<semaphore_mem>>) src(%dma_wait3A_1942 : memref<40x128xf32, #tpu.memory_space<vmem_shared>>) dst(%dma_wait3A_1940 : memref<40x128xf32, #tpu.memory_space<hbm>>)
      } else {
      }
      %scan3A_1931 = arith.constant 0 : i32
      scf.yield %scan3A_1931 : i32
    }
    %scan3A_1920 = arith.constant 8 : i32
    return
  }
}

</mosaic_0001>

<sc_bundles>
// kernel: kernel.3.cloned.1.call-start
scs
__scs_entry_jumppad:
0x0: {  	(pc) =	sbr.rel $0x88, $3  }
0x1: {  	(tag) =	ssettag $0x0;
	lr =	simm.s32 $0x1  }
0x2: {  	[smem:$0x3F9F] =	sst lr;
	_ =	strace $0xD0000000  }
0x3: {  	_ = 	snop  }
0x4: {  	_ = 	snop  }
0x5: {  	_ = 	snop  }
0x6: {  	_ = 	snop  }
0x7: {  	_ = 	snop  }
__scs_overlays_trampoline_lowered:
0x8: {  	[smem:$0x3FAE] =	sst s0  }
0x9: {  	[smem:$0x3FAF] =	sst s1  }
0xa: {  	[smem:$0x3FB0] =	sst s2  }
0xb: {  	[smem:$0x3FB1] =	sst s3  }
0xc: {  	[smem:$0x3FB2] =	sst s4  }
0xd: {  	[smem:$0x3FB3] =	sst s5  }
0xe: {  	[smem:$0x3FB4] =	sst s6  }
0xf: {  	[smem:$0x3FB5] =	sst s7  }
0x10: {  	[smem:$0x3FB6] =	sst s8  }
0x11: {  	[smem:$0x3FB7] =	sst s9;
	s0 =	simm.s32 @!p0 $0x0  }
0x12: {  	s1 =	sld [smem:$0x3F9D];
	s0 =	simm.s32 @p0 $0x1  }
0x13: {  	[smem:$0x3FB8] =	sst s0;
	s0 =	simm.s32 @!p1 $0x0  }
0x14: {  	s2 =	sld [smem:$0x3F9C];
	s0 =	simm.s32 @p1 $0x1  }
0x15: {  	[smem:$0x3FB9] =	sst s0;
	s0 =	simm.s32 @!p2 $0x0  }
0x16: {  	s3 =	sld [smem:$0x3FDB];
	s0 =	simm.s32 @p2 $0x1  }
0x17: {  	s4 =	simm.s32 $0x1BF5;
	[smem:$0x3FBB] =	sst s0  }
0x18: {  	s0 =	sld [smem:$0x3F9E];
	_ =	swait.ge [sflag:s4], $0x0  }
0x19: {  	s7 =	sld [smem:$0x3F9F]  }
0x1a: {  	s8 =	sadd.s32 $0xFFFFE003, lr  }
0x1b: {  	s9 =	sadd.s32 $0xFFFFFEF7, lr;
	s5 =	simm.s32 $0xFFFFFFFF;
	p2 =	slt.u32 s8, $0xFFFFF086  }
0x1c: {  	p1 =	slt.u32 s9, $0xF7A;
	s5 =	simm.s32 @!p2 $0x0  }
0x1d: {  	s5 =	simm.s32 @p1 $0x1;
	p0 =	seq.s32 s7, s2  }
0x1e: {  	s7 =	smul.u32 @!p0 $0xF7A, s2;
	p2 =	seq.s32 @!p0 s5, $0x0  }
0x1f: {  	s9 =	smul.u32 $0xF7A, s1;
	s8 =	simm.s32 @!p0 $0x1BF5;
	p2 =	por !p2, p0  }
0x20: {  	[sflag:s8] =	ssyncset.s32 @!p0 $0xFFFFF086;
	s6 =	sadd.s32 @!p0 s3, s7;
	s7 =	simm.s32 @!p0 $0x108  }
0x21: {  	s3 =	sadd.s32 s3, s9;
	s6 =	sadd.s32 @!p0 $0x88, s6;
	s7 =	simm.s32 @p2 $0x1082  }
0x22: {  	[simem:s7], [sflag:s8] =	dma.local @!p0 [hbm:s6], $0xF7A  }
0x23: {  	s9 =	sor.u32 $0xD0000000, s2;
	s6 =	simm.s32 $0x108;
	_ =	swait.ge @!p0 [sflag:s8], $0x0  }
0x24: {  	s3 =	sadd.s32 $0x88, s3;
	s6 =	simm.s32 @!p1 $0x1082;
	[sflag:s4] =	ssyncset.s32 $0xFFFFF086  }
0x25: {  	[simem:s6], [sflag:s4] =	dma.local [hbm:s3], $0xF7A  }
0x26: {  	[smem:$0x3F9F] =	sst s1;
	(tag) =	ssettag s2;
	_ =	strace s9  }
0x27: {  	s1 =	sld [smem:$0x3FAF]  }
0x28: {  	s2 =	sld [smem:$0x3FB0]  }
0x29: {  	s4 =	sld [smem:$0x3FB2]  }
0x2a: {  	p0 =	seq.s32 s5, $0x0;
	s5 =	sld [smem:$0x3FB3]  }
0x2b: {  	s6 =	sld [smem:$0x3FB4]  }
0x2c: {  	s7 =	sld [smem:$0x3FB5]  }
0x2d: {  	s3 =	simm.s32 $0x108;
	s8 =	sld [smem:$0x3FB6]  }
0x2e: {  	s3 =	simm.s32 @!p0 $0x1082;
	s9 =	sld [smem:$0x3FB7]  }
0x2f: {  	lr =	sadd.s32 s0, s3;
	s0 =	sld [smem:$0x3FAE]  }
0x30: {  	s3 =	sld [smem:$0x3FB1]  }
0x31: {  	[smem:$0x3FBA] =	sst s10  }
0x32: {  	s10 =	sld [smem:$0x3FB8];
	_ =	sdelay $0x3  }
0x33: {  	p0 =	seq.s32 s10, $0x1;
	s10 =	sld [smem:$0x3FBA];
	_ =	sdelay $0x3  }
0x34: {  	[smem:$0x3FBA] =	sst s10  }
0x35: {  	s10 =	sld [smem:$0x3FB9];
	_ =	sdelay $0x3  }
0x36: {  	p1 =	seq.s32 s10, $0x1;
	s10 =	sld [smem:$0x3FBA];
	_ =	sdelay $0x3  }
0x37: {  	[smem:$0x3FBA] =	sst s10  }
0x38: {  	s10 =	sld [smem:$0x3FBB]  }
0x39: {  	_ = 	snop;
	(pc) =	sbr.ind lr, $3  }
0x3a: {  	_ = 	snop  }
0x3b: {  	_ = 	snop  }
0x3c: {  	p2 =	seq.s32 s10, $0x1;
	s10 =	sld [smem:$0x3FBA]  }
0x3d: {  	_ =	shalt  }
0x3e: {  	_ =	shalt  }
0x3f: {  	_ =	shalt  }
0x40: {  	_ =	shalt  }
0x41: {  	_ =	shalt  }
0x42: {  	_ =	shalt  }
0x43: {  	_ =	shalt  }
0x44: {  	_ =	shalt  }
0x45: {  	_ =	shalt  }
0x46: {  	_ =	shalt  }
0x47: {  	_ =	shalt  }
0x48: {  	_ =	shalt  }
0x49: {  	_ =	shalt  }
0x4a: {  	_ =	shalt  }
0x4b: {  	_ =	shalt  }
0x4c: {  	_ =	shalt  }
0x4d: {  	_ =	shalt  }
0x4e: {  	_ =	shalt  }
0x4f: {  	_ =	shalt  }
0x50: {  	_ =	shalt  }
0x51: {  	_ =	shalt  }
0x52: {  	_ =	shalt  }
0x53: {  	_ =	shalt  }
0x54: {  	_ =	shalt  }
0x55: {  	_ =	shalt  }
0x56: {  	_ =	shalt  }
0x57: {  	_ =	shalt  }
0x58: {  	_ =	shalt  }
0x59: {  	_ =	shalt  }
0x5a: {  	_ =	shalt  }
0x5b: {  	_ =	shalt  }
0x5c: {  	_ =	shalt  }
0x5d: {  	_ =	shalt  }
0x5e: {  	_ =	shalt  }
0x5f: {  	_ =	shalt  }
0x60: {  	_ =	shalt  }
0x61: {  	_ =	shalt  }
0x62: {  	_ =	shalt  }
0x63: {  	_ =	shalt  }
0x64: {  	_ =	shalt  }
0x65: {  	_ =	shalt  }
0x66: {  	_ =	shalt  }
0x67: {  	_ =	shalt  }
0x68: {  	_ =	shalt  }
0x69: {  	_ =	shalt  }
0x6a: {  	_ =	shalt  }
0x6b: {  	_ =	shalt  }
0x6c: {  	_ =	shalt  }
0x6d: {  	_ =	shalt  }
0x6e: {  	_ =	shalt  }
0x6f: {  	_ =	shalt  }
0x70: {  	_ =	shalt  }
0x71: {  	_ =	shalt  }
0x72: {  	_ =	shalt  }
0x73: {  	_ =	shalt  }
0x74: {  	_ =	shalt  }
0x75: {  	_ =	shalt  }
0x76: {  	_ =	shalt  }
0x77: {  	_ =	shalt  }
0x78: {  	_ =	shalt  }
0x79: {  	_ =	shalt  }
0x7a: {  	_ =	shalt  }
0x7b: {  	_ =	shalt  }
0x7c: {  	_ =	shalt  }
0x7d: {  	_ =	shalt  }
0x7e: {  	_ =	shalt  }
0x7f: {  	_ =	shalt  }
0x80: {  	_ =	shalt  }
0x81: {  	_ =	shalt  }
0x82: {  	_ =	shalt  }
0x83: {  	_ =	shalt  }
0x84: {  	_ =	shalt  }
0x85: {  	_ =	shalt  }
0x86: {  	_ =	shalt  }
0x87: {  	_ =	shalt  }
.Lfunc_end0:
.L_simem_size_0:
called_computation_lowered:
.L_overlay_start_0:
0x88: {  	s2 =	sld [smem:$0x3FD9]  }
0x89: {  	s3 =	sld [smem:$0x3FFE];
	_ =	sdelay $0x1  }
0x8a: {  	s1 =	srdreg.scid  }
0x8b: {  	s0 =	sand.u32 $0x1, s1  }
0x8c: {  	s18 =	sshll.u32 s0, $0xA;
	s2 =	sadd.s32 s3, s2  }
0x8d: {  	s2 =	sadd.s32 s2, s18  }
0x8e: {  	[smem:$0x3FC6] =	sst s2  }
0x8f: {  	_ = 	snop  }
0x90: {  	s2 =	sld [smem:$0x3FC9]  }
0x91: {  	s19 =	sld [smem:$0x3FC8]  }
0x92: {  	s4 =	sld [smem:$0x3FD0];
	(tm) =	ssettm $0x1  }
0x93: {  	s5 =	sld [smem:$0x3FFB];
	_ =	sdelay $0x3  }
0x94: {  	_ =	strace s5  }
0x95: {  	s5 =	sld [smem:$0x3FFC];
	_ =	sdelay $0x3  }
0x96: {  	_ =	strace s5  }
0x97: {  	s5 =	sld [smem:$0x3FFD];
	_ =	sdelay $0x3  }
0x98: {  	_ =	strace s5  }
0x99: {  	_ =	strace $0x8FFFFFFF  }
0x9a: {  	s20 =	sld [smem:$0x3FDB];
	_ =	sdelay $0x1  }
0x9b: {  	s6 =	simm.s32 $_scs_section_size  }
0x9c: {  	s7 =	simm.s32 $_size__tile_overlayer_lowered;
	s8 =	simm.s32 $_tile_overlayer_lowered  }
0x9d: {  	s23 =	simm.s32 $0x1BFF;
	s22 =	sshll.u32 s8, $0x1;
	s5 =	sadd.s32 s6, s20  }
0x9e: {  	s9 =	simm.s32 $0x0;
	s21 =	sshll.u32 s7, $0x1;
	s7 =	sadd.s32 s22, s5  }
0x9f: {  	[timem:s9], [sflag:s23] =	dma.local [hbm:s7], s21  }
0xa0: {  	_ =	swait.ge [sflag:s23], s21  }
0xa1: {  	s6 =	ssub.s32 $0x0, s21;
	[sflag:s23] =	ssyncset.done $0x0  }
0xa2: {  	[sflag:s23] =	ssyncadd.s32 s6;
	_ =	sdelay $0x1  }
0xa3: {  	s24 =	simm.s32 $0x1B8B  }
0xa4: {  	_ =	swait.ge [sflag:s24], $0x1  }
0xa5: {  	[sflag:s24] =	ssyncset.done $0x0  }
0xa6: {  	s25 =	simm.s32 $0x1B8E;
	[sflag:s24] =	ssyncadd.s32 $0xFFFFFFFF  }
0xa7: {  	s26 =	simm.s32 $execute0_lowered;
	[smem:$0x3FD2] =	sst s25  }
0xa8: {  	s6 =	sshll.u32 s26, $0x1;
	_ =	strace $0x80000046;
	[dreg:$0x1] =	wrdreg $0xFFFFFFFF  }
0xa9: {  	s28 =	simm.s32 $_size_execute0_lowered;
	s5 =	sadd.s32 s5, s6;
	[dreg:$0x0] =	wrdreg $0x0  }
0xaa: {  	s6 =	sshll.u32 s28, $0x1;
	[dreg:$0x2] =	wrdreg s5  }
0xab: {  	[dreg:$0x3] =	wrdreg s6  }
0xac: {  	[dreg:$0x4] =	wrdreg $0xC0  }
0xad: {  	_ =	task [dreg:s9], $0x5FFFF  }
0xae: {  	[dreg:$0x1] =	wrdreg $0xFFFFFFFF  }
0xaf: {  	[dreg:$0x0] =	wrdreg $0x60  }
0xb0: {  	[dreg:$0x2] =	wrdreg s2  }
0xb1: {  	[dreg:$0x3] =	wrdreg s19  }
0xb2: {  	[dreg:$0x4] =	wrdreg s4  }
0xb3: {  	[dreg:$0x5] =	wrdreg $0xD5800  }
0xb4: {  	[dreg:$0x6] =	wrdreg $0x9  }
0xb5: {  	_ =	task.clear_ibuf [dreg:s9], $0x7FFFF;
	_ =	strace $0x90000046  }
0xb6: {  	s29 =	simm.s32 $0x9;
	_ =	strace $0x80000048  }
0xb7: {  	_ =	swait.ge [sflag:s29], $0x1  }
0xb8: {  	[sflag:s29] =	ssyncadd.s32 $0xFFFFFFFF  }
0xb9: {  	_ =	strace $0x90000048  }
0xba: {  	_ =	sfence  }
0xbb: {  	s30 =	sld [smem:$0x0];
	_ =	sdelay $0x2  }
0xbc: {  	s31 =	sshll.u32 s1, $0xD;
	s1 =	sshrl.u32 s1, $0x2  }
0xbd: {  	s3 =	sand.u32 $0x4000, s31;
	s1 =	sadd.s32 s1, s30  }
0xbe: {  	s0 =	sor.u32 s3, s0;
	s1 =	sshll.u32 s1, $0x11  }
0xbf: {  	s0 =	sor.u32 s1, s0  }
0xc0: {  	s0 =	sadd.s32 $0x8F2B, s0  }
0xc1: {  	[sflag:s0] =	ssyncadd.remote.s32 $0x1  }
0xc2: {  	_ =	sfence.sel $0xFFFF  }
0xc3: {  	[dreg:$0x0] =	wrdreg $0xFFFFFFFF;
	(pc) =	sbr.abs _section_cstart, $3  }
0xc4: {  	[dreg:$0x1] =	wrdreg $0xFFFFFFFF  }
0xc5: {  	_ =	task.clear_ibuf [dreg:s9], $0x2FFFF;
	_ =	strace $0x9FFFFFFF  }
0xc6: {  	(tm) =	ssettm $0x7FFFFFFF  }
0xc7: {  	_ =	shalt  }
tec
execute0_lowered:
.L_overlay_start_1:
0x0: {  	(tag) =	ssettag $0x1  }
0x1: {  	s0 =	srdreg.scid  }
0x2: {  	s23 =	stileid.u32;
	s2 =	rddreg [dreg:$0x0]  }
0x3: {  	s1 =	sand.u32 $0x1, s0;
	s5 =	ssub.s32 $0x4E1, s23;
	s18 =	smul.u32 $0x28, s23  }
0x4: {  	s4 =	rddreg [dreg:$0x1];
	s8 =	smul.u32 s1, s5  }
0x5: {  	s15 =	rddreg [dreg:$0x2];
	s13 =	sor.u32 $0x30, s23;
	s7 =	smul.u32 $0x1388, s1  }
0x6: {  	s28 =	simm.s32 $0x8000;
	s10 =	sor.u32 $0x50, s23;
	s20 =	smul.u32 $0x28, s13  }
0x7: {  	s29 =	simm.s32 $0x80;
	s11 =	sor.u32 $0x60, s23;
	s22 =	smul.u32 $0x28, s10  }
0x8: {  	s30 =	simm.s32 $0x2;
	s31 =	simm.s32 $0x3;
	s26 =	smul.u32 $0x28, s11  }
0x9: {  	s17 =	sadd.s32 $0x4E2, s23;
	s14 =	sor.u32 $0x20, s23;
	s13 =	smul.u32 $0x5000, s13  }
0xa: {  	p1 =	sgt.u32 s23, $0xC;
	p2 =	sgt.u32 s23, $0x1;
	s10 =	smul.u32 $0x5000, s10  }
0xb: {  	s3 =	sxor.u32 $0x1, s1;
	s6 =	ssub.s32 $0x2, s1;
	s11 =	smul.u32 $0x5000, s11  }
0xc: {  	s5 =	simm.s32 $0x0;
	s0 =	smul.u32 s17, s3;
	s9 =	sshrl.u32 s6, $0x1  }
0xd: {  	[smem:$0x7FF] =	sst s5;
	s12 =	ssub.s32 s6, s9;
	s9 =	sor.u32 $0x40, s23  }
0xe: {  	s24 =	sadd.s32 s7, s20;
	s13 =	sshrl.u32 s13, $0x2;
	s6 =	sadd.s32 s8, s0  }
0xf: {  	s0 =	sor.u32 $0x10, s23;
	s8 =	sadd.s32 s7, s18;
	s18 =	smul.u32 $0x28, s14  }
0x10: {  	s16 =	smul.u32 $0x28, s0;
	s17 =	sshll.u32 s8, $0x4;
	s8 =	sor.u32 $0x70, s23  }
0x11: {  	s17 =	sadd.s32 s15, s17;
	s19 =	sadd.s32 s7, s18;
	s20 =	smul.u32 $0x28, s8  }
0x12: {  	p0 =	sgt.u32 s8, $0x7C;
	s8 =	smul.u32 $0x5000, s8;
	[dreg:$0x5] =	wrdreg s17  }
0x13: {  	s16 =	sadd.s32 s7, s16;
	s17 =	sshll.u32 s19, $0x4;
	s19 =	smul.u32 $0x28, s9  }
0x14: {  	s12 =	smax.u32 s12, $0x1;
	s9 =	smul.u32 $0x5000, s9;
	s16 =	sshll.u32 s16, $0x4  }
0x15: {  	s21 =	sadd.s32 s15, s17;
	s17 =	sshll.u32 s24, $0x4;
	s24 =	sadd.s32 s7, s20  }
0x16: {  	s20 =	smul.u32 $0x4E2, s1;
	s8 =	sshrl.u32 s8, $0x2;
	s16 =	sadd.s32 s15, s16  }
0x17: {  	[dreg:$0x7] =	wrdreg s21;
	s25 =	sadd.s32 s7, s19;
	s17 =	sadd.s32 s15, s17  }
0x18: {  	s19 =	smul.u32 $0x4E20, s1;
	s9 =	sshrl.u32 s9, $0x2;
	[dreg:$0x6] =	wrdreg s16  }
0x19: {  	s18 =	sshll.u32 s25, $0x4;
	[dreg:$0x8] =	wrdreg s17;
	s16 =	sadd.s32 s7, s22  }
0x1a: {  	v0 =	vmov s7;
	s22 =	sadd.s32 s7, s26;
	s25 =	smul.u32 $0x271000, s1;
	s7 =	simm.s32 $0x6  }
0x1b: {  	s21 =	sadd.s32 s15, s18;
	s16 =	sshll.u32 s16, $0x4;
	s17 =	sshll.u32 s22, $0x4  }
0x1c: {  	s18 =	sshll.u32 s24, $0x4;
	[dreg:$0x9] =	wrdreg s21;
	s16 =	sadd.s32 s15, s16  }
0x1d: {  	s22 =	sshll.u32 s23, $0x4;
	s26 =	sadd.s32 s15, s17;
	[dreg:$0xa] =	wrdreg s16  }
0x1e: {  	s15 =	sadd.s32 s15, s18;
	s17 =	sadd.s32 s25, s2;
	[dreg:$0xb] =	wrdreg s26  }
0x1f: {  	s18 =	sshll.u32 s23, $0xB;
	s21 =	sadd.s32 s19, s4;
	[dreg:$0xc] =	wrdreg s15  }
0x20: {  	s15 =	sadd.s32 s18, s17;
	s17 =	rddreg [dreg:$0x3];
	s18 =	sadd.s32 s23, s20  }
0x21: {  	s16 =	sadd.s32 s22, s21;
	_ =	strace $0x80000047;
	s24 =	sshll.u32 s18, $0x4  }
0x22: {  	s20 =	sshll.u32 s18, $0x7;
	[dreg:$0x1b] =	wrdreg s12;
	s9 =	sadd.s32 s9, s17  }
0x23: {  	s25 =	sshll.u32 s18, $0xB;
	s8 =	sadd.s32 s8, s17;
	[smem:$0x7FA] =	sst s9  }
0x24: {  	s18 =	sadd.s32 $0x4E0, s18;
	s13 =	sadd.s32 s13, s17;
	[smem:$0x7FD] =	sst s8  }
0x25: {  	s19 =	sadd.s32 s4, s24;
	s21 =	sadd.s32 $0x800, s20;
	[dreg:$0x1f] =	wrdreg s13  }
0x26: {  	s24 =	sadd.s32 $0x1000, s20;
	s8 =	simm.s32 $0x0;
	[dreg:$0xd] =	wrdreg s19  }
0x27: {  	s19 =	sadd.s32 s2, s25;
	s26 =	sshrl.u32 s21, $0x3;
	s21 =	sshll.u32 s21, $0x4  }
0x28: {  	s25 =	sshrl.u32 s24, $0x3;
	[dreg:$0xe] =	wrdreg s19;
	s19 =	sadd.s32 s4, s26  }
0x29: {  	s22 =	sadd.s32 s2, s21;
	s21 =	sadd.s32 s4, s25;
	[dreg:$0xf] =	wrdreg s19  }
0x2a: {  	[dreg:$0x10] =	wrdreg s22;
	s19 =	sshll.u32 s24, $0x4;
	s22 =	sadd.s32 $0x1800, s20  }
0x2b: {  	[dreg:$0x11] =	wrdreg s21;
	s19 =	sadd.s32 s2, s19;
	s26 =	sshrl.u32 s22, $0x3  }
0x2c: {  	s21 =	sshll.u32 s22, $0x4;
	s22 =	sadd.s32 $0x2000, s20;
	[dreg:$0x12] =	wrdreg s19  }
0x2d: {  	s19 =	sadd.s32 s4, s26;
	s24 =	sshrl.u32 s22, $0x3;
	s26 =	sadd.s32 $0x26800, s20  }
0x2e: {  	[dreg:$0x13] =	wrdreg s19;
	s19 =	sadd.s32 s2, s21;
	s21 =	sshll.u32 s22, $0x4  }
0x2f: {  	s20 =	sshrl.u32 s26, $0x3;
	[dreg:$0x14] =	wrdreg s19;
	s19 =	sadd.s32 s4, s24  }
0x30: {  	s22 =	smul.u32 $0x5000, s0;
	s25 =	sadd.s32 s2, s21;
	[dreg:$0x15] =	wrdreg s19  }
0x31: {  	s20 =	sadd.s32 s4, s20;
	s21 =	sshll.u32 s18, $0x4;
	[dreg:$0x16] =	wrdreg s25  }
0x32: {  	s18 =	sshll.u32 s18, $0xB;
	s19 =	sshll.u32 s26, $0x4;
	[dreg:$0x17] =	wrdreg s20  }
0x33: {  	s24 =	sadd.s32 s2, s18;
	s25 =	sshll.u32 s1, $0x5;
	s26 =	smul.u32 $0x5000, s23  }
0x34: {  	s20 =	smul.u32 $0x5000, s14;
	s22 =	sshrl.u32 s22, $0x2;
	s19 =	sadd.s32 s2, s19  }
0x35: {  	[dreg:$0x1a] =	wrdreg s24;
	s0 =	ssub.s32 $0x10, s25;
	s18 =	sadd.s32 s22, s17  }
0x36: {  	s24 =	sshrl.u32 s10, $0x2;
	s25 =	sshrl.u32 s11, $0x2;
	s22 =	simm.s32 $0x4000  }
0x37: {  	[dreg:$0x18] =	wrdreg s19;
	s19 =	sadd.s32 s4, s21;
	s21 =	sshrl.u32 s26, $0x2  }
0x38: {  	s12 =	sshrl.u32 s20, $0x2;
	s9 =	sadd.s32 s24, s17;
	[dreg:$0x1d] =	wrdreg s18  }
0x39: {  	s26 =	sadd.s32 s25, s17;
	s20 =	simm.s32 $0xC000;
	[dreg:$0x19] =	wrdreg s19  }
0x3a: {  	s24 =	simm.s32 $0x4;
	s25 =	simm.s32 $0x1;
	[smem:$0x7FB] =	sst s9  }
0x3b: {  	s14 =	sadd.s32 s21, s17;
	s19 =	sadd.s32 s12, s17;
	[smem:$0x7FC] =	sst s26  }
0x3c: {  	s12 =	sadd.s32 $0x700, s16;
	s21 =	simm.s32 $0xC080;
	[dreg:$0x1c] =	wrdreg s14  }
0x3d: {  	v1 =	vimm.f32 $0.0e+00;
	s26 =	simm.s32 $0xC100;
	s16 =	simm.s32 $0x5;
	[dreg:$0x1e] =	wrdreg s19  }
.LBB2_1:
0x3e: {  	s9 =	rddreg [dreg:$0xd]  }
0x3f: {  	[tilespmem:s20], [sflag:$0x1] =	stream.linear.gather [hbm4b:s9+s5], $0x80, $0x38;
	[tilespmem:$0x17200] =	vst v63  }
0x40: {  	s10 =	rddreg [dreg:$0xe]  }
0x41: {  	[tilespmem:s5], [sflag:$0x1] =	stream.linear.gather [hbm4b:s10+s5], $0x4000, $0x38;
	[tilespmem:$0x17200] =	vst v63  }
0x42: {  	s11 =	rddreg [dreg:$0xf]  }
0x43: {  	[tilespmem:s21], [sflag:$0x2] =	stream.linear.gather [hbm4b:s11+s5], $0x80, $0x38;
	[tilespmem:$0x17200] =	vst v63  }
0x44: {  	s23 =	rddreg [dreg:$0x10];
	s9 =	simm.s32 $0x0;
	s10 =	simm.s32 $0x200  }
0x45: {  	[tilespmem:s22], [sflag:$0x2] =	stream.linear.gather [hbm4b:s23+s5], $0x4000, $0x38;
	[tilespmem:$0x17200] =	vst v63  }
.LBB2_2:
0x46: {  	p3 =	sne.s32 s10, $0x4E00;
	[tilespmem:s9+$0xC1F0] =	vst v1  }
0x47: {  	[tilespmem:s9+$0xC180] =	vst v1  }
0x48: {  	[tilespmem:s9+$0xC190] =	vst v1  }
.Ltmp0:
0x49: {  	[tilespmem:s9+$0xC1A0] =	vst v1;
	(pc) =	sbr.rel @p3 .LBB2_2-.Ltmp0, $4  }
0x4a: {  	[tilespmem:s9+$0xC1B0] =	vst v1  }
0x4b: {  	[tilespmem:s9+$0xC1C0] =	vst v1  }
0x4c: {  	[tilespmem:s9+$0xC1D0] =	vst v1  }
0x4d: {  	[tilespmem:s9+$0xC1E0] =	vst v1;
	s9 =	sshra.s32 s10, $0x2;
	s10 =	sadd.s32 $0x200, s10  }
0x4e: {  	[tilespmem:s9+$0xC1F0] =	vst v1  }
0x4f: {  	[tilespmem:s9+$0xC180] =	vst v1  }
0x50: {  	[tilespmem:s9+$0xC190] =	vst v1  }
0x51: {  	[tilespmem:s9+$0xC1A0] =	vst v1  }
0x52: {  	[tilespmem:s9+$0xC1B0] =	vst v1  }
0x53: {  	[tilespmem:s9+$0xC1C0] =	vst v1  }
0x54: {  	[tilespmem:s9+$0xC1D0] =	vst v1  }
0x55: {  	[tilespmem:s9+$0xC1E0] =	vst v1;
	s10 =	simm.s32 $0xC180  }
0x56: {  	[spmem:s14] =	stream.linear.scatter [tilespmem:s10], [sflag:$0x4], $0x1400, $0x38;
	[tilespmem:$0x17200] =	vst v63  }
0x57: {  	_ = 	snop  }
0x58: {  	[spmem:s18] =	stream.linear.scatter [tilespmem:s10], [sflag:$0x4], $0x1400, $0x38;
	[tilespmem:$0x17200] =	vst v63  }
0x59: {  	_ = 	snop  }
0x5a: {  	[spmem:s19] =	stream.linear.scatter [tilespmem:s10], [sflag:$0x4], $0x1400, $0x38;
	[tilespmem:$0x17200] =	vst v63  }
0x5b: {  	s23 =	sld [smem:$0x7FA]  }
0x5c: {  	[spmem:s13] =	stream.linear.scatter [tilespmem:s10], [sflag:$0x4], $0x1400, $0x38;
	[tilespmem:$0x17200] =	vst v63  }
0x5d: {  	s11 =	sld [smem:$0x7FB]  }
0x5e: {  	[spmem:s23] =	stream.linear.scatter [tilespmem:s10], [sflag:$0x4], $0x1400, $0x38;
	[tilespmem:$0x17200] =	vst v63  }
0x5f: {  	s13 =	sld [smem:$0x7FC]  }
0x60: {  	[spmem:s11] =	stream.linear.scatter [tilespmem:s10], [sflag:$0x4], $0x1400, $0x38;
	[tilespmem:$0x17200] =	vst v63  }
0x61: {  	_ = 	snop  }
0x62: {  	[spmem:s13] =	stream.linear.scatter [tilespmem:s10], [sflag:$0x4], $0x1400, $0x38;
	[tilespmem:$0x17200] =	vst v63  }
0x63: {  	s10 =	sld [smem:$0x7FD];
	_ =	sdelay $0x1  }
0x64: {  	s9 =	simm.s32 @!p0 $0xC180  }
0x65: {  	[spmem:s10] =	stream.linear.scatter @!p0 [tilespmem:s9], [sflag:$0x4], $0x1400, $0x38;
	[tilespmem:$0x17200] =	vst v63  }
0x66: {  	_ =	swait.ge [sflag:s24], $0x1400  }
0x67: {  	[sflag:s24] =	ssyncset.done $0x0  }
0x68: {  	[sflag:s24] =	ssyncadd.s32 $0xFFFFEC00  }
0x69: {  	_ =	swait.ge [sflag:s24], $0x1400  }
0x6a: {  	[sflag:s24] =	ssyncset.done $0x0  }
0x6b: {  	[sflag:s24] =	ssyncadd.s32 $0xFFFFEC00  }
0x6c: {  	_ =	swait.ge [sflag:s24], $0x1400  }
0x6d: {  	[sflag:s24] =	ssyncset.done $0x0  }
0x6e: {  	[sflag:s24] =	ssyncadd.s32 $0xFFFFEC00  }
0x6f: {  	_ =	swait.ge [sflag:s24], $0x1400  }
0x70: {  	[sflag:s24] =	ssyncset.done $0x0  }
0x71: {  	[sflag:s24] =	ssyncadd.s32 $0xFFFFEC00  }
0x72: {  	_ =	swait.ge [sflag:s24], $0x1400  }
0x73: {  	[sflag:s24] =	ssyncset.done $0x0  }
0x74: {  	[sflag:s24] =	ssyncadd.s32 $0xFFFFEC00  }
0x75: {  	_ =	swait.ge [sflag:s24], $0x1400  }
0x76: {  	[sflag:s24] =	ssyncset.done $0x0  }
0x77: {  	[sflag:s24] =	ssyncadd.s32 $0xFFFFEC00  }
0x78: {  	_ =	swait.ge [sflag:s24], $0x1400  }
0x79: {  	[sflag:s24] =	ssyncset.done $0x0  }
0x7a: {  	s9 =	simm.s32 @!p1 $0x4;
	[sflag:s24] =	ssyncadd.s32 $0xFFFFEC00  }
0x7b: {  	_ =	swait.ge @!p1 [sflag:s9], $0x1400  }
0x7c: {  	[sflag:s9] =	ssyncset.done @!p1 $0x0  }
0x7d: {  	[sflag:s9] =	ssyncadd.s32 @!p1 $0xFFFFEC00  }
0x7e: {  	[bflag:$0x0] =	sbarrier.arrive $0xFFFF  }
0x7f: {  	_ =	swait.ge [sflag:s25], $0x80  }
0x80: {  	[sflag:s25] =	ssyncset.done $0x0  }
0x81: {  	[sflag:s25] =	ssyncadd.s32 $0xFFFFFF80  }
0x82: {  	_ =	swait.ge [sflag:s25], $0x4000  }
0x83: {  	[sflag:s25] =	ssyncset.done $0x0  }
0x84: {  	[sflag:s25] =	ssyncadd.s32 $0xFFFFC000  }
0x85: {  	v2 =	vld [tilespmem:$0xC000]  }
0x86: {  	v3 =	vld [tilespmem:$0xC010]  }
0x87: {  	v4 =	vld [tilespmem:$0xC020]  }
0x88: {  	v5 =	vld [tilespmem:$0xC030]  }
0x89: {  	v6 =	vld [tilespmem:$0xC040]  }
0x8a: {  	v7 =	vld [tilespmem:$0xC050];
	v2 =	vsub.s32 v2, v0  }
0x8b: {  	v8 =	vld [tilespmem:$0xC060];
	v3 =	vsub.s32 v3, v0;
	v2 =	vmin.u32 v2, $0x1388  }
0x8c: {  	v38 =	vld [tilespmem:$0xC070];
	[tilespmem:$0xC000] =	vst v2;
	v2 =	vmin.u32 v3, $0x1388;
	v3 =	vsub.s32 v4, v0  }
0x8d: {  	[tilespmem:$0xC010] =	vst v2;
	v2 =	vmin.u32 v3, $0x1388;
	v3 =	vsub.s32 v5, v0  }
0x8e: {  	[tilespmem:$0xC020] =	vst v2;
	v2 =	vmin.u32 v3, $0x1388;
	v3 =	vsub.s32 v6, v0  }
0x8f: {  	[tilespmem:$0xC030] =	vst v2;
	v2 =	vmin.u32 v3, $0x1388;
	v3 =	vsub.s32 v7, v0  }
0x90: {  	[tilespmem:$0xC040] =	vst v2;
	v2 =	vmin.u32 v3, $0x1388;
	v3 =	vsub.s32 v8, v0  }
0x91: {  	[tilespmem:$0xC050] =	vst v2;
	v2 =	vmin.u32 v3, $0x1388;
	v3 =	vsub.s32 v38, v0  }
0x92: {  	[tilespmem:$0xC060] =	vst v2;
	v2 =	vmin.u32 v3, $0x1388  }
0x93: {  	s9 =	simm.s32 $0x0;
	s14 =	rddreg [dreg:$0x11];
	[tilespmem:$0xC070] =	vst v2  }
0x94: {  	[tilespmem:s26], [sflag:$0x3] =	stream.linear.gather [hbm4b:s14+s9], $0x80, $0x38;
	[tilespmem:$0x17200] =	vst v63  }
0x95: {  	s18 =	rddreg [dreg:$0x12]  }
0x96: {  	[tilespmem:s28], [sflag:$0x3] =	stream.linear.gather [hbm4b:s18+s9], $0x4000, $0x38;
	[tilespmem:$0x17200] =	vst v63  }
0x97: {  	_ = 	snop  }
0x98: {  	[spmem:s17] =	stream.indirect.scatter.add.f32 [tilespmem:s9], [sflag:$0x4], $0x80, s20, s29, $0xb8;
	[tilespmem:$0x17200] =	vst v63  }
0x99: {  	_ =	swait.ge [sflag:s30], $0x80  }
0x9a: {  	[sflag:s30] =	ssyncset.done $0x0  }
0x9b: {  	[sflag:s30] =	ssyncadd.s32 $0xFFFFFF80  }
0x9c: {  	_ =	swait.ge [sflag:s30], $0x4000  }
0x9d: {  	[sflag:s30] =	ssyncset.done $0x0  }
0x9e: {  	[sflag:s30] =	ssyncadd.s32 $0xFFFFC000  }
0x9f: {  	v2 =	vld [tilespmem:$0xC080]  }
0xa0: {  	v3 =	vld [tilespmem:$0xC090]  }
0xa1: {  	v39 =	vld [tilespmem:$0xC0A0]  }
0xa2: {  	v40 =	vld [tilespmem:$0xC0B0]  }
0xa3: {  	v41 =	vld [tilespmem:$0xC0C0]  }
0xa4: {  	v42 =	vld [tilespmem:$0xC0D0];
	v2 =	vsub.s32 v2, v0  }
0xa5: {  	v43 =	vld [tilespmem:$0xC0E0];
	v3 =	vsub.s32 v3, v0;
	v2 =	vmin.u32 v2, $0x1388  }
0xa6: {  	v44 =	vld [tilespmem:$0xC0F0];
	[tilespmem:$0xC080] =	vst v2;
	v2 =	vmin.u32 v3, $0x1388;
	v3 =	vsub.s32 v39, v0  }
0xa7: {  	[tilespmem:$0xC090] =	vst v2;
	v2 =	vmin.u32 v3, $0x1388;
	v3 =	vsub.s32 v40, v0  }
0xa8: {  	[tilespmem:$0xC0A0] =	vst v2;
	v2 =	vmin.u32 v3, $0x1388;
	v3 =	vsub.s32 v41, v0  }
0xa9: {  	[tilespmem:$0xC0B0] =	vst v2;
	v2 =	vmin.u32 v3, $0x1388;
	v3 =	vsub.s32 v42, v0  }
0xaa: {  	[tilespmem:$0xC0C0] =	vst v2;
	v2 =	vmin.u32 v3, $0x1388;
	v3 =	vsub.s32 v43, v0  }
0xab: {  	[tilespmem:$0xC0D0] =	vst v2;
	v2 =	vmin.u32 v3, $0x1388;
	v3 =	vsub.s32 v44, v0  }
0xac: {  	[tilespmem:$0xC0E0] =	vst v2;
	v2 =	vmin.u32 v3, $0x1388  }
0xad: {  	[tilespmem:$0xC0F0] =	vst v2  }
0xae: {  	_ =	swait.ge [sflag:s24], $0x4000  }
0xaf: {  	[sflag:s24] =	ssyncset.done $0x0  }
0xb0: {  	s19 =	rddreg [dreg:$0x13];
	[sflag:s24] =	ssyncadd.s32 $0xFFFFC000  }
0xb1: {  	[tilespmem:s20], [sflag:$0x1] =	stream.linear.gather [hbm4b:s19+s9], $0x80, $0x38;
	[tilespmem:$0x17200] =	vst v63  }
0xb2: {  	s23 =	rddreg [dreg:$0x14]  }
0xb3: {  	[tilespmem:s9], [sflag:$0x1] =	stream.linear.gather [hbm4b:s23+s9], $0x4000, $0x38;
	[tilespmem:$0x17200] =	vst v63  }
0xb4: {  	_ = 	snop  }
0xb5: {  	[spmem:s17] =	stream.indirect.scatter.add.f32 [tilespmem:s22], [sflag:$0x5], $0x80, s21, s29, $0xb8;
	[tilespmem:$0x17200] =	vst v63  }
0xb6: {  	_ =	swait.ge [sflag:s31], $0x80  }
0xb7: {  	[sflag:s31] =	ssyncset.done $0x0  }
0xb8: {  	[sflag:s31] =	ssyncadd.s32 $0xFFFFFF80  }
0xb9: {  	_ =	swait.ge [sflag:s31], $0x4000  }
0xba: {  	[sflag:s31] =	ssyncset.done $0x0  }
0xbb: {  	[sflag:s31] =	ssyncadd.s32 $0xFFFFC000  }
0xbc: {  	v2 =	vld [tilespmem:$0xC100]  }
0xbd: {  	v3 =	vld [tilespmem:$0xC110]  }
0xbe: {  	v45 =	vld [tilespmem:$0xC120]  }
0xbf: {  	v46 =	vld [tilespmem:$0xC130]  }
0xc0: {  	v47 =	vld [tilespmem:$0xC140]  }
0xc1: {  	v48 =	vld [tilespmem:$0xC150];
	v2 =	vsub.s32 v2, v0  }
0xc2: {  	v49 =	vld [tilespmem:$0xC160];
	v3 =	vsub.s32 v3, v0;
	v2 =	vmin.u32 v2, $0x1388  }
0xc3: {  	v50 =	vld [tilespmem:$0xC170];
	[tilespmem:$0xC100] =	vst v2;
	v2 =	vmin.u32 v3, $0x1388;
	v3 =	vsub.s32 v45, v0  }
0xc4: {  	[tilespmem:$0xC110] =	vst v2;
	v2 =	vmin.u32 v3, $0x1388;
	v3 =	vsub.s32 v46, v0  }
0xc5: {  	[tilespmem:$0xC120] =	vst v2;
	v2 =	vmin.u32 v3, $0x1388;
	v3 =	vsub.s32 v47, v0  }
0xc6: {  	[tilespmem:$0xC130] =	vst v2;
	v2 =	vmin.u32 v3, $0x1388;
	v3 =	vsub.s32 v48, v0  }
0xc7: {  	[tilespmem:$0xC140] =	vst v2;
	v2 =	vmin.u32 v3, $0x1388;
	v3 =	vsub.s32 v49, v0  }
0xc8: {  	[tilespmem:$0xC150] =	vst v2;
	v2 =	vmin.u32 v3, $0x1388;
	v3 =	vsub.s32 v50, v0  }
0xc9: {  	[tilespmem:$0xC160] =	vst v2;
	v2 =	vmin.u32 v3, $0x1388  }
0xca: {  	[tilespmem:$0xC170] =	vst v2  }
0xcb: {  	_ =	swait.ge [sflag:s16], $0x4000  }
0xcc: {  	[sflag:s16] =	ssyncset.done $0x0  }
0xcd: {  	s11 =	rddreg [dreg:$0x15];
	[sflag:s16] =	ssyncadd.s32 $0xFFFFC000  }
0xce: {  	[tilespmem:s21], [sflag:$0x2] =	stream.linear.gather [hbm4b:s11+s9], $0x80, $0x38;
	[tilespmem:$0x17200] =	vst v63  }
0xcf: {  	s13 =	rddreg [dreg:$0x16]  }
0xd0: {  	[tilespmem:s22], [sflag:$0x2] =	stream.linear.gather [hbm4b:s13+s9], $0x4000, $0x38;
	[tilespmem:$0x17200] =	vst v63  }
0xd1: {  	_ = 	snop  }
0xd2: {  	[spmem:s17] =	stream.indirect.scatter.add.f32 [tilespmem:s28], [sflag:$0x6], $0x80, s26, s29, $0xb8;
	[tilespmem:$0x17200] =	vst v63  }
0xd3: {  	_ =	swait.ge [sflag:s25], $0x80  }
0xd4: {  	[sflag:s25] =	ssyncset.done $0x0  }
0xd5: {  	[sflag:s25] =	ssyncadd.s32 $0xFFFFFF80  }
0xd6: {  	_ =	swait.ge [sflag:s25], $0x4000  }
0xd7: {  	[sflag:s25] =	ssyncset.done $0x0  }
0xd8: {  	[sflag:s25] =	ssyncadd.s32 $0xFFFFC000  }
0xd9: {  	v2 =	vld [tilespmem:$0xC070]  }
0xda: {  	v3 =	vld [tilespmem:$0xC060]  }
0xdb: {  	v51 =	vld [tilespmem:$0xC050]  }
0xdc: {  	v52 =	vld [tilespmem:$0xC020]  }
0xdd: {  	v53 =	vld [tilespmem:$0xC010]  }
0xde: {  	v54 =	vld [tilespmem:$0xC030];
	v2 =	vsub.s32 v2, v0  }
0xdf: {  	v55 =	vld [tilespmem:$0xC000];
	v3 =	vsub.s32 v3, v0;
	v2 =	vmin.u32 v2, $0x1388  }
0xe0: {  	v9 =	vld [tilespmem:$0xC040];
	v4 =	vsub.s32 v51, v0;
	v3 =	vmin.u32 v3, $0x1388;
	[tilespmem:$0xC070] =	vst v2  }
0xe1: {  	v4 =	vmin.u32 v4, $0x1388;
	v2 =	vsub.s32 v52, v0;
	[tilespmem:$0xC060] =	vst v3  }
0xe2: {  	v3 =	vsub.s32 v53, v0;
	[tilespmem:$0xC050] =	vst v4;
	v2 =	vmin.u32 v2, $0x1388  }
0xe3: {  	v3 =	vmin.u32 v3, $0x1388;
	[tilespmem:$0xC020] =	vst v2;
	v2 =	vsub.s32 v54, v0  }
0xe4: {  	v56 =	vsub.s32 v55, v0;
	[tilespmem:$0xC010] =	vst v3;
	v2 =	vmin.u32 v2, $0x1388  }
0xe5: {  	v3 =	vmin.u32 v56, $0x1388;
	[tilespmem:$0xC030] =	vst v2;
	v2 =	vsub.s32 v9, v0  }
0xe6: {  	[tilespmem:$0xC000] =	vst v3;
	v2 =	vmin.u32 v2, $0x1388  }
0xe7: {  	[tilespmem:$0xC040] =	vst v2  }
0xe8: {  	_ =	swait.ge [sflag:s7], $0x4000  }
0xe9: {  	[sflag:s7] =	ssyncset.done $0x0  }
0xea: {  	s10 =	sadd.s32 $0x0, s15;
	s14 =	sadd.s32 $0xFFFFFE00, s12;
	[sflag:s7] =	ssyncadd.s32 $0xFFFFC000  }
0xeb: {  	[tilespmem:s26], [sflag:$0x3] =	stream.linear.gather [hbm4b:s14+s5], $0x80, $0x38;
	[tilespmem:$0x17200] =	vst v63  }
0xec: {  	s18 =	sadd.s32 $0x28000, s10  }
0xed: {  	[tilespmem:s28], [sflag:$0x3] =	stream.linear.gather [hbm4b:s18+s5], $0x4000, $0x38;
	[tilespmem:$0x17200] =	vst v63  }
0xee: {  	_ = 	snop  }
0xef: {  	[spmem:s17] =	stream.indirect.scatter.add.f32 [tilespmem:s5], [sflag:$0x4], $0x80, s20, s29, $0xb8;
	[tilespmem:$0x17200] =	vst v63  }
0xf0: {  	_ =	swait.ge [sflag:s30], $0x80  }
0xf1: {  	[sflag:s30] =	ssyncset.done $0x0  }
0xf2: {  	[sflag:s30] =	ssyncadd.s32 $0xFFFFFF80  }
0xf3: {  	_ =	swait.ge [sflag:s30], $0x4000  }
0xf4: {  	[sflag:s30] =	ssyncset.done $0x0  }
0xf5: {  	[sflag:s30] =	ssyncadd.s32 $0xFFFFC000  }
0xf6: {  	v2 =	vld [tilespmem:$0xC0F0]  }
0xf7: {  	v3 =	vld [tilespmem:$0xC0E0]  }
0xf8: {  	v57 =	vld [tilespmem:$0xC0C0]  }
0xf9: {  	v58 =	vld [tilespmem:$0xC080]  }
0xfa: {  	v59 =	vld [tilespmem:$0xC0D0]  }
0xfb: {  	v60 =	vld [tilespmem:$0xC0A0];
	v2 =	vsub.s32 v2, v0  }
0xfc: {  	v61 =	vld [tilespmem:$0xC090];
	v3 =	vsub.s32 v3, v0;
	v2 =	vmin.u32 v2, $0x1388  }
0xfd: {  	v62 =	vld [tilespmem:$0xC0B0];
	v4 =	vsub.s32 v57, v0;
	v3 =	vmin.u32 v3, $0x1388;
	[tilespmem:$0xC0F0] =	vst v2  }
0xfe: {  	v4 =	vmin.u32 v4, $0x1388;
	v2 =	vsub.s32 v58, v0;
	[tilespmem:$0xC0E0] =	vst v3  }
0xff: {  	[tilespmem:$0xC0C0] =	vst v4;
	v3 =	vsub.s32 v59, v0;
	v2 =	vmin.u32 v2, $0x1388  }
0x100: {  	v3 =	vmin.u32 v3, $0x1388;
	[tilespmem:$0xC080] =	vst v2;
	v2 =	vsub.s32 v60, v0  }
0x101: {  	v63 =	vsub.s32 v61, v0;
	[tilespmem:$0xC0D0] =	vst v3;
	v2 =	vmin.u32 v2, $0x1388  }
0x102: {  	v3 =	vmin.u32 v63, $0x1388;
	[tilespmem:$0xC0A0] =	vst v2;
	v2 =	vsub.s32 v62, v0  }
0x103: {  	[tilespmem:$0xC090] =	vst v3;
	v2 =	vmin.u32 v2, $0x1388  }
0x104: {  	[tilespmem:$0xC0B0] =	vst v2  }
0x105: {  	_ =	swait.ge [sflag:s24], $0x4000  }
0x106: {  	[sflag:s24] =	ssyncset.done $0x0  }
0x107: {  	s19 =	sadd.s32 $0xFFFFFF00, s12;
	[sflag:s24] =	ssyncadd.s32 $0xFFFFC000  }
0x108: {  	[tilespmem:s20], [sflag:$0x1] =	stream.linear.gather [hbm4b:s19+s5], $0x80, $0x38;
	[tilespmem:$0x17200] =	vst v63  }
0x109: {  	s23 =	sadd.s32 $0x30000, s10  }
0x10a: {  	[tilespmem:s5], [sflag:$0x1] =	stream.linear.gather [hbm4b:s23+s5], $0x4000, $0x38;
	[tilespmem:$0x17200] =	vst v63  }
0x10b: {  	_ = 	snop  }
0x10c: {  	[spmem:s17] =	stream.indirect.scatter.add.f32 [tilespmem:s22], [sflag:$0x5], $0x80, s21, s29, $0xb8;
	[tilespmem:$0x17200] =	vst v63  }
0x10d: {  	_ =	swait.ge [sflag:s31], $0x80  }
0x10e: {  	[sflag:s31] =	ssyncset.done $0x0  }
0x10f: {  	[sflag:s31] =	ssyncadd.s32 $0xFFFFFF80  }
0x110: {  	_ =	swait.ge [sflag:s31], $0x4000  }
0x111: {  	s11 =	simm.s32 $0x18000;
	[sflag:s31] =	ssyncset.done $0x0  }
0x112: {  	s9 =	smov.u32 s12;
	s19 =	smov.u32 s12;
	[sflag:s31] =	ssyncadd.s32 $0xFFFFC000  }
.LBB2_4:
0x113: {  	p3 =	sne.s32 s11, $0x228000  }
0x114: {  	v2 =	vld [tilespmem:$0xC170];
	s9 =	sadd.s32 $0x300, s9;
	s13 =	smov.u32 s11;
	s11 =	sadd.s32 $0x18000, s11  }
0x115: {  	v3 =	vld [tilespmem:$0xC160]  }
0x116: {  	v4 =	vld [tilespmem:$0xC150]  }
0x117: {  	v5 =	vld [tilespmem:$0xC140]  }
0x118: {  	v6 =	vld [tilespmem:$0xC130]  }
0x119: {  	v7 =	vld [tilespmem:$0xC120];
	v2 =	vsub.s32 v2, v0  }
0x11a: {  	v8 =	vld [tilespmem:$0xC110];
	v3 =	vsub.s32 v3, v0;
	v2 =	vmin.u32 v2, $0x1388  }
0x11b: {  	v9 =	vld [tilespmem:$0xC100];
	v4 =	vsub.s32 v4, v0;
	v3 =	vmin.u32 v3, $0x1388;
	[tilespmem:$0xC170] =	vst v2  }
0x11c: {  	v2 =	vsub.s32 v5, v0;
	v4 =	vmin.u32 v4, $0x1388;
	[tilespmem:$0xC160] =	vst v3  }
0x11d: {  	v3 =	vsub.s32 v6, v0;
	v2 =	vmin.u32 v2, $0x1388;
	[tilespmem:$0xC150] =	vst v4  }
0x11e: {  	v4 =	vsub.s32 v7, v0;
	v3 =	vmin.u32 v3, $0x1388;
	[tilespmem:$0xC140] =	vst v2  }
0x11f: {  	v2 =	vsub.s32 v8, v0;
	v4 =	vmin.u32 v4, $0x1388;
	[tilespmem:$0xC130] =	vst v3  }
0x120: {  	v3 =	vsub.s32 v9, v0;
	v2 =	vmin.u32 v2, $0x1388;
	[tilespmem:$0xC120] =	vst v4  }
0x121: {  	v3 =	vmin.u32 v3, $0x1388;
	[tilespmem:$0xC110] =	vst v2  }
0x122: {  	[tilespmem:$0xC100] =	vst v3  }
0x123: {  	_ =	swait.ge [sflag:s16], $0x4000  }
0x124: {  	[sflag:s16] =	ssyncset.done $0x0  }
0x125: {  	[sflag:s16] =	ssyncadd.s32 $0xFFFFC000  }
0x126: {  	[tilespmem:s21], [sflag:$0x2] =	stream.linear.gather [hbm4b:s19+s5], $0x80, $0x38;
	[tilespmem:$0x17200] =	vst v63  }
0x127: {  	s10 =	sadd.s32 $0x38000, s10;
	s19 =	smov.u32 s9  }
0x128: {  	[tilespmem:s22], [sflag:$0x2] =	stream.linear.gather [hbm4b:s10+s5], $0x4000, $0x38;
	[tilespmem:$0x17200] =	vst v63  }
0x129: {  	_ = 	snop  }
0x12a: {  	[spmem:s17] =	stream.indirect.scatter.add.f32 [tilespmem:s28], [sflag:$0x6], $0x80, s26, s29, $0xb8;
	[tilespmem:$0x17200] =	vst v63  }
0x12b: {  	_ =	swait.ge [sflag:s25], $0x80  }
0x12c: {  	[sflag:s25] =	ssyncset.done $0x0  }
0x12d: {  	[sflag:s25] =	ssyncadd.s32 $0xFFFFFF80  }
0x12e: {  	_ =	swait.ge [sflag:s25], $0x4000  }
0x12f: {  	[sflag:s25] =	ssyncset.done $0x0  }
0x130: {  	[sflag:s25] =	ssyncadd.s32 $0xFFFFC000  }
0x131: {  	v2 =	vld [tilespmem:$0xC070]  }
0x132: {  	v3 =	vld [tilespmem:$0xC060]  }
0x133: {  	v4 =	vld [tilespmem:$0xC050]  }
0x134: {  	v5 =	vld [tilespmem:$0xC020]  }
0x135: {  	v6 =	vld [tilespmem:$0xC010]  }
0x136: {  	v7 =	vld [tilespmem:$0xC030];
	v2 =	vsub.s32 v2, v0  }
0x137: {  	v8 =	vld [tilespmem:$0xC000];
	v3 =	vsub.s32 v3, v0;
	v2 =	vmin.u32 v2, $0x1388  }
0x138: {  	v9 =	vld [tilespmem:$0xC040];
	v4 =	vsub.s32 v4, v0;
	v3 =	vmin.u32 v3, $0x1388;
	[tilespmem:$0xC070] =	vst v2  }
0x139: {  	v2 =	vsub.s32 v5, v0;
	v4 =	vmin.u32 v4, $0x1388;
	[tilespmem:$0xC060] =	vst v3  }
0x13a: {  	v3 =	vsub.s32 v6, v0;
	v2 =	vmin.u32 v2, $0x1388;
	[tilespmem:$0xC050] =	vst v4  }
0x13b: {  	v3 =	vmin.u32 v3, $0x1388;
	[tilespmem:$0xC020] =	vst v2;
	v2 =	vsub.s32 v7, v0  }
0x13c: {  	v4 =	vsub.s32 v8, v0;
	[tilespmem:$0xC010] =	vst v3;
	v2 =	vmin.u32 v2, $0x1388  }
0x13d: {  	v3 =	vmin.u32 v4, $0x1388;
	[tilespmem:$0xC030] =	vst v2;
	v2 =	vsub.s32 v9, v0  }
0x13e: {  	[tilespmem:$0xC000] =	vst v3;
	v2 =	vmin.u32 v2, $0x1388  }
0x13f: {  	[tilespmem:$0xC040] =	vst v2  }
0x140: {  	_ =	swait.ge [sflag:s7], $0x4000  }
0x141: {  	[sflag:s7] =	ssyncset.done $0x0  }
0x142: {  	s14 =	sadd.s32 $0xFFFFFE00, s9;
	s10 =	sadd.s32 s13, s15;
	[sflag:s7] =	ssyncadd.s32 $0xFFFFC000  }
0x143: {  	[tilespmem:s26], [sflag:$0x3] =	stream.linear.gather [hbm4b:s14+s5], $0x80, $0x38;
	[tilespmem:$0x17200] =	vst v63  }
0x144: {  	s13 =	sadd.s32 $0x28000, s10  }
0x145: {  	[tilespmem:s28], [sflag:$0x3] =	stream.linear.gather [hbm4b:s13+s5], $0x4000, $0x38;
	[tilespmem:$0x17200] =	vst v63  }
0x146: {  	_ = 	snop  }
0x147: {  	[spmem:s17] =	stream.indirect.scatter.add.f32 [tilespmem:s5], [sflag:$0x4], $0x80, s20, s29, $0xb8;
	[tilespmem:$0x17200] =	vst v63  }
0x148: {  	_ =	swait.ge [sflag:s30], $0x80  }
0x149: {  	[sflag:s30] =	ssyncset.done $0x0  }
0x14a: {  	[sflag:s30] =	ssyncadd.s32 $0xFFFFFF80  }
0x14b: {  	_ =	swait.ge [sflag:s30], $0x4000  }
0x14c: {  	[sflag:s30] =	ssyncset.done $0x0  }
0x14d: {  	[sflag:s30] =	ssyncadd.s32 $0xFFFFC000  }
0x14e: {  	v2 =	vld [tilespmem:$0xC0F0]  }
0x14f: {  	v3 =	vld [tilespmem:$0xC0E0]  }
0x150: {  	v4 =	vld [tilespmem:$0xC0C0]  }
0x151: {  	v5 =	vld [tilespmem:$0xC080]  }
0x152: {  	v6 =	vld [tilespmem:$0xC0D0]  }
0x153: {  	v7 =	vld [tilespmem:$0xC0A0];
	v2 =	vsub.s32 v2, v0  }
0x154: {  	v8 =	vld [tilespmem:$0xC090];
	v3 =	vsub.s32 v3, v0;
	v2 =	vmin.u32 v2, $0x1388  }
0x155: {  	v9 =	vld [tilespmem:$0xC0B0];
	v4 =	vsub.s32 v4, v0;
	v3 =	vmin.u32 v3, $0x1388;
	[tilespmem:$0xC0F0] =	vst v2  }
0x156: {  	v2 =	vsub.s32 v5, v0;
	v4 =	vmin.u32 v4, $0x1388;
	[tilespmem:$0xC0E0] =	vst v3  }
0x157: {  	v2 =	vmin.u32 v2, $0x1388;
	[tilespmem:$0xC0C0] =	vst v4;
	v3 =	vsub.s32 v6, v0  }
0x158: {  	[tilespmem:$0xC080] =	vst v2;
	v2 =	vsub.s32 v7, v0;
	v3 =	vmin.u32 v3, $0x1388  }
0x159: {  	v4 =	vsub.s32 v8, v0;
	v2 =	vmin.u32 v2, $0x1388;
	[tilespmem:$0xC0D0] =	vst v3  }
0x15a: {  	v3 =	vmin.u32 v4, $0x1388;
	[tilespmem:$0xC0A0] =	vst v2;
	v2 =	vsub.s32 v9, v0  }
0x15b: {  	[tilespmem:$0xC090] =	vst v3;
	v2 =	vmin.u32 v2, $0x1388  }
0x15c: {  	[tilespmem:$0xC0B0] =	vst v2  }
0x15d: {  	_ =	swait.ge [sflag:s24], $0x4000  }
0x15e: {  	[sflag:s24] =	ssyncset.done $0x0  }
0x15f: {  	s13 =	sadd.s32 $0xFFFFFF00, s9;
	[sflag:s24] =	ssyncadd.s32 $0xFFFFC000  }
0x160: {  	[tilespmem:s20], [sflag:$0x1] =	stream.linear.gather [hbm4b:s13+s5], $0x80, $0x38;
	[tilespmem:$0x17200] =	vst v63  }
0x161: {  	s13 =	sadd.s32 $0x30000, s10  }
0x162: {  	[tilespmem:s5], [sflag:$0x1] =	stream.linear.gather [hbm4b:s13+s5], $0x4000, $0x38;
	[tilespmem:$0x17200] =	vst v63  }
0x163: {  	_ = 	snop  }
0x164: {  	[spmem:s17] =	stream.indirect.scatter.add.f32 [tilespmem:s22], [sflag:$0x5], $0x80, s21, s29, $0xb8;
	[tilespmem:$0x17200] =	vst v63  }
0x165: {  	_ =	swait.ge [sflag:s31], $0x80  }
.Ltmp1:
0x166: {  	[sflag:s31] =	ssyncset.done $0x0;
	(pc) =	sbr.rel @p3 .LBB2_4-.Ltmp1, $4  }
0x167: {  	[sflag:s31] =	ssyncadd.s32 $0xFFFFFF80  }
0x168: {  	_ =	swait.ge [sflag:s31], $0x4000  }
0x169: {  	[sflag:s31] =	ssyncset.done $0x0  }
0x16a: {  	[sflag:s31] =	ssyncadd.s32 $0xFFFFC000  }
0x16b: {  	v2 =	vld [tilespmem:$0xC170]  }
0x16c: {  	v3 =	vld [tilespmem:$0xC160]  }
0x16d: {  	v4 =	vld [tilespmem:$0xC150]  }
0x16e: {  	v7 =	vld [tilespmem:$0xC120]  }
0x16f: {  	v5 =	vld [tilespmem:$0xC140]  }
0x170: {  	v6 =	vld [tilespmem:$0xC130];
	v2 =	vsub.s32 v2, v0  }
0x171: {  	v8 =	vld [tilespmem:$0xC110];
	v3 =	vsub.s32 v3, v0;
	v2 =	vmin.u32 v2, $0x1388  }
0x172: {  	v9 =	vld [tilespmem:$0xC100];
	v4 =	vsub.s32 v4, v0;
	v3 =	vmin.u32 v3, $0x1388;
	[tilespmem:$0xC170] =	vst v2  }
0x173: {  	v45 =	vsub.s32 v7, v0;
	v4 =	vmin.u32 v4, $0x1388;
	[tilespmem:$0xC160] =	vst v3  }
0x174: {  	v2 =	vsub.s32 v5, v0;
	[tilespmem:$0xC150] =	vst v4;
	v4 =	vmin.u32 v45, $0x1388  }
0x175: {  	v3 =	vsub.s32 v6, v0;
	v2 =	vmin.u32 v2, $0x1388;
	[tilespmem:$0xC120] =	vst v4  }
0x176: {  	v3 =	vmin.u32 v3, $0x1388;
	[tilespmem:$0xC140] =	vst v2;
	v2 =	vsub.s32 v8, v0  }
0x177: {  	[tilespmem:$0xC130] =	vst v3;
	v3 =	vsub.s32 v9, v0;
	v2 =	vmin.u32 v2, $0x1388  }
0x178: {  	v3 =	vmin.u32 v3, $0x1388;
	[tilespmem:$0xC110] =	vst v2  }
0x179: {  	[tilespmem:$0xC100] =	vst v3  }
0x17a: {  	_ =	swait.ge [sflag:s16], $0x4000  }
0x17b: {  	[sflag:s16] =	ssyncset.done $0x0  }
0x17c: {  	[sflag:s16] =	ssyncadd.s32 $0xFFFFC000  }
0x17d: {  	[tilespmem:s21], [sflag:$0x2] =	stream.linear.gather [hbm4b:s19+s5], $0x80, $0x38;
	[tilespmem:$0x17200] =	vst v63  }
0x17e: {  	s9 =	sadd.s32 $0x38000, s10  }
0x17f: {  	[tilespmem:s22], [sflag:$0x2] =	stream.linear.gather [hbm4b:s9+s5], $0x4000, $0x38;
	[tilespmem:$0x17200] =	vst v63  }
0x180: {  	_ = 	snop  }
0x181: {  	[spmem:s17] =	stream.indirect.scatter.add.f32 [tilespmem:s28], [sflag:$0x6], $0x80, s26, s29, $0xb8;
	[tilespmem:$0x17200] =	vst v63  }
0x182: {  	_ =	swait.ge [sflag:s25], $0x80  }
0x183: {  	[sflag:s25] =	ssyncset.done $0x0  }
0x184: {  	[sflag:s25] =	ssyncadd.s32 $0xFFFFFF80  }
0x185: {  	_ =	swait.ge [sflag:s25], $0x4000  }
0x186: {  	[sflag:s25] =	ssyncset.done $0x0  }
0x187: {  	[sflag:s25] =	ssyncadd.s32 $0xFFFFC000  }
0x188: {  	v2 =	vld [tilespmem:$0xC000]  }
0x189: {  	v3 =	vld [tilespmem:$0xC010]  }
0x18a: {  	v46 =	vld [tilespmem:$0xC020]  }
0x18b: {  	v47 =	vld [tilespmem:$0xC030]  }
0x18c: {  	v48 =	vld [tilespmem:$0xC040]  }
0x18d: {  	v49 =	vld [tilespmem:$0xC050];
	v2 =	vsub.s32 v2, v0  }
0x18e: {  	v50 =	vld [tilespmem:$0xC060];
	v3 =	vsub.s32 v3, v0;
	v2 =	vmin.u32 v2, $0x1388  }
0x18f: {  	v51 =	vld [tilespmem:$0xC070];
	[tilespmem:$0xC000] =	vst v2;
	v2 =	vmin.u32 v3, $0x1388;
	v3 =	vsub.s32 v46, v0  }
0x190: {  	[tilespmem:$0xC010] =	vst v2;
	v2 =	vmin.u32 v3, $0x1388;
	v3 =	vsub.s32 v47, v0  }
0x191: {  	[tilespmem:$0xC020] =	vst v2;
	v2 =	vmin.u32 v3, $0x1388;
	v3 =	vsub.s32 v48, v0  }
0x192: {  	[tilespmem:$0xC030] =	vst v2;
	v2 =	vmin.u32 v3, $0x1388;
	v3 =	vsub.s32 v49, v0  }
0x193: {  	[tilespmem:$0xC040] =	vst v2;
	v2 =	vmin.u32 v3, $0x1388;
	v3 =	vsub.s32 v50, v0  }
0x194: {  	[tilespmem:$0xC050] =	vst v2;
	v2 =	vmin.u32 v3, $0x1388;
	v3 =	vsub.s32 v51, v0  }
0x195: {  	[tilespmem:$0xC060] =	vst v2;
	v2 =	vmin.u32 v3, $0x1388  }
0x196: {  	[tilespmem:$0xC070] =	vst v2  }
0x197: {  	_ =	swait.ge [sflag:s7], $0x4000  }
0x198: {  	[sflag:s7] =	ssyncset.done $0x0  }
0x199: {  	s14 =	rddreg [dreg:$0x17];
	[sflag:s7] =	ssyncadd.s32 $0xFFFFC000  }
0x19a: {  	[tilespmem:s26], [sflag:$0x3] =	stream.linear.gather [hbm4b:s14+s5], $0x80, $0x38;
	[tilespmem:$0x17200] =	vst v63  }
0x19b: {  	s18 =	rddreg [dreg:$0x18]  }
0x19c: {  	[tilespmem:s28], [sflag:$0x3] =	stream.linear.gather [hbm4b:s18+s5], $0x4000, $0x38;
	[tilespmem:$0x17200] =	vst v63  }
0x19d: {  	_ = 	snop  }
0x19e: {  	[spmem:s17] =	stream.indirect.scatter.add.f32 [tilespmem:s5], [sflag:$0x4], $0x80, s20, s29, $0xb8;
	[tilespmem:$0x17200] =	vst v63  }
0x19f: {  	_ =	swait.ge [sflag:s30], $0x80  }
0x1a0: {  	[sflag:s30] =	ssyncset.done $0x0  }
0x1a1: {  	[sflag:s30] =	ssyncadd.s32 $0xFFFFFF80  }
0x1a2: {  	_ =	swait.ge [sflag:s30], $0x4000  }
0x1a3: {  	[sflag:s30] =	ssyncset.done $0x0  }
0x1a4: {  	[sflag:s30] =	ssyncadd.s32 $0xFFFFC000  }
0x1a5: {  	v2 =	vld [tilespmem:$0xC080]  }
0x1a6: {  	v3 =	vld [tilespmem:$0xC090]  }
0x1a7: {  	v52 =	vld [tilespmem:$0xC0A0]  }
0x1a8: {  	v53 =	vld [tilespmem:$0xC0B0]  }
0x1a9: {  	v54 =	vld [tilespmem:$0xC0C0]  }
0x1aa: {  	v55 =	vld [tilespmem:$0xC0D0];
	v2 =	vsub.s32 v2, v0  }
0x1ab: {  	v56 =	vld [tilespmem:$0xC0E0];
	v3 =	vsub.s32 v3, v0;
	v2 =	vmin.u32 v2, $0x1388  }
0x1ac: {  	v57 =	vld [tilespmem:$0xC0F0];
	[tilespmem:$0xC080] =	vst v2;
	v2 =	vmin.u32 v3, $0x1388;
	v3 =	vsub.s32 v52, v0  }
0x1ad: {  	[tilespmem:$0xC090] =	vst v2;
	v2 =	vmin.u32 v3, $0x1388;
	v3 =	vsub.s32 v53, v0  }
0x1ae: {  	[tilespmem:$0xC0A0] =	vst v2;
	v2 =	vmin.u32 v3, $0x1388;
	v3 =	vsub.s32 v54, v0  }
0x1af: {  	[tilespmem:$0xC0B0] =	vst v2;
	v2 =	vmin.u32 v3, $0x1388;
	v3 =	vsub.s32 v55, v0  }
0x1b0: {  	[tilespmem:$0xC0C0] =	vst v2;
	v2 =	vmin.u32 v3, $0x1388;
	v3 =	vsub.s32 v56, v0  }
0x1b1: {  	[tilespmem:$0xC0D0] =	vst v2;
	v2 =	vmin.u32 v3, $0x1388;
	v3 =	vsub.s32 v57, v0  }
0x1b2: {  	[tilespmem:$0xC0E0] =	vst v2;
	v2 =	vmin.u32 v3, $0x1388  }
0x1b3: {  	[tilespmem:$0xC0F0] =	vst v2  }
0x1b4: {  	[spmem:s17] =	stream.indirect.scatter.add.f32 [tilespmem:s22], [sflag:$0x5], $0x80, s21, s29, $0xb8;
	[tilespmem:$0x17200] =	vst v63  }
0x1b5: {  	_ =	swait.ge [sflag:s31], $0x80  }
0x1b6: {  	[sflag:s31] =	ssyncset.done $0x0  }
0x1b7: {  	[sflag:s31] =	ssyncadd.s32 $0xFFFFFF80  }
0x1b8: {  	_ =	swait.ge [sflag:s31], $0x4000  }
0x1b9: {  	[sflag:s31] =	ssyncset.done $0x0  }
0x1ba: {  	[sflag:s31] =	ssyncadd.s32 $0xFFFFC000  }
0x1bb: {  	v2 =	vld [tilespmem:$0xC100]  }
0x1bc: {  	v3 =	vld [tilespmem:$0xC110]  }
0x1bd: {  	v58 =	vld [tilespmem:$0xC120]  }
0x1be: {  	v59 =	vld [tilespmem:$0xC130]  }
0x1bf: {  	v60 =	vld [tilespmem:$0xC140]  }
0x1c0: {  	v61 =	vld [tilespmem:$0xC150];
	v2 =	vsub.s32 v2, v0  }
0x1c1: {  	v62 =	vld [tilespmem:$0xC160];
	v3 =	vsub.s32 v3, v0;
	v2 =	vmin.u32 v2, $0x1388  }
0x1c2: {  	v63 =	vld [tilespmem:$0xC170];
	[tilespmem:$0xC100] =	vst v2;
	v2 =	vmin.u32 v3, $0x1388;
	v3 =	vsub.s32 v58, v0  }
0x1c3: {  	[tilespmem:$0xC110] =	vst v2;
	v2 =	vmin.u32 v3, $0x1388;
	v3 =	vsub.s32 v59, v0  }
0x1c4: {  	[tilespmem:$0xC120] =	vst v2;
	v2 =	vmin.u32 v3, $0x1388;
	v3 =	vsub.s32 v60, v0  }
0x1c5: {  	[tilespmem:$0xC130] =	vst v2;
	v2 =	vmin.u32 v3, $0x1388;
	v3 =	vsub.s32 v61, v0  }
0x1c6: {  	[tilespmem:$0xC140] =	vst v2;
	v2 =	vmin.u32 v3, $0x1388;
	v3 =	vsub.s32 v62, v0  }
0x1c7: {  	[tilespmem:$0xC150] =	vst v2;
	v2 =	vmin.u32 v3, $0x1388;
	v3 =	vsub.s32 v63, v0  }
0x1c8: {  	[tilespmem:$0xC160] =	vst v2;
	v2 =	vmin.u32 v3, $0x1388  }
0x1c9: {  	[tilespmem:$0xC170] =	vst v2  }
0x1ca: {  	[spmem:s17] =	stream.indirect.scatter.add.f32 [tilespmem:s28], [sflag:$0x6], $0x80, s26, s29, $0xb8;
	[tilespmem:$0x17200] =	vst v63  }
0x1cb: {  	_ =	swait.ge [sflag:s24], $0x4000  }
0x1cc: {  	[sflag:s24] =	ssyncset.done $0x0  }
0x1cd: {  	[sflag:s24] =	ssyncadd.s32 $0xFFFFC000  }
0x1ce: {  	_ =	swait.ge [sflag:s16], $0x4000  }
0x1cf: {  	[sflag:s16] =	ssyncset.done $0x0  }
0x1d0: {  	[sflag:s16] =	ssyncadd.s32 $0xFFFFC000  }
0x1d1: {  	_ =	swait.ge [sflag:s7], $0x4000  }
0x1d2: {  	s10 =	simm.s32 @!p2 $0xC000;
	[sflag:s7] =	ssyncset.done $0x0  }
0x1d3: {  	s9 =	simm.s32 @!p2 $0x0;
	s11 =	rddreg [dreg:$0x19];
	[sflag:s7] =	ssyncadd.s32 $0xFFFFC000  }
0x1d4: {  	[tilespmem:s10], [sflag:$0x7] =	stream.linear.gather @!p2 [hbm4b:s11+s9], $0x80, $0x38;
	[tilespmem:$0x17200] =	vst v63  }
0x1d5: {  	s11 =	simm.s32 @!p2 $0x7  }
0x1d6: {  	_ =	swait.ge @!p2 [sflag:s11], $0x80  }
0x1d7: {  	[sflag:s11] =	ssyncset.done @!p2 $0x0  }
0x1d8: {  	s13 =	rddreg [dreg:$0x1a];
	[sflag:s11] =	ssyncadd.s32 @!p2 $0xFFFFFF80  }
0x1d9: {  	[tilespmem:s9], [sflag:$0x7] =	stream.linear.gather @!p2 [hbm4b:s13+s9], $0x4000, $0x38;
	[tilespmem:$0x17200] =	vst v63  }
0x1da: {  	_ =	swait.ge @!p2 [sflag:s11], $0x4000  }
0x1db: {  	[sflag:s11] =	ssyncset.done @!p2 $0x0  }
0x1dc: {  	[sflag:s11] =	ssyncadd.s32 @!p2 $0xFFFFC000  }
0x1dd: {  	v2 =	vld @!p2 [tilespmem:$0xC000]  }
0x1de: {  	v3 =	vld @!p2 [tilespmem:$0xC010]  }
0x1df: {  	v4 =	vld @!p2 [tilespmem:$0xC020]  }
0x1e0: {  	v5 =	vld @!p2 [tilespmem:$0xC030]  }
0x1e1: {  	v6 =	vld @!p2 [tilespmem:$0xC040]  }
0x1e2: {  	v7 =	vld @!p2 [tilespmem:$0xC050];
	v2 =	vsub.s32 @!p2 v2, v0  }
0x1e3: {  	v8 =	vld @!p2 [tilespmem:$0xC060];
	v3 =	vsub.s32 @!p2 v3, v0;
	v2 =	vmin.u32 @!p2 v2, $0x1388  }
0x1e4: {  	[tilespmem:$0xC000] =	vst @!p2 v2;
	v2 =	vmin.u32 @!p2 v3, $0x1388;
	v3 =	vsub.s32 @!p2 v4, v0;
	v4 =	vld @!p2 [tilespmem:$0xC070]  }
0x1e5: {  	[tilespmem:$0xC010] =	vst @!p2 v2;
	v2 =	vmin.u32 @!p2 v3, $0x1388;
	v3 =	vsub.s32 @!p2 v5, v0  }
0x1e6: {  	[tilespmem:$0xC020] =	vst @!p2 v2;
	v2 =	vmin.u32 @!p2 v3, $0x1388;
	v3 =	vsub.s32 @!p2 v6, v0  }
0x1e7: {  	[tilespmem:$0xC030] =	vst @!p2 v2;
	v2 =	vmin.u32 @!p2 v3, $0x1388;
	v3 =	vsub.s32 @!p2 v7, v0  }
0x1e8: {  	[tilespmem:$0xC040] =	vst @!p2 v2;
	v2 =	vmin.u32 @!p2 v3, $0x1388;
	v3 =	vsub.s32 @!p2 v8, v0  }
0x1e9: {  	[tilespmem:$0xC050] =	vst @!p2 v2;
	v2 =	vmin.u32 @!p2 v3, $0x1388;
	v3 =	vsub.s32 @!p2 v4, v0  }
0x1ea: {  	[tilespmem:$0xC060] =	vst @!p2 v2;
	v2 =	vmin.u32 @!p2 v3, $0x1388  }
0x1eb: {  	p3 =	por $0x1, $0x1;
	s13 =	simm.s32 @!p2 $0x80;
	[tilespmem:$0xC070] =	vst @!p2 v2  }
0x1ec: {  	[spmem:s17] =	stream.indirect.scatter.add.f32 @!p2 [tilespmem:s9], [sflag:$0x7], $0x80, s10, s13, $0xb8;
	[tilespmem:$0x17200] =	vst v63  }
0x1ed: {  	p4 =	sgt.s32 s6, $0x0;
	p5 =	slt.u32 s6, $0x9C4;
	s9 =	smov.u32 s6  }
0x1ee: {  	p3 =	por !p3, !p5;
	s9 =	simm.s32 @!p4 $0x0  }
0x1ef: {  	p3 =	por !p3, !p3;
	_ =	swait.ge @!p2 [sflag:s11], $0x4000;
	s9 =	smin.u32 s9, $0x9C3  }
0x1f0: {  	s13 =	simm.s32 @p3 $0xC000;
	[sflag:s11] =	ssyncset.done @!p2 $0x0;
	s10 =	sshll.u32 @p3 s9, $0x4  }
0x1f1: {  	[sflag:s11] =	ssyncadd.s32 @!p2 $0xFFFFC000;
	s11 =	simm.s32 @p3 $0x0;
	s10 =	sadd.s32 @p3 s4, s10  }
0x1f2: {  	[tilespmem:s13], [sflag:$0x7] =	stream.linear.gather @p3 [hbm4b:s10+s11], $0x80, $0x38;
	[tilespmem:$0x17200] =	vst v63  }
0x1f3: {  	s10 =	simm.s32 @p3 $0x7  }
0x1f4: {  	_ =	swait.ge @p3 [sflag:s10], $0x80  }
0x1f5: {  	[sflag:s10] =	ssyncset.done @p3 $0x0  }
0x1f6: {  	[sflag:s10] =	ssyncadd.s32 @p3 $0xFFFFFF80  }
0x1f7: {  	v2 =	vld [tilespmem:$0xC000]  }
0x1f8: {  	v3 =	vld [tilespmem:$0xC070];
	_ =	sdelay $0x3  }
0x1f9: {  	(v2sf) =	vpush v2, $0x0  }
0x1fa: {  	(v2sf) =	vpush v3, $0xF;
	_ =	sdelay $0xd  }
0x1fb: {  	s19 =	spop (v2sf)  }
0x1fc: {  	s11 =	smov.u32 s1;
	s23 =	spop (v2sf)  }
0x1fd: {  	s10 =	smov.u32 s3;
	p4 =	slt.s32 s19, $0x1388;
	p5 =	sgt.s32 s23, $0x1387  }
0x1fe: {  	s10 =	simm.s32 @!p4 $0x0;
	s11 =	simm.s32 @!p5 $0x0  }
0x1ff: {  	s10 =	sadd.s32 s10, s11  }
0x200: {  	p6 =	seq.s32 s10, $0x1  }
0x201: {  	p3 =	por !p3, !p6  }
0x202: {  	p3 =	por !p3, !p3  }
0x203: {  	s9 =	sshll.u32 @p3 s9, $0xB  }
0x204: {  	s13 =	simm.s32 @p3 $0x0;
	s11 =	simm.s32 @p3 $0x7;
	s9 =	sadd.s32 @p3 s2, s9  }
0x205: {  	[tilespmem:s13], [sflag:$0x7] =	stream.linear.gather @p3 [hbm4b:s9+s13], $0x4000, $0x38;
	[tilespmem:$0x17200] =	vst v63  }
0x206: {  	_ =	swait.ge @p3 [sflag:s11], $0x4000  }
0x207: {  	[sflag:s11] =	ssyncset.done @p3 $0x0  }
0x208: {  	s10 =	smov.u32 s6;
	s9 =	simm.s32 $0x4E;
	[sflag:s11] =	ssyncadd.s32 @p3 $0xFFFFC000  }
.LBB2_6:
0x209: {  	s9 =	sadd.s32 $0xFFFFFFFF, s9;
	v2 =	vld @p3 [tilespmem:$0xC000];
	s10 =	sadd.s32 s0, s10  }
0x20a: {  	p4 =	sne.s32 s9, $0x0;
	v3 =	vld @p3 [tilespmem:$0xC070]  }
0x20b: {  	v4 =	vld @p3 [tilespmem:$0xC060]  }
0x20c: {  	p5 =	sgt.s32 s10, $0x0;
	p6 =	slt.u32 s10, $0x9C4;
	s14 =	smov.u32 s10;
	v5 =	vld @p3 [tilespmem:$0xC050]  }
0x20d: {  	s14 =	simm.s32 @!p5 $0x0;
	p5 =	por !p3, !p6;
	v6 =	vld @p3 [tilespmem:$0xC040]  }
0x20e: {  	s19 =	smin.u32 s14, $0x9C3;
	p5 =	por !p5, !p5;
	v2 =	vsub.s32 @p3 v2, v0;
	v7 =	vld @p3 [tilespmem:$0xC030]  }
0x20f: {  	s14 =	sshll.u32 @p5 s19, $0x4;
	v2 =	vmin.u32 @p3 v2, $0x1388;
	v8 =	vld @p3 [tilespmem:$0xC020];
	v3 =	vsub.s32 @p3 v3, v0  }
0x210: {  	s14 =	sadd.s32 @p5 s4, s14;
	[tilespmem:$0xC000] =	vst @p3 v2;
	v2 =	vld @p3 [tilespmem:$0xC010];
	v4 =	vsub.s32 @p3 v4, v0;
	v3 =	vmin.u32 @p3 v3, $0x1388  }
0x211: {  	v5 =	vsub.s32 @p3 v5, v0;
	v4 =	vmin.u32 @p3 v4, $0x1388;
	[tilespmem:$0xC070] =	vst @p3 v3  }
0x212: {  	v3 =	vsub.s32 @p3 v6, v0;
	v5 =	vmin.u32 @p3 v5, $0x1388;
	[tilespmem:$0xC060] =	vst @p3 v4  }
0x213: {  	v4 =	vsub.s32 @p3 v7, v0;
	v3 =	vmin.u32 @p3 v3, $0x1388;
	[tilespmem:$0xC050] =	vst @p3 v5  }
0x214: {  	v5 =	vsub.s32 @p3 v8, v0;
	v4 =	vmin.u32 @p3 v4, $0x1388;
	[tilespmem:$0xC040] =	vst @p3 v3  }
0x215: {  	v2 =	vsub.s32 @p3 v2, v0;
	v3 =	vmin.u32 @p3 v5, $0x1388;
	[tilespmem:$0xC030] =	vst @p3 v4  }
0x216: {  	s18 =	simm.s32 @p3 $0x80;
	s23 =	simm.s32 @p3 $0xC000;
	v2 =	vmin.u32 @p3 v2, $0x1388;
	[tilespmem:$0xC020] =	vst @p3 v3  }
0x217: {  	[tilespmem:$0xC010] =	vst @p3 v2  }
0x218: {  	[spmem:s17] =	stream.indirect.scatter.add.f32 @p3 [tilespmem:s13], [sflag:$0x7], $0x80, s23, s18, $0xb8;
	[tilespmem:$0x17200] =	vst v63  }
0x219: {  	_ =	swait.ge @p3 [sflag:s11], $0x4000  }
0x21a: {  	s13 =	simm.s32 @p5 $0x7;
	[sflag:s11] =	ssyncset.done @p3 $0x0  }
0x21b: {  	s18 =	simm.s32 @p5 $0x0;
	s23 =	simm.s32 @p5 $0xC000;
	[sflag:s11] =	ssyncadd.s32 @p3 $0xFFFFC000  }
0x21c: {  	[tilespmem:s23], [sflag:$0x7] =	stream.linear.gather @p5 [hbm4b:s14+s18], $0x80, $0x38;
	[tilespmem:$0x17200] =	vst v63  }
0x21d: {  	_ =	swait.ge @p5 [sflag:s13], $0x80  }
0x21e: {  	[sflag:s13] =	ssyncset.done @p5 $0x0  }
0x21f: {  	[sflag:s13] =	ssyncadd.s32 @p5 $0xFFFFFF80  }
0x220: {  	v2 =	vld [tilespmem:$0xC000]  }
0x221: {  	v3 =	vld [tilespmem:$0xC070];
	_ =	sdelay $0x3  }
0x222: {  	(v2sf) =	vpush v2, $0x0  }
0x223: {  	(v2sf) =	vpush v3, $0xF;
	_ =	sdelay $0xd  }
0x224: {  	s11 =	spop (v2sf)  }
0x225: {  	p3 =	slt.s32 s11, $0x1388;
	s11 =	spop (v2sf)  }
0x226: {  	s13 =	smov.u32 s1;
	p6 =	sgt.s32 s11, $0x1387;
	s11 =	smov.u32 s3  }
0x227: {  	s11 =	simm.s32 @!p3 $0x0;
	s13 =	simm.s32 @!p6 $0x0  }
0x228: {  	s11 =	sadd.s32 s11, s13  }
0x229: {  	p3 =	seq.s32 s11, $0x1  }
0x22a: {  	p3 =	por !p5, !p3  }
0x22b: {  	p3 =	por !p3, !p3  }
0x22c: {  	s11 =	sshll.u32 @p3 s19, $0xB;
	s13 =	simm.s32 @p3 $0x0  }
.Ltmp2:
0x22d: {  	s14 =	sadd.s32 @p3 s2, s11;
	s11 =	simm.s32 @p3 $0x7;
	(pc) =	sbr.rel @p4 .LBB2_6-.Ltmp2, $4  }
0x22e: {  	[tilespmem:s13], [sflag:$0x7] =	stream.linear.gather @p3 [hbm4b:s14+s13], $0x4000, $0x38;
	[tilespmem:$0x17200] =	vst v63  }
0x22f: {  	_ =	swait.ge @p3 [sflag:s11], $0x4000  }
0x230: {  	[sflag:s11] =	ssyncset.done @p3 $0x0  }
0x231: {  	[sflag:s11] =	ssyncadd.s32 @p3 $0xFFFFC000  }
0x232: {  	v2 =	vld @p3 [tilespmem:$0xC000]  }
0x233: {  	v3 =	vld @p3 [tilespmem:$0xC070]  }
0x234: {  	v4 =	vld @p3 [tilespmem:$0xC060]  }
0x235: {  	v5 =	vld @p3 [tilespmem:$0xC050]  }
0x236: {  	v6 =	vld @p3 [tilespmem:$0xC040]  }
0x237: {  	v7 =	vld @p3 [tilespmem:$0xC030];
	v2 =	vsub.s32 @p3 v2, v0  }
0x238: {  	v8 =	vld @p3 [tilespmem:$0xC020];
	v3 =	vsub.s32 @p3 v3, v0;
	v2 =	vmin.u32 @p3 v2, $0x1388  }
0x239: {  	v4 =	vsub.s32 @p3 v4, v0;
	v3 =	vmin.u32 @p3 v3, $0x1388;
	[tilespmem:$0xC000] =	vst @p3 v2;
	v2 =	vld @p3 [tilespmem:$0xC010]  }
0x23a: {  	v5 =	vsub.s32 @p3 v5, v0;
	v4 =	vmin.u32 @p3 v4, $0x1388;
	[tilespmem:$0xC070] =	vst @p3 v3  }
0x23b: {  	v5 =	vmin.u32 @p3 v5, $0x1388;
	v3 =	vsub.s32 @p3 v6, v0;
	[tilespmem:$0xC060] =	vst @p3 v4  }
0x23c: {  	v4 =	vsub.s32 @p3 v7, v0;
	[tilespmem:$0xC050] =	vst @p3 v5;
	v3 =	vmin.u32 @p3 v3, $0x1388  }
0x23d: {  	v5 =	vsub.s32 @p3 v8, v0;
	v4 =	vmin.u32 @p3 v4, $0x1388;
	[tilespmem:$0xC040] =	vst @p3 v3  }
0x23e: {  	v3 =	vmin.u32 @p3 v5, $0x1388;
	[tilespmem:$0xC030] =	vst @p3 v4;
	v2 =	vsub.s32 @p3 v2, v0  }
0x23f: {  	[tilespmem:$0xC020] =	vst @p3 v3;
	v2 =	vmin.u32 @p3 v2, $0x1388  }
0x240: {  	s9 =	simm.s32 @p3 $0x80;
	s10 =	simm.s32 @p3 $0xC000;
	[tilespmem:$0xC010] =	vst @p3 v2  }
0x241: {  	[spmem:s17] =	stream.indirect.scatter.add.f32 @p3 [tilespmem:s13], [sflag:$0x7], $0x80, s10, s9, $0xb8;
	[tilespmem:$0x17200] =	vst v63  }
0x242: {  	_ =	swait.ge @p3 [sflag:s11], $0x4000  }
0x243: {  	[sflag:s11] =	ssyncset.done @p3 $0x0  }
0x244: {  	[sflag:s11] =	ssyncadd.s32 @p3 $0xFFFFC000  }
0x245: {  	s14 =	stileid.u32;
	[bflag:$0x0] =	sbarrier.arrive $0xFFFF  }
0x246: {  	s9 =	sshll.u32 s14, $0x6;
	s14 =	rddreg [dreg:$0x1c]  }
0x247: {  	s9 =	sor.u32 $0x1C04, s9;
	s19 =	rddreg [dreg:$0x5];
	s18 =	sshrl.u32 s14, $0x3  }
0x248: {  	[hbm:s19], [sflag:s9] =	dma.local [spmem:s18], $0x280  }
0x249: {  	s18 =	rddreg [dreg:$0x1d]  }
0x24a: {  	s11 =	rddreg [dreg:$0x6];
	s23 =	sshrl.u32 s18, $0x3  }
0x24b: {  	[hbm:s11], [sflag:s9] =	dma.local [spmem:s23], $0x280  }
0x24c: {  	s19 =	rddreg [dreg:$0x1e]  }
0x24d: {  	s11 =	rddreg [dreg:$0x7];
	s13 =	sshrl.u32 s19, $0x3  }
0x24e: {  	[hbm:s11], [sflag:s9] =	dma.local [spmem:s13], $0x280  }
0x24f: {  	s13 =	rddreg [dreg:$0x1f]  }
0x250: {  	s11 =	rddreg [dreg:$0x8];
	s23 =	sshrl.u32 s13, $0x3  }
0x251: {  	[hbm:s11], [sflag:s9] =	dma.local [spmem:s23], $0x280  }
0x252: {  	s10 =	sld [smem:$0x7FA];
	_ =	sdelay $0x2  }
0x253: {  	s11 =	rddreg [dreg:$0x9];
	s10 =	sshrl.u32 s10, $0x3  }
0x254: {  	[hbm:s11], [sflag:s9] =	dma.local [spmem:s10], $0x280  }
0x255: {  	s10 =	sld [smem:$0x7FB];
	_ =	sdelay $0x2  }
0x256: {  	s11 =	rddreg [dreg:$0xa];
	s10 =	sshrl.u32 s10, $0x3  }
0x257: {  	[hbm:s11], [sflag:s9] =	dma.local [spmem:s10], $0x280  }
0x258: {  	s10 =	sld [smem:$0x7FC];
	_ =	sdelay $0x2  }
0x259: {  	s11 =	rddreg [dreg:$0xb];
	s10 =	sshrl.u32 s10, $0x3  }
0x25a: {  	[hbm:s11], [sflag:s9] =	dma.local [spmem:s10], $0x280  }
0x25b: {  	s10 =	sld [smem:$0x7FD];
	_ =	sdelay $0x2  }
0x25c: {  	s11 =	rddreg [dreg:$0xc];
	s10 =	sshrl.u32 @!p0 s10, $0x3  }
0x25d: {  	[hbm:s11], [sflag:s9] =	dma.local @!p0 [spmem:s10], $0x280  }
0x25e: {  	_ =	swait.ge [sflag:s24], $0x280  }
0x25f: {  	[sflag:s24] =	ssyncset.done $0x0  }
0x260: {  	[sflag:s24] =	ssyncadd.s32 $0xFFFFFD80  }
0x261: {  	_ =	swait.ge [sflag:s24], $0x280  }
0x262: {  	[sflag:s24] =	ssyncset.done $0x0  }
0x263: {  	[sflag:s24] =	ssyncadd.s32 $0xFFFFFD80  }
0x264: {  	_ =	swait.ge [sflag:s24], $0x280  }
0x265: {  	[sflag:s24] =	ssyncset.done $0x0  }
0x266: {  	[sflag:s24] =	ssyncadd.s32 $0xFFFFFD80  }
0x267: {  	_ =	swait.ge [sflag:s24], $0x280  }
0x268: {  	[sflag:s24] =	ssyncset.done $0x0  }
0x269: {  	[sflag:s24] =	ssyncadd.s32 $0xFFFFFD80  }
0x26a: {  	_ =	swait.ge [sflag:s24], $0x280  }
0x26b: {  	[sflag:s24] =	ssyncset.done $0x0  }
0x26c: {  	[sflag:s24] =	ssyncadd.s32 $0xFFFFFD80  }
0x26d: {  	_ =	swait.ge [sflag:s24], $0x280  }
0x26e: {  	[sflag:s24] =	ssyncset.done $0x0  }
0x26f: {  	[sflag:s24] =	ssyncadd.s32 $0xFFFFFD80  }
0x270: {  	_ =	swait.ge [sflag:s24], $0x280  }
0x271: {  	[sflag:s24] =	ssyncset.done $0x0  }
0x272: {  	s9 =	simm.s32 @!p1 $0x4;
	[sflag:s24] =	ssyncadd.s32 $0xFFFFFD80  }
0x273: {  	_ =	swait.ge @!p1 [sflag:s9], $0x280  }
0x274: {  	s8 =	sadd.s32 $0x1, s8;
	s23 =	rddreg [dreg:$0x1b]  }
0x275: {  	p3 =	sne.s32 s8, s23  }
.Ltmp3:
0x276: {  	_ = 	snop;
	(pc) =	sbr.rel @p3 .LBB2_1-.Ltmp3, $3  }
0x277: {  	_ =	sdelay $0x1  }
0x278: {  	[sflag:s9] =	ssyncset.done @!p1 $0x0  }
0x279: {  	[sflag:s9] =	ssyncadd.s32 @!p1 $0xFFFFFD80  }
0x27a: {  	_ =	sfence.sel $0x180000  }
0x27b: {  	[bflag:$0x0] =	sbarrier.arrive $0xFFFF  }
0x27c: {  	_ =	strace $0x90000047  }
0x27d: {  	s0 =	stileid.u32;
	[bflag:$0x2] =	sbarrier.arrive $0xFFFF  }
0x27e: {  	p0 =	sne.s32 s0, $0x0;
	s0 =	rddreg [dreg:$0x4]  }
0x27f: {  	s0 =	sadd.s32 @!p0 $0x100000, s0  }
0x280: {  	[sflag:s0] =	ssyncadd.tile.s32 @!p0 $0x1;
	_ =	shalt  }
.Lfunc_end2:
_tile_overlayer_lowered:
.L_overlay_start_2:
0x281: {  	(tag) =	ssettag $0x2  }
0x282: {  	s0 =	rddreg [dreg:$0x0];
	s2 =	stileid.u32  }
0x283: {  	s1 =	rddreg [dreg:$0x1];
	p0 =	sne.s32 s2, $0x0  }
0x284: {  	s3 =	rddreg [dreg:$0x2];
	[bflag:$0x3] =	sbarrier.arrive $0xFFFF;
	s2 =	simm.s32 @!p0 $0x1C07  }
0x285: {  	[timem:s3], [sflag:s2] =	dma.local @!p0 [hbm:s0], s1  }
0x286: {  	s0 =	simm.s32 @!p0 $0x7  }
0x287: {  	_ =	swait.ge @!p0 [sflag:s0], s1  }
0x288: {  	s1 =	ssub.s32 @!p0 $0x0, s1;
	[sflag:s0] =	ssyncset.done @!p0 $0x0  }
0x289: {  	[sflag:s0] =	ssyncadd.s32 @!p0 s1  }
0x28a: {  	[bflag:$0x3] =	sbarrier.arrive $0xFFFF  }
0x28b: {  	_ =	shalt  }

</sc_bundles>
